<compile_context>
chip_gen: v7x
topology: tpu7x:2x2x1
jax: 0.10.2.dev20260603
libtpu: 0.0.44.dev20260713+nightly
codegen_flags: <defaults>
</compile_context>

<pallas_src>
import functools

import jax
import jax.numpy as jnp
from jax import lax
from jax.experimental import pallas as pl
from jax.experimental.pallas import tpu as pltpu
from jax.experimental.pallas import tpu_sc as plsc

NUM_ACTIONS = 1000000
LATENT_DIM = 64
BATCH = 16384

NUM_CORES = 2
NUM_SUBCORES = 16
NW = NUM_CORES * NUM_SUBCORES
FULL_COLS = NUM_ACTIONS // 128
TAIL_BASE = FULL_COLS * 128
BASE_COLS = FULL_COLS // NW
EXTRA = FULL_COLS - BASE_COLS * NW
NIDV = BATCH // 16
NBINS = BASE_COLS + 2
RING = 16

_i32 = jnp.int32


def _gather_sc(ids, tab3, tail):
    mesh = plsc.VectorSubcoreMesh(core_axis_name="c", subcore_axis_name="s")

    @functools.partial(
        pl.kernel,
        mesh=mesh,
        out_type=jax.ShapeDtypeStruct((BATCH * LATENT_DIM,), jnp.float32),
        scratch_types=[
            pltpu.VMEM((BATCH,), _i32),
            pltpu.VMEM((BATCH + 16,), _i32),
            pltpu.VMEM((BATCH + 16,), _i32),
            pltpu.VMEM((BATCH + 16,), _i32),
            pltpu.VMEM((BATCH + 16,), _i32),
            pltpu.VMEM((8, 8, 128), jnp.float32),
            pltpu.VMEM((8, 8, 128), jnp.float32),
            pltpu.VMEM((8, 8, 128), jnp.float32),
            pltpu.VMEM((8, 8, 128), jnp.float32),
            pltpu.VMEM((8, 8, 128), jnp.float32),
            pltpu.VMEM((RING * LATENT_DIM,), jnp.float32),
            pltpu.SMEM((NBINS + 16,), _i32),
            pltpu.SMEM((NBINS + 16,), _i32),
            pltpu.SMEM((NBINS + 16,), _i32),
            pltpu.SMEM((NBINS + 16,), _i32),
            pltpu.SemaphoreType.DMA,
            pltpu.SemaphoreType.DMA,
            pltpu.SemaphoreType.DMA,
            pltpu.SemaphoreType.DMA,
            pltpu.SemaphoreType.DMA,
            pltpu.SemaphoreType.DMA,
        ],
        compiler_params=pltpu.CompilerParams(
            use_tc_tiling_on_sc=True, needs_layout_passes=False),
    )
    def k(ids_hbm, tab_hbm, tail_hbm, out_hbm,
          ids_v, lid_v, lpos_v, sid_v, spos_v,
          buf0, buf1, buf2, buf3, buf4,
          ring_v, hist_s, start_s, cur_s, cols_s,
          sem0, sem1, sem2, sem3, sem4, sem_out):
        wid = lax.axis_index("s") * NUM_CORES + lax.axis_index("c")
        lo = BASE_COLS * wid + jnp.minimum(wid, EXTRA)
        n_cols = BASE_COLS + jnp.where(wid < EXTRA, 1, 0)
        is_last = wid == NW - 1
        hi = lo + n_cols + jnp.where(is_last, 1, 0)

        iota = lax.iota(_i32, 16)
        zeros = jnp.zeros((16,), _i32)

        def start_chunk_raw(j, buf, sem):
            off = pl.multiple_of((lo + j) * 128, 128)
            return pltpu.async_copy(
                tab_hbm.at[:, :, pl.ds(off, 128)], buf, sem)

        def start_chunk(jj, buf, sem):
            tc = jnp.clip(lo + cols_s[jj], 0, FULL_COLS - 1)
            off = pl.multiple_of(tc * 128, 128)
            return pltpu.async_copy(
                tab_hbm.at[:, :, pl.ds(off, 128)], buf, sem)

        bufs = (buf0, buf1, buf2, buf3, buf4)
        sems = (sem0, sem1, sem2, sem3, sem4)

        for p in range(4):
            start_chunk_raw(p, bufs[p], sems[p])

        pltpu.sync_copy(ids_hbm, ids_v)

        def hz_body(j, x):
            hist_s[j] = 0
            return x

        lax.fori_loop(0, NBINS, hz_body, 0)

        def pf_body(v, cnt):
            idv = ids_v[pl.ds(v * 16, 16)]
            tcv = lax.shift_right_logical(idv, 7)
            m = (tcv >= lo) & (tcv < hi)

            def hit():
                cs = plsc.cumsum(m.astype(_i32))
                pos = cnt + cs - 1
                plsc.store_scatter(lid_v, [pos], idv, mask=m)
                plsc.store_scatter(lpos_v, [pos], iota + v * 16, mask=m)
                return cnt + jnp.max(cs)

            return lax.cond(jnp.any(m), hit, lambda: cnt)

        n_mine = lax.fori_loop(0, NIDV, pf_body, 0)

        def hist_body(i, x):
            kv = lid_v[pl.ds((lax.shift_right_logical(i, 4)) * 16, 16)]
            lane = jnp.full((16,), i & 15, _i32)
            idq = jnp.take_along_axis(kv, lane, axis=0)
            tcl = jnp.max(lax.shift_right_logical(idq, 7)) - lo
            hist_s[tcl] = hist_s[tcl] + 1
            return x

        lax.fori_loop(0, n_mine, hist_body, 0)

        def px_body(j, acc):
            start_s[j] = acc
            cur_s[j] = acc
            return acc + hist_s[j]

        lax.fori_loop(0, NBINS, px_body, 0)

        def srt_body(i, x):
            kv = lid_v[pl.ds((lax.shift_right_logical(i, 4)) * 16, 16)]
            pv = lpos_v[pl.ds((lax.shift_right_logical(i, 4)) * 16, 16)]
            lane = jnp.full((16,), i & 15, _i32)
            idq = jnp.take_along_axis(kv, lane, axis=0)
            pq = jnp.take_along_axis(pv, lane, axis=0)
            tcl = jnp.max(lax.shift_right_logical(idq, 7)) - lo
            p = cur_s[tcl]
            cur_s[tcl] = p + 1
            mask0 = iota == 0
            ppos = jnp.full((16,), p, _i32)
            plsc.store_scatter(sid_v, [ppos], idq, mask=mask0)
            plsc.store_scatter(spos_v, [ppos], pq, mask=mask0)
            return x

        lax.fori_loop(0, n_mine, srt_body, 0)

        def fc_body(j, x):
            cols_s[j] = j
            return x

        lax.fori_loop(0, 4, fc_body, 0)

        def ne_body(j, mcnt):
            cols_s[mcnt] = j
            return mcnt + jnp.where(hist_s[j] > 0, 1, 0)

        m_cols = lax.fori_loop(4, n_cols, ne_body, 4)


        def process_chunk(j, buf, ig):
            s = start_s[j]
            e = s + hist_s[j]

            def id_body(i, ig):
                slot = ig & (RING - 1)

                @pl.when((slot == 0) & (ig >= RING))
                def _():
                    pltpu.make_async_copy(
                        out_hbm.at[pl.ds(0, RING * LATENT_DIM)],
                        ring_v, sem_out,
                    ).wait()

                kv = sid_v[pl.ds((lax.shift_right_logical(i, 4)) * 16, 16)]
                pv = spos_v[pl.ds((lax.shift_right_logical(i, 4)) * 16, 16)]
                lane = jnp.full((16,), i & 15, _i32)
                cv = jnp.take_along_axis(kv, lane, axis=0) & 127
                b = jnp.max(jnp.take_along_axis(pv, lane, axis=0))
                for q in range(LATENT_DIM // 16):
                    f = iota + q * 16
                    row = plsc.load_gather(
                        buf,
                        [lax.shift_right_logical(f, 3), f & 7, cv],
                    )
                    ring_v[pl.ds(slot * LATENT_DIM + q * 16, 16)] = row
                pltpu.async_copy(
                    ring_v.at[pl.ds(slot * LATENT_DIM, LATENT_DIM)],
                    out_hbm.at[pl.ds(b * LATENT_DIM, LATENT_DIM)],
                    sem_out,
                )
                return ig + 1

            return lax.fori_loop(s, e, id_body, ig)

        def stream_body(j, carry):
            ig, cph = carry

            def one_phase(buf, sem, obuf, osem):
                pltpu.make_async_copy(
                    tab_hbm.at[:, :, pl.ds(0, 128)], buf, sem).wait()

                @pl.when(j + 4 < m_cols)
                def _():
                    start_chunk(j + 4, obuf, osem)

                return process_chunk(cols_s[j], buf, ig)

            def make_branch(p):
                return lambda: one_phase(bufs[p], sems[p],
                                         bufs[(p + 4) % 5], sems[(p + 4) % 5])

            ig = lax.switch(cph, [make_branch(p) for p in range(5)])
            return ig, jnp.where(cph == 4, 0, cph + 1)

        ig, _ = lax.fori_loop(0, m_cols, stream_body, (0, 0))

        def tail_fn():
            pltpu.sync_copy(tail_hbm, buf0)
            return process_chunk(n_cols, buf0, ig)

        ig = lax.cond(is_last, tail_fn, lambda: ig)

        rem = jnp.where(
            ig > 0, ig - RING * lax.shift_right_logical(ig - 1, 4), 0)

        def drain_body(i, x):
            pltpu.make_async_copy(
                out_hbm.at[pl.ds(0, LATENT_DIM)],
                ring_v.at[pl.ds(0, LATENT_DIM)],
                sem_out,
            ).wait()
            return x

        lax.fori_loop(0, rem, drain_body, 0)

    return k(ids, tab3, tail)


def kernel(ids, table):
    ids = ids.astype(_i32)
    tab3 = table.T.reshape(8, 8, NUM_ACTIONS)
    tail = table[TAIL_BASE:, :].T.reshape(8, 8, 64)
    tail = jnp.pad(tail, ((0, 0), (0, 0), (0, 64)))
    flat = _gather_sc(ids, tab3, tail)
    return flat.reshape(BATCH, LATENT_DIM)[None, :, :]

# --- scband reference (transcript-rebuilt; emitter-appended) ---
"""Pipeline reference for scband-embed-action-82119774699785 (READ-ONLY COPY).

The authoritative reference and input builder live on the scoring server;
editing this copy changes nothing except your own understanding.
"""

import jax, jax.numpy as jnp
import numpy as np

NUM_ACTIONS = 1000000
LATENT_DIM = 64
BATCH = 16384

def setup_inputs(seed: int = 0) -> dict:
    key = jax.random.key(seed)
    k_ids, k_tab = jax.random.split(key)
    ids = jax.random.randint(k_ids, (BATCH,), 0, NUM_ACTIONS, dtype=jnp.int64 if jax.config.jax_enable_x64 else jnp.int32)
    table = jax.random.normal(k_tab, (NUM_ACTIONS, LATENT_DIM), dtype=jnp.float32)
    return {"ids": ids, "table": table}

def reference(ids, table):
    # EmbedAction.forward: embedding lookup then unsqueeze(0)
    out = jnp.take(table, ids, axis=0)
    return out[None, :, :]

if __name__ == "__main__":
    import jax
    _d = setup_inputs()
    print(jax.jit(kernel)(*tuple(_d.values())))

</pallas_src>

<mosaic_0001>
#map = affine_map<(d0, d1) -> (0)>
#map1 = affine_map<(d0, d1) -> (0, 0, 0)>
module attributes {stable_mosaic.version = 14 : i64} {
  func.func @k(%arg0: i32, %arg1: i32, %arg2: memref<16384xi32, #tpu.memory_space<hbm>>, %arg3: memref<8x8x1000000xf32, #tpu.memory_space<hbm>>, %arg4: memref<8x8x128xf32, #tpu.memory_space<hbm>>, %arg5: memref<1048576xf32, #tpu.memory_space<hbm>>, %arg6: memref<16384xi32, #tpu.memory_space<vmem>>, %arg7: memref<16400xi32, #tpu.memory_space<vmem>>, %arg8: memref<16400xi32, #tpu.memory_space<vmem>>, %arg9: memref<16400xi32, #tpu.memory_space<vmem>>, %arg10: memref<16400xi32, #tpu.memory_space<vmem>>, %arg11: memref<8x8x128xf32, #tpu.memory_space<vmem>>, %arg12: memref<8x8x128xf32, #tpu.memory_space<vmem>>, %arg13: memref<8x8x128xf32, #tpu.memory_space<vmem>>, %arg14: memref<8x8x128xf32, #tpu.memory_space<vmem>>, %arg15: memref<8x8x128xf32, #tpu.memory_space<vmem>>, %arg16: memref<1024xf32, #tpu.memory_space<vmem>>, %arg17: memref<262xi32, #tpu.memory_space<smem>>, %arg18: memref<262xi32, #tpu.memory_space<smem>>, %arg19: memref<262xi32, #tpu.memory_space<smem>>, %arg20: memref<262xi32, #tpu.memory_space<smem>>, %arg21: memref<!tpu.dma_semaphore, #tpu.memory_space<semaphore_mem>>, %arg22: memref<!tpu.dma_semaphore, #tpu.memory_space<semaphore_mem>>, %arg23: memref<!tpu.dma_semaphore, #tpu.memory_space<semaphore_mem>>, %arg24: memref<!tpu.dma_semaphore, #tpu.memory_space<semaphore_mem>>, %arg25: memref<!tpu.dma_semaphore, #tpu.memory_space<semaphore_mem>>, %arg26: memref<!tpu.dma_semaphore, #tpu.memory_space<semaphore_mem>>) attributes {dimension_semantics = [#tpu.dimension_semantics<core_parallel>, #tpu.dimension_semantics<subcore_parallel>], iteration_bounds = array<i64: 2, 16>, scalar_prefetch = 0 : i64, scratch_operands = 21 : i64, tpu.core_type = #tpu.core_type<sc_vector_subcore>, window_params = [{transform_indices = #map}, {transform_indices = #map1}, {transform_indices = #map1}, {transform_indices = #map}]} {
    %mul3A = arith.constant 2 : i32
    %mul3A_0 = arith.muli %arg1, %mul3A : i32
    %add3A = arith.addi %mul3A_0, %arg0 : i32
    %mul3A_1 = arith.constant 244 : i32
    %mul3A_2 = arith.muli %mul3A_1, %add3A : i32
    %min3A = arith.constant 4 : i32
    %min3A_3 = arith.minsi %add3A, %min3A : i32
    %add3A_4 = arith.addi %mul3A_2, %min3A_3 : i32
    %lt3A = arith.constant 4 : i32
    %lt3A_5 = arith.cmpi slt, %add3A, %lt3A : i32
    %jit3A = arith.constant 1 : i32
    %jit3A_6 = arith.constant 0 : i32
    %select_n3A = arith.select %lt3A_5, %jit3A, %jit3A_6 : i32
    %add3A_7 = arith.constant 244 : i32
    %add3A_8 = arith.addi %add3A_7, %select_n3A : i32
    %eq3A = arith.constant 31 : i32
    %eq3A_9 = arith.cmpi eq, %add3A, %eq3A : i32
    %add3A_10 = arith.addi %add3A_4, %add3A_8 : i32
    %jit3A_11 = arith.constant 1 : i32
    %jit3A_12 = arith.constant 0 : i32
    %select_n3A_13 = arith.select %eq3A_9, %jit3A_11, %jit3A_12 : i32
    %add3A_14 = arith.addi %add3A_10, %select_n3A_13 : i32
    %iota3A = tpu.iota {dimensions = array<i32: 0>} : vector<16xi32>
    %broadcast_in_dim3A = arith.constant 0 : i32
    %broadcast_in_dim3A_15 = vector.broadcast %broadcast_in_dim3A : i32 to vector<16xi32>
    %add3A_16 = arith.constant 0 : i32
    %add3A_17 = arith.addi %add3A_4, %add3A_16 : i32
    %mul3A_18 = arith.constant 128 : i32
    %mul3A_19 = arith.muli %add3A_17, %mul3A_18 : i32
    %multiple_of3A = tpu.assume_multiple %mul3A_19, 128 : i32
    %dma_start3A = arith.constant 0 : i32
    %dma_start3A_20 = arith.constant 0 : i32
    %dma_start3A_21 = tpu.memref_slice %arg3[%dma_start3A, %dma_start3A_20, %multiple_of3A] : memref<8x8x1000000xf32, #tpu.memory_space<hbm>> -> memref<8x8x128xf32, #tpu.memory_space<hbm>>
    %dma_start3A_22 = arith.constant 0 : i32
    %dma_start3A_23 = arith.constant 0 : i32
    %dma_start3A_24 = tpu.memref_slice %arg3[%dma_start3A_22, %dma_start3A_23, %multiple_of3A] : memref<8x8x1000000xf32, #tpu.memory_space<hbm>> -> memref<8x8x128xf32, #tpu.memory_space<hbm>>
    tpu.enqueue_dma source(%dma_start3A_24 : memref<8x8x128xf32, #tpu.memory_space<hbm>>) target(%arg11 : memref<8x8x128xf32, #tpu.memory_space<vmem>>) target_semaphore(%arg21 : memref<!tpu.dma_semaphore, #tpu.memory_space<semaphore_mem>>)
    %add3A_25 = arith.constant 1 : i32
    %add3A_26 = arith.addi %add3A_4, %add3A_25 : i32
    %mul3A_27 = arith.constant 128 : i32
    %mul3A_28 = arith.muli %add3A_26, %mul3A_27 : i32
    %multiple_of3A_29 = tpu.assume_multiple %mul3A_28, 128 : i32
    %dma_start3A_30 = arith.constant 0 : i32
    %dma_start3A_31 = arith.constant 0 : i32
    %dma_start3A_32 = tpu.memref_slice %arg3[%dma_start3A_30, %dma_start3A_31, %multiple_of3A_29] : memref<8x8x1000000xf32, #tpu.memory_space<hbm>> -> memref<8x8x128xf32, #tpu.memory_space<hbm>>
    %dma_start3A_33 = arith.constant 0 : i32
    %dma_start3A_34 = arith.constant 0 : i32
    %dma_start3A_35 = tpu.memref_slice %arg3[%dma_start3A_33, %dma_start3A_34, %multiple_of3A_29] : memref<8x8x1000000xf32, #tpu.memory_space<hbm>> -> memref<8x8x128xf32, #tpu.memory_space<hbm>>
    tpu.enqueue_dma source(%dma_start3A_35 : memref<8x8x128xf32, #tpu.memory_space<hbm>>) target(%arg12 : memref<8x8x128xf32, #tpu.memory_space<vmem>>) target_semaphore(%arg22 : memref<!tpu.dma_semaphore, #tpu.memory_space<semaphore_mem>>)
    %add3A_36 = arith.constant 2 : i32
    %add3A_37 = arith.addi %add3A_4, %add3A_36 : i32
    %mul3A_38 = arith.constant 128 : i32
    %mul3A_39 = arith.muli %add3A_37, %mul3A_38 : i32
    %multiple_of3A_40 = tpu.assume_multiple %mul3A_39, 128 : i32
    %dma_start3A_41 = arith.constant 0 : i32
    %dma_start3A_42 = arith.constant 0 : i32
    %dma_start3A_43 = tpu.memref_slice %arg3[%dma_start3A_41, %dma_start3A_42, %multiple_of3A_40] : memref<8x8x1000000xf32, #tpu.memory_space<hbm>> -> memref<8x8x128xf32, #tpu.memory_space<hbm>>
    %dma_start3A_44 = arith.constant 0 : i32
    %dma_start3A_45 = arith.constant 0 : i32
    %dma_start3A_46 = tpu.memref_slice %arg3[%dma_start3A_44, %dma_start3A_45, %multiple_of3A_40] : memref<8x8x1000000xf32, #tpu.memory_space<hbm>> -> memref<8x8x128xf32, #tpu.memory_space<hbm>>
    tpu.enqueue_dma source(%dma_start3A_46 : memref<8x8x128xf32, #tpu.memory_space<hbm>>) target(%arg13 : memref<8x8x128xf32, #tpu.memory_space<vmem>>) target_semaphore(%arg23 : memref<!tpu.dma_semaphore, #tpu.memory_space<semaphore_mem>>)
    %add3A_47 = arith.constant 3 : i32
    %add3A_48 = arith.addi %add3A_4, %add3A_47 : i32
    %mul3A_49 = arith.constant 128 : i32
    %mul3A_50 = arith.muli %add3A_48, %mul3A_49 : i32
    %multiple_of3A_51 = tpu.assume_multiple %mul3A_50, 128 : i32
    %dma_start3A_52 = arith.constant 0 : i32
    %dma_start3A_53 = arith.constant 0 : i32
    %dma_start3A_54 = tpu.memref_slice %arg3[%dma_start3A_52, %dma_start3A_53, %multiple_of3A_51] : memref<8x8x1000000xf32, #tpu.memory_space<hbm>> -> memref<8x8x128xf32, #tpu.memory_space<hbm>>
    %dma_start3A_55 = arith.constant 0 : i32
    %dma_start3A_56 = arith.constant 0 : i32
    %dma_start3A_57 = tpu.memref_slice %arg3[%dma_start3A_55, %dma_start3A_56, %multiple_of3A_51] : memref<8x8x1000000xf32, #tpu.memory_space<hbm>> -> memref<8x8x128xf32, #tpu.memory_space<hbm>>
    tpu.enqueue_dma source(%dma_start3A_57 : memref<8x8x128xf32, #tpu.memory_space<hbm>>) target(%arg14 : memref<8x8x128xf32, #tpu.memory_space<vmem>>) target_semaphore(%arg24 : memref<!tpu.dma_semaphore, #tpu.memory_space<semaphore_mem>>)
    "tpu.region"() ({
      %run_scoped3A = tpu.sem_alloc : memref<!tpu.dma_semaphore, #tpu.memory_space<semaphore_mem>>
      tpu.enqueue_dma source(%arg2 : memref<16384xi32, #tpu.memory_space<hbm>>) target(%arg6 : memref<16384xi32, #tpu.memory_space<vmem>>) target_semaphore(%run_scoped3A : memref<!tpu.dma_semaphore, #tpu.memory_space<semaphore_mem>>)
      tpu.wait_dma2 semaphore(%run_scoped3A : memref<!tpu.dma_semaphore, #tpu.memory_space<semaphore_mem>>) src(%arg2 : memref<16384xi32, #tpu.memory_space<hbm>>) dst(%arg6 : memref<16384xi32, #tpu.memory_space<vmem>>)
      tpu.yield
    }) : () -> ()
    %scan3A = arith.constant 0 : i32
    %scan3A_58 = arith.constant 0 : i32
    %scan3A_59 = arith.constant 246 : i32
    %scan3A_60 = arith.addi %scan3A_58, %scan3A_59 : i32
    %scan3A_61 = arith.constant 1 : i32
    scf.for %scan3A_147 = %scan3A_58 to %scan3A_60 step %scan3A_61  : i32 {
      %swap3A = arith.constant 0 : i32
      %swap3A_148 = arith.index_cast %scan3A_147 : i32 to index
      %swap3A_149 = memref.load %arg17[%swap3A_148] : memref<262xi32, #tpu.memory_space<smem>>
      memref.store %swap3A, %arg17[%swap3A_148] : memref<262xi32, #tpu.memory_space<smem>>
    }
    %scan3A_62 = arith.constant 246 : i32
    %scan3A_63 = arith.constant 0 : i32
    %scan3A_64 = arith.constant 0 : i32
    %scan3A_65 = arith.constant 1024 : i32
    %scan3A_66 = arith.addi %scan3A_64, %scan3A_65 : i32
    %scan3A_67 = arith.constant 1 : i32
    %scan3A_68 = scf.for %scan3A_147 = %scan3A_64 to %scan3A_66 step %scan3A_67 iter_args(%scan3A_148 = %scan3A_63) -> (i32)  : i32 {
      %mul3A_149 = arith.constant 16 : i32
      %mul3A_150 = arith.muli %scan3A_147, %mul3A_149 : i32
      %get3A = arith.index_cast %mul3A_150 : i32 to index
      %get3A_151 = tpu.vector_load %arg6[%get3A] {strides = array<i32>} : memref<16384xi32, #tpu.memory_space<vmem>>, vector<16xi32>,
      %shift_right_logical3A_152 = arith.constant 7 : i32
      %shift_right_logical3A_153 = vector.broadcast %shift_right_logical3A_152 : i32 to vector<16xi32>
      %shift_right_logical3A_154 = arith.shrui %get3A_151, %shift_right_logical3A_153 : vector<16xi32>
      %ge3A = vector.broadcast %add3A_4 : i32 to vector<16xi32>
      %ge3A_155 = arith.cmpi sge, %shift_right_logical3A_154, %ge3A : vector<16xi32>
      %lt3A_156 = vector.broadcast %add3A_14 : i32 to vector<16xi32>
      %lt3A_157 = arith.cmpi slt, %shift_right_logical3A_154, %lt3A_156 : vector<16xi32>
      %and3A = arith.andi %ge3A_155, %lt3A_157 : vector<16xi1>
      %reduce_or3A = arith.constant 1.000000e+00 : f32
      %reduce_or3A_158 = arith.constant 0.000000e+00 : f32
      %reduce_or3A_159 = vector.broadcast %reduce_or3A : f32 to vector<16xf32>
      %reduce_or3A_160 = vector.broadcast %reduce_or3A_158 : f32 to vector<16xf32>
      %reduce_or3A_161 = arith.select %and3A, %reduce_or3A_159, %reduce_or3A_160 : vector<16xi1>, vector<16xf32>
      %reduce_or3A_162 = arith.constant true
      %reduce_or3A_163 = vector.broadcast %reduce_or3A_162 : i1 to vector<16xi1>
      %reduce_or3A_164 = tpu.scan <max>, %reduce_or3A_161 masked %reduce_or3A_163 : vector<16xf32>, vector<16xi1> -> vector<16xf32>
      %reduce_or3A_165 = vector.extract %reduce_or3A_164[15] : f32 from vector<16xf32>
      %reduce_or3A_166 = arith.constant 0.000000e+00 : f32
      %reduce_or3A_167 = arith.cmpf ogt, %reduce_or3A_165, %reduce_or3A_166 : f32
      %convert_element_type3A_168 = arith.extui %reduce_or3A_167 : i1 to i32
      %cond3A_169 = arith.constant 0 : i32
      %cond3A_170 = arith.cmpi ne, %convert_element_type3A_168, %cond3A_169 : i32
      %cond3A_171 = scf.if %cond3A_170 -> (i32) {
        %convert_element_type3A_172 = arith.extui %and3A : vector<16xi1> to vector<16xi32>
        %broadcast_in_dim3A_173 = arith.constant true
        %broadcast_in_dim3A_174 = vector.broadcast %broadcast_in_dim3A_173 : i1 to vector<16xi1>
        %masked_cumsum3A = tpu.scan <sum>, %convert_element_type3A_172 masked %broadcast_in_dim3A_174 : vector<16xi32>, vector<16xi1> -> vector<16xi32>
        %add3A_175 = vector.broadcast %scan3A_148 : i32 to vector<16xi32>
        %add3A_176 = arith.addi %add3A_175, %masked_cumsum3A : vector<16xi32>
        %sub3A_177 = arith.constant 1 : i32
        %sub3A_178 = vector.broadcast %sub3A_177 : i32 to vector<16xi32>
        %sub3A_179 = arith.subi %add3A_176, %sub3A_178 : vector<16xi32>
        tpu.vector_store_idx %arg7[%sub3A_179], %get3A_151 masked %and3A : memref<16400xi32, #tpu.memory_space<vmem>>[vector<16xi32>], vector<16xi32>, vector<16xi1>
        %mul3A_180 = arith.constant 16 : i32
        %mul3A_181 = arith.muli %scan3A_147, %mul3A_180 : i32
        %add3A_182 = vector.broadcast %mul3A_181 : i32 to vector<16xi32>
        %add3A_183 = arith.addi %iota3A, %add3A_182 : vector<16xi32>
        tpu.vector_store_idx %arg8[%sub3A_179], %add3A_183 masked %and3A : memref<16400xi32, #tpu.memory_space<vmem>>[vector<16xi32>], vector<16xi32>, vector<16xi1>
        %reduce_max3A = arith.constant true
        %reduce_max3A_184 = vector.broadcast %reduce_max3A : i1 to vector<16xi1>
        %reduce_max3A_185 = arith.constant -2147483648 : i32
        %reduce_max3A_186 = vector.broadcast %reduce_max3A_185 : i32 to vector<16xi32>
        %reduce_max3A_187 = arith.xori %masked_cumsum3A, %reduce_max3A_186 : vector<16xi32>
        %reduce_max3A_188 = tpu.scan <max>, %reduce_max3A_187 masked %reduce_max3A_184 : vector<16xi32>, vector<16xi1> -> vector<16xi32>
        %reduce_max3A_189 = arith.xori %reduce_max3A_188, %reduce_max3A_186 : vector<16xi32>
        %reduce_max3A_190 = vector.extract %reduce_max3A_189[15] : i32 from vector<16xi32>
        %add3A_191 = arith.addi %scan3A_148, %reduce_max3A_190 : i32
        scf.yield %add3A_191 : i32
      } else {
        scf.yield %scan3A_148 : i32
      }
      scf.yield %cond3A_171 : i32
    }
    %scan3A_69 = arith.constant 1024 : i32
    %while3A = arith.constant 0 : i32
    %while3A_70 = arith.constant 0 : i32
    %while3A_71 = arith.subi %scan3A_68, %while3A_70 : i32
    %while3A_72 = arith.addi %while3A_70, %while3A_71 : i32
    %while3A_73 = arith.constant 1 : i32
    %while3A_74 = arith.divsi %while3A_71, %while3A_73 : i32
    %while3A_75 = arith.muli %while3A_74, %while3A_73 : i32
    %while3A_76 = arith.addi %while3A_70, %while3A_75 : i32
    %while3A_77 = arith.constant 1 : i32
    scf.for %while3A_147 = %while3A_70 to %while3A_76 step %while3A_77  : i32 {
      %shift_right_logical3A_148 = arith.constant 4 : i32
      %shift_right_logical3A_149 = arith.shrui %while3A_147, %shift_right_logical3A_148 : i32
      %mul3A_150 = arith.constant 16 : i32
      %mul3A_151 = arith.muli %shift_right_logical3A_149, %mul3A_150 : i32
      %get3A = arith.index_cast %mul3A_151 : i32 to index
      %get3A_152 = tpu.vector_load %arg7[%get3A] {strides = array<i32>} : memref<16400xi32, #tpu.memory_space<vmem>>, vector<16xi32>,
      %and3A = arith.constant 15 : i32
      %and3A_153 = arith.andi %while3A_147, %and3A : i32
      %broadcast_in_dim3A_154 = vector.broadcast %and3A_153 : i32 to vector<16xi32>
      %lt3A_155 = arith.constant 0 : i32
      %lt3A_156 = vector.broadcast %lt3A_155 : i32 to vector<16xi32>
      %lt3A_157 = arith.cmpi slt, %broadcast_in_dim3A_154, %lt3A_156 : vector<16xi32>
      %add3A_158 = arith.constant 16 : i32
      %add3A_159 = vector.broadcast %add3A_158 : i32 to vector<16xi32>
      %add3A_160 = arith.addi %broadcast_in_dim3A_154, %add3A_159 : vector<16xi32>
      %select_n3A_161 = arith.select %lt3A_157, %add3A_160, %broadcast_in_dim3A_154 : vector<16xi1>, vector<16xi32>
      %reshape3A = vector.shape_cast %select_n3A_161 : vector<16xi32> to vector<16x1xi32>
      %gather3A = vector.shape_cast %reshape3A : vector<16x1xi32> to vector<16xi32>
      %gather3A_162 = tpu.dynamic_gather %get3A_152[%gather3A] in [0] : vector<16xi32>, vector<16xi32> -> vector<16xi32>
      %shift_right_logical3A_163 = arith.constant 7 : i32
      %shift_right_logical3A_164 = vector.broadcast %shift_right_logical3A_163 : i32 to vector<16xi32>
      %shift_right_logical3A_165 = arith.shrui %gather3A_162, %shift_right_logical3A_164 : vector<16xi32>
      %reduce_max3A = arith.constant true
      %reduce_max3A_166 = vector.broadcast %reduce_max3A : i1 to vector<16xi1>
      %reduce_max3A_167 = arith.constant -2147483648 : i32
      %reduce_max3A_168 = vector.broadcast %reduce_max3A_167 : i32 to vector<16xi32>
      %reduce_max3A_169 = arith.xori %shift_right_logical3A_165, %reduce_max3A_168 : vector<16xi32>
      %reduce_max3A_170 = tpu.scan <max>, %reduce_max3A_169 masked %reduce_max3A_166 : vector<16xi32>, vector<16xi1> -> vector<16xi32>
      %reduce_max3A_171 = arith.xori %reduce_max3A_170, %reduce_max3A_168 : vector<16xi32>
      %reduce_max3A_172 = vector.extract %reduce_max3A_171[15] : i32 from vector<16xi32>
      %sub3A_173 = arith.subi %reduce_max3A_172, %add3A_4 : i32
      %get3A_174 = arith.index_cast %sub3A_173 : i32 to index
      %get3A_175 = memref.load %arg17[%get3A_174] : memref<262xi32, #tpu.memory_space<smem>>
      %add3A_176 = arith.constant 1 : i32
      %add3A_177 = arith.addi %get3A_175, %add3A_176 : i32
      %swap3A = arith.index_cast %sub3A_173 : i32 to index
      %swap3A_178 = memref.load %arg17[%swap3A] : memref<262xi32, #tpu.memory_space<smem>>
      memref.store %add3A_177, %arg17[%swap3A] : memref<262xi32, #tpu.memory_space<smem>>
    }
    %while3A_78 = arith.constant 1 : i32
    scf.for %while3A_147 = %while3A_76 to %while3A_72 step %while3A_78  : i32 {
      %shift_right_logical3A_148 = arith.constant 4 : i32
      %shift_right_logical3A_149 = arith.shrui %while3A_147, %shift_right_logical3A_148 : i32
      %mul3A_150 = arith.constant 16 : i32
      %mul3A_151 = arith.muli %shift_right_logical3A_149, %mul3A_150 : i32
      %get3A = arith.index_cast %mul3A_151 : i32 to index
      %get3A_152 = tpu.vector_load %arg7[%get3A] {strides = array<i32>} : memref<16400xi32, #tpu.memory_space<vmem>>, vector<16xi32>,
      %and3A = arith.constant 15 : i32
      %and3A_153 = arith.andi %while3A_147, %and3A : i32
      %broadcast_in_dim3A_154 = vector.broadcast %and3A_153 : i32 to vector<16xi32>
      %lt3A_155 = arith.constant 0 : i32
      %lt3A_156 = vector.broadcast %lt3A_155 : i32 to vector<16xi32>
      %lt3A_157 = arith.cmpi slt, %broadcast_in_dim3A_154, %lt3A_156 : vector<16xi32>
      %add3A_158 = arith.constant 16 : i32
      %add3A_159 = vector.broadcast %add3A_158 : i32 to vector<16xi32>
      %add3A_160 = arith.addi %broadcast_in_dim3A_154, %add3A_159 : vector<16xi32>
      %select_n3A_161 = arith.select %lt3A_157, %add3A_160, %broadcast_in_dim3A_154 : vector<16xi1>, vector<16xi32>
      %reshape3A = vector.shape_cast %select_n3A_161 : vector<16xi32> to vector<16x1xi32>
      %gather3A = vector.shape_cast %reshape3A : vector<16x1xi32> to vector<16xi32>
      %gather3A_162 = tpu.dynamic_gather %get3A_152[%gather3A] in [0] : vector<16xi32>, vector<16xi32> -> vector<16xi32>
      %shift_right_logical3A_163 = arith.constant 7 : i32
      %shift_right_logical3A_164 = vector.broadcast %shift_right_logical3A_163 : i32 to vector<16xi32>
      %shift_right_logical3A_165 = arith.shrui %gather3A_162, %shift_right_logical3A_164 : vector<16xi32>
      %reduce_max3A = arith.constant true
      %reduce_max3A_166 = vector.broadcast %reduce_max3A : i1 to vector<16xi1>
      %reduce_max3A_167 = arith.constant -2147483648 : i32
      %reduce_max3A_168 = vector.broadcast %reduce_max3A_167 : i32 to vector<16xi32>
      %reduce_max3A_169 = arith.xori %shift_right_logical3A_165, %reduce_max3A_168 : vector<16xi32>
      %reduce_max3A_170 = tpu.scan <max>, %reduce_max3A_169 masked %reduce_max3A_166 : vector<16xi32>, vector<16xi1> -> vector<16xi32>
      %reduce_max3A_171 = arith.xori %reduce_max3A_170, %reduce_max3A_168 : vector<16xi32>
      %reduce_max3A_172 = vector.extract %reduce_max3A_171[15] : i32 from vector<16xi32>
      %sub3A_173 = arith.subi %reduce_max3A_172, %add3A_4 : i32
      %get3A_174 = arith.index_cast %sub3A_173 : i32 to index
      %get3A_175 = memref.load %arg17[%get3A_174] : memref<262xi32, #tpu.memory_space<smem>>
      %add3A_176 = arith.constant 1 : i32
      %add3A_177 = arith.addi %get3A_175, %add3A_176 : i32
      %swap3A = arith.index_cast %sub3A_173 : i32 to index
      %swap3A_178 = memref.load %arg17[%swap3A] : memref<262xi32, #tpu.memory_space<smem>>
      memref.store %add3A_177, %arg17[%swap3A] : memref<262xi32, #tpu.memory_space<smem>>
    }
    %scan3A_79 = arith.constant 0 : i32
    %scan3A_80 = arith.constant 0 : i32
    %scan3A_81 = arith.constant 246 : i32
    %scan3A_82 = arith.addi %scan3A_80, %scan3A_81 : i32
    %scan3A_83 = arith.constant 1 : i32
    %scan3A_84 = scf.for %scan3A_147 = %scan3A_80 to %scan3A_82 step %scan3A_83 iter_args(%scan3A_148 = %scan3A_79) -> (i32)  : i32 {
      %swap3A = arith.index_cast %scan3A_147 : i32 to index
      %swap3A_149 = memref.load %arg18[%swap3A] : memref<262xi32, #tpu.memory_space<smem>>
      memref.store %scan3A_148, %arg18[%swap3A] : memref<262xi32, #tpu.memory_space<smem>>
      %swap3A_150 = arith.index_cast %scan3A_147 : i32 to index
      %swap3A_151 = memref.load %arg19[%swap3A_150] : memref<262xi32, #tpu.memory_space<smem>>
      memref.store %scan3A_148, %arg19[%swap3A_150] : memref<262xi32, #tpu.memory_space<smem>>
      %get3A = arith.index_cast %scan3A_147 : i32 to index
      %get3A_152 = memref.load %arg17[%get3A] : memref<262xi32, #tpu.memory_space<smem>>
      %add3A_153 = arith.addi %scan3A_148, %get3A_152 : i32
      scf.yield %add3A_153 : i32
    }
    %scan3A_85 = arith.constant 246 : i32
    %while3A_86 = arith.constant 0 : i32
    %while3A_87 = arith.constant 0 : i32
    %while3A_88 = arith.subi %scan3A_68, %while3A_87 : i32
    %while3A_89 = arith.addi %while3A_87, %while3A_88 : i32
    %while3A_90 = arith.constant 1 : i32
    %while3A_91 = arith.divsi %while3A_88, %while3A_90 : i32
    %while3A_92 = arith.muli %while3A_91, %while3A_90 : i32
    %while3A_93 = arith.addi %while3A_87, %while3A_92 : i32
    %while3A_94 = arith.constant 1 : i32
    scf.for %while3A_147 = %while3A_87 to %while3A_93 step %while3A_94  : i32 {
      %shift_right_logical3A_148 = arith.constant 4 : i32
      %shift_right_logical3A_149 = arith.shrui %while3A_147, %shift_right_logical3A_148 : i32
      %mul3A_150 = arith.constant 16 : i32
      %mul3A_151 = arith.muli %shift_right_logical3A_149, %mul3A_150 : i32
      %get3A = arith.index_cast %mul3A_151 : i32 to index
      %get3A_152 = tpu.vector_load %arg7[%get3A] {strides = array<i32>} : memref<16400xi32, #tpu.memory_space<vmem>>, vector<16xi32>,
      %shift_right_logical3A_153 = arith.constant 4 : i32
      %shift_right_logical3A_154 = arith.shrui %while3A_147, %shift_right_logical3A_153 : i32
      %mul3A_155 = arith.constant 16 : i32
      %mul3A_156 = arith.muli %shift_right_logical3A_154, %mul3A_155 : i32
      %get3A_157 = arith.index_cast %mul3A_156 : i32 to index
      %get3A_158 = tpu.vector_load %arg8[%get3A_157] {strides = array<i32>} : memref<16400xi32, #tpu.memory_space<vmem>>, vector<16xi32>,
      %and3A = arith.constant 15 : i32
      %and3A_159 = arith.andi %while3A_147, %and3A : i32
      %broadcast_in_dim3A_160 = vector.broadcast %and3A_159 : i32 to vector<16xi32>
      %lt3A_161 = arith.constant 0 : i32
      %lt3A_162 = vector.broadcast %lt3A_161 : i32 to vector<16xi32>
      %lt3A_163 = arith.cmpi slt, %broadcast_in_dim3A_160, %lt3A_162 : vector<16xi32>
      %add3A_164 = arith.constant 16 : i32
      %add3A_165 = vector.broadcast %add3A_164 : i32 to vector<16xi32>
      %add3A_166 = arith.addi %broadcast_in_dim3A_160, %add3A_165 : vector<16xi32>
      %select_n3A_167 = arith.select %lt3A_163, %add3A_166, %broadcast_in_dim3A_160 : vector<16xi1>, vector<16xi32>
      %reshape3A = vector.shape_cast %select_n3A_167 : vector<16xi32> to vector<16x1xi32>
      %gather3A = vector.shape_cast %reshape3A : vector<16x1xi32> to vector<16xi32>
      %gather3A_168 = tpu.dynamic_gather %get3A_152[%gather3A] in [0] : vector<16xi32>, vector<16xi32> -> vector<16xi32>
      %lt3A_169 = arith.constant 0 : i32
      %lt3A_170 = vector.broadcast %lt3A_169 : i32 to vector<16xi32>
      %lt3A_171 = arith.cmpi slt, %broadcast_in_dim3A_160, %lt3A_170 : vector<16xi32>
      %add3A_172 = arith.constant 16 : i32
      %add3A_173 = vector.broadcast %add3A_172 : i32 to vector<16xi32>
      %add3A_174 = arith.addi %broadcast_in_dim3A_160, %add3A_173 : vector<16xi32>
      %select_n3A_175 = arith.select %lt3A_171, %add3A_174, %broadcast_in_dim3A_160 : vector<16xi1>, vector<16xi32>
      %reshape3A_176 = vector.shape_cast %select_n3A_175 : vector<16xi32> to vector<16x1xi32>
      %gather3A_177 = vector.shape_cast %reshape3A_176 : vector<16x1xi32> to vector<16xi32>
      %gather3A_178 = tpu.dynamic_gather %get3A_158[%gather3A_177] in [0] : vector<16xi32>, vector<16xi32> -> vector<16xi32>
      %shift_right_logical3A_179 = arith.constant 7 : i32
      %shift_right_logical3A_180 = vector.broadcast %shift_right_logical3A_179 : i32 to vector<16xi32>
      %shift_right_logical3A_181 = arith.shrui %gather3A_168, %shift_right_logical3A_180 : vector<16xi32>
      %reduce_max3A = arith.constant true
      %reduce_max3A_182 = vector.broadcast %reduce_max3A : i1 to vector<16xi1>
      %reduce_max3A_183 = arith.constant -2147483648 : i32
      %reduce_max3A_184 = vector.broadcast %reduce_max3A_183 : i32 to vector<16xi32>
      %reduce_max3A_185 = arith.xori %shift_right_logical3A_181, %reduce_max3A_184 : vector<16xi32>
      %reduce_max3A_186 = tpu.scan <max>, %reduce_max3A_185 masked %reduce_max3A_182 : vector<16xi32>, vector<16xi1> -> vector<16xi32>
      %reduce_max3A_187 = arith.xori %reduce_max3A_186, %reduce_max3A_184 : vector<16xi32>
      %reduce_max3A_188 = vector.extract %reduce_max3A_187[15] : i32 from vector<16xi32>
      %sub3A_189 = arith.subi %reduce_max3A_188, %add3A_4 : i32
      %get3A_190 = arith.index_cast %sub3A_189 : i32 to index
      %get3A_191 = memref.load %arg19[%get3A_190] : memref<262xi32, #tpu.memory_space<smem>>
      %add3A_192 = arith.constant 1 : i32
      %add3A_193 = arith.addi %get3A_191, %add3A_192 : i32
      %swap3A = arith.index_cast %sub3A_189 : i32 to index
      %swap3A_194 = memref.load %arg19[%swap3A] : memref<262xi32, #tpu.memory_space<smem>>
      memref.store %add3A_193, %arg19[%swap3A] : memref<262xi32, #tpu.memory_space<smem>>
      %eq3A_195 = arith.constant 0 : i32
      %eq3A_196 = vector.broadcast %eq3A_195 : i32 to vector<16xi32>
      %eq3A_197 = arith.cmpi eq, %iota3A, %eq3A_196 : vector<16xi32>
      %broadcast_in_dim3A_198 = vector.broadcast %get3A_191 : i32 to vector<16xi32>
      tpu.vector_store_idx %arg9[%broadcast_in_dim3A_198], %gather3A_168 masked %eq3A_197 : memref<16400xi32, #tpu.memory_space<vmem>>[vector<16xi32>], vector<16xi32>, vector<16xi1>
      tpu.vector_store_idx %arg10[%broadcast_in_dim3A_198], %gather3A_178 masked %eq3A_197 : memref<16400xi32, #tpu.memory_space<vmem>>[vector<16xi32>], vector<16xi32>, vector<16xi1>
    }
    %while3A_95 = arith.constant 1 : i32
    scf.for %while3A_147 = %while3A_93 to %while3A_89 step %while3A_95  : i32 {
      %shift_right_logical3A_148 = arith.constant 4 : i32
      %shift_right_logical3A_149 = arith.shrui %while3A_147, %shift_right_logical3A_148 : i32
      %mul3A_150 = arith.constant 16 : i32
      %mul3A_151 = arith.muli %shift_right_logical3A_149, %mul3A_150 : i32
      %get3A = arith.index_cast %mul3A_151 : i32 to index
      %get3A_152 = tpu.vector_load %arg7[%get3A] {strides = array<i32>} : memref<16400xi32, #tpu.memory_space<vmem>>, vector<16xi32>,
      %shift_right_logical3A_153 = arith.constant 4 : i32
      %shift_right_logical3A_154 = arith.shrui %while3A_147, %shift_right_logical3A_153 : i32
      %mul3A_155 = arith.constant 16 : i32
      %mul3A_156 = arith.muli %shift_right_logical3A_154, %mul3A_155 : i32
      %get3A_157 = arith.index_cast %mul3A_156 : i32 to index
      %get3A_158 = tpu.vector_load %arg8[%get3A_157] {strides = array<i32>} : memref<16400xi32, #tpu.memory_space<vmem>>, vector<16xi32>,
      %and3A = arith.constant 15 : i32
      %and3A_159 = arith.andi %while3A_147, %and3A : i32
      %broadcast_in_dim3A_160 = vector.broadcast %and3A_159 : i32 to vector<16xi32>
      %lt3A_161 = arith.constant 0 : i32
      %lt3A_162 = vector.broadcast %lt3A_161 : i32 to vector<16xi32>
      %lt3A_163 = arith.cmpi slt, %broadcast_in_dim3A_160, %lt3A_162 : vector<16xi32>
      %add3A_164 = arith.constant 16 : i32
      %add3A_165 = vector.broadcast %add3A_164 : i32 to vector<16xi32>
      %add3A_166 = arith.addi %broadcast_in_dim3A_160, %add3A_165 : vector<16xi32>
      %select_n3A_167 = arith.select %lt3A_163, %add3A_166, %broadcast_in_dim3A_160 : vector<16xi1>, vector<16xi32>
      %reshape3A = vector.shape_cast %select_n3A_167 : vector<16xi32> to vector<16x1xi32>
      %gather3A = vector.shape_cast %reshape3A : vector<16x1xi32> to vector<16xi32>
      %gather3A_168 = tpu.dynamic_gather %get3A_152[%gather3A] in [0] : vector<16xi32>, vector<16xi32> -> vector<16xi32>
      %lt3A_169 = arith.constant 0 : i32
      %lt3A_170 = vector.broadcast %lt3A_169 : i32 to vector<16xi32>
      %lt3A_171 = arith.cmpi slt, %broadcast_in_dim3A_160, %lt3A_170 : vector<16xi32>
      %add3A_172 = arith.constant 16 : i32
      %add3A_173 = vector.broadcast %add3A_172 : i32 to vector<16xi32>
      %add3A_174 = arith.addi %broadcast_in_dim3A_160, %add3A_173 : vector<16xi32>
      %select_n3A_175 = arith.select %lt3A_171, %add3A_174, %broadcast_in_dim3A_160 : vector<16xi1>, vector<16xi32>
      %reshape3A_176 = vector.shape_cast %select_n3A_175 : vector<16xi32> to vector<16x1xi32>
      %gather3A_177 = vector.shape_cast %reshape3A_176 : vector<16x1xi32> to vector<16xi32>
      %gather3A_178 = tpu.dynamic_gather %get3A_158[%gather3A_177] in [0] : vector<16xi32>, vector<16xi32> -> vector<16xi32>
      %shift_right_logical3A_179 = arith.constant 7 : i32
      %shift_right_logical3A_180 = vector.broadcast %shift_right_logical3A_179 : i32 to vector<16xi32>
      %shift_right_logical3A_181 = arith.shrui %gather3A_168, %shift_right_logical3A_180 : vector<16xi32>
      %reduce_max3A = arith.constant true
      %reduce_max3A_182 = vector.broadcast %reduce_max3A : i1 to vector<16xi1>
      %reduce_max3A_183 = arith.constant -2147483648 : i32
      %reduce_max3A_184 = vector.broadcast %reduce_max3A_183 : i32 to vector<16xi32>
      %reduce_max3A_185 = arith.xori %shift_right_logical3A_181, %reduce_max3A_184 : vector<16xi32>
      %reduce_max3A_186 = tpu.scan <max>, %reduce_max3A_185 masked %reduce_max3A_182 : vector<16xi32>, vector<16xi1> -> vector<16xi32>
      %reduce_max3A_187 = arith.xori %reduce_max3A_186, %reduce_max3A_184 : vector<16xi32>
      %reduce_max3A_188 = vector.extract %reduce_max3A_187[15] : i32 from vector<16xi32>
      %sub3A_189 = arith.subi %reduce_max3A_188, %add3A_4 : i32
      %get3A_190 = arith.index_cast %sub3A_189 : i32 to index
      %get3A_191 = memref.load %arg19[%get3A_190] : memref<262xi32, #tpu.memory_space<smem>>
      %add3A_192 = arith.constant 1 : i32
      %add3A_193 = arith.addi %get3A_191, %add3A_192 : i32
      %swap3A = arith.index_cast %sub3A_189 : i32 to index
      %swap3A_194 = memref.load %arg19[%swap3A] : memref<262xi32, #tpu.memory_space<smem>>
      memref.store %add3A_193, %arg19[%swap3A] : memref<262xi32, #tpu.memory_space<smem>>
      %eq3A_195 = arith.constant 0 : i32
      %eq3A_196 = vector.broadcast %eq3A_195 : i32 to vector<16xi32>
      %eq3A_197 = arith.cmpi eq, %iota3A, %eq3A_196 : vector<16xi32>
      %broadcast_in_dim3A_198 = vector.broadcast %get3A_191 : i32 to vector<16xi32>
      tpu.vector_store_idx %arg9[%broadcast_in_dim3A_198], %gather3A_168 masked %eq3A_197 : memref<16400xi32, #tpu.memory_space<vmem>>[vector<16xi32>], vector<16xi32>, vector<16xi1>
      tpu.vector_store_idx %arg10[%broadcast_in_dim3A_198], %gather3A_178 masked %eq3A_197 : memref<16400xi32, #tpu.memory_space<vmem>>[vector<16xi32>], vector<16xi32>, vector<16xi1>
    }
    %scan3A_96 = arith.constant 0 : i32
    %scan3A_97 = arith.constant 0 : i32
    %scan3A_98 = arith.constant 4 : i32
    %scan3A_99 = arith.addi %scan3A_97, %scan3A_98 : i32
    %scan3A_100 = arith.constant 1 : i32
    scf.for %scan3A_147 = %scan3A_97 to %scan3A_99 step %scan3A_100  : i32 {
      %swap3A = arith.index_cast %scan3A_147 : i32 to index
      %swap3A_148 = memref.load %arg20[%swap3A] : memref<262xi32, #tpu.memory_space<smem>>
      memref.store %scan3A_147, %arg20[%swap3A] : memref<262xi32, #tpu.memory_space<smem>>
    }
    %scan3A_101 = arith.constant 4 : i32
    %while3A_102 = arith.constant 4 : i32
    %while3A_103 = arith.constant 4 : i32
    %while3A_104 = arith.subi %add3A_8, %while3A_102 : i32
    %while3A_105 = arith.addi %while3A_102, %while3A_104 : i32
    %while3A_106 = arith.constant 1 : i32
    %while3A_107 = arith.divsi %while3A_104, %while3A_106 : i32
    %while3A_108 = arith.muli %while3A_107, %while3A_106 : i32
    %while3A_109 = arith.addi %while3A_102, %while3A_108 : i32
    %while3A_110 = arith.constant 1 : i32
    %while3A_111 = scf.for %while3A_147 = %while3A_102 to %while3A_109 step %while3A_110 iter_args(%while3A_148 = %while3A_103) -> (i32)  : i32 {
      %swap3A = arith.index_cast %while3A_148 : i32 to index
      %swap3A_149 = memref.load %arg20[%swap3A] : memref<262xi32, #tpu.memory_space<smem>>
      memref.store %while3A_147, %arg20[%swap3A] : memref<262xi32, #tpu.memory_space<smem>>
      %get3A = arith.index_cast %while3A_147 : i32 to index
      %get3A_150 = memref.load %arg17[%get3A] : memref<262xi32, #tpu.memory_space<smem>>
      %gt3A_151 = arith.constant 0 : i32
      %gt3A_152 = arith.cmpi sgt, %get3A_150, %gt3A_151 : i32
      %jit3A_153 = arith.constant 1 : i32
      %jit3A_154 = arith.constant 0 : i32
      %select_n3A_155 = arith.select %gt3A_152, %jit3A_153, %jit3A_154 : i32
      %add3A_156 = arith.addi %while3A_148, %select_n3A_155 : i32
      scf.yield %add3A_156 : i32
    }
    %while3A_112 = arith.constant 1 : i32
    %while3A_113 = scf.for %while3A_147 = %while3A_109 to %while3A_105 step %while3A_112 iter_args(%while3A_148 = %while3A_111) -> (i32)  : i32 {
      %swap3A = arith.index_cast %while3A_148 : i32 to index
      %swap3A_149 = memref.load %arg20[%swap3A] : memref<262xi32, #tpu.memory_space<smem>>
      memref.store %while3A_147, %arg20[%swap3A] : memref<262xi32, #tpu.memory_space<smem>>
      %get3A = arith.index_cast %while3A_147 : i32 to index
      %get3A_150 = memref.load %arg17[%get3A] : memref<262xi32, #tpu.memory_space<smem>>
      %gt3A_151 = arith.constant 0 : i32
      %gt3A_152 = arith.cmpi sgt, %get3A_150, %gt3A_151 : i32
      %jit3A_153 = arith.constant 1 : i32
      %jit3A_154 = arith.constant 0 : i32
      %select_n3A_155 = arith.select %gt3A_152, %jit3A_153, %jit3A_154 : i32
      %add3A_156 = arith.addi %while3A_148, %select_n3A_155 : i32
      scf.yield %add3A_156 : i32
    }
    %while3A_114 = arith.constant 0 : i32
    %while3A_115 = arith.constant 0 : i32
    %while3A_116 = arith.constant 0 : i32
    %while3A_117 = arith.subi %while3A_113, %while3A_114 : i32
    %while3A_118 = arith.addi %while3A_114, %while3A_117 : i32
    %while3A_119 = arith.constant 1 : i32
    %while3A_120 = arith.divsi %while3A_117, %while3A_119 : i32
    %while3A_121 = arith.muli %while3A_120, %while3A_119 : i32
    %while3A_122 = arith.addi %while3A_114, %while3A_121 : i32
    %while3A_123 = arith.constant 1 : i32
    %while3A_124:2 = scf.for %while3A_147 = %while3A_114 to %while3A_122 step %while3A_123 iter_args(%while3A_148 = %while3A_115, %while3A_149 = %while3A_116) -> (i32, i32)  : i32 {
      %clamp3A = arith.constant 0 : i32
      %clamp3A_150 = arith.constant 4 : i32
      %clamp3A_151 = arith.maxsi %while3A_149, %clamp3A : i32
      %clamp3A_152 = arith.minsi %clamp3A_151, %clamp3A_150 : i32
      %cond3A_153 = arith.constant 0 : i32
      %cond3A_154 = arith.cmpi ne, %clamp3A_152, %cond3A_153 : i32
      %cond3A_155 = scf.if %cond3A_154 -> (i32) {
        %cond3A_162 = arith.constant 1 : i32
        %cond3A_163 = arith.subi %clamp3A_152, %cond3A_162 : i32
        %cond3A_164 = arith.constant 0 : i32
        %cond3A_165 = arith.cmpi ne, %cond3A_163, %cond3A_164 : i32
        %cond3A_166 = scf.if %cond3A_165 -> (i32) {
          %cond3A_167 = arith.constant 1 : i32
          %cond3A_168 = arith.subi %cond3A_163, %cond3A_167 : i32
          %cond3A_169 = arith.constant 0 : i32
          %cond3A_170 = arith.cmpi ne, %cond3A_168, %cond3A_169 : i32
          %cond3A_171 = scf.if %cond3A_170 -> (i32) {
            %cond3A_172 = arith.constant 1 : i32
            %cond3A_173 = arith.subi %cond3A_168, %cond3A_172 : i32
            %cond3A_174 = arith.constant 0 : i32
            %cond3A_175 = arith.cmpi ne, %cond3A_173, %cond3A_174 : i32
            %cond3A_176 = scf.if %cond3A_175 -> (i32) {
              %dma_wait3A = arith.constant 0 : i32
              %dma_wait3A_177 = arith.constant 0 : i32
              %dma_wait3A_178 = arith.constant 0 : i32
              %dma_wait3A_179 = tpu.memref_slice %arg3[%dma_wait3A, %dma_wait3A_177, %dma_wait3A_178] : memref<8x8x1000000xf32, #tpu.memory_space<hbm>> -> memref<8x8x128xf32, #tpu.memory_space<hbm>>
              %dma_wait3A_180 = arith.constant 0 : i32
              %dma_wait3A_181 = arith.constant 0 : i32
              %dma_wait3A_182 = arith.constant 0 : i32
              %dma_wait3A_183 = tpu.memref_slice %arg3[%dma_wait3A_180, %dma_wait3A_181, %dma_wait3A_182] : memref<8x8x1000000xf32, #tpu.memory_space<hbm>> -> memref<8x8x128xf32, #tpu.memory_space<hbm>>
              tpu.wait_dma2 semaphore(%arg25 : memref<!tpu.dma_semaphore, #tpu.memory_space<semaphore_mem>>) src(%dma_wait3A_183 : memref<8x8x128xf32, #tpu.memory_space<hbm>>) dst(%arg15 : memref<8x8x128xf32, #tpu.memory_space<vmem>>)
              %add3A_184 = arith.constant 4 : i32
              %add3A_185 = arith.addi %while3A_147, %add3A_184 : i32
              %lt3A_186 = arith.cmpi slt, %add3A_185, %while3A_113 : i32
              %convert_element_type3A_187 = arith.extui %lt3A_186 : i1 to i32
              %cond3A_188 = arith.constant 0 : i32
              %cond3A_189 = arith.cmpi ne, %convert_element_type3A_187, %cond3A_188 : i32
              scf.if %cond3A_189 {
                %add3A_206 = arith.constant 4 : i32
                %add3A_207 = arith.addi %while3A_147, %add3A_206 : i32
                %get3A_208 = arith.index_cast %add3A_207 : i32 to index
                %get3A_209 = memref.load %arg20[%get3A_208] : memref<262xi32, #tpu.memory_space<smem>>
                %add3A_210 = arith.addi %add3A_4, %get3A_209 : i32
                %jit3A_211 = arith.constant 0 : i32
                %jit3A_212 = arith.constant 7811 : i32
                %max3A = arith.maxsi %jit3A_211, %add3A_210 : i32
                %min3A_213 = arith.minsi %jit3A_212, %max3A : i32
                %mul3A_214 = arith.constant 128 : i32
                %mul3A_215 = arith.muli %min3A_213, %mul3A_214 : i32
                %multiple_of3A_216 = tpu.assume_multiple %mul3A_215, 128 : i32
                %dma_start3A_217 = arith.constant 0 : i32
                %dma_start3A_218 = arith.constant 0 : i32
                %dma_start3A_219 = tpu.memref_slice %arg3[%dma_start3A_217, %dma_start3A_218, %multiple_of3A_216] : memref<8x8x1000000xf32, #tpu.memory_space<hbm>> -> memref<8x8x128xf32, #tpu.memory_space<hbm>>
                %dma_start3A_220 = arith.constant 0 : i32
                %dma_start3A_221 = arith.constant 0 : i32
                %dma_start3A_222 = tpu.memref_slice %arg3[%dma_start3A_220, %dma_start3A_221, %multiple_of3A_216] : memref<8x8x1000000xf32, #tpu.memory_space<hbm>> -> memref<8x8x128xf32, #tpu.memory_space<hbm>>
                tpu.enqueue_dma source(%dma_start3A_222 : memref<8x8x128xf32, #tpu.memory_space<hbm>>) target(%arg14 : memref<8x8x128xf32, #tpu.memory_space<vmem>>) target_semaphore(%arg24 : memref<!tpu.dma_semaphore, #tpu.memory_space<semaphore_mem>>)
              } else {
              }
              %get3A = arith.index_cast %while3A_147 : i32 to index
              %get3A_190 = memref.load %arg20[%get3A] : memref<262xi32, #tpu.memory_space<smem>>
              %get3A_191 = arith.index_cast %get3A_190 : i32 to index
              %get3A_192 = memref.load %arg18[%get3A_191] : memref<262xi32, #tpu.memory_space<smem>>
              %get3A_193 = arith.index_cast %get3A_190 : i32 to index
              %get3A_194 = memref.load %arg17[%get3A_193] : memref<262xi32, #tpu.memory_space<smem>>
              %add3A_195 = arith.addi %get3A_192, %get3A_194 : i32
              %while3A_196 = arith.subi %add3A_195, %get3A_192 : i32
              %while3A_197 = arith.addi %get3A_192, %while3A_196 : i32
              %while3A_198 = arith.constant 1 : i32
              %while3A_199 = arith.divsi %while3A_196, %while3A_198 : i32
              %while3A_200 = arith.muli %while3A_199, %while3A_198 : i32
              %while3A_201 = arith.addi %get3A_192, %while3A_200 : i32
              %while3A_202 = arith.constant 1 : i32
              %while3A_203 = scf.for %while3A_206 = %get3A_192 to %while3A_201 step %while3A_202 iter_args(%while3A_207 = %while3A_148) -> (i32)  : i32 {
                %and3A = arith.constant 15 : i32
                %and3A_208 = arith.andi %while3A_207, %and3A : i32
                %eq3A_209 = arith.constant 0 : i32
                %eq3A_210 = arith.cmpi eq, %and3A_208, %eq3A_209 : i32
                %ge3A = arith.constant 16 : i32
                %ge3A_211 = arith.cmpi sge, %while3A_207, %ge3A : i32
                %and3A_212 = arith.andi %eq3A_210, %ge3A_211 : i1
                %convert_element_type3A_213 = arith.extui %and3A_212 : i1 to i32
                %cond3A_214 = arith.constant 0 : i32
                %cond3A_215 = arith.cmpi ne, %convert_element_type3A_213, %cond3A_214 : i32
                scf.if %cond3A_215 {
                  %dma_wait3A_332 = arith.constant 0 : i32
                  %dma_wait3A_333 = tpu.memref_slice %arg5[%dma_wait3A_332] : memref<1048576xf32, #tpu.memory_space<hbm>> -> memref<1024xf32, #tpu.memory_space<hbm>>
                  %dma_wait3A_334 = arith.constant 0 : i32
                  %dma_wait3A_335 = tpu.memref_slice %arg5[%dma_wait3A_334] : memref<1048576xf32, #tpu.memory_space<hbm>> -> memref<1024xf32, #tpu.memory_space<hbm>>
                  tpu.wait_dma2 semaphore(%arg26 : memref<!tpu.dma_semaphore, #tpu.memory_space<semaphore_mem>>) src(%dma_wait3A_335 : memref<1024xf32, #tpu.memory_space<hbm>>) dst(%arg16 : memref<1024xf32, #tpu.memory_space<vmem>>)
                } else {
                }
                %shift_right_logical3A_216 = arith.constant 4 : i32
                %shift_right_logical3A_217 = arith.shrui %while3A_206, %shift_right_logical3A_216 : i32
                %mul3A_218 = arith.constant 16 : i32
                %mul3A_219 = arith.muli %shift_right_logical3A_217, %mul3A_218 : i32
                %get3A_220 = arith.index_cast %mul3A_219 : i32 to index
                %get3A_221 = tpu.vector_load %arg9[%get3A_220] {strides = array<i32>} : memref<16400xi32, #tpu.memory_space<vmem>>, vector<16xi32>,
                %shift_right_logical3A_222 = arith.constant 4 : i32
                %shift_right_logical3A_223 = arith.shrui %while3A_206, %shift_right_logical3A_222 : i32
                %mul3A_224 = arith.constant 16 : i32
                %mul3A_225 = arith.muli %shift_right_logical3A_223, %mul3A_224 : i32
                %get3A_226 = arith.index_cast %mul3A_225 : i32 to index
                %get3A_227 = tpu.vector_load %arg10[%get3A_226] {strides = array<i32>} : memref<16400xi32, #tpu.memory_space<vmem>>, vector<16xi32>,
                %and3A_228 = arith.constant 15 : i32
                %and3A_229 = arith.andi %while3A_206, %and3A_228 : i32
                %broadcast_in_dim3A_230 = vector.broadcast %and3A_229 : i32 to vector<16xi32>
                %lt3A_231 = arith.constant 0 : i32
                %lt3A_232 = vector.broadcast %lt3A_231 : i32 to vector<16xi32>
                %lt3A_233 = arith.cmpi slt, %broadcast_in_dim3A_230, %lt3A_232 : vector<16xi32>
                %add3A_234 = arith.constant 16 : i32
                %add3A_235 = vector.broadcast %add3A_234 : i32 to vector<16xi32>
                %add3A_236 = arith.addi %broadcast_in_dim3A_230, %add3A_235 : vector<16xi32>
                %select_n3A_237 = arith.select %lt3A_233, %add3A_236, %broadcast_in_dim3A_230 : vector<16xi1>, vector<16xi32>
                %reshape3A = vector.shape_cast %select_n3A_237 : vector<16xi32> to vector<16x1xi32>
                %gather3A = vector.shape_cast %reshape3A : vector<16x1xi32> to vector<16xi32>
                %gather3A_238 = tpu.dynamic_gather %get3A_221[%gather3A] in [0] : vector<16xi32>, vector<16xi32> -> vector<16xi32>
                %and3A_239 = arith.constant 127 : i32
                %and3A_240 = vector.broadcast %and3A_239 : i32 to vector<16xi32>
                %and3A_241 = arith.andi %gather3A_238, %and3A_240 : vector<16xi32>
                %lt3A_242 = arith.constant 0 : i32
                %lt3A_243 = vector.broadcast %lt3A_242 : i32 to vector<16xi32>
                %lt3A_244 = arith.cmpi slt, %broadcast_in_dim3A_230, %lt3A_243 : vector<16xi32>
                %add3A_245 = arith.constant 16 : i32
                %add3A_246 = vector.broadcast %add3A_245 : i32 to vector<16xi32>
                %add3A_247 = arith.addi %broadcast_in_dim3A_230, %add3A_246 : vector<16xi32>
                %select_n3A_248 = arith.select %lt3A_244, %add3A_247, %broadcast_in_dim3A_230 : vector<16xi1>, vector<16xi32>
                %reshape3A_249 = vector.shape_cast %select_n3A_248 : vector<16xi32> to vector<16x1xi32>
                %gather3A_250 = vector.shape_cast %reshape3A_249 : vector<16x1xi32> to vector<16xi32>
                %gather3A_251 = tpu.dynamic_gather %get3A_227[%gather3A_250] in [0] : vector<16xi32>, vector<16xi32> -> vector<16xi32>
                %reduce_max3A = arith.constant true
                %reduce_max3A_252 = vector.broadcast %reduce_max3A : i1 to vector<16xi1>
                %reduce_max3A_253 = arith.constant -2147483648 : i32
                %reduce_max3A_254 = vector.broadcast %reduce_max3A_253 : i32 to vector<16xi32>
                %reduce_max3A_255 = arith.xori %gather3A_251, %reduce_max3A_254 : vector<16xi32>
                %reduce_max3A_256 = tpu.scan <max>, %reduce_max3A_255 masked %reduce_max3A_252 : vector<16xi32>, vector<16xi1> -> vector<16xi32>
                %reduce_max3A_257 = arith.xori %reduce_max3A_256, %reduce_max3A_254 : vector<16xi32>
                %reduce_max3A_258 = vector.extract %reduce_max3A_257[15] : i32 from vector<16xi32>
                %add3A_259 = arith.constant 0 : i32
                %add3A_260 = vector.broadcast %add3A_259 : i32 to vector<16xi32>
                %add3A_261 = arith.addi %iota3A, %add3A_260 : vector<16xi32>
                %shift_right_logical3A_262 = arith.constant 3 : i32
                %shift_right_logical3A_263 = vector.broadcast %shift_right_logical3A_262 : i32 to vector<16xi32>
                %shift_right_logical3A_264 = arith.shrui %add3A_261, %shift_right_logical3A_263 : vector<16xi32>
                %and3A_265 = arith.constant 7 : i32
                %and3A_266 = vector.broadcast %and3A_265 : i32 to vector<16xi32>
                %and3A_267 = arith.andi %add3A_261, %and3A_266 : vector<16xi32>
                %gather3A_268 = tpu.vector_load_idx %arg15[%shift_right_logical3A_264, %and3A_267, %and3A_241] : memref<8x8x128xf32, #tpu.memory_space<vmem>>[vector<16xi32>, vector<16xi32>, vector<16xi32>], vector<16xf32>,
                %mul3A_269 = arith.constant 64 : i32
                %mul3A_270 = arith.muli %and3A_208, %mul3A_269 : i32
                %add3A_271 = arith.constant 0 : i32
                %add3A_272 = arith.addi %mul3A_270, %add3A_271 : i32
                %swap3A = arith.index_cast %add3A_272 : i32 to index
                %swap3A_273 = tpu.vector_load %arg16[%swap3A] {strides = array<i32>} : memref<1024xf32, #tpu.memory_space<vmem>>, vector<16xf32>,
                tpu.vector_store %arg16[%swap3A], %gather3A_268 {strides = array<i32>} : memref<1024xf32, #tpu.memory_space<vmem>>, vector<16xf32>,
                %add3A_274 = arith.constant 16 : i32
                %add3A_275 = vector.broadcast %add3A_274 : i32 to vector<16xi32>
                %add3A_276 = arith.addi %iota3A, %add3A_275 : vector<16xi32>
                %shift_right_logical3A_277 = arith.constant 3 : i32
                %shift_right_logical3A_278 = vector.broadcast %shift_right_logical3A_277 : i32 to vector<16xi32>
                %shift_right_logical3A_279 = arith.shrui %add3A_276, %shift_right_logical3A_278 : vector<16xi32>
                %and3A_280 = arith.constant 7 : i32
                %and3A_281 = vector.broadcast %and3A_280 : i32 to vector<16xi32>
                %and3A_282 = arith.andi %add3A_276, %and3A_281 : vector<16xi32>
                %gather3A_283 = tpu.vector_load_idx %arg15[%shift_right_logical3A_279, %and3A_282, %and3A_241] : memref<8x8x128xf32, #tpu.memory_space<vmem>>[vector<16xi32>, vector<16xi32>, vector<16xi32>], vector<16xf32>,
                %mul3A_284 = arith.constant 64 : i32
                %mul3A_285 = arith.muli %and3A_208, %mul3A_284 : i32
                %add3A_286 = arith.constant 16 : i32
                %add3A_287 = arith.addi %mul3A_285, %add3A_286 : i32
                %swap3A_288 = arith.index_cast %add3A_287 : i32 to index
                %swap3A_289 = tpu.vector_load %arg16[%swap3A_288] {strides = array<i32>} : memref<1024xf32, #tpu.memory_space<vmem>>, vector<16xf32>,
                tpu.vector_store %arg16[%swap3A_288], %gather3A_283 {strides = array<i32>} : memref<1024xf32, #tpu.memory_space<vmem>>, vector<16xf32>,
                %add3A_290 = arith.constant 32 : i32
                %add3A_291 = vector.broadcast %add3A_290 : i32 to vector<16xi32>
                %add3A_292 = arith.addi %iota3A, %add3A_291 : vector<16xi32>
                %shift_right_logical3A_293 = arith.constant 3 : i32
                %shift_right_logical3A_294 = vector.broadcast %shift_right_logical3A_293 : i32 to vector<16xi32>
                %shift_right_logical3A_295 = arith.shrui %add3A_292, %shift_right_logical3A_294 : vector<16xi32>
                %and3A_296 = arith.constant 7 : i32
                %and3A_297 = vector.broadcast %and3A_296 : i32 to vector<16xi32>
                %and3A_298 = arith.andi %add3A_292, %and3A_297 : vector<16xi32>
                %gather3A_299 = tpu.vector_load_idx %arg15[%shift_right_logical3A_295, %and3A_298, %and3A_241] : memref<8x8x128xf32, #tpu.memory_space<vmem>>[vector<16xi32>, vector<16xi32>, vector<16xi32>], vector<16xf32>,
                %mul3A_300 = arith.constant 64 : i32
                %mul3A_301 = arith.muli %and3A_208, %mul3A_300 : i32
                %add3A_302 = arith.constant 32 : i32
                %add3A_303 = arith.addi %mul3A_301, %add3A_302 : i32
                %swap3A_304 = arith.index_cast %add3A_303 : i32 to index
                %swap3A_305 = tpu.vector_load %arg16[%swap3A_304] {strides = array<i32>} : memref<1024xf32, #tpu.memory_space<vmem>>, vector<16xf32>,
                tpu.vector_store %arg16[%swap3A_304], %gather3A_299 {strides = array<i32>} : memref<1024xf32, #tpu.memory_space<vmem>>, vector<16xf32>,
                %add3A_306 = arith.constant 48 : i32
                %add3A_307 = vector.broadcast %add3A_306 : i32 to vector<16xi32>
                %add3A_308 = arith.addi %iota3A, %add3A_307 : vector<16xi32>
                %shift_right_logical3A_309 = arith.constant 3 : i32
                %shift_right_logical3A_310 = vector.broadcast %shift_right_logical3A_309 : i32 to vector<16xi32>
                %shift_right_logical3A_311 = arith.shrui %add3A_308, %shift_right_logical3A_310 : vector<16xi32>
                %and3A_312 = arith.constant 7 : i32
                %and3A_313 = vector.broadcast %and3A_312 : i32 to vector<16xi32>
                %and3A_314 = arith.andi %add3A_308, %and3A_313 : vector<16xi32>
                %gather3A_315 = tpu.vector_load_idx %arg15[%shift_right_logical3A_311, %and3A_314, %and3A_241] : memref<8x8x128xf32, #tpu.memory_space<vmem>>[vector<16xi32>, vector<16xi32>, vector<16xi32>], vector<16xf32>,
                %mul3A_316 = arith.constant 64 : i32
                %mul3A_317 = arith.muli %and3A_208, %mul3A_316 : i32
                %add3A_318 = arith.constant 48 : i32
                %add3A_319 = arith.addi %mul3A_317, %add3A_318 : i32
                %swap3A_320 = arith.index_cast %add3A_319 : i32 to index
                %swap3A_321 = tpu.vector_load %arg16[%swap3A_320] {strides = array<i32>} : memref<1024xf32, #tpu.memory_space<vmem>>, vector<16xf32>,
                tpu.vector_store %arg16[%swap3A_320], %gather3A_315 {strides = array<i32>} : memref<1024xf32, #tpu.memory_space<vmem>>, vector<16xf32>,
                %mul3A_322 = arith.constant 64 : i32
                %mul3A_323 = arith.muli %and3A_208, %mul3A_322 : i32
                %mul3A_324 = arith.constant 64 : i32
                %mul3A_325 = arith.muli %reduce_max3A_258, %mul3A_324 : i32
                %dma_start3A_326 = tpu.memref_slice %arg16[%mul3A_323] : memref<1024xf32, #tpu.memory_space<vmem>> -> memref<64xf32, #tpu.memory_space<vmem>>
                %dma_start3A_327 = tpu.memref_slice %arg5[%mul3A_325] : memref<1048576xf32, #tpu.memory_space<hbm>> -> memref<64xf32, #tpu.memory_space<hbm>>
                %dma_start3A_328 = tpu.memref_slice %arg5[%mul3A_325] : memref<1048576xf32, #tpu.memory_space<hbm>> -> memref<64xf32, #tpu.memory_space<hbm>>
                %dma_start3A_329 = tpu.memref_slice %arg16[%mul3A_323] : memref<1024xf32, #tpu.memory_space<vmem>> -> memref<64xf32, #tpu.memory_space<vmem>>
                tpu.enqueue_dma source(%dma_start3A_329 : memref<64xf32, #tpu.memory_space<vmem>>) target(%dma_start3A_328 : memref<64xf32, #tpu.memory_space<hbm>>) target_semaphore(%arg26 : memref<!tpu.dma_semaphore, #tpu.memory_space<semaphore_mem>>)
                %add3A_330 = arith.constant 1 : i32
                %add3A_331 = arith.addi %while3A_207, %add3A_330 : i32
                scf.yield %add3A_331 : i32
              }
              %while3A_204 = arith.constant 1 : i32
              %while3A_205 = scf.for %while3A_206 = %while3A_201 to %while3A_197 step %while3A_204 iter_args(%while3A_207 = %while3A_203) -> (i32)  : i32 {
                %and3A = arith.constant 15 : i32
                %and3A_208 = arith.andi %while3A_207, %and3A : i32
                %eq3A_209 = arith.constant 0 : i32
                %eq3A_210 = arith.cmpi eq, %and3A_208, %eq3A_209 : i32
                %ge3A = arith.constant 16 : i32
                %ge3A_211 = arith.cmpi sge, %while3A_207, %ge3A : i32
                %and3A_212 = arith.andi %eq3A_210, %ge3A_211 : i1
                %convert_element_type3A_213 = arith.extui %and3A_212 : i1 to i32
                %cond3A_214 = arith.constant 0 : i32
                %cond3A_215 = arith.cmpi ne, %convert_element_type3A_213, %cond3A_214 : i32
                scf.if %cond3A_215 {
                  %dma_wait3A_332 = arith.constant 0 : i32
                  %dma_wait3A_333 = tpu.memref_slice %arg5[%dma_wait3A_332] : memref<1048576xf32, #tpu.memory_space<hbm>> -> memref<1024xf32, #tpu.memory_space<hbm>>
                  %dma_wait3A_334 = arith.constant 0 : i32
                  %dma_wait3A_335 = tpu.memref_slice %arg5[%dma_wait3A_334] : memref<1048576xf32, #tpu.memory_space<hbm>> -> memref<1024xf32, #tpu.memory_space<hbm>>
                  tpu.wait_dma2 semaphore(%arg26 : memref<!tpu.dma_semaphore, #tpu.memory_space<semaphore_mem>>) src(%dma_wait3A_335 : memref<1024xf32, #tpu.memory_space<hbm>>) dst(%arg16 : memref<1024xf32, #tpu.memory_space<vmem>>)
                } else {
                }
                %shift_right_logical3A_216 = arith.constant 4 : i32
                %shift_right_logical3A_217 = arith.shrui %while3A_206, %shift_right_logical3A_216 : i32
                %mul3A_218 = arith.constant 16 : i32
                %mul3A_219 = arith.muli %shift_right_logical3A_217, %mul3A_218 : i32
                %get3A_220 = arith.index_cast %mul3A_219 : i32 to index
                %get3A_221 = tpu.vector_load %arg9[%get3A_220] {strides = array<i32>} : memref<16400xi32, #tpu.memory_space<vmem>>, vector<16xi32>,
                %shift_right_logical3A_222 = arith.constant 4 : i32
                %shift_right_logical3A_223 = arith.shrui %while3A_206, %shift_right_logical3A_222 : i32
                %mul3A_224 = arith.constant 16 : i32
                %mul3A_225 = arith.muli %shift_right_logical3A_223, %mul3A_224 : i32
                %get3A_226 = arith.index_cast %mul3A_225 : i32 to index
                %get3A_227 = tpu.vector_load %arg10[%get3A_226] {strides = array<i32>} : memref<16400xi32, #tpu.memory_space<vmem>>, vector<16xi32>,
                %and3A_228 = arith.constant 15 : i32
                %and3A_229 = arith.andi %while3A_206, %and3A_228 : i32
                %broadcast_in_dim3A_230 = vector.broadcast %and3A_229 : i32 to vector<16xi32>
                %lt3A_231 = arith.constant 0 : i32
                %lt3A_232 = vector.broadcast %lt3A_231 : i32 to vector<16xi32>
                %lt3A_233 = arith.cmpi slt, %broadcast_in_dim3A_230, %lt3A_232 : vector<16xi32>
                %add3A_234 = arith.constant 16 : i32
                %add3A_235 = vector.broadcast %add3A_234 : i32 to vector<16xi32>
                %add3A_236 = arith.addi %broadcast_in_dim3A_230, %add3A_235 : vector<16xi32>
                %select_n3A_237 = arith.select %lt3A_233, %add3A_236, %broadcast_in_dim3A_230 : vector<16xi1>, vector<16xi32>
                %reshape3A = vector.shape_cast %select_n3A_237 : vector<16xi32> to vector<16x1xi32>
                %gather3A = vector.shape_cast %reshape3A : vector<16x1xi32> to vector<16xi32>
                %gather3A_238 = tpu.dynamic_gather %get3A_221[%gather3A] in [0] : vector<16xi32>, vector<16xi32> -> vector<16xi32>
                %and3A_239 = arith.constant 127 : i32
                %and3A_240 = vector.broadcast %and3A_239 : i32 to vector<16xi32>
                %and3A_241 = arith.andi %gather3A_238, %and3A_240 : vector<16xi32>
                %lt3A_242 = arith.constant 0 : i32
                %lt3A_243 = vector.broadcast %lt3A_242 : i32 to vector<16xi32>
                %lt3A_244 = arith.cmpi slt, %broadcast_in_dim3A_230, %lt3A_243 : vector<16xi32>
                %add3A_245 = arith.constant 16 : i32
                %add3A_246 = vector.broadcast %add3A_245 : i32 to vector<16xi32>
                %add3A_247 = arith.addi %broadcast_in_dim3A_230, %add3A_246 : vector<16xi32>
                %select_n3A_248 = arith.select %lt3A_244, %add3A_247, %broadcast_in_dim3A_230 : vector<16xi1>, vector<16xi32>
                %reshape3A_249 = vector.shape_cast %select_n3A_248 : vector<16xi32> to vector<16x1xi32>
                %gather3A_250 = vector.shape_cast %reshape3A_249 : vector<16x1xi32> to vector<16xi32>
                %gather3A_251 = tpu.dynamic_gather %get3A_227[%gather3A_250] in [0] : vector<16xi32>, vector<16xi32> -> vector<16xi32>
                %reduce_max3A = arith.constant true
                %reduce_max3A_252 = vector.broadcast %reduce_max3A : i1 to vector<16xi1>
                %reduce_max3A_253 = arith.constant -2147483648 : i32
                %reduce_max3A_254 = vector.broadcast %reduce_max3A_253 : i32 to vector<16xi32>
                %reduce_max3A_255 = arith.xori %gather3A_251, %reduce_max3A_254 : vector<16xi32>
                %reduce_max3A_256 = tpu.scan <max>, %reduce_max3A_255 masked %reduce_max3A_252 : vector<16xi32>, vector<16xi1> -> vector<16xi32>
                %reduce_max3A_257 = arith.xori %reduce_max3A_256, %reduce_max3A_254 : vector<16xi32>
                %reduce_max3A_258 = vector.extract %reduce_max3A_257[15] : i32 from vector<16xi32>
                %add3A_259 = arith.constant 0 : i32
                %add3A_260 = vector.broadcast %add3A_259 : i32 to vector<16xi32>
                %add3A_261 = arith.addi %iota3A, %add3A_260 : vector<16xi32>
                %shift_right_logical3A_262 = arith.constant 3 : i32
                %shift_right_logical3A_263 = vector.broadcast %shift_right_logical3A_262 : i32 to vector<16xi32>
                %shift_right_logical3A_264 = arith.shrui %add3A_261, %shift_right_logical3A_263 : vector<16xi32>
                %and3A_265 = arith.constant 7 : i32
                %and3A_266 = vector.broadcast %and3A_265 : i32 to vector<16xi32>
                %and3A_267 = arith.andi %add3A_261, %and3A_266 : vector<16xi32>
                %gather3A_268 = tpu.vector_load_idx %arg15[%shift_right_logical3A_264, %and3A_267, %and3A_241] : memref<8x8x128xf32, #tpu.memory_space<vmem>>[vector<16xi32>, vector<16xi32>, vector<16xi32>], vector<16xf32>,
                %mul3A_269 = arith.constant 64 : i32
                %mul3A_270 = arith.muli %and3A_208, %mul3A_269 : i32
                %add3A_271 = arith.constant 0 : i32
                %add3A_272 = arith.addi %mul3A_270, %add3A_271 : i32
                %swap3A = arith.index_cast %add3A_272 : i32 to index
                %swap3A_273 = tpu.vector_load %arg16[%swap3A] {strides = array<i32>} : memref<1024xf32, #tpu.memory_space<vmem>>, vector<16xf32>,
                tpu.vector_store %arg16[%swap3A], %gather3A_268 {strides = array<i32>} : memref<1024xf32, #tpu.memory_space<vmem>>, vector<16xf32>,
                %add3A_274 = arith.constant 16 : i32
                %add3A_275 = vector.broadcast %add3A_274 : i32 to vector<16xi32>
                %add3A_276 = arith.addi %iota3A, %add3A_275 : vector<16xi32>
                %shift_right_logical3A_277 = arith.constant 3 : i32
                %shift_right_logical3A_278 = vector.broadcast %shift_right_logical3A_277 : i32 to vector<16xi32>
                %shift_right_logical3A_279 = arith.shrui %add3A_276, %shift_right_logical3A_278 : vector<16xi32>
                %and3A_280 = arith.constant 7 : i32
                %and3A_281 = vector.broadcast %and3A_280 : i32 to vector<16xi32>
                %and3A_282 = arith.andi %add3A_276, %and3A_281 : vector<16xi32>
                %gather3A_283 = tpu.vector_load_idx %arg15[%shift_right_logical3A_279, %and3A_282, %and3A_241] : memref<8x8x128xf32, #tpu.memory_space<vmem>>[vector<16xi32>, vector<16xi32>, vector<16xi32>], vector<16xf32>,
                %mul3A_284 = arith.constant 64 : i32
                %mul3A_285 = arith.muli %and3A_208, %mul3A_284 : i32
                %add3A_286 = arith.constant 16 : i32
                %add3A_287 = arith.addi %mul3A_285, %add3A_286 : i32
                %swap3A_288 = arith.index_cast %add3A_287 : i32 to index
                %swap3A_289 = tpu.vector_load %arg16[%swap3A_288] {strides = array<i32>} : memref<1024xf32, #tpu.memory_space<vmem>>, vector<16xf32>,
                tpu.vector_store %arg16[%swap3A_288], %gather3A_283 {strides = array<i32>} : memref<1024xf32, #tpu.memory_space<vmem>>, vector<16xf32>,
                %add3A_290 = arith.constant 32 : i32
                %add3A_291 = vector.broadcast %add3A_290 : i32 to vector<16xi32>
                %add3A_292 = arith.addi %iota3A, %add3A_291 : vector<16xi32>
                %shift_right_logical3A_293 = arith.constant 3 : i32
                %shift_right_logical3A_294 = vector.broadcast %shift_right_logical3A_293 : i32 to vector<16xi32>
                %shift_right_logical3A_295 = arith.shrui %add3A_292, %shift_right_logical3A_294 : vector<16xi32>
                %and3A_296 = arith.constant 7 : i32
                %and3A_297 = vector.broadcast %and3A_296 : i32 to vector<16xi32>
                %and3A_298 = arith.andi %add3A_292, %and3A_297 : vector<16xi32>
                %gather3A_299 = tpu.vector_load_idx %arg15[%shift_right_logical3A_295, %and3A_298, %and3A_241] : memref<8x8x128xf32, #tpu.memory_space<vmem>>[vector<16xi32>, vector<16xi32>, vector<16xi32>], vector<16xf32>,
                %mul3A_300 = arith.constant 64 : i32
                %mul3A_301 = arith.muli %and3A_208, %mul3A_300 : i32
                %add3A_302 = arith.constant 32 : i32
                %add3A_303 = arith.addi %mul3A_301, %add3A_302 : i32
                %swap3A_304 = arith.index_cast %add3A_303 : i32 to index
                %swap3A_305 = tpu.vector_load %arg16[%swap3A_304] {strides = array<i32>} : memref<1024xf32, #tpu.memory_space<vmem>>, vector<16xf32>,
                tpu.vector_store %arg16[%swap3A_304], %gather3A_299 {strides = array<i32>} : memref<1024xf32, #tpu.memory_space<vmem>>, vector<16xf32>,
                %add3A_306 = arith.constant 48 : i32
                %add3A_307 = vector.broadcast %add3A_306 : i32 to vector<16xi32>
                %add3A_308 = arith.addi %iota3A, %add3A_307 : vector<16xi32>
                %shift_right_logical3A_309 = arith.constant 3 : i32
                %shift_right_logical3A_310 = vector.broadcast %shift_right_logical3A_309 : i32 to vector<16xi32>
                %shift_right_logical3A_311 = arith.shrui %add3A_308, %shift_right_logical3A_310 : vector<16xi32>
                %and3A_312 = arith.constant 7 : i32
                %and3A_313 = vector.broadcast %and3A_312 : i32 to vector<16xi32>
                %and3A_314 = arith.andi %add3A_308, %and3A_313 : vector<16xi32>
                %gather3A_315 = tpu.vector_load_idx %arg15[%shift_right_logical3A_311, %and3A_314, %and3A_241] : memref<8x8x128xf32, #tpu.memory_space<vmem>>[vector<16xi32>, vector<16xi32>, vector<16xi32>], vector<16xf32>,
                %mul3A_316 = arith.constant 64 : i32
                %mul3A_317 = arith.muli %and3A_208, %mul3A_316 : i32
                %add3A_318 = arith.constant 48 : i32
                %add3A_319 = arith.addi %mul3A_317, %add3A_318 : i32
                %swap3A_320 = arith.index_cast %add3A_319 : i32 to index
                %swap3A_321 = tpu.vector_load %arg16[%swap3A_320] {strides = array<i32>} : memref<1024xf32, #tpu.memory_space<vmem>>, vector<16xf32>,
                tpu.vector_store %arg16[%swap3A_320], %gather3A_315 {strides = array<i32>} : memref<1024xf32, #tpu.memory_space<vmem>>, vector<16xf32>,
                %mul3A_322 = arith.constant 64 : i32
                %mul3A_323 = arith.muli %and3A_208, %mul3A_322 : i32
                %mul3A_324 = arith.constant 64 : i32
                %mul3A_325 = arith.muli %reduce_max3A_258, %mul3A_324 : i32
                %dma_start3A_326 = tpu.memref_slice %arg16[%mul3A_323] : memref<1024xf32, #tpu.memory_space<vmem>> -> memref<64xf32, #tpu.memory_space<vmem>>
                %dma_start3A_327 = tpu.memref_slice %arg5[%mul3A_325] : memref<1048576xf32, #tpu.memory_space<hbm>> -> memref<64xf32, #tpu.memory_space<hbm>>
                %dma_start3A_328 = tpu.memref_slice %arg5[%mul3A_325] : memref<1048576xf32, #tpu.memory_space<hbm>> -> memref<64xf32, #tpu.memory_space<hbm>>
                %dma_start3A_329 = tpu.memref_slice %arg16[%mul3A_323] : memref<1024xf32, #tpu.memory_space<vmem>> -> memref<64xf32, #tpu.memory_space<vmem>>
                tpu.enqueue_dma source(%dma_start3A_329 : memref<64xf32, #tpu.memory_space<vmem>>) target(%dma_start3A_328 : memref<64xf32, #tpu.memory_space<hbm>>) target_semaphore(%arg26 : memref<!tpu.dma_semaphore, #tpu.memory_space<semaphore_mem>>)
                %add3A_330 = arith.constant 1 : i32
                %add3A_331 = arith.addi %while3A_207, %add3A_330 : i32
                scf.yield %add3A_331 : i32
              }
              scf.yield %while3A_205 : i32
            } else {
              %dma_wait3A = arith.constant 0 : i32
              %dma_wait3A_177 = arith.constant 0 : i32
              %dma_wait3A_178 = arith.constant 0 : i32
              %dma_wait3A_179 = tpu.memref_slice %arg3[%dma_wait3A, %dma_wait3A_177, %dma_wait3A_178] : memref<8x8x1000000xf32, #tpu.memory_space<hbm>> -> memref<8x8x128xf32, #tpu.memory_space<hbm>>
              %dma_wait3A_180 = arith.constant 0 : i32
              %dma_wait3A_181 = arith.constant 0 : i32
              %dma_wait3A_182 = arith.constant 0 : i32
              %dma_wait3A_183 = tpu.memref_slice %arg3[%dma_wait3A_180, %dma_wait3A_181, %dma_wait3A_182] : memref<8x8x1000000xf32, #tpu.memory_space<hbm>> -> memref<8x8x128xf32, #tpu.memory_space<hbm>>
              tpu.wait_dma2 semaphore(%arg24 : memref<!tpu.dma_semaphore, #tpu.memory_space<semaphore_mem>>) src(%dma_wait3A_183 : memref<8x8x128xf32, #tpu.memory_space<hbm>>) dst(%arg14 : memref<8x8x128xf32, #tpu.memory_space<vmem>>)
              %add3A_184 = arith.constant 4 : i32
              %add3A_185 = arith.addi %while3A_147, %add3A_184 : i32
              %lt3A_186 = arith.cmpi slt, %add3A_185, %while3A_113 : i32
              %convert_element_type3A_187 = arith.extui %lt3A_186 : i1 to i32
              %cond3A_188 = arith.constant 0 : i32
              %cond3A_189 = arith.cmpi ne, %convert_element_type3A_187, %cond3A_188 : i32
              scf.if %cond3A_189 {
                %add3A_206 = arith.constant 4 : i32
                %add3A_207 = arith.addi %while3A_147, %add3A_206 : i32
                %get3A_208 = arith.index_cast %add3A_207 : i32 to index
                %get3A_209 = memref.load %arg20[%get3A_208] : memref<262xi32, #tpu.memory_space<smem>>
                %add3A_210 = arith.addi %add3A_4, %get3A_209 : i32
                %jit3A_211 = arith.constant 0 : i32
                %jit3A_212 = arith.constant 7811 : i32
                %max3A = arith.maxsi %jit3A_211, %add3A_210 : i32
                %min3A_213 = arith.minsi %jit3A_212, %max3A : i32
                %mul3A_214 = arith.constant 128 : i32
                %mul3A_215 = arith.muli %min3A_213, %mul3A_214 : i32
                %multiple_of3A_216 = tpu.assume_multiple %mul3A_215, 128 : i32
                %dma_start3A_217 = arith.constant 0 : i32
                %dma_start3A_218 = arith.constant 0 : i32
                %dma_start3A_219 = tpu.memref_slice %arg3[%dma_start3A_217, %dma_start3A_218, %multiple_of3A_216] : memref<8x8x1000000xf32, #tpu.memory_space<hbm>> -> memref<8x8x128xf32, #tpu.memory_space<hbm>>
                %dma_start3A_220 = arith.constant 0 : i32
                %dma_start3A_221 = arith.constant 0 : i32
                %dma_start3A_222 = tpu.memref_slice %arg3[%dma_start3A_220, %dma_start3A_221, %multiple_of3A_216] : memref<8x8x1000000xf32, #tpu.memory_space<hbm>> -> memref<8x8x128xf32, #tpu.memory_space<hbm>>
                tpu.enqueue_dma source(%dma_start3A_222 : memref<8x8x128xf32, #tpu.memory_space<hbm>>) target(%arg13 : memref<8x8x128xf32, #tpu.memory_space<vmem>>) target_semaphore(%arg23 : memref<!tpu.dma_semaphore, #tpu.memory_space<semaphore_mem>>)
              } else {
              }
              %get3A = arith.index_cast %while3A_147 : i32 to index
              %get3A_190 = memref.load %arg20[%get3A] : memref<262xi32, #tpu.memory_space<smem>>
              %get3A_191 = arith.index_cast %get3A_190 : i32 to index
              %get3A_192 = memref.load %arg18[%get3A_191] : memref<262xi32, #tpu.memory_space<smem>>
              %get3A_193 = arith.index_cast %get3A_190 : i32 to index
              %get3A_194 = memref.load %arg17[%get3A_193] : memref<262xi32, #tpu.memory_space<smem>>
              %add3A_195 = arith.addi %get3A_192, %get3A_194 : i32
              %while3A_196 = arith.subi %add3A_195, %get3A_192 : i32
              %while3A_197 = arith.addi %get3A_192, %while3A_196 : i32
              %while3A_198 = arith.constant 1 : i32
              %while3A_199 = arith.divsi %while3A_196, %while3A_198 : i32
              %while3A_200 = arith.muli %while3A_199, %while3A_198 : i32
              %while3A_201 = arith.addi %get3A_192, %while3A_200 : i32
              %while3A_202 = arith.constant 1 : i32
              %while3A_203 = scf.for %while3A_206 = %get3A_192 to %while3A_201 step %while3A_202 iter_args(%while3A_207 = %while3A_148) -> (i32)  : i32 {
                %and3A = arith.constant 15 : i32
                %and3A_208 = arith.andi %while3A_207, %and3A : i32
                %eq3A_209 = arith.constant 0 : i32
                %eq3A_210 = arith.cmpi eq, %and3A_208, %eq3A_209 : i32
                %ge3A = arith.constant 16 : i32
                %ge3A_211 = arith.cmpi sge, %while3A_207, %ge3A : i32
                %and3A_212 = arith.andi %eq3A_210, %ge3A_211 : i1
                %convert_element_type3A_213 = arith.extui %and3A_212 : i1 to i32
                %cond3A_214 = arith.constant 0 : i32
                %cond3A_215 = arith.cmpi ne, %convert_element_type3A_213, %cond3A_214 : i32
                scf.if %cond3A_215 {
                  %dma_wait3A_332 = arith.constant 0 : i32
                  %dma_wait3A_333 = tpu.memref_slice %arg5[%dma_wait3A_332] : memref<1048576xf32, #tpu.memory_space<hbm>> -> memref<1024xf32, #tpu.memory_space<hbm>>
                  %dma_wait3A_334 = arith.constant 0 : i32
                  %dma_wait3A_335 = tpu.memref_slice %arg5[%dma_wait3A_334] : memref<1048576xf32, #tpu.memory_space<hbm>> -> memref<1024xf32, #tpu.memory_space<hbm>>
                  tpu.wait_dma2 semaphore(%arg26 : memref<!tpu.dma_semaphore, #tpu.memory_space<semaphore_mem>>) src(%dma_wait3A_335 : memref<1024xf32, #tpu.memory_space<hbm>>) dst(%arg16 : memref<1024xf32, #tpu.memory_space<vmem>>)
                } else {
                }
                %shift_right_logical3A_216 = arith.constant 4 : i32
                %shift_right_logical3A_217 = arith.shrui %while3A_206, %shift_right_logical3A_216 : i32
                %mul3A_218 = arith.constant 16 : i32
                %mul3A_219 = arith.muli %shift_right_logical3A_217, %mul3A_218 : i32
                %get3A_220 = arith.index_cast %mul3A_219 : i32 to index
                %get3A_221 = tpu.vector_load %arg9[%get3A_220] {strides = array<i32>} : memref<16400xi32, #tpu.memory_space<vmem>>, vector<16xi32>,
                %shift_right_logical3A_222 = arith.constant 4 : i32
                %shift_right_logical3A_223 = arith.shrui %while3A_206, %shift_right_logical3A_222 : i32
                %mul3A_224 = arith.constant 16 : i32
                %mul3A_225 = arith.muli %shift_right_logical3A_223, %mul3A_224 : i32
                %get3A_226 = arith.index_cast %mul3A_225 : i32 to index
                %get3A_227 = tpu.vector_load %arg10[%get3A_226] {strides = array<i32>} : memref<16400xi32, #tpu.memory_space<vmem>>, vector<16xi32>,
                %and3A_228 = arith.constant 15 : i32
                %and3A_229 = arith.andi %while3A_206, %and3A_228 : i32
                %broadcast_in_dim3A_230 = vector.broadcast %and3A_229 : i32 to vector<16xi32>
                %lt3A_231 = arith.constant 0 : i32
                %lt3A_232 = vector.broadcast %lt3A_231 : i32 to vector<16xi32>
                %lt3A_233 = arith.cmpi slt, %broadcast_in_dim3A_230, %lt3A_232 : vector<16xi32>
                %add3A_234 = arith.constant 16 : i32
                %add3A_235 = vector.broadcast %add3A_234 : i32 to vector<16xi32>
                %add3A_236 = arith.addi %broadcast_in_dim3A_230, %add3A_235 : vector<16xi32>
                %select_n3A_237 = arith.select %lt3A_233, %add3A_236, %broadcast_in_dim3A_230 : vector<16xi1>, vector<16xi32>
                %reshape3A = vector.shape_cast %select_n3A_237 : vector<16xi32> to vector<16x1xi32>
                %gather3A = vector.shape_cast %reshape3A : vector<16x1xi32> to vector<16xi32>
                %gather3A_238 = tpu.dynamic_gather %get3A_221[%gather3A] in [0] : vector<16xi32>, vector<16xi32> -> vector<16xi32>
                %and3A_239 = arith.constant 127 : i32
                %and3A_240 = vector.broadcast %and3A_239 : i32 to vector<16xi32>
                %and3A_241 = arith.andi %gather3A_238, %and3A_240 : vector<16xi32>
                %lt3A_242 = arith.constant 0 : i32
                %lt3A_243 = vector.broadcast %lt3A_242 : i32 to vector<16xi32>
                %lt3A_244 = arith.cmpi slt, %broadcast_in_dim3A_230, %lt3A_243 : vector<16xi32>
                %add3A_245 = arith.constant 16 : i32
                %add3A_246 = vector.broadcast %add3A_245 : i32 to vector<16xi32>
                %add3A_247 = arith.addi %broadcast_in_dim3A_230, %add3A_246 : vector<16xi32>
                %select_n3A_248 = arith.select %lt3A_244, %add3A_247, %broadcast_in_dim3A_230 : vector<16xi1>, vector<16xi32>
                %reshape3A_249 = vector.shape_cast %select_n3A_248 : vector<16xi32> to vector<16x1xi32>
                %gather3A_250 = vector.shape_cast %reshape3A_249 : vector<16x1xi32> to vector<16xi32>
                %gather3A_251 = tpu.dynamic_gather %get3A_227[%gather3A_250] in [0] : vector<16xi32>, vector<16xi32> -> vector<16xi32>
                %reduce_max3A = arith.constant true
                %reduce_max3A_252 = vector.broadcast %reduce_max3A : i1 to vector<16xi1>
                %reduce_max3A_253 = arith.constant -2147483648 : i32
                %reduce_max3A_254 = vector.broadcast %reduce_max3A_253 : i32 to vector<16xi32>
                %reduce_max3A_255 = arith.xori %gather3A_251, %reduce_max3A_254 : vector<16xi32>
                %reduce_max3A_256 = tpu.scan <max>, %reduce_max3A_255 masked %reduce_max3A_252 : vector<16xi32>, vector<16xi1> -> vector<16xi32>
                %reduce_max3A_257 = arith.xori %reduce_max3A_256, %reduce_max3A_254 : vector<16xi32>
                %reduce_max3A_258 = vector.extract %reduce_max3A_257[15] : i32 from vector<16xi32>
                %add3A_259 = arith.constant 0 : i32
                %add3A_260 = vector.broadcast %add3A_259 : i32 to vector<16xi32>
                %add3A_261 = arith.addi %iota3A, %add3A_260 : vector<16xi32>
                %shift_right_logical3A_262 = arith.constant 3 : i32
                %shift_right_logical3A_263 = vector.broadcast %shift_right_logical3A_262 : i32 to vector<16xi32>
                %shift_right_logical3A_264 = arith.shrui %add3A_261, %shift_right_logical3A_263 : vector<16xi32>
                %and3A_265 = arith.constant 7 : i32
                %and3A_266 = vector.broadcast %and3A_265 : i32 to vector<16xi32>
                %and3A_267 = arith.andi %add3A_261, %and3A_266 : vector<16xi32>
                %gather3A_268 = tpu.vector_load_idx %arg14[%shift_right_logical3A_264, %and3A_267, %and3A_241] : memref<8x8x128xf32, #tpu.memory_space<vmem>>[vector<16xi32>, vector<16xi32>, vector<16xi32>], vector<16xf32>,
                %mul3A_269 = arith.constant 64 : i32
                %mul3A_270 = arith.muli %and3A_208, %mul3A_269 : i32
                %add3A_271 = arith.constant 0 : i32
                %add3A_272 = arith.addi %mul3A_270, %add3A_271 : i32
                %swap3A = arith.index_cast %add3A_272 : i32 to index
                %swap3A_273 = tpu.vector_load %arg16[%swap3A] {strides = array<i32>} : memref<1024xf32, #tpu.memory_space<vmem>>, vector<16xf32>,
                tpu.vector_store %arg16[%swap3A], %gather3A_268 {strides = array<i32>} : memref<1024xf32, #tpu.memory_space<vmem>>, vector<16xf32>,
                %add3A_274 = arith.constant 16 : i32
                %add3A_275 = vector.broadcast %add3A_274 : i32 to vector<16xi32>
                %add3A_276 = arith.addi %iota3A, %add3A_275 : vector<16xi32>
                %shift_right_logical3A_277 = arith.constant 3 : i32
                %shift_right_logical3A_278 = vector.broadcast %shift_right_logical3A_277 : i32 to vector<16xi32>
                %shift_right_logical3A_279 = arith.shrui %add3A_276, %shift_right_logical3A_278 : vector<16xi32>
                %and3A_280 = arith.constant 7 : i32
                %and3A_281 = vector.broadcast %and3A_280 : i32 to vector<16xi32>
                %and3A_282 = arith.andi %add3A_276, %and3A_281 : vector<16xi32>
                %gather3A_283 = tpu.vector_load_idx %arg14[%shift_right_logical3A_279, %and3A_282, %and3A_241] : memref<8x8x128xf32, #tpu.memory_space<vmem>>[vector<16xi32>, vector<16xi32>, vector<16xi32>], vector<16xf32>,
                %mul3A_284 = arith.constant 64 : i32
                %mul3A_285 = arith.muli %and3A_208, %mul3A_284 : i32
                %add3A_286 = arith.constant 16 : i32
                %add3A_287 = arith.addi %mul3A_285, %add3A_286 : i32
                %swap3A_288 = arith.index_cast %add3A_287 : i32 to index
                %swap3A_289 = tpu.vector_load %arg16[%swap3A_288] {strides = array<i32>} : memref<1024xf32, #tpu.memory_space<vmem>>, vector<16xf32>,
                tpu.vector_store %arg16[%swap3A_288], %gather3A_283 {strides = array<i32>} : memref<1024xf32, #tpu.memory_space<vmem>>, vector<16xf32>,
                %add3A_290 = arith.constant 32 : i32
                %add3A_291 = vector.broadcast %add3A_290 : i32 to vector<16xi32>
                %add3A_292 = arith.addi %iota3A, %add3A_291 : vector<16xi32>
                %shift_right_logical3A_293 = arith.constant 3 : i32
                %shift_right_logical3A_294 = vector.broadcast %shift_right_logical3A_293 : i32 to vector<16xi32>
                %shift_right_logical3A_295 = arith.shrui %add3A_292, %shift_right_logical3A_294 : vector<16xi32>
                %and3A_296 = arith.constant 7 : i32
                %and3A_297 = vector.broadcast %and3A_296 : i32 to vector<16xi32>
                %and3A_298 = arith.andi %add3A_292, %and3A_297 : vector<16xi32>
                %gather3A_299 = tpu.vector_load_idx %arg14[%shift_right_logical3A_295, %and3A_298, %and3A_241] : memref<8x8x128xf32, #tpu.memory_space<vmem>>[vector<16xi32>, vector<16xi32>, vector<16xi32>], vector<16xf32>,
                %mul3A_300 = arith.constant 64 : i32
                %mul3A_301 = arith.muli %and3A_208, %mul3A_300 : i32
                %add3A_302 = arith.constant 32 : i32
                %add3A_303 = arith.addi %mul3A_301, %add3A_302 : i32
                %swap3A_304 = arith.index_cast %add3A_303 : i32 to index
                %swap3A_305 = tpu.vector_load %arg16[%swap3A_304] {strides = array<i32>} : memref<1024xf32, #tpu.memory_space<vmem>>, vector<16xf32>,
                tpu.vector_store %arg16[%swap3A_304], %gather3A_299 {strides = array<i32>} : memref<1024xf32, #tpu.memory_space<vmem>>, vector<16xf32>,
                %add3A_306 = arith.constant 48 : i32
                %add3A_307 = vector.broadcast %add3A_306 : i32 to vector<16xi32>
                %add3A_308 = arith.addi %iota3A, %add3A_307 : vector<16xi32>
                %shift_right_logical3A_309 = arith.constant 3 : i32
                %shift_right_logical3A_310 = vector.broadcast %shift_right_logical3A_309 : i32 to vector<16xi32>
                %shift_right_logical3A_311 = arith.shrui %add3A_308, %shift_right_logical3A_310 : vector<16xi32>
                %and3A_312 = arith.constant 7 : i32
                %and3A_313 = vector.broadcast %and3A_312 : i32 to vector<16xi32>
                %and3A_314 = arith.andi %add3A_308, %and3A_313 : vector<16xi32>
                %gather3A_315 = tpu.vector_load_idx %arg14[%shift_right_logical3A_311, %and3A_314, %and3A_241] : memref<8x8x128xf32, #tpu.memory_space<vmem>>[vector<16xi32>, vector<16xi32>, vector<16xi32>], vector<16xf32>,
                %mul3A_316 = arith.constant 64 : i32
                %mul3A_317 = arith.muli %and3A_208, %mul3A_316 : i32
                %add3A_318 = arith.constant 48 : i32
                %add3A_319 = arith.addi %mul3A_317, %add3A_318 : i32
                %swap3A_320 = arith.index_cast %add3A_319 : i32 to index
                %swap3A_321 = tpu.vector_load %arg16[%swap3A_320] {strides = array<i32>} : memref<1024xf32, #tpu.memory_space<vmem>>, vector<16xf32>,
                tpu.vector_store %arg16[%swap3A_320], %gather3A_315 {strides = array<i32>} : memref<1024xf32, #tpu.memory_space<vmem>>, vector<16xf32>,
                %mul3A_322 = arith.constant 64 : i32
                %mul3A_323 = arith.muli %and3A_208, %mul3A_322 : i32
                %mul3A_324 = arith.constant 64 : i32
                %mul3A_325 = arith.muli %reduce_max3A_258, %mul3A_324 : i32
                %dma_start3A_326 = tpu.memref_slice %arg16[%mul3A_323] : memref<1024xf32, #tpu.memory_space<vmem>> -> memref<64xf32, #tpu.memory_space<vmem>>
                %dma_start3A_327 = tpu.memref_slice %arg5[%mul3A_325] : memref<1048576xf32, #tpu.memory_space<hbm>> -> memref<64xf32, #tpu.memory_space<hbm>>
                %dma_start3A_328 = tpu.memref_slice %arg5[%mul3A_325] : memref<1048576xf32, #tpu.memory_space<hbm>> -> memref<64xf32, #tpu.memory_space<hbm>>
                %dma_start3A_329 = tpu.memref_slice %arg16[%mul3A_323] : memref<1024xf32, #tpu.memory_space<vmem>> -> memref<64xf32, #tpu.memory_space<vmem>>
                tpu.enqueue_dma source(%dma_start3A_329 : memref<64xf32, #tpu.memory_space<vmem>>) target(%dma_start3A_328 : memref<64xf32, #tpu.memory_space<hbm>>) target_semaphore(%arg26 : memref<!tpu.dma_semaphore, #tpu.memory_space<semaphore_mem>>)
                %add3A_330 = arith.constant 1 : i32
                %add3A_331 = arith.addi %while3A_207, %add3A_330 : i32
                scf.yield %add3A_331 : i32
              }
              %while3A_204 = arith.constant 1 : i32
              %while3A_205 = scf.for %while3A_206 = %while3A_201 to %while3A_197 step %while3A_204 iter_args(%while3A_207 = %while3A_203) -> (i32)  : i32 {
                %and3A = arith.constant 15 : i32
                %and3A_208 = arith.andi %while3A_207, %and3A : i32
                %eq3A_209 = arith.constant 0 : i32
                %eq3A_210 = arith.cmpi eq, %and3A_208, %eq3A_209 : i32
                %ge3A = arith.constant 16 : i32
                %ge3A_211 = arith.cmpi sge, %while3A_207, %ge3A : i32
                %and3A_212 = arith.andi %eq3A_210, %ge3A_211 : i1
                %convert_element_type3A_213 = arith.extui %and3A_212 : i1 to i32
                %cond3A_214 = arith.constant 0 : i32
                %cond3A_215 = arith.cmpi ne, %convert_element_type3A_213, %cond3A_214 : i32
                scf.if %cond3A_215 {
                  %dma_wait3A_332 = arith.constant 0 : i32
                  %dma_wait3A_333 = tpu.memref_slice %arg5[%dma_wait3A_332] : memref<1048576xf32, #tpu.memory_space<hbm>> -> memref<1024xf32, #tpu.memory_space<hbm>>
                  %dma_wait3A_334 = arith.constant 0 : i32
                  %dma_wait3A_335 = tpu.memref_slice %arg5[%dma_wait3A_334] : memref<1048576xf32, #tpu.memory_space<hbm>> -> memref<1024xf32, #tpu.memory_space<hbm>>
                  tpu.wait_dma2 semaphore(%arg26 : memref<!tpu.dma_semaphore, #tpu.memory_space<semaphore_mem>>) src(%dma_wait3A_335 : memref<1024xf32, #tpu.memory_space<hbm>>) dst(%arg16 : memref<1024xf32, #tpu.memory_space<vmem>>)
                } else {
                }
                %shift_right_logical3A_216 = arith.constant 4 : i32
                %shift_right_logical3A_217 = arith.shrui %while3A_206, %shift_right_logical3A_216 : i32
                %mul3A_218 = arith.constant 16 : i32
                %mul3A_219 = arith.muli %shift_right_logical3A_217, %mul3A_218 : i32
                %get3A_220 = arith.index_cast %mul3A_219 : i32 to index
                %get3A_221 = tpu.vector_load %arg9[%get3A_220] {strides = array<i32>} : memref<16400xi32, #tpu.memory_space<vmem>>, vector<16xi32>,
                %shift_right_logical3A_222 = arith.constant 4 : i32
                %shift_right_logical3A_223 = arith.shrui %while3A_206, %shift_right_logical3A_222 : i32
                %mul3A_224 = arith.constant 16 : i32
                %mul3A_225 = arith.muli %shift_right_logical3A_223, %mul3A_224 : i32
                %get3A_226 = arith.index_cast %mul3A_225 : i32 to index
                %get3A_227 = tpu.vector_load %arg10[%get3A_226] {strides = array<i32>} : memref<16400xi32, #tpu.memory_space<vmem>>, vector<16xi32>,
                %and3A_228 = arith.constant 15 : i32
                %and3A_229 = arith.andi %while3A_206, %and3A_228 : i32
                %broadcast_in_dim3A_230 = vector.broadcast %and3A_229 : i32 to vector<16xi32>
                %lt3A_231 = arith.constant 0 : i32
                %lt3A_232 = vector.broadcast %lt3A_231 : i32 to vector<16xi32>
                %lt3A_233 = arith.cmpi slt, %broadcast_in_dim3A_230, %lt3A_232 : vector<16xi32>
                %add3A_234 = arith.constant 16 : i32
                %add3A_235 = vector.broadcast %add3A_234 : i32 to vector<16xi32>
                %add3A_236 = arith.addi %broadcast_in_dim3A_230, %add3A_235 : vector<16xi32>
                %select_n3A_237 = arith.select %lt3A_233, %add3A_236, %broadcast_in_dim3A_230 : vector<16xi1>, vector<16xi32>
                %reshape3A = vector.shape_cast %select_n3A_237 : vector<16xi32> to vector<16x1xi32>
                %gather3A = vector.shape_cast %reshape3A : vector<16x1xi32> to vector<16xi32>
                %gather3A_238 = tpu.dynamic_gather %get3A_221[%gather3A] in [0] : vector<16xi32>, vector<16xi32> -> vector<16xi32>
                %and3A_239 = arith.constant 127 : i32
                %and3A_240 = vector.broadcast %and3A_239 : i32 to vector<16xi32>
                %and3A_241 = arith.andi %gather3A_238, %and3A_240 : vector<16xi32>
                %lt3A_242 = arith.constant 0 : i32
                %lt3A_243 = vector.broadcast %lt3A_242 : i32 to vector<16xi32>
                %lt3A_244 = arith.cmpi slt, %broadcast_in_dim3A_230, %lt3A_243 : vector<16xi32>
                %add3A_245 = arith.constant 16 : i32
                %add3A_246 = vector.broadcast %add3A_245 : i32 to vector<16xi32>
                %add3A_247 = arith.addi %broadcast_in_dim3A_230, %add3A_246 : vector<16xi32>
                %select_n3A_248 = arith.select %lt3A_244, %add3A_247, %broadcast_in_dim3A_230 : vector<16xi1>, vector<16xi32>
                %reshape3A_249 = vector.shape_cast %select_n3A_248 : vector<16xi32> to vector<16x1xi32>
                %gather3A_250 = vector.shape_cast %reshape3A_249 : vector<16x1xi32> to vector<16xi32>
                %gather3A_251 = tpu.dynamic_gather %get3A_227[%gather3A_250] in [0] : vector<16xi32>, vector<16xi32> -> vector<16xi32>
                %reduce_max3A = arith.constant true
                %reduce_max3A_252 = vector.broadcast %reduce_max3A : i1 to vector<16xi1>
                %reduce_max3A_253 = arith.constant -2147483648 : i32
                %reduce_max3A_254 = vector.broadcast %reduce_max3A_253 : i32 to vector<16xi32>
                %reduce_max3A_255 = arith.xori %gather3A_251, %reduce_max3A_254 : vector<16xi32>
                %reduce_max3A_256 = tpu.scan <max>, %reduce_max3A_255 masked %reduce_max3A_252 : vector<16xi32>, vector<16xi1> -> vector<16xi32>
                %reduce_max3A_257 = arith.xori %reduce_max3A_256, %reduce_max3A_254 : vector<16xi32>
                %reduce_max3A_258 = vector.extract %reduce_max3A_257[15] : i32 from vector<16xi32>
                %add3A_259 = arith.constant 0 : i32
                %add3A_260 = vector.broadcast %add3A_259 : i32 to vector<16xi32>
                %add3A_261 = arith.addi %iota3A, %add3A_260 : vector<16xi32>
                %shift_right_logical3A_262 = arith.constant 3 : i32
                %shift_right_logical3A_263 = vector.broadcast %shift_right_logical3A_262 : i32 to vector<16xi32>
                %shift_right_logical3A_264 = arith.shrui %add3A_261, %shift_right_logical3A_263 : vector<16xi32>
                %and3A_265 = arith.constant 7 : i32
                %and3A_266 = vector.broadcast %and3A_265 : i32 to vector<16xi32>
                %and3A_267 = arith.andi %add3A_261, %and3A_266 : vector<16xi32>
                %gather3A_268 = tpu.vector_load_idx %arg14[%shift_right_logical3A_264, %and3A_267, %and3A_241] : memref<8x8x128xf32, #tpu.memory_space<vmem>>[vector<16xi32>, vector<16xi32>, vector<16xi32>], vector<16xf32>,
                %mul3A_269 = arith.constant 64 : i32
                %mul3A_270 = arith.muli %and3A_208, %mul3A_269 : i32
                %add3A_271 = arith.constant 0 : i32
                %add3A_272 = arith.addi %mul3A_270, %add3A_271 : i32
                %swap3A = arith.index_cast %add3A_272 : i32 to index
                %swap3A_273 = tpu.vector_load %arg16[%swap3A] {strides = array<i32>} : memref<1024xf32, #tpu.memory_space<vmem>>, vector<16xf32>,
                tpu.vector_store %arg16[%swap3A], %gather3A_268 {strides = array<i32>} : memref<1024xf32, #tpu.memory_space<vmem>>, vector<16xf32>,
                %add3A_274 = arith.constant 16 : i32
                %add3A_275 = vector.broadcast %add3A_274 : i32 to vector<16xi32>
                %add3A_276 = arith.addi %iota3A, %add3A_275 : vector<16xi32>
                %shift_right_logical3A_277 = arith.constant 3 : i32
                %shift_right_logical3A_278 = vector.broadcast %shift_right_logical3A_277 : i32 to vector<16xi32>
                %shift_right_logical3A_279 = arith.shrui %add3A_276, %shift_right_logical3A_278 : vector<16xi32>
                %and3A_280 = arith.constant 7 : i32
                %and3A_281 = vector.broadcast %and3A_280 : i32 to vector<16xi32>
                %and3A_282 = arith.andi %add3A_276, %and3A_281 : vector<16xi32>
                %gather3A_283 = tpu.vector_load_idx %arg14[%shift_right_logical3A_279, %and3A_282, %and3A_241] : memref<8x8x128xf32, #tpu.memory_space<vmem>>[vector<16xi32>, vector<16xi32>, vector<16xi32>], vector<16xf32>,
                %mul3A_284 = arith.constant 64 : i32
                %mul3A_285 = arith.muli %and3A_208, %mul3A_284 : i32
                %add3A_286 = arith.constant 16 : i32
                %add3A_287 = arith.addi %mul3A_285, %add3A_286 : i32
                %swap3A_288 = arith.index_cast %add3A_287 : i32 to index
                %swap3A_289 = tpu.vector_load %arg16[%swap3A_288] {strides = array<i32>} : memref<1024xf32, #tpu.memory_space<vmem>>, vector<16xf32>,
                tpu.vector_store %arg16[%swap3A_288], %gather3A_283 {strides = array<i32>} : memref<1024xf32, #tpu.memory_space<vmem>>, vector<16xf32>,
                %add3A_290 = arith.constant 32 : i32
                %add3A_291 = vector.broadcast %add3A_290 : i32 to vector<16xi32>
                %add3A_292 = arith.addi %iota3A, %add3A_291 : vector<16xi32>
                %shift_right_logical3A_293 = arith.constant 3 : i32
                %shift_right_logical3A_294 = vector.broadcast %shift_right_logical3A_293 : i32 to vector<16xi32>
                %shift_right_logical3A_295 = arith.shrui %add3A_292, %shift_right_logical3A_294 : vector<16xi32>
                %and3A_296 = arith.constant 7 : i32
                %and3A_297 = vector.broadcast %and3A_296 : i32 to vector<16xi32>
                %and3A_298 = arith.andi %add3A_292, %and3A_297 : vector<16xi32>
                %gather3A_299 = tpu.vector_load_idx %arg14[%shift_right_logical3A_295, %and3A_298, %and3A_241] : memref<8x8x128xf32, #tpu.memory_space<vmem>>[vector<16xi32>, vector<16xi32>, vector<16xi32>], vector<16xf32>,
                %mul3A_300 = arith.constant 64 : i32
                %mul3A_301 = arith.muli %and3A_208, %mul3A_300 : i32
                %add3A_302 = arith.constant 32 : i32
                %add3A_303 = arith.addi %mul3A_301, %add3A_302 : i32
                %swap3A_304 = arith.index_cast %add3A_303 : i32 to index
                %swap3A_305 = tpu.vector_load %arg16[%swap3A_304] {strides = array<i32>} : memref<1024xf32, #tpu.memory_space<vmem>>, vector<16xf32>,
                tpu.vector_store %arg16[%swap3A_304], %gather3A_299 {strides = array<i32>} : memref<1024xf32, #tpu.memory_space<vmem>>, vector<16xf32>,
                %add3A_306 = arith.constant 48 : i32
                %add3A_307 = vector.broadcast %add3A_306 : i32 to vector<16xi32>
                %add3A_308 = arith.addi %iota3A, %add3A_307 : vector<16xi32>
                %shift_right_logical3A_309 = arith.constant 3 : i32
                %shift_right_logical3A_310 = vector.broadcast %shift_right_logical3A_309 : i32 to vector<16xi32>
                %shift_right_logical3A_311 = arith.shrui %add3A_308, %shift_right_logical3A_310 : vector<16xi32>
                %and3A_312 = arith.constant 7 : i32
                %and3A_313 = vector.broadcast %and3A_312 : i32 to vector<16xi32>
                %and3A_314 = arith.andi %add3A_308, %and3A_313 : vector<16xi32>
                %gather3A_315 = tpu.vector_load_idx %arg14[%shift_right_logical3A_311, %and3A_314, %and3A_241] : memref<8x8x128xf32, #tpu.memory_space<vmem>>[vector<16xi32>, vector<16xi32>, vector<16xi32>], vector<16xf32>,
                %mul3A_316 = arith.constant 64 : i32
                %mul3A_317 = arith.muli %and3A_208, %mul3A_316 : i32
                %add3A_318 = arith.constant 48 : i32
                %add3A_319 = arith.addi %mul3A_317, %add3A_318 : i32
                %swap3A_320 = arith.index_cast %add3A_319 : i32 to index
                %swap3A_321 = tpu.vector_load %arg16[%swap3A_320] {strides = array<i32>} : memref<1024xf32, #tpu.memory_space<vmem>>, vector<16xf32>,
                tpu.vector_store %arg16[%swap3A_320], %gather3A_315 {strides = array<i32>} : memref<1024xf32, #tpu.memory_space<vmem>>, vector<16xf32>,
                %mul3A_322 = arith.constant 64 : i32
                %mul3A_323 = arith.muli %and3A_208, %mul3A_322 : i32
                %mul3A_324 = arith.constant 64 : i32
                %mul3A_325 = arith.muli %reduce_max3A_258, %mul3A_324 : i32
                %dma_start3A_326 = tpu.memref_slice %arg16[%mul3A_323] : memref<1024xf32, #tpu.memory_space<vmem>> -> memref<64xf32, #tpu.memory_space<vmem>>
                %dma_start3A_327 = tpu.memref_slice %arg5[%mul3A_325] : memref<1048576xf32, #tpu.memory_space<hbm>> -> memref<64xf32, #tpu.memory_space<hbm>>
                %dma_start3A_328 = tpu.memref_slice %arg5[%mul3A_325] : memref<1048576xf32, #tpu.memory_space<hbm>> -> memref<64xf32, #tpu.memory_space<hbm>>
                %dma_start3A_329 = tpu.memref_slice %arg16[%mul3A_323] : memref<1024xf32, #tpu.memory_space<vmem>> -> memref<64xf32, #tpu.memory_space<vmem>>
                tpu.enqueue_dma source(%dma_start3A_329 : memref<64xf32, #tpu.memory_space<vmem>>) target(%dma_start3A_328 : memref<64xf32, #tpu.memory_space<hbm>>) target_semaphore(%arg26 : memref<!tpu.dma_semaphore, #tpu.memory_space<semaphore_mem>>)
                %add3A_330 = arith.constant 1 : i32
                %add3A_331 = arith.addi %while3A_207, %add3A_330 : i32
                scf.yield %add3A_331 : i32
              }
              scf.yield %while3A_205 : i32
            }
            scf.yield %cond3A_176 : i32
          } else {
            %dma_wait3A = arith.constant 0 : i32
            %dma_wait3A_172 = arith.constant 0 : i32
            %dma_wait3A_173 = arith.constant 0 : i32
            %dma_wait3A_174 = tpu.memref_slice %arg3[%dma_wait3A, %dma_wait3A_172, %dma_wait3A_173] : memref<8x8x1000000xf32, #tpu.memory_space<hbm>> -> memref<8x8x128xf32, #tpu.memory_space<hbm>>
            %dma_wait3A_175 = arith.constant 0 : i32
            %dma_wait3A_176 = arith.constant 0 : i32
            %dma_wait3A_177 = arith.constant 0 : i32
            %dma_wait3A_178 = tpu.memref_slice %arg3[%dma_wait3A_175, %dma_wait3A_176, %dma_wait3A_177] : memref<8x8x1000000xf32, #tpu.memory_space<hbm>> -> memref<8x8x128xf32, #tpu.memory_space<hbm>>
            tpu.wait_dma2 semaphore(%arg23 : memref<!tpu.dma_semaphore, #tpu.memory_space<semaphore_mem>>) src(%dma_wait3A_178 : memref<8x8x128xf32, #tpu.memory_space<hbm>>) dst(%arg13 : memref<8x8x128xf32, #tpu.memory_space<vmem>>)
            %add3A_179 = arith.constant 4 : i32
            %add3A_180 = arith.addi %while3A_147, %add3A_179 : i32
            %lt3A_181 = arith.cmpi slt, %add3A_180, %while3A_113 : i32
            %convert_element_type3A_182 = arith.extui %lt3A_181 : i1 to i32
            %cond3A_183 = arith.constant 0 : i32
            %cond3A_184 = arith.cmpi ne, %convert_element_type3A_182, %cond3A_183 : i32
            scf.if %cond3A_184 {
              %add3A_201 = arith.constant 4 : i32
              %add3A_202 = arith.addi %while3A_147, %add3A_201 : i32
              %get3A_203 = arith.index_cast %add3A_202 : i32 to index
              %get3A_204 = memref.load %arg20[%get3A_203] : memref<262xi32, #tpu.memory_space<smem>>
              %add3A_205 = arith.addi %add3A_4, %get3A_204 : i32
              %jit3A_206 = arith.constant 0 : i32
              %jit3A_207 = arith.constant 7811 : i32
              %max3A = arith.maxsi %jit3A_206, %add3A_205 : i32
              %min3A_208 = arith.minsi %jit3A_207, %max3A : i32
              %mul3A_209 = arith.constant 128 : i32
              %mul3A_210 = arith.muli %min3A_208, %mul3A_209 : i32
              %multiple_of3A_211 = tpu.assume_multiple %mul3A_210, 128 : i32
              %dma_start3A_212 = arith.constant 0 : i32
              %dma_start3A_213 = arith.constant 0 : i32
              %dma_start3A_214 = tpu.memref_slice %arg3[%dma_start3A_212, %dma_start3A_213, %multiple_of3A_211] : memref<8x8x1000000xf32, #tpu.memory_space<hbm>> -> memref<8x8x128xf32, #tpu.memory_space<hbm>>
              %dma_start3A_215 = arith.constant 0 : i32
              %dma_start3A_216 = arith.constant 0 : i32
              %dma_start3A_217 = tpu.memref_slice %arg3[%dma_start3A_215, %dma_start3A_216, %multiple_of3A_211] : memref<8x8x1000000xf32, #tpu.memory_space<hbm>> -> memref<8x8x128xf32, #tpu.memory_space<hbm>>
              tpu.enqueue_dma source(%dma_start3A_217 : memref<8x8x128xf32, #tpu.memory_space<hbm>>) target(%arg12 : memref<8x8x128xf32, #tpu.memory_space<vmem>>) target_semaphore(%arg22 : memref<!tpu.dma_semaphore, #tpu.memory_space<semaphore_mem>>)
            } else {
            }
            %get3A = arith.index_cast %while3A_147 : i32 to index
            %get3A_185 = memref.load %arg20[%get3A] : memref<262xi32, #tpu.memory_space<smem>>
            %get3A_186 = arith.index_cast %get3A_185 : i32 to index
            %get3A_187 = memref.load %arg18[%get3A_186] : memref<262xi32, #tpu.memory_space<smem>>
            %get3A_188 = arith.index_cast %get3A_185 : i32 to index
            %get3A_189 = memref.load %arg17[%get3A_188] : memref<262xi32, #tpu.memory_space<smem>>
            %add3A_190 = arith.addi %get3A_187, %get3A_189 : i32
            %while3A_191 = arith.subi %add3A_190, %get3A_187 : i32
            %while3A_192 = arith.addi %get3A_187, %while3A_191 : i32
            %while3A_193 = arith.constant 1 : i32
            %while3A_194 = arith.divsi %while3A_191, %while3A_193 : i32
            %while3A_195 = arith.muli %while3A_194, %while3A_193 : i32
            %while3A_196 = arith.addi %get3A_187, %while3A_195 : i32
            %while3A_197 = arith.constant 1 : i32
            %while3A_198 = scf.for %while3A_201 = %get3A_187 to %while3A_196 step %while3A_197 iter_args(%while3A_202 = %while3A_148) -> (i32)  : i32 {
              %and3A = arith.constant 15 : i32
              %and3A_203 = arith.andi %while3A_202, %and3A : i32
              %eq3A_204 = arith.constant 0 : i32
              %eq3A_205 = arith.cmpi eq, %and3A_203, %eq3A_204 : i32
              %ge3A = arith.constant 16 : i32
              %ge3A_206 = arith.cmpi sge, %while3A_202, %ge3A : i32
              %and3A_207 = arith.andi %eq3A_205, %ge3A_206 : i1
              %convert_element_type3A_208 = arith.extui %and3A_207 : i1 to i32
              %cond3A_209 = arith.constant 0 : i32
              %cond3A_210 = arith.cmpi ne, %convert_element_type3A_208, %cond3A_209 : i32
              scf.if %cond3A_210 {
                %dma_wait3A_327 = arith.constant 0 : i32
                %dma_wait3A_328 = tpu.memref_slice %arg5[%dma_wait3A_327] : memref<1048576xf32, #tpu.memory_space<hbm>> -> memref<1024xf32, #tpu.memory_space<hbm>>
                %dma_wait3A_329 = arith.constant 0 : i32
                %dma_wait3A_330 = tpu.memref_slice %arg5[%dma_wait3A_329] : memref<1048576xf32, #tpu.memory_space<hbm>> -> memref<1024xf32, #tpu.memory_space<hbm>>
                tpu.wait_dma2 semaphore(%arg26 : memref<!tpu.dma_semaphore, #tpu.memory_space<semaphore_mem>>) src(%dma_wait3A_330 : memref<1024xf32, #tpu.memory_space<hbm>>) dst(%arg16 : memref<1024xf32, #tpu.memory_space<vmem>>)
              } else {
              }
              %shift_right_logical3A_211 = arith.constant 4 : i32
              %shift_right_logical3A_212 = arith.shrui %while3A_201, %shift_right_logical3A_211 : i32
              %mul3A_213 = arith.constant 16 : i32
              %mul3A_214 = arith.muli %shift_right_logical3A_212, %mul3A_213 : i32
              %get3A_215 = arith.index_cast %mul3A_214 : i32 to index
              %get3A_216 = tpu.vector_load %arg9[%get3A_215] {strides = array<i32>} : memref<16400xi32, #tpu.memory_space<vmem>>, vector<16xi32>,
              %shift_right_logical3A_217 = arith.constant 4 : i32
              %shift_right_logical3A_218 = arith.shrui %while3A_201, %shift_right_logical3A_217 : i32
              %mul3A_219 = arith.constant 16 : i32
              %mul3A_220 = arith.muli %shift_right_logical3A_218, %mul3A_219 : i32
              %get3A_221 = arith.index_cast %mul3A_220 : i32 to index
              %get3A_222 = tpu.vector_load %arg10[%get3A_221] {strides = array<i32>} : memref<16400xi32, #tpu.memory_space<vmem>>, vector<16xi32>,
              %and3A_223 = arith.constant 15 : i32
              %and3A_224 = arith.andi %while3A_201, %and3A_223 : i32
              %broadcast_in_dim3A_225 = vector.broadcast %and3A_224 : i32 to vector<16xi32>
              %lt3A_226 = arith.constant 0 : i32
              %lt3A_227 = vector.broadcast %lt3A_226 : i32 to vector<16xi32>
              %lt3A_228 = arith.cmpi slt, %broadcast_in_dim3A_225, %lt3A_227 : vector<16xi32>
              %add3A_229 = arith.constant 16 : i32
              %add3A_230 = vector.broadcast %add3A_229 : i32 to vector<16xi32>
              %add3A_231 = arith.addi %broadcast_in_dim3A_225, %add3A_230 : vector<16xi32>
              %select_n3A_232 = arith.select %lt3A_228, %add3A_231, %broadcast_in_dim3A_225 : vector<16xi1>, vector<16xi32>
              %reshape3A = vector.shape_cast %select_n3A_232 : vector<16xi32> to vector<16x1xi32>
              %gather3A = vector.shape_cast %reshape3A : vector<16x1xi32> to vector<16xi32>
              %gather3A_233 = tpu.dynamic_gather %get3A_216[%gather3A] in [0] : vector<16xi32>, vector<16xi32> -> vector<16xi32>
              %and3A_234 = arith.constant 127 : i32
              %and3A_235 = vector.broadcast %and3A_234 : i32 to vector<16xi32>
              %and3A_236 = arith.andi %gather3A_233, %and3A_235 : vector<16xi32>
              %lt3A_237 = arith.constant 0 : i32
              %lt3A_238 = vector.broadcast %lt3A_237 : i32 to vector<16xi32>
              %lt3A_239 = arith.cmpi slt, %broadcast_in_dim3A_225, %lt3A_238 : vector<16xi32>
              %add3A_240 = arith.constant 16 : i32
              %add3A_241 = vector.broadcast %add3A_240 : i32 to vector<16xi32>
              %add3A_242 = arith.addi %broadcast_in_dim3A_225, %add3A_241 : vector<16xi32>
              %select_n3A_243 = arith.select %lt3A_239, %add3A_242, %broadcast_in_dim3A_225 : vector<16xi1>, vector<16xi32>
              %reshape3A_244 = vector.shape_cast %select_n3A_243 : vector<16xi32> to vector<16x1xi32>
              %gather3A_245 = vector.shape_cast %reshape3A_244 : vector<16x1xi32> to vector<16xi32>
              %gather3A_246 = tpu.dynamic_gather %get3A_222[%gather3A_245] in [0] : vector<16xi32>, vector<16xi32> -> vector<16xi32>
              %reduce_max3A = arith.constant true
              %reduce_max3A_247 = vector.broadcast %reduce_max3A : i1 to vector<16xi1>
              %reduce_max3A_248 = arith.constant -2147483648 : i32
              %reduce_max3A_249 = vector.broadcast %reduce_max3A_248 : i32 to vector<16xi32>
              %reduce_max3A_250 = arith.xori %gather3A_246, %reduce_max3A_249 : vector<16xi32>
              %reduce_max3A_251 = tpu.scan <max>, %reduce_max3A_250 masked %reduce_max3A_247 : vector<16xi32>, vector<16xi1> -> vector<16xi32>
              %reduce_max3A_252 = arith.xori %reduce_max3A_251, %reduce_max3A_249 : vector<16xi32>
              %reduce_max3A_253 = vector.extract %reduce_max3A_252[15] : i32 from vector<16xi32>
              %add3A_254 = arith.constant 0 : i32
              %add3A_255 = vector.broadcast %add3A_254 : i32 to vector<16xi32>
              %add3A_256 = arith.addi %iota3A, %add3A_255 : vector<16xi32>
              %shift_right_logical3A_257 = arith.constant 3 : i32
              %shift_right_logical3A_258 = vector.broadcast %shift_right_logical3A_257 : i32 to vector<16xi32>
              %shift_right_logical3A_259 = arith.shrui %add3A_256, %shift_right_logical3A_258 : vector<16xi32>
              %and3A_260 = arith.constant 7 : i32
              %and3A_261 = vector.broadcast %and3A_260 : i32 to vector<16xi32>
              %and3A_262 = arith.andi %add3A_256, %and3A_261 : vector<16xi32>
              %gather3A_263 = tpu.vector_load_idx %arg13[%shift_right_logical3A_259, %and3A_262, %and3A_236] : memref<8x8x128xf32, #tpu.memory_space<vmem>>[vector<16xi32>, vector<16xi32>, vector<16xi32>], vector<16xf32>,
              %mul3A_264 = arith.constant 64 : i32
              %mul3A_265 = arith.muli %and3A_203, %mul3A_264 : i32
              %add3A_266 = arith.constant 0 : i32
              %add3A_267 = arith.addi %mul3A_265, %add3A_266 : i32
              %swap3A = arith.index_cast %add3A_267 : i32 to index
              %swap3A_268 = tpu.vector_load %arg16[%swap3A] {strides = array<i32>} : memref<1024xf32, #tpu.memory_space<vmem>>, vector<16xf32>,
              tpu.vector_store %arg16[%swap3A], %gather3A_263 {strides = array<i32>} : memref<1024xf32, #tpu.memory_space<vmem>>, vector<16xf32>,
              %add3A_269 = arith.constant 16 : i32
              %add3A_270 = vector.broadcast %add3A_269 : i32 to vector<16xi32>
              %add3A_271 = arith.addi %iota3A, %add3A_270 : vector<16xi32>
              %shift_right_logical3A_272 = arith.constant 3 : i32
              %shift_right_logical3A_273 = vector.broadcast %shift_right_logical3A_272 : i32 to vector<16xi32>
              %shift_right_logical3A_274 = arith.shrui %add3A_271, %shift_right_logical3A_273 : vector<16xi32>
              %and3A_275 = arith.constant 7 : i32
              %and3A_276 = vector.broadcast %and3A_275 : i32 to vector<16xi32>
              %and3A_277 = arith.andi %add3A_271, %and3A_276 : vector<16xi32>
              %gather3A_278 = tpu.vector_load_idx %arg13[%shift_right_logical3A_274, %and3A_277, %and3A_236] : memref<8x8x128xf32, #tpu.memory_space<vmem>>[vector<16xi32>, vector<16xi32>, vector<16xi32>], vector<16xf32>,
              %mul3A_279 = arith.constant 64 : i32
              %mul3A_280 = arith.muli %and3A_203, %mul3A_279 : i32
              %add3A_281 = arith.constant 16 : i32
              %add3A_282 = arith.addi %mul3A_280, %add3A_281 : i32
              %swap3A_283 = arith.index_cast %add3A_282 : i32 to index
              %swap3A_284 = tpu.vector_load %arg16[%swap3A_283] {strides = array<i32>} : memref<1024xf32, #tpu.memory_space<vmem>>, vector<16xf32>,
              tpu.vector_store %arg16[%swap3A_283], %gather3A_278 {strides = array<i32>} : memref<1024xf32, #tpu.memory_space<vmem>>, vector<16xf32>,
              %add3A_285 = arith.constant 32 : i32
              %add3A_286 = vector.broadcast %add3A_285 : i32 to vector<16xi32>
              %add3A_287 = arith.addi %iota3A, %add3A_286 : vector<16xi32>
              %shift_right_logical3A_288 = arith.constant 3 : i32
              %shift_right_logical3A_289 = vector.broadcast %shift_right_logical3A_288 : i32 to vector<16xi32>
              %shift_right_logical3A_290 = arith.shrui %add3A_287, %shift_right_logical3A_289 : vector<16xi32>
              %and3A_291 = arith.constant 7 : i32
              %and3A_292 = vector.broadcast %and3A_291 : i32 to vector<16xi32>
              %and3A_293 = arith.andi %add3A_287, %and3A_292 : vector<16xi32>
              %gather3A_294 = tpu.vector_load_idx %arg13[%shift_right_logical3A_290, %and3A_293, %and3A_236] : memref<8x8x128xf32, #tpu.memory_space<vmem>>[vector<16xi32>, vector<16xi32>, vector<16xi32>], vector<16xf32>,
              %mul3A_295 = arith.constant 64 : i32
              %mul3A_296 = arith.muli %and3A_203, %mul3A_295 : i32
              %add3A_297 = arith.constant 32 : i32
              %add3A_298 = arith.addi %mul3A_296, %add3A_297 : i32
              %swap3A_299 = arith.index_cast %add3A_298 : i32 to index
              %swap3A_300 = tpu.vector_load %arg16[%swap3A_299] {strides = array<i32>} : memref<1024xf32, #tpu.memory_space<vmem>>, vector<16xf32>,
              tpu.vector_store %arg16[%swap3A_299], %gather3A_294 {strides = array<i32>} : memref<1024xf32, #tpu.memory_space<vmem>>, vector<16xf32>,
              %add3A_301 = arith.constant 48 : i32
              %add3A_302 = vector.broadcast %add3A_301 : i32 to vector<16xi32>
              %add3A_303 = arith.addi %iota3A, %add3A_302 : vector<16xi32>
              %shift_right_logical3A_304 = arith.constant 3 : i32
              %shift_right_logical3A_305 = vector.broadcast %shift_right_logical3A_304 : i32 to vector<16xi32>
              %shift_right_logical3A_306 = arith.shrui %add3A_303, %shift_right_logical3A_305 : vector<16xi32>
              %and3A_307 = arith.constant 7 : i32
              %and3A_308 = vector.broadcast %and3A_307 : i32 to vector<16xi32>
              %and3A_309 = arith.andi %add3A_303, %and3A_308 : vector<16xi32>
              %gather3A_310 = tpu.vector_load_idx %arg13[%shift_right_logical3A_306, %and3A_309, %and3A_236] : memref<8x8x128xf32, #tpu.memory_space<vmem>>[vector<16xi32>, vector<16xi32>, vector<16xi32>], vector<16xf32>,
              %mul3A_311 = arith.constant 64 : i32
              %mul3A_312 = arith.muli %and3A_203, %mul3A_311 : i32
              %add3A_313 = arith.constant 48 : i32
              %add3A_314 = arith.addi %mul3A_312, %add3A_313 : i32
              %swap3A_315 = arith.index_cast %add3A_314 : i32 to index
              %swap3A_316 = tpu.vector_load %arg16[%swap3A_315] {strides = array<i32>} : memref<1024xf32, #tpu.memory_space<vmem>>, vector<16xf32>,
              tpu.vector_store %arg16[%swap3A_315], %gather3A_310 {strides = array<i32>} : memref<1024xf32, #tpu.memory_space<vmem>>, vector<16xf32>,
              %mul3A_317 = arith.constant 64 : i32
              %mul3A_318 = arith.muli %and3A_203, %mul3A_317 : i32
              %mul3A_319 = arith.constant 64 : i32
              %mul3A_320 = arith.muli %reduce_max3A_253, %mul3A_319 : i32
              %dma_start3A_321 = tpu.memref_slice %arg16[%mul3A_318] : memref<1024xf32, #tpu.memory_space<vmem>> -> memref<64xf32, #tpu.memory_space<vmem>>
              %dma_start3A_322 = tpu.memref_slice %arg5[%mul3A_320] : memref<1048576xf32, #tpu.memory_space<hbm>> -> memref<64xf32, #tpu.memory_space<hbm>>
              %dma_start3A_323 = tpu.memref_slice %arg5[%mul3A_320] : memref<1048576xf32, #tpu.memory_space<hbm>> -> memref<64xf32, #tpu.memory_space<hbm>>
              %dma_start3A_324 = tpu.memref_slice %arg16[%mul3A_318] : memref<1024xf32, #tpu.memory_space<vmem>> -> memref<64xf32, #tpu.memory_space<vmem>>
              tpu.enqueue_dma source(%dma_start3A_324 : memref<64xf32, #tpu.memory_space<vmem>>) target(%dma_start3A_323 : memref<64xf32, #tpu.memory_space<hbm>>) target_semaphore(%arg26 : memref<!tpu.dma_semaphore, #tpu.memory_space<semaphore_mem>>)
              %add3A_325 = arith.constant 1 : i32
              %add3A_326 = arith.addi %while3A_202, %add3A_325 : i32
              scf.yield %add3A_326 : i32
            }
            %while3A_199 = arith.constant 1 : i32
            %while3A_200 = scf.for %while3A_201 = %while3A_196 to %while3A_192 step %while3A_199 iter_args(%while3A_202 = %while3A_198) -> (i32)  : i32 {
              %and3A = arith.constant 15 : i32
              %and3A_203 = arith.andi %while3A_202, %and3A : i32
              %eq3A_204 = arith.constant 0 : i32
              %eq3A_205 = arith.cmpi eq, %and3A_203, %eq3A_204 : i32
              %ge3A = arith.constant 16 : i32
              %ge3A_206 = arith.cmpi sge, %while3A_202, %ge3A : i32
              %and3A_207 = arith.andi %eq3A_205, %ge3A_206 : i1
              %convert_element_type3A_208 = arith.extui %and3A_207 : i1 to i32
              %cond3A_209 = arith.constant 0 : i32
              %cond3A_210 = arith.cmpi ne, %convert_element_type3A_208, %cond3A_209 : i32
              scf.if %cond3A_210 {
                %dma_wait3A_327 = arith.constant 0 : i32
                %dma_wait3A_328 = tpu.memref_slice %arg5[%dma_wait3A_327] : memref<1048576xf32, #tpu.memory_space<hbm>> -> memref<1024xf32, #tpu.memory_space<hbm>>
                %dma_wait3A_329 = arith.constant 0 : i32
                %dma_wait3A_330 = tpu.memref_slice %arg5[%dma_wait3A_329] : memref<1048576xf32, #tpu.memory_space<hbm>> -> memref<1024xf32, #tpu.memory_space<hbm>>
                tpu.wait_dma2 semaphore(%arg26 : memref<!tpu.dma_semaphore, #tpu.memory_space<semaphore_mem>>) src(%dma_wait3A_330 : memref<1024xf32, #tpu.memory_space<hbm>>) dst(%arg16 : memref<1024xf32, #tpu.memory_space<vmem>>)
              } else {
              }
              %shift_right_logical3A_211 = arith.constant 4 : i32
              %shift_right_logical3A_212 = arith.shrui %while3A_201, %shift_right_logical3A_211 : i32
              %mul3A_213 = arith.constant 16 : i32
              %mul3A_214 = arith.muli %shift_right_logical3A_212, %mul3A_213 : i32
              %get3A_215 = arith.index_cast %mul3A_214 : i32 to index
              %get3A_216 = tpu.vector_load %arg9[%get3A_215] {strides = array<i32>} : memref<16400xi32, #tpu.memory_space<vmem>>, vector<16xi32>,
              %shift_right_logical3A_217 = arith.constant 4 : i32
              %shift_right_logical3A_218 = arith.shrui %while3A_201, %shift_right_logical3A_217 : i32
              %mul3A_219 = arith.constant 16 : i32
              %mul3A_220 = arith.muli %shift_right_logical3A_218, %mul3A_219 : i32
              %get3A_221 = arith.index_cast %mul3A_220 : i32 to index
              %get3A_222 = tpu.vector_load %arg10[%get3A_221] {strides = array<i32>} : memref<16400xi32, #tpu.memory_space<vmem>>, vector<16xi32>,
              %and3A_223 = arith.constant 15 : i32
              %and3A_224 = arith.andi %while3A_201, %and3A_223 : i32
              %broadcast_in_dim3A_225 = vector.broadcast %and3A_224 : i32 to vector<16xi32>
              %lt3A_226 = arith.constant 0 : i32
              %lt3A_227 = vector.broadcast %lt3A_226 : i32 to vector<16xi32>
              %lt3A_228 = arith.cmpi slt, %broadcast_in_dim3A_225, %lt3A_227 : vector<16xi32>
              %add3A_229 = arith.constant 16 : i32
              %add3A_230 = vector.broadcast %add3A_229 : i32 to vector<16xi32>
              %add3A_231 = arith.addi %broadcast_in_dim3A_225, %add3A_230 : vector<16xi32>
              %select_n3A_232 = arith.select %lt3A_228, %add3A_231, %broadcast_in_dim3A_225 : vector<16xi1>, vector<16xi32>
              %reshape3A = vector.shape_cast %select_n3A_232 : vector<16xi32> to vector<16x1xi32>
              %gather3A = vector.shape_cast %reshape3A : vector<16x1xi32> to vector<16xi32>
              %gather3A_233 = tpu.dynamic_gather %get3A_216[%gather3A] in [0] : vector<16xi32>, vector<16xi32> -> vector<16xi32>
              %and3A_234 = arith.constant 127 : i32
              %and3A_235 = vector.broadcast %and3A_234 : i32 to vector<16xi32>
              %and3A_236 = arith.andi %gather3A_233, %and3A_235 : vector<16xi32>
              %lt3A_237 = arith.constant 0 : i32
              %lt3A_238 = vector.broadcast %lt3A_237 : i32 to vector<16xi32>
              %lt3A_239 = arith.cmpi slt, %broadcast_in_dim3A_225, %lt3A_238 : vector<16xi32>
              %add3A_240 = arith.constant 16 : i32
              %add3A_241 = vector.broadcast %add3A_240 : i32 to vector<16xi32>
              %add3A_242 = arith.addi %broadcast_in_dim3A_225, %add3A_241 : vector<16xi32>
              %select_n3A_243 = arith.select %lt3A_239, %add3A_242, %broadcast_in_dim3A_225 : vector<16xi1>, vector<16xi32>
              %reshape3A_244 = vector.shape_cast %select_n3A_243 : vector<16xi32> to vector<16x1xi32>
              %gather3A_245 = vector.shape_cast %reshape3A_244 : vector<16x1xi32> to vector<16xi32>
              %gather3A_246 = tpu.dynamic_gather %get3A_222[%gather3A_245] in [0] : vector<16xi32>, vector<16xi32> -> vector<16xi32>
              %reduce_max3A = arith.constant true
              %reduce_max3A_247 = vector.broadcast %reduce_max3A : i1 to vector<16xi1>
              %reduce_max3A_248 = arith.constant -2147483648 : i32
              %reduce_max3A_249 = vector.broadcast %reduce_max3A_248 : i32 to vector<16xi32>
              %reduce_max3A_250 = arith.xori %gather3A_246, %reduce_max3A_249 : vector<16xi32>
              %reduce_max3A_251 = tpu.scan <max>, %reduce_max3A_250 masked %reduce_max3A_247 : vector<16xi32>, vector<16xi1> -> vector<16xi32>
              %reduce_max3A_252 = arith.xori %reduce_max3A_251, %reduce_max3A_249 : vector<16xi32>
              %reduce_max3A_253 = vector.extract %reduce_max3A_252[15] : i32 from vector<16xi32>
              %add3A_254 = arith.constant 0 : i32
              %add3A_255 = vector.broadcast %add3A_254 : i32 to vector<16xi32>
              %add3A_256 = arith.addi %iota3A, %add3A_255 : vector<16xi32>
              %shift_right_logical3A_257 = arith.constant 3 : i32
              %shift_right_logical3A_258 = vector.broadcast %shift_right_logical3A_257 : i32 to vector<16xi32>
              %shift_right_logical3A_259 = arith.shrui %add3A_256, %shift_right_logical3A_258 : vector<16xi32>
              %and3A_260 = arith.constant 7 : i32
              %and3A_261 = vector.broadcast %and3A_260 : i32 to vector<16xi32>
              %and3A_262 = arith.andi %add3A_256, %and3A_261 : vector<16xi32>
              %gather3A_263 = tpu.vector_load_idx %arg13[%shift_right_logical3A_259, %and3A_262, %and3A_236] : memref<8x8x128xf32, #tpu.memory_space<vmem>>[vector<16xi32>, vector<16xi32>, vector<16xi32>], vector<16xf32>,
              %mul3A_264 = arith.constant 64 : i32
              %mul3A_265 = arith.muli %and3A_203, %mul3A_264 : i32
              %add3A_266 = arith.constant 0 : i32
              %add3A_267 = arith.addi %mul3A_265, %add3A_266 : i32
              %swap3A = arith.index_cast %add3A_267 : i32 to index
              %swap3A_268 = tpu.vector_load %arg16[%swap3A] {strides = array<i32>} : memref<1024xf32, #tpu.memory_space<vmem>>, vector<16xf32>,
              tpu.vector_store %arg16[%swap3A], %gather3A_263 {strides = array<i32>} : memref<1024xf32, #tpu.memory_space<vmem>>, vector<16xf32>,
              %add3A_269 = arith.constant 16 : i32
              %add3A_270 = vector.broadcast %add3A_269 : i32 to vector<16xi32>
              %add3A_271 = arith.addi %iota3A, %add3A_270 : vector<16xi32>
              %shift_right_logical3A_272 = arith.constant 3 : i32
              %shift_right_logical3A_273 = vector.broadcast %shift_right_logical3A_272 : i32 to vector<16xi32>
              %shift_right_logical3A_274 = arith.shrui %add3A_271, %shift_right_logical3A_273 : vector<16xi32>
              %and3A_275 = arith.constant 7 : i32
              %and3A_276 = vector.broadcast %and3A_275 : i32 to vector<16xi32>
              %and3A_277 = arith.andi %add3A_271, %and3A_276 : vector<16xi32>
              %gather3A_278 = tpu.vector_load_idx %arg13[%shift_right_logical3A_274, %and3A_277, %and3A_236] : memref<8x8x128xf32, #tpu.memory_space<vmem>>[vector<16xi32>, vector<16xi32>, vector<16xi32>], vector<16xf32>,
              %mul3A_279 = arith.constant 64 : i32
              %mul3A_280 = arith.muli %and3A_203, %mul3A_279 : i32
              %add3A_281 = arith.constant 16 : i32
              %add3A_282 = arith.addi %mul3A_280, %add3A_281 : i32
              %swap3A_283 = arith.index_cast %add3A_282 : i32 to index
              %swap3A_284 = tpu.vector_load %arg16[%swap3A_283] {strides = array<i32>} : memref<1024xf32, #tpu.memory_space<vmem>>, vector<16xf32>,
              tpu.vector_store %arg16[%swap3A_283], %gather3A_278 {strides = array<i32>} : memref<1024xf32, #tpu.memory_space<vmem>>, vector<16xf32>,
              %add3A_285 = arith.constant 32 : i32
              %add3A_286 = vector.broadcast %add3A_285 : i32 to vector<16xi32>
              %add3A_287 = arith.addi %iota3A, %add3A_286 : vector<16xi32>
              %shift_right_logical3A_288 = arith.constant 3 : i32
              %shift_right_logical3A_289 = vector.broadcast %shift_right_logical3A_288 : i32 to vector<16xi32>
              %shift_right_logical3A_290 = arith.shrui %add3A_287, %shift_right_logical3A_289 : vector<16xi32>
              %and3A_291 = arith.constant 7 : i32
              %and3A_292 = vector.broadcast %and3A_291 : i32 to vector<16xi32>
              %and3A_293 = arith.andi %add3A_287, %and3A_292 : vector<16xi32>
              %gather3A_294 = tpu.vector_load_idx %arg13[%shift_right_logical3A_290, %and3A_293, %and3A_236] : memref<8x8x128xf32, #tpu.memory_space<vmem>>[vector<16xi32>, vector<16xi32>, vector<16xi32>], vector<16xf32>,
              %mul3A_295 = arith.constant 64 : i32
              %mul3A_296 = arith.muli %and3A_203, %mul3A_295 : i32
              %add3A_297 = arith.constant 32 : i32
              %add3A_298 = arith.addi %mul3A_296, %add3A_297 : i32
              %swap3A_299 = arith.index_cast %add3A_298 : i32 to index
              %swap3A_300 = tpu.vector_load %arg16[%swap3A_299] {strides = array<i32>} : memref<1024xf32, #tpu.memory_space<vmem>>, vector<16xf32>,
              tpu.vector_store %arg16[%swap3A_299], %gather3A_294 {strides = array<i32>} : memref<1024xf32, #tpu.memory_space<vmem>>, vector<16xf32>,
              %add3A_301 = arith.constant 48 : i32
              %add3A_302 = vector.broadcast %add3A_301 : i32 to vector<16xi32>
              %add3A_303 = arith.addi %iota3A, %add3A_302 : vector<16xi32>
              %shift_right_logical3A_304 = arith.constant 3 : i32
              %shift_right_logical3A_305 = vector.broadcast %shift_right_logical3A_304 : i32 to vector<16xi32>
              %shift_right_logical3A_306 = arith.shrui %add3A_303, %shift_right_logical3A_305 : vector<16xi32>
              %and3A_307 = arith.constant 7 : i32
              %and3A_308 = vector.broadcast %and3A_307 : i32 to vector<16xi32>
              %and3A_309 = arith.andi %add3A_303, %and3A_308 : vector<16xi32>
              %gather3A_310 = tpu.vector_load_idx %arg13[%shift_right_logical3A_306, %and3A_309, %and3A_236] : memref<8x8x128xf32, #tpu.memory_space<vmem>>[vector<16xi32>, vector<16xi32>, vector<16xi32>], vector<16xf32>,
              %mul3A_311 = arith.constant 64 : i32
              %mul3A_312 = arith.muli %and3A_203, %mul3A_311 : i32
              %add3A_313 = arith.constant 48 : i32
              %add3A_314 = arith.addi %mul3A_312, %add3A_313 : i32
              %swap3A_315 = arith.index_cast %add3A_314 : i32 to index
              %swap3A_316 = tpu.vector_load %arg16[%swap3A_315] {strides = array<i32>} : memref<1024xf32, #tpu.memory_space<vmem>>, vector<16xf32>,
              tpu.vector_store %arg16[%swap3A_315], %gather3A_310 {strides = array<i32>} : memref<1024xf32, #tpu.memory_space<vmem>>, vector<16xf32>,
              %mul3A_317 = arith.constant 64 : i32
              %mul3A_318 = arith.muli %and3A_203, %mul3A_317 : i32
              %mul3A_319 = arith.constant 64 : i32
              %mul3A_320 = arith.muli %reduce_max3A_253, %mul3A_319 : i32
              %dma_start3A_321 = tpu.memref_slice %arg16[%mul3A_318] : memref<1024xf32, #tpu.memory_space<vmem>> -> memref<64xf32, #tpu.memory_space<vmem>>
              %dma_start3A_322 = tpu.memref_slice %arg5[%mul3A_320] : memref<1048576xf32, #tpu.memory_space<hbm>> -> memref<64xf32, #tpu.memory_space<hbm>>
              %dma_start3A_323 = tpu.memref_slice %arg5[%mul3A_320] : memref<1048576xf32, #tpu.memory_space<hbm>> -> memref<64xf32, #tpu.memory_space<hbm>>
              %dma_start3A_324 = tpu.memref_slice %arg16[%mul3A_318] : memref<1024xf32, #tpu.memory_space<vmem>> -> memref<64xf32, #tpu.memory_space<vmem>>
              tpu.enqueue_dma source(%dma_start3A_324 : memref<64xf32, #tpu.memory_space<vmem>>) target(%dma_start3A_323 : memref<64xf32, #tpu.memory_space<hbm>>) target_semaphore(%arg26 : memref<!tpu.dma_semaphore, #tpu.memory_space<semaphore_mem>>)
              %add3A_325 = arith.constant 1 : i32
              %add3A_326 = arith.addi %while3A_202, %add3A_325 : i32
              scf.yield %add3A_326 : i32
            }
            scf.yield %while3A_200 : i32
          }
          scf.yield %cond3A_171 : i32
        } else {
          %dma_wait3A = arith.constant 0 : i32
          %dma_wait3A_167 = arith.constant 0 : i32
          %dma_wait3A_168 = arith.constant 0 : i32
          %dma_wait3A_169 = tpu.memref_slice %arg3[%dma_wait3A, %dma_wait3A_167, %dma_wait3A_168] : memref<8x8x1000000xf32, #tpu.memory_space<hbm>> -> memref<8x8x128xf32, #tpu.memory_space<hbm>>
          %dma_wait3A_170 = arith.constant 0 : i32
          %dma_wait3A_171 = arith.constant 0 : i32
          %dma_wait3A_172 = arith.constant 0 : i32
          %dma_wait3A_173 = tpu.memref_slice %arg3[%dma_wait3A_170, %dma_wait3A_171, %dma_wait3A_172] : memref<8x8x1000000xf32, #tpu.memory_space<hbm>> -> memref<8x8x128xf32, #tpu.memory_space<hbm>>
          tpu.wait_dma2 semaphore(%arg22 : memref<!tpu.dma_semaphore, #tpu.memory_space<semaphore_mem>>) src(%dma_wait3A_173 : memref<8x8x128xf32, #tpu.memory_space<hbm>>) dst(%arg12 : memref<8x8x128xf32, #tpu.memory_space<vmem>>)
          %add3A_174 = arith.constant 4 : i32
          %add3A_175 = arith.addi %while3A_147, %add3A_174 : i32
          %lt3A_176 = arith.cmpi slt, %add3A_175, %while3A_113 : i32
          %convert_element_type3A_177 = arith.extui %lt3A_176 : i1 to i32
          %cond3A_178 = arith.constant 0 : i32
          %cond3A_179 = arith.cmpi ne, %convert_element_type3A_177, %cond3A_178 : i32
          scf.if %cond3A_179 {
            %add3A_196 = arith.constant 4 : i32
            %add3A_197 = arith.addi %while3A_147, %add3A_196 : i32
            %get3A_198 = arith.index_cast %add3A_197 : i32 to index
            %get3A_199 = memref.load %arg20[%get3A_198] : memref<262xi32, #tpu.memory_space<smem>>
            %add3A_200 = arith.addi %add3A_4, %get3A_199 : i32
            %jit3A_201 = arith.constant 0 : i32
            %jit3A_202 = arith.constant 7811 : i32
            %max3A = arith.maxsi %jit3A_201, %add3A_200 : i32
            %min3A_203 = arith.minsi %jit3A_202, %max3A : i32
            %mul3A_204 = arith.constant 128 : i32
            %mul3A_205 = arith.muli %min3A_203, %mul3A_204 : i32
            %multiple_of3A_206 = tpu.assume_multiple %mul3A_205, 128 : i32
            %dma_start3A_207 = arith.constant 0 : i32
            %dma_start3A_208 = arith.constant 0 : i32
            %dma_start3A_209 = tpu.memref_slice %arg3[%dma_start3A_207, %dma_start3A_208, %multiple_of3A_206] : memref<8x8x1000000xf32, #tpu.memory_space<hbm>> -> memref<8x8x128xf32, #tpu.memory_space<hbm>>
            %dma_start3A_210 = arith.constant 0 : i32
            %dma_start3A_211 = arith.constant 0 : i32
            %dma_start3A_212 = tpu.memref_slice %arg3[%dma_start3A_210, %dma_start3A_211, %multiple_of3A_206] : memref<8x8x1000000xf32, #tpu.memory_space<hbm>> -> memref<8x8x128xf32, #tpu.memory_space<hbm>>
            tpu.enqueue_dma source(%dma_start3A_212 : memref<8x8x128xf32, #tpu.memory_space<hbm>>) target(%arg11 : memref<8x8x128xf32, #tpu.memory_space<vmem>>) target_semaphore(%arg21 : memref<!tpu.dma_semaphore, #tpu.memory_space<semaphore_mem>>)
          } else {
          }
          %get3A = arith.index_cast %while3A_147 : i32 to index
          %get3A_180 = memref.load %arg20[%get3A] : memref<262xi32, #tpu.memory_space<smem>>
          %get3A_181 = arith.index_cast %get3A_180 : i32 to index
          %get3A_182 = memref.load %arg18[%get3A_181] : memref<262xi32, #tpu.memory_space<smem>>
          %get3A_183 = arith.index_cast %get3A_180 : i32 to index
          %get3A_184 = memref.load %arg17[%get3A_183] : memref<262xi32, #tpu.memory_space<smem>>
          %add3A_185 = arith.addi %get3A_182, %get3A_184 : i32
          %while3A_186 = arith.subi %add3A_185, %get3A_182 : i32
          %while3A_187 = arith.addi %get3A_182, %while3A_186 : i32
          %while3A_188 = arith.constant 1 : i32
          %while3A_189 = arith.divsi %while3A_186, %while3A_188 : i32
          %while3A_190 = arith.muli %while3A_189, %while3A_188 : i32
          %while3A_191 = arith.addi %get3A_182, %while3A_190 : i32
          %while3A_192 = arith.constant 1 : i32
          %while3A_193 = scf.for %while3A_196 = %get3A_182 to %while3A_191 step %while3A_192 iter_args(%while3A_197 = %while3A_148) -> (i32)  : i32 {
            %and3A = arith.constant 15 : i32
            %and3A_198 = arith.andi %while3A_197, %and3A : i32
            %eq3A_199 = arith.constant 0 : i32
            %eq3A_200 = arith.cmpi eq, %and3A_198, %eq3A_199 : i32
            %ge3A = arith.constant 16 : i32
            %ge3A_201 = arith.cmpi sge, %while3A_197, %ge3A : i32
            %and3A_202 = arith.andi %eq3A_200, %ge3A_201 : i1
            %convert_element_type3A_203 = arith.extui %and3A_202 : i1 to i32
            %cond3A_204 = arith.constant 0 : i32
            %cond3A_205 = arith.cmpi ne, %convert_element_type3A_203, %cond3A_204 : i32
            scf.if %cond3A_205 {
              %dma_wait3A_322 = arith.constant 0 : i32
              %dma_wait3A_323 = tpu.memref_slice %arg5[%dma_wait3A_322] : memref<1048576xf32, #tpu.memory_space<hbm>> -> memref<1024xf32, #tpu.memory_space<hbm>>
              %dma_wait3A_324 = arith.constant 0 : i32
              %dma_wait3A_325 = tpu.memref_slice %arg5[%dma_wait3A_324] : memref<1048576xf32, #tpu.memory_space<hbm>> -> memref<1024xf32, #tpu.memory_space<hbm>>
              tpu.wait_dma2 semaphore(%arg26 : memref<!tpu.dma_semaphore, #tpu.memory_space<semaphore_mem>>) src(%dma_wait3A_325 : memref<1024xf32, #tpu.memory_space<hbm>>) dst(%arg16 : memref<1024xf32, #tpu.memory_space<vmem>>)
            } else {
            }
            %shift_right_logical3A_206 = arith.constant 4 : i32
            %shift_right_logical3A_207 = arith.shrui %while3A_196, %shift_right_logical3A_206 : i32
            %mul3A_208 = arith.constant 16 : i32
            %mul3A_209 = arith.muli %shift_right_logical3A_207, %mul3A_208 : i32
            %get3A_210 = arith.index_cast %mul3A_209 : i32 to index
            %get3A_211 = tpu.vector_load %arg9[%get3A_210] {strides = array<i32>} : memref<16400xi32, #tpu.memory_space<vmem>>, vector<16xi32>,
            %shift_right_logical3A_212 = arith.constant 4 : i32
            %shift_right_logical3A_213 = arith.shrui %while3A_196, %shift_right_logical3A_212 : i32
            %mul3A_214 = arith.constant 16 : i32
            %mul3A_215 = arith.muli %shift_right_logical3A_213, %mul3A_214 : i32
            %get3A_216 = arith.index_cast %mul3A_215 : i32 to index
            %get3A_217 = tpu.vector_load %arg10[%get3A_216] {strides = array<i32>} : memref<16400xi32, #tpu.memory_space<vmem>>, vector<16xi32>,
            %and3A_218 = arith.constant 15 : i32
            %and3A_219 = arith.andi %while3A_196, %and3A_218 : i32
            %broadcast_in_dim3A_220 = vector.broadcast %and3A_219 : i32 to vector<16xi32>
            %lt3A_221 = arith.constant 0 : i32
            %lt3A_222 = vector.broadcast %lt3A_221 : i32 to vector<16xi32>
            %lt3A_223 = arith.cmpi slt, %broadcast_in_dim3A_220, %lt3A_222 : vector<16xi32>
            %add3A_224 = arith.constant 16 : i32
            %add3A_225 = vector.broadcast %add3A_224 : i32 to vector<16xi32>
            %add3A_226 = arith.addi %broadcast_in_dim3A_220, %add3A_225 : vector<16xi32>
            %select_n3A_227 = arith.select %lt3A_223, %add3A_226, %broadcast_in_dim3A_220 : vector<16xi1>, vector<16xi32>
            %reshape3A = vector.shape_cast %select_n3A_227 : vector<16xi32> to vector<16x1xi32>
            %gather3A = vector.shape_cast %reshape3A : vector<16x1xi32> to vector<16xi32>
            %gather3A_228 = tpu.dynamic_gather %get3A_211[%gather3A] in [0] : vector<16xi32>, vector<16xi32> -> vector<16xi32>
            %and3A_229 = arith.constant 127 : i32
            %and3A_230 = vector.broadcast %and3A_229 : i32 to vector<16xi32>
            %and3A_231 = arith.andi %gather3A_228, %and3A_230 : vector<16xi32>
            %lt3A_232 = arith.constant 0 : i32
            %lt3A_233 = vector.broadcast %lt3A_232 : i32 to vector<16xi32>
            %lt3A_234 = arith.cmpi slt, %broadcast_in_dim3A_220, %lt3A_233 : vector<16xi32>
            %add3A_235 = arith.constant 16 : i32
            %add3A_236 = vector.broadcast %add3A_235 : i32 to vector<16xi32>
            %add3A_237 = arith.addi %broadcast_in_dim3A_220, %add3A_236 : vector<16xi32>
            %select_n3A_238 = arith.select %lt3A_234, %add3A_237, %broadcast_in_dim3A_220 : vector<16xi1>, vector<16xi32>
            %reshape3A_239 = vector.shape_cast %select_n3A_238 : vector<16xi32> to vector<16x1xi32>
            %gather3A_240 = vector.shape_cast %reshape3A_239 : vector<16x1xi32> to vector<16xi32>
            %gather3A_241 = tpu.dynamic_gather %get3A_217[%gather3A_240] in [0] : vector<16xi32>, vector<16xi32> -> vector<16xi32>
            %reduce_max3A = arith.constant true
            %reduce_max3A_242 = vector.broadcast %reduce_max3A : i1 to vector<16xi1>
            %reduce_max3A_243 = arith.constant -2147483648 : i32
            %reduce_max3A_244 = vector.broadcast %reduce_max3A_243 : i32 to vector<16xi32>
            %reduce_max3A_245 = arith.xori %gather3A_241, %reduce_max3A_244 : vector<16xi32>
            %reduce_max3A_246 = tpu.scan <max>, %reduce_max3A_245 masked %reduce_max3A_242 : vector<16xi32>, vector<16xi1> -> vector<16xi32>
            %reduce_max3A_247 = arith.xori %reduce_max3A_246, %reduce_max3A_244 : vector<16xi32>
            %reduce_max3A_248 = vector.extract %reduce_max3A_247[15] : i32 from vector<16xi32>
            %add3A_249 = arith.constant 0 : i32
            %add3A_250 = vector.broadcast %add3A_249 : i32 to vector<16xi32>
            %add3A_251 = arith.addi %iota3A, %add3A_250 : vector<16xi32>
            %shift_right_logical3A_252 = arith.constant 3 : i32
            %shift_right_logical3A_253 = vector.broadcast %shift_right_logical3A_252 : i32 to vector<16xi32>
            %shift_right_logical3A_254 = arith.shrui %add3A_251, %shift_right_logical3A_253 : vector<16xi32>
            %and3A_255 = arith.constant 7 : i32
            %and3A_256 = vector.broadcast %and3A_255 : i32 to vector<16xi32>
            %and3A_257 = arith.andi %add3A_251, %and3A_256 : vector<16xi32>
            %gather3A_258 = tpu.vector_load_idx %arg12[%shift_right_logical3A_254, %and3A_257, %and3A_231] : memref<8x8x128xf32, #tpu.memory_space<vmem>>[vector<16xi32>, vector<16xi32>, vector<16xi32>], vector<16xf32>,
            %mul3A_259 = arith.constant 64 : i32
            %mul3A_260 = arith.muli %and3A_198, %mul3A_259 : i32
            %add3A_261 = arith.constant 0 : i32
            %add3A_262 = arith.addi %mul3A_260, %add3A_261 : i32
            %swap3A = arith.index_cast %add3A_262 : i32 to index
            %swap3A_263 = tpu.vector_load %arg16[%swap3A] {strides = array<i32>} : memref<1024xf32, #tpu.memory_space<vmem>>, vector<16xf32>,
            tpu.vector_store %arg16[%swap3A], %gather3A_258 {strides = array<i32>} : memref<1024xf32, #tpu.memory_space<vmem>>, vector<16xf32>,
            %add3A_264 = arith.constant 16 : i32
            %add3A_265 = vector.broadcast %add3A_264 : i32 to vector<16xi32>
            %add3A_266 = arith.addi %iota3A, %add3A_265 : vector<16xi32>
            %shift_right_logical3A_267 = arith.constant 3 : i32
            %shift_right_logical3A_268 = vector.broadcast %shift_right_logical3A_267 : i32 to vector<16xi32>
            %shift_right_logical3A_269 = arith.shrui %add3A_266, %shift_right_logical3A_268 : vector<16xi32>
            %and3A_270 = arith.constant 7 : i32
            %and3A_271 = vector.broadcast %and3A_270 : i32 to vector<16xi32>
            %and3A_272 = arith.andi %add3A_266, %and3A_271 : vector<16xi32>
            %gather3A_273 = tpu.vector_load_idx %arg12[%shift_right_logical3A_269, %and3A_272, %and3A_231] : memref<8x8x128xf32, #tpu.memory_space<vmem>>[vector<16xi32>, vector<16xi32>, vector<16xi32>], vector<16xf32>,
            %mul3A_274 = arith.constant 64 : i32
            %mul3A_275 = arith.muli %and3A_198, %mul3A_274 : i32
            %add3A_276 = arith.constant 16 : i32
            %add3A_277 = arith.addi %mul3A_275, %add3A_276 : i32
            %swap3A_278 = arith.index_cast %add3A_277 : i32 to index
            %swap3A_279 = tpu.vector_load %arg16[%swap3A_278] {strides = array<i32>} : memref<1024xf32, #tpu.memory_space<vmem>>, vector<16xf32>,
            tpu.vector_store %arg16[%swap3A_278], %gather3A_273 {strides = array<i32>} : memref<1024xf32, #tpu.memory_space<vmem>>, vector<16xf32>,
            %add3A_280 = arith.constant 32 : i32
            %add3A_281 = vector.broadcast %add3A_280 : i32 to vector<16xi32>
            %add3A_282 = arith.addi %iota3A, %add3A_281 : vector<16xi32>
            %shift_right_logical3A_283 = arith.constant 3 : i32
            %shift_right_logical3A_284 = vector.broadcast %shift_right_logical3A_283 : i32 to vector<16xi32>
            %shift_right_logical3A_285 = arith.shrui %add3A_282, %shift_right_logical3A_284 : vector<16xi32>
            %and3A_286 = arith.constant 7 : i32
            %and3A_287 = vector.broadcast %and3A_286 : i32 to vector<16xi32>
            %and3A_288 = arith.andi %add3A_282, %and3A_287 : vector<16xi32>
            %gather3A_289 = tpu.vector_load_idx %arg12[%shift_right_logical3A_285, %and3A_288, %and3A_231] : memref<8x8x128xf32, #tpu.memory_space<vmem>>[vector<16xi32>, vector<16xi32>, vector<16xi32>], vector<16xf32>,
            %mul3A_290 = arith.constant 64 : i32
            %mul3A_291 = arith.muli %and3A_198, %mul3A_290 : i32
            %add3A_292 = arith.constant 32 : i32
            %add3A_293 = arith.addi %mul3A_291, %add3A_292 : i32
            %swap3A_294 = arith.index_cast %add3A_293 : i32 to index
            %swap3A_295 = tpu.vector_load %arg16[%swap3A_294] {strides = array<i32>} : memref<1024xf32, #tpu.memory_space<vmem>>, vector<16xf32>,
            tpu.vector_store %arg16[%swap3A_294], %gather3A_289 {strides = array<i32>} : memref<1024xf32, #tpu.memory_space<vmem>>, vector<16xf32>,
            %add3A_296 = arith.constant 48 : i32
            %add3A_297 = vector.broadcast %add3A_296 : i32 to vector<16xi32>
            %add3A_298 = arith.addi %iota3A, %add3A_297 : vector<16xi32>
            %shift_right_logical3A_299 = arith.constant 3 : i32
            %shift_right_logical3A_300 = vector.broadcast %shift_right_logical3A_299 : i32 to vector<16xi32>
            %shift_right_logical3A_301 = arith.shrui %add3A_298, %shift_right_logical3A_300 : vector<16xi32>
            %and3A_302 = arith.constant 7 : i32
            %and3A_303 = vector.broadcast %and3A_302 : i32 to vector<16xi32>
            %and3A_304 = arith.andi %add3A_298, %and3A_303 : vector<16xi32>
            %gather3A_305 = tpu.vector_load_idx %arg12[%shift_right_logical3A_301, %and3A_304, %and3A_231] : memref<8x8x128xf32, #tpu.memory_space<vmem>>[vector<16xi32>, vector<16xi32>, vector<16xi32>], vector<16xf32>,
            %mul3A_306 = arith.constant 64 : i32
            %mul3A_307 = arith.muli %and3A_198, %mul3A_306 : i32
            %add3A_308 = arith.constant 48 : i32
            %add3A_309 = arith.addi %mul3A_307, %add3A_308 : i32
            %swap3A_310 = arith.index_cast %add3A_309 : i32 to index
            %swap3A_311 = tpu.vector_load %arg16[%swap3A_310] {strides = array<i32>} : memref<1024xf32, #tpu.memory_space<vmem>>, vector<16xf32>,
            tpu.vector_store %arg16[%swap3A_310], %gather3A_305 {strides = array<i32>} : memref<1024xf32, #tpu.memory_space<vmem>>, vector<16xf32>,
            %mul3A_312 = arith.constant 64 : i32
            %mul3A_313 = arith.muli %and3A_198, %mul3A_312 : i32
            %mul3A_314 = arith.constant 64 : i32
            %mul3A_315 = arith.muli %reduce_max3A_248, %mul3A_314 : i32
            %dma_start3A_316 = tpu.memref_slice %arg16[%mul3A_313] : memref<1024xf32, #tpu.memory_space<vmem>> -> memref<64xf32, #tpu.memory_space<vmem>>
            %dma_start3A_317 = tpu.memref_slice %arg5[%mul3A_315] : memref<1048576xf32, #tpu.memory_space<hbm>> -> memref<64xf32, #tpu.memory_space<hbm>>
            %dma_start3A_318 = tpu.memref_slice %arg5[%mul3A_315] : memref<1048576xf32, #tpu.memory_space<hbm>> -> memref<64xf32, #tpu.memory_space<hbm>>
            %dma_start3A_319 = tpu.memref_slice %arg16[%mul3A_313] : memref<1024xf32, #tpu.memory_space<vmem>> -> memref<64xf32, #tpu.memory_space<vmem>>
            tpu.enqueue_dma source(%dma_start3A_319 : memref<64xf32, #tpu.memory_space<vmem>>) target(%dma_start3A_318 : memref<64xf32, #tpu.memory_space<hbm>>) target_semaphore(%arg26 : memref<!tpu.dma_semaphore, #tpu.memory_space<semaphore_mem>>)
            %add3A_320 = arith.constant 1 : i32
            %add3A_321 = arith.addi %while3A_197, %add3A_320 : i32
            scf.yield %add3A_321 : i32
          }
          %while3A_194 = arith.constant 1 : i32
          %while3A_195 = scf.for %while3A_196 = %while3A_191 to %while3A_187 step %while3A_194 iter_args(%while3A_197 = %while3A_193) -> (i32)  : i32 {
            %and3A = arith.constant 15 : i32
            %and3A_198 = arith.andi %while3A_197, %and3A : i32
            %eq3A_199 = arith.constant 0 : i32
            %eq3A_200 = arith.cmpi eq, %and3A_198, %eq3A_199 : i32
            %ge3A = arith.constant 16 : i32
            %ge3A_201 = arith.cmpi sge, %while3A_197, %ge3A : i32
            %and3A_202 = arith.andi %eq3A_200, %ge3A_201 : i1
            %convert_element_type3A_203 = arith.extui %and3A_202 : i1 to i32
            %cond3A_204 = arith.constant 0 : i32
            %cond3A_205 = arith.cmpi ne, %convert_element_type3A_203, %cond3A_204 : i32
            scf.if %cond3A_205 {
              %dma_wait3A_322 = arith.constant 0 : i32
              %dma_wait3A_323 = tpu.memref_slice %arg5[%dma_wait3A_322] : memref<1048576xf32, #tpu.memory_space<hbm>> -> memref<1024xf32, #tpu.memory_space<hbm>>
              %dma_wait3A_324 = arith.constant 0 : i32
              %dma_wait3A_325 = tpu.memref_slice %arg5[%dma_wait3A_324] : memref<1048576xf32, #tpu.memory_space<hbm>> -> memref<1024xf32, #tpu.memory_space<hbm>>
              tpu.wait_dma2 semaphore(%arg26 : memref<!tpu.dma_semaphore, #tpu.memory_space<semaphore_mem>>) src(%dma_wait3A_325 : memref<1024xf32, #tpu.memory_space<hbm>>) dst(%arg16 : memref<1024xf32, #tpu.memory_space<vmem>>)
            } else {
            }
            %shift_right_logical3A_206 = arith.constant 4 : i32
            %shift_right_logical3A_207 = arith.shrui %while3A_196, %shift_right_logical3A_206 : i32
            %mul3A_208 = arith.constant 16 : i32
            %mul3A_209 = arith.muli %shift_right_logical3A_207, %mul3A_208 : i32
            %get3A_210 = arith.index_cast %mul3A_209 : i32 to index
            %get3A_211 = tpu.vector_load %arg9[%get3A_210] {strides = array<i32>} : memref<16400xi32, #tpu.memory_space<vmem>>, vector<16xi32>,
            %shift_right_logical3A_212 = arith.constant 4 : i32
            %shift_right_logical3A_213 = arith.shrui %while3A_196, %shift_right_logical3A_212 : i32
            %mul3A_214 = arith.constant 16 : i32
            %mul3A_215 = arith.muli %shift_right_logical3A_213, %mul3A_214 : i32
            %get3A_216 = arith.index_cast %mul3A_215 : i32 to index
            %get3A_217 = tpu.vector_load %arg10[%get3A_216] {strides = array<i32>} : memref<16400xi32, #tpu.memory_space<vmem>>, vector<16xi32>,
            %and3A_218 = arith.constant 15 : i32
            %and3A_219 = arith.andi %while3A_196, %and3A_218 : i32
            %broadcast_in_dim3A_220 = vector.broadcast %and3A_219 : i32 to vector<16xi32>
            %lt3A_221 = arith.constant 0 : i32
            %lt3A_222 = vector.broadcast %lt3A_221 : i32 to vector<16xi32>
            %lt3A_223 = arith.cmpi slt, %broadcast_in_dim3A_220, %lt3A_222 : vector<16xi32>
            %add3A_224 = arith.constant 16 : i32
            %add3A_225 = vector.broadcast %add3A_224 : i32 to vector<16xi32>
            %add3A_226 = arith.addi %broadcast_in_dim3A_220, %add3A_225 : vector<16xi32>
            %select_n3A_227 = arith.select %lt3A_223, %add3A_226, %broadcast_in_dim3A_220 : vector<16xi1>, vector<16xi32>
            %reshape3A = vector.shape_cast %select_n3A_227 : vector<16xi32> to vector<16x1xi32>
            %gather3A = vector.shape_cast %reshape3A : vector<16x1xi32> to vector<16xi32>
            %gather3A_228 = tpu.dynamic_gather %get3A_211[%gather3A] in [0] : vector<16xi32>, vector<16xi32> -> vector<16xi32>
            %and3A_229 = arith.constant 127 : i32
            %and3A_230 = vector.broadcast %and3A_229 : i32 to vector<16xi32>
            %and3A_231 = arith.andi %gather3A_228, %and3A_230 : vector<16xi32>
            %lt3A_232 = arith.constant 0 : i32
            %lt3A_233 = vector.broadcast %lt3A_232 : i32 to vector<16xi32>
            %lt3A_234 = arith.cmpi slt, %broadcast_in_dim3A_220, %lt3A_233 : vector<16xi32>
            %add3A_235 = arith.constant 16 : i32
            %add3A_236 = vector.broadcast %add3A_235 : i32 to vector<16xi32>
            %add3A_237 = arith.addi %broadcast_in_dim3A_220, %add3A_236 : vector<16xi32>
            %select_n3A_238 = arith.select %lt3A_234, %add3A_237, %broadcast_in_dim3A_220 : vector<16xi1>, vector<16xi32>
            %reshape3A_239 = vector.shape_cast %select_n3A_238 : vector<16xi32> to vector<16x1xi32>
            %gather3A_240 = vector.shape_cast %reshape3A_239 : vector<16x1xi32> to vector<16xi32>
            %gather3A_241 = tpu.dynamic_gather %get3A_217[%gather3A_240] in [0] : vector<16xi32>, vector<16xi32> -> vector<16xi32>
            %reduce_max3A = arith.constant true
            %reduce_max3A_242 = vector.broadcast %reduce_max3A : i1 to vector<16xi1>
            %reduce_max3A_243 = arith.constant -2147483648 : i32
            %reduce_max3A_244 = vector.broadcast %reduce_max3A_243 : i32 to vector<16xi32>
            %reduce_max3A_245 = arith.xori %gather3A_241, %reduce_max3A_244 : vector<16xi32>
            %reduce_max3A_246 = tpu.scan <max>, %reduce_max3A_245 masked %reduce_max3A_242 : vector<16xi32>, vector<16xi1> -> vector<16xi32>
            %reduce_max3A_247 = arith.xori %reduce_max3A_246, %reduce_max3A_244 : vector<16xi32>
            %reduce_max3A_248 = vector.extract %reduce_max3A_247[15] : i32 from vector<16xi32>
            %add3A_249 = arith.constant 0 : i32
            %add3A_250 = vector.broadcast %add3A_249 : i32 to vector<16xi32>
            %add3A_251 = arith.addi %iota3A, %add3A_250 : vector<16xi32>
            %shift_right_logical3A_252 = arith.constant 3 : i32
            %shift_right_logical3A_253 = vector.broadcast %shift_right_logical3A_252 : i32 to vector<16xi32>
            %shift_right_logical3A_254 = arith.shrui %add3A_251, %shift_right_logical3A_253 : vector<16xi32>
            %and3A_255 = arith.constant 7 : i32
            %and3A_256 = vector.broadcast %and3A_255 : i32 to vector<16xi32>
            %and3A_257 = arith.andi %add3A_251, %and3A_256 : vector<16xi32>
            %gather3A_258 = tpu.vector_load_idx %arg12[%shift_right_logical3A_254, %and3A_257, %and3A_231] : memref<8x8x128xf32, #tpu.memory_space<vmem>>[vector<16xi32>, vector<16xi32>, vector<16xi32>], vector<16xf32>,
            %mul3A_259 = arith.constant 64 : i32
            %mul3A_260 = arith.muli %and3A_198, %mul3A_259 : i32
            %add3A_261 = arith.constant 0 : i32
            %add3A_262 = arith.addi %mul3A_260, %add3A_261 : i32
            %swap3A = arith.index_cast %add3A_262 : i32 to index
            %swap3A_263 = tpu.vector_load %arg16[%swap3A] {strides = array<i32>} : memref<1024xf32, #tpu.memory_space<vmem>>, vector<16xf32>,
            tpu.vector_store %arg16[%swap3A], %gather3A_258 {strides = array<i32>} : memref<1024xf32, #tpu.memory_space<vmem>>, vector<16xf32>,
            %add3A_264 = arith.constant 16 : i32
            %add3A_265 = vector.broadcast %add3A_264 : i32 to vector<16xi32>
            %add3A_266 = arith.addi %iota3A, %add3A_265 : vector<16xi32>
            %shift_right_logical3A_267 = arith.constant 3 : i32
            %shift_right_logical3A_268 = vector.broadcast %shift_right_logical3A_267 : i32 to vector<16xi32>
            %shift_right_logical3A_269 = arith.shrui %add3A_266, %shift_right_logical3A_268 : vector<16xi32>
            %and3A_270 = arith.constant 7 : i32
            %and3A_271 = vector.broadcast %and3A_270 : i32 to vector<16xi32>
            %and3A_272 = arith.andi %add3A_266, %and3A_271 : vector<16xi32>
            %gather3A_273 = tpu.vector_load_idx %arg12[%shift_right_logical3A_269, %and3A_272, %and3A_231] : memref<8x8x128xf32, #tpu.memory_space<vmem>>[vector<16xi32>, vector<16xi32>, vector<16xi32>], vector<16xf32>,
            %mul3A_274 = arith.constant 64 : i32
            %mul3A_275 = arith.muli %and3A_198, %mul3A_274 : i32
            %add3A_276 = arith.constant 16 : i32
            %add3A_277 = arith.addi %mul3A_275, %add3A_276 : i32
            %swap3A_278 = arith.index_cast %add3A_277 : i32 to index
            %swap3A_279 = tpu.vector_load %arg16[%swap3A_278] {strides = array<i32>} : memref<1024xf32, #tpu.memory_space<vmem>>, vector<16xf32>,
            tpu.vector_store %arg16[%swap3A_278], %gather3A_273 {strides = array<i32>} : memref<1024xf32, #tpu.memory_space<vmem>>, vector<16xf32>,
            %add3A_280 = arith.constant 32 : i32
            %add3A_281 = vector.broadcast %add3A_280 : i32 to vector<16xi32>
            %add3A_282 = arith.addi %iota3A, %add3A_281 : vector<16xi32>
            %shift_right_logical3A_283 = arith.constant 3 : i32
            %shift_right_logical3A_284 = vector.broadcast %shift_right_logical3A_283 : i32 to vector<16xi32>
            %shift_right_logical3A_285 = arith.shrui %add3A_282, %shift_right_logical3A_284 : vector<16xi32>
            %and3A_286 = arith.constant 7 : i32
            %and3A_287 = vector.broadcast %and3A_286 : i32 to vector<16xi32>
            %and3A_288 = arith.andi %add3A_282, %and3A_287 : vector<16xi32>
            %gather3A_289 = tpu.vector_load_idx %arg12[%shift_right_logical3A_285, %and3A_288, %and3A_231] : memref<8x8x128xf32, #tpu.memory_space<vmem>>[vector<16xi32>, vector<16xi32>, vector<16xi32>], vector<16xf32>,
            %mul3A_290 = arith.constant 64 : i32
            %mul3A_291 = arith.muli %and3A_198, %mul3A_290 : i32
            %add3A_292 = arith.constant 32 : i32
            %add3A_293 = arith.addi %mul3A_291, %add3A_292 : i32
            %swap3A_294 = arith.index_cast %add3A_293 : i32 to index
            %swap3A_295 = tpu.vector_load %arg16[%swap3A_294] {strides = array<i32>} : memref<1024xf32, #tpu.memory_space<vmem>>, vector<16xf32>,
            tpu.vector_store %arg16[%swap3A_294], %gather3A_289 {strides = array<i32>} : memref<1024xf32, #tpu.memory_space<vmem>>, vector<16xf32>,
            %add3A_296 = arith.constant 48 : i32
            %add3A_297 = vector.broadcast %add3A_296 : i32 to vector<16xi32>
            %add3A_298 = arith.addi %iota3A, %add3A_297 : vector<16xi32>
            %shift_right_logical3A_299 = arith.constant 3 : i32
            %shift_right_logical3A_300 = vector.broadcast %shift_right_logical3A_299 : i32 to vector<16xi32>
            %shift_right_logical3A_301 = arith.shrui %add3A_298, %shift_right_logical3A_300 : vector<16xi32>
            %and3A_302 = arith.constant 7 : i32
            %and3A_303 = vector.broadcast %and3A_302 : i32 to vector<16xi32>
            %and3A_304 = arith.andi %add3A_298, %and3A_303 : vector<16xi32>
            %gather3A_305 = tpu.vector_load_idx %arg12[%shift_right_logical3A_301, %and3A_304, %and3A_231] : memref<8x8x128xf32, #tpu.memory_space<vmem>>[vector<16xi32>, vector<16xi32>, vector<16xi32>], vector<16xf32>,
            %mul3A_306 = arith.constant 64 : i32
            %mul3A_307 = arith.muli %and3A_198, %mul3A_306 : i32
            %add3A_308 = arith.constant 48 : i32
            %add3A_309 = arith.addi %mul3A_307, %add3A_308 : i32
            %swap3A_310 = arith.index_cast %add3A_309 : i32 to index
            %swap3A_311 = tpu.vector_load %arg16[%swap3A_310] {strides = array<i32>} : memref<1024xf32, #tpu.memory_space<vmem>>, vector<16xf32>,
            tpu.vector_store %arg16[%swap3A_310], %gather3A_305 {strides = array<i32>} : memref<1024xf32, #tpu.memory_space<vmem>>, vector<16xf32>,
            %mul3A_312 = arith.constant 64 : i32
            %mul3A_313 = arith.muli %and3A_198, %mul3A_312 : i32
            %mul3A_314 = arith.constant 64 : i32
            %mul3A_315 = arith.muli %reduce_max3A_248, %mul3A_314 : i32
            %dma_start3A_316 = tpu.memref_slice %arg16[%mul3A_313] : memref<1024xf32, #tpu.memory_space<vmem>> -> memref<64xf32, #tpu.memory_space<vmem>>
            %dma_start3A_317 = tpu.memref_slice %arg5[%mul3A_315] : memref<1048576xf32, #tpu.memory_space<hbm>> -> memref<64xf32, #tpu.memory_space<hbm>>
            %dma_start3A_318 = tpu.memref_slice %arg5[%mul3A_315] : memref<1048576xf32, #tpu.memory_space<hbm>> -> memref<64xf32, #tpu.memory_space<hbm>>
            %dma_start3A_319 = tpu.memref_slice %arg16[%mul3A_313] : memref<1024xf32, #tpu.memory_space<vmem>> -> memref<64xf32, #tpu.memory_space<vmem>>
            tpu.enqueue_dma source(%dma_start3A_319 : memref<64xf32, #tpu.memory_space<vmem>>) target(%dma_start3A_318 : memref<64xf32, #tpu.memory_space<hbm>>) target_semaphore(%arg26 : memref<!tpu.dma_semaphore, #tpu.memory_space<semaphore_mem>>)
            %add3A_320 = arith.constant 1 : i32
            %add3A_321 = arith.addi %while3A_197, %add3A_320 : i32
            scf.yield %add3A_321 : i32
          }
          scf.yield %while3A_195 : i32
        }
        scf.yield %cond3A_166 : i32
      } else {
        %dma_wait3A = arith.constant 0 : i32
        %dma_wait3A_162 = arith.constant 0 : i32
        %dma_wait3A_163 = arith.constant 0 : i32
        %dma_wait3A_164 = tpu.memref_slice %arg3[%dma_wait3A, %dma_wait3A_162, %dma_wait3A_163] : memref<8x8x1000000xf32, #tpu.memory_space<hbm>> -> memref<8x8x128xf32, #tpu.memory_space<hbm>>
        %dma_wait3A_165 = arith.constant 0 : i32
        %dma_wait3A_166 = arith.constant 0 : i32
        %dma_wait3A_167 = arith.constant 0 : i32
        %dma_wait3A_168 = tpu.memref_slice %arg3[%dma_wait3A_165, %dma_wait3A_166, %dma_wait3A_167] : memref<8x8x1000000xf32, #tpu.memory_space<hbm>> -> memref<8x8x128xf32, #tpu.memory_space<hbm>>
        tpu.wait_dma2 semaphore(%arg21 : memref<!tpu.dma_semaphore, #tpu.memory_space<semaphore_mem>>) src(%dma_wait3A_168 : memref<8x8x128xf32, #tpu.memory_space<hbm>>) dst(%arg11 : memref<8x8x128xf32, #tpu.memory_space<vmem>>)
        %add3A_169 = arith.constant 4 : i32
        %add3A_170 = arith.addi %while3A_147, %add3A_169 : i32
        %lt3A_171 = arith.cmpi slt, %add3A_170, %while3A_113 : i32
        %convert_element_type3A_172 = arith.extui %lt3A_171 : i1 to i32
        %cond3A_173 = arith.constant 0 : i32
        %cond3A_174 = arith.cmpi ne, %convert_element_type3A_172, %cond3A_173 : i32
        scf.if %cond3A_174 {
          %add3A_191 = arith.constant 4 : i32
          %add3A_192 = arith.addi %while3A_147, %add3A_191 : i32
          %get3A_193 = arith.index_cast %add3A_192 : i32 to index
          %get3A_194 = memref.load %arg20[%get3A_193] : memref<262xi32, #tpu.memory_space<smem>>
          %add3A_195 = arith.addi %add3A_4, %get3A_194 : i32
          %jit3A_196 = arith.constant 0 : i32
          %jit3A_197 = arith.constant 7811 : i32
          %max3A = arith.maxsi %jit3A_196, %add3A_195 : i32
          %min3A_198 = arith.minsi %jit3A_197, %max3A : i32
          %mul3A_199 = arith.constant 128 : i32
          %mul3A_200 = arith.muli %min3A_198, %mul3A_199 : i32
          %multiple_of3A_201 = tpu.assume_multiple %mul3A_200, 128 : i32
          %dma_start3A_202 = arith.constant 0 : i32
          %dma_start3A_203 = arith.constant 0 : i32
          %dma_start3A_204 = tpu.memref_slice %arg3[%dma_start3A_202, %dma_start3A_203, %multiple_of3A_201] : memref<8x8x1000000xf32, #tpu.memory_space<hbm>> -> memref<8x8x128xf32, #tpu.memory_space<hbm>>
          %dma_start3A_205 = arith.constant 0 : i32
          %dma_start3A_206 = arith.constant 0 : i32
          %dma_start3A_207 = tpu.memref_slice %arg3[%dma_start3A_205, %dma_start3A_206, %multiple_of3A_201] : memref<8x8x1000000xf32, #tpu.memory_space<hbm>> -> memref<8x8x128xf32, #tpu.memory_space<hbm>>
          tpu.enqueue_dma source(%dma_start3A_207 : memref<8x8x128xf32, #tpu.memory_space<hbm>>) target(%arg15 : memref<8x8x128xf32, #tpu.memory_space<vmem>>) target_semaphore(%arg25 : memref<!tpu.dma_semaphore, #tpu.memory_space<semaphore_mem>>)
        } else {
        }
        %get3A = arith.index_cast %while3A_147 : i32 to index
        %get3A_175 = memref.load %arg20[%get3A] : memref<262xi32, #tpu.memory_space<smem>>
        %get3A_176 = arith.index_cast %get3A_175 : i32 to index
        %get3A_177 = memref.load %arg18[%get3A_176] : memref<262xi32, #tpu.memory_space<smem>>
        %get3A_178 = arith.index_cast %get3A_175 : i32 to index
        %get3A_179 = memref.load %arg17[%get3A_178] : memref<262xi32, #tpu.memory_space<smem>>
        %add3A_180 = arith.addi %get3A_177, %get3A_179 : i32
        %while3A_181 = arith.subi %add3A_180, %get3A_177 : i32
        %while3A_182 = arith.addi %get3A_177, %while3A_181 : i32
        %while3A_183 = arith.constant 1 : i32
        %while3A_184 = arith.divsi %while3A_181, %while3A_183 : i32
        %while3A_185 = arith.muli %while3A_184, %while3A_183 : i32
        %while3A_186 = arith.addi %get3A_177, %while3A_185 : i32
        %while3A_187 = arith.constant 1 : i32
        %while3A_188 = scf.for %while3A_191 = %get3A_177 to %while3A_186 step %while3A_187 iter_args(%while3A_192 = %while3A_148) -> (i32)  : i32 {
          %and3A = arith.constant 15 : i32
          %and3A_193 = arith.andi %while3A_192, %and3A : i32
          %eq3A_194 = arith.constant 0 : i32
          %eq3A_195 = arith.cmpi eq, %and3A_193, %eq3A_194 : i32
          %ge3A = arith.constant 16 : i32
          %ge3A_196 = arith.cmpi sge, %while3A_192, %ge3A : i32
          %and3A_197 = arith.andi %eq3A_195, %ge3A_196 : i1
          %convert_element_type3A_198 = arith.extui %and3A_197 : i1 to i32
          %cond3A_199 = arith.constant 0 : i32
          %cond3A_200 = arith.cmpi ne, %convert_element_type3A_198, %cond3A_199 : i32
          scf.if %cond3A_200 {
            %dma_wait3A_317 = arith.constant 0 : i32
            %dma_wait3A_318 = tpu.memref_slice %arg5[%dma_wait3A_317] : memref<1048576xf32, #tpu.memory_space<hbm>> -> memref<1024xf32, #tpu.memory_space<hbm>>
            %dma_wait3A_319 = arith.constant 0 : i32
            %dma_wait3A_320 = tpu.memref_slice %arg5[%dma_wait3A_319] : memref<1048576xf32, #tpu.memory_space<hbm>> -> memref<1024xf32, #tpu.memory_space<hbm>>
            tpu.wait_dma2 semaphore(%arg26 : memref<!tpu.dma_semaphore, #tpu.memory_space<semaphore_mem>>) src(%dma_wait3A_320 : memref<1024xf32, #tpu.memory_space<hbm>>) dst(%arg16 : memref<1024xf32, #tpu.memory_space<vmem>>)
          } else {
          }
          %shift_right_logical3A_201 = arith.constant 4 : i32
          %shift_right_logical3A_202 = arith.shrui %while3A_191, %shift_right_logical3A_201 : i32
          %mul3A_203 = arith.constant 16 : i32
          %mul3A_204 = arith.muli %shift_right_logical3A_202, %mul3A_203 : i32
          %get3A_205 = arith.index_cast %mul3A_204 : i32 to index
          %get3A_206 = tpu.vector_load %arg9[%get3A_205] {strides = array<i32>} : memref<16400xi32, #tpu.memory_space<vmem>>, vector<16xi32>,
          %shift_right_logical3A_207 = arith.constant 4 : i32
          %shift_right_logical3A_208 = arith.shrui %while3A_191, %shift_right_logical3A_207 : i32
          %mul3A_209 = arith.constant 16 : i32
          %mul3A_210 = arith.muli %shift_right_logical3A_208, %mul3A_209 : i32
          %get3A_211 = arith.index_cast %mul3A_210 : i32 to index
          %get3A_212 = tpu.vector_load %arg10[%get3A_211] {strides = array<i32>} : memref<16400xi32, #tpu.memory_space<vmem>>, vector<16xi32>,
          %and3A_213 = arith.constant 15 : i32
          %and3A_214 = arith.andi %while3A_191, %and3A_213 : i32
          %broadcast_in_dim3A_215 = vector.broadcast %and3A_214 : i32 to vector<16xi32>
          %lt3A_216 = arith.constant 0 : i32
          %lt3A_217 = vector.broadcast %lt3A_216 : i32 to vector<16xi32>
          %lt3A_218 = arith.cmpi slt, %broadcast_in_dim3A_215, %lt3A_217 : vector<16xi32>
          %add3A_219 = arith.constant 16 : i32
          %add3A_220 = vector.broadcast %add3A_219 : i32 to vector<16xi32>
          %add3A_221 = arith.addi %broadcast_in_dim3A_215, %add3A_220 : vector<16xi32>
          %select_n3A_222 = arith.select %lt3A_218, %add3A_221, %broadcast_in_dim3A_215 : vector<16xi1>, vector<16xi32>
          %reshape3A = vector.shape_cast %select_n3A_222 : vector<16xi32> to vector<16x1xi32>
          %gather3A = vector.shape_cast %reshape3A : vector<16x1xi32> to vector<16xi32>
          %gather3A_223 = tpu.dynamic_gather %get3A_206[%gather3A] in [0] : vector<16xi32>, vector<16xi32> -> vector<16xi32>
          %and3A_224 = arith.constant 127 : i32
          %and3A_225 = vector.broadcast %and3A_224 : i32 to vector<16xi32>
          %and3A_226 = arith.andi %gather3A_223, %and3A_225 : vector<16xi32>
          %lt3A_227 = arith.constant 0 : i32
          %lt3A_228 = vector.broadcast %lt3A_227 : i32 to vector<16xi32>
          %lt3A_229 = arith.cmpi slt, %broadcast_in_dim3A_215, %lt3A_228 : vector<16xi32>
          %add3A_230 = arith.constant 16 : i32
          %add3A_231 = vector.broadcast %add3A_230 : i32 to vector<16xi32>
          %add3A_232 = arith.addi %broadcast_in_dim3A_215, %add3A_231 : vector<16xi32>
          %select_n3A_233 = arith.select %lt3A_229, %add3A_232, %broadcast_in_dim3A_215 : vector<16xi1>, vector<16xi32>
          %reshape3A_234 = vector.shape_cast %select_n3A_233 : vector<16xi32> to vector<16x1xi32>
          %gather3A_235 = vector.shape_cast %reshape3A_234 : vector<16x1xi32> to vector<16xi32>
          %gather3A_236 = tpu.dynamic_gather %get3A_212[%gather3A_235] in [0] : vector<16xi32>, vector<16xi32> -> vector<16xi32>
          %reduce_max3A = arith.constant true
          %reduce_max3A_237 = vector.broadcast %reduce_max3A : i1 to vector<16xi1>
          %reduce_max3A_238 = arith.constant -2147483648 : i32
          %reduce_max3A_239 = vector.broadcast %reduce_max3A_238 : i32 to vector<16xi32>
          %reduce_max3A_240 = arith.xori %gather3A_236, %reduce_max3A_239 : vector<16xi32>
          %reduce_max3A_241 = tpu.scan <max>, %reduce_max3A_240 masked %reduce_max3A_237 : vector<16xi32>, vector<16xi1> -> vector<16xi32>
          %reduce_max3A_242 = arith.xori %reduce_max3A_241, %reduce_max3A_239 : vector<16xi32>
          %reduce_max3A_243 = vector.extract %reduce_max3A_242[15] : i32 from vector<16xi32>
          %add3A_244 = arith.constant 0 : i32
          %add3A_245 = vector.broadcast %add3A_244 : i32 to vector<16xi32>
          %add3A_246 = arith.addi %iota3A, %add3A_245 : vector<16xi32>
          %shift_right_logical3A_247 = arith.constant 3 : i32
          %shift_right_logical3A_248 = vector.broadcast %shift_right_logical3A_247 : i32 to vector<16xi32>
          %shift_right_logical3A_249 = arith.shrui %add3A_246, %shift_right_logical3A_248 : vector<16xi32>
          %and3A_250 = arith.constant 7 : i32
          %and3A_251 = vector.broadcast %and3A_250 : i32 to vector<16xi32>
          %and3A_252 = arith.andi %add3A_246, %and3A_251 : vector<16xi32>
          %gather3A_253 = tpu.vector_load_idx %arg11[%shift_right_logical3A_249, %and3A_252, %and3A_226] : memref<8x8x128xf32, #tpu.memory_space<vmem>>[vector<16xi32>, vector<16xi32>, vector<16xi32>], vector<16xf32>,
          %mul3A_254 = arith.constant 64 : i32
          %mul3A_255 = arith.muli %and3A_193, %mul3A_254 : i32
          %add3A_256 = arith.constant 0 : i32
          %add3A_257 = arith.addi %mul3A_255, %add3A_256 : i32
          %swap3A = arith.index_cast %add3A_257 : i32 to index
          %swap3A_258 = tpu.vector_load %arg16[%swap3A] {strides = array<i32>} : memref<1024xf32, #tpu.memory_space<vmem>>, vector<16xf32>,
          tpu.vector_store %arg16[%swap3A], %gather3A_253 {strides = array<i32>} : memref<1024xf32, #tpu.memory_space<vmem>>, vector<16xf32>,
          %add3A_259 = arith.constant 16 : i32
          %add3A_260 = vector.broadcast %add3A_259 : i32 to vector<16xi32>
          %add3A_261 = arith.addi %iota3A, %add3A_260 : vector<16xi32>
          %shift_right_logical3A_262 = arith.constant 3 : i32
          %shift_right_logical3A_263 = vector.broadcast %shift_right_logical3A_262 : i32 to vector<16xi32>
          %shift_right_logical3A_264 = arith.shrui %add3A_261, %shift_right_logical3A_263 : vector<16xi32>
          %and3A_265 = arith.constant 7 : i32
          %and3A_266 = vector.broadcast %and3A_265 : i32 to vector<16xi32>
          %and3A_267 = arith.andi %add3A_261, %and3A_266 : vector<16xi32>
          %gather3A_268 = tpu.vector_load_idx %arg11[%shift_right_logical3A_264, %and3A_267, %and3A_226] : memref<8x8x128xf32, #tpu.memory_space<vmem>>[vector<16xi32>, vector<16xi32>, vector<16xi32>], vector<16xf32>,
          %mul3A_269 = arith.constant 64 : i32
          %mul3A_270 = arith.muli %and3A_193, %mul3A_269 : i32
          %add3A_271 = arith.constant 16 : i32
          %add3A_272 = arith.addi %mul3A_270, %add3A_271 : i32
          %swap3A_273 = arith.index_cast %add3A_272 : i32 to index
          %swap3A_274 = tpu.vector_load %arg16[%swap3A_273] {strides = array<i32>} : memref<1024xf32, #tpu.memory_space<vmem>>, vector<16xf32>,
          tpu.vector_store %arg16[%swap3A_273], %gather3A_268 {strides = array<i32>} : memref<1024xf32, #tpu.memory_space<vmem>>, vector<16xf32>,
          %add3A_275 = arith.constant 32 : i32
          %add3A_276 = vector.broadcast %add3A_275 : i32 to vector<16xi32>
          %add3A_277 = arith.addi %iota3A, %add3A_276 : vector<16xi32>
          %shift_right_logical3A_278 = arith.constant 3 : i32
          %shift_right_logical3A_279 = vector.broadcast %shift_right_logical3A_278 : i32 to vector<16xi32>
          %shift_right_logical3A_280 = arith.shrui %add3A_277, %shift_right_logical3A_279 : vector<16xi32>
          %and3A_281 = arith.constant 7 : i32
          %and3A_282 = vector.broadcast %and3A_281 : i32 to vector<16xi32>
          %and3A_283 = arith.andi %add3A_277, %and3A_282 : vector<16xi32>
          %gather3A_284 = tpu.vector_load_idx %arg11[%shift_right_logical3A_280, %and3A_283, %and3A_226] : memref<8x8x128xf32, #tpu.memory_space<vmem>>[vector<16xi32>, vector<16xi32>, vector<16xi32>], vector<16xf32>,
          %mul3A_285 = arith.constant 64 : i32
          %mul3A_286 = arith.muli %and3A_193, %mul3A_285 : i32
          %add3A_287 = arith.constant 32 : i32
          %add3A_288 = arith.addi %mul3A_286, %add3A_287 : i32
          %swap3A_289 = arith.index_cast %add3A_288 : i32 to index
          %swap3A_290 = tpu.vector_load %arg16[%swap3A_289] {strides = array<i32>} : memref<1024xf32, #tpu.memory_space<vmem>>, vector<16xf32>,
          tpu.vector_store %arg16[%swap3A_289], %gather3A_284 {strides = array<i32>} : memref<1024xf32, #tpu.memory_space<vmem>>, vector<16xf32>,
          %add3A_291 = arith.constant 48 : i32
          %add3A_292 = vector.broadcast %add3A_291 : i32 to vector<16xi32>
          %add3A_293 = arith.addi %iota3A, %add3A_292 : vector<16xi32>
          %shift_right_logical3A_294 = arith.constant 3 : i32
          %shift_right_logical3A_295 = vector.broadcast %shift_right_logical3A_294 : i32 to vector<16xi32>
          %shift_right_logical3A_296 = arith.shrui %add3A_293, %shift_right_logical3A_295 : vector<16xi32>
          %and3A_297 = arith.constant 7 : i32
          %and3A_298 = vector.broadcast %and3A_297 : i32 to vector<16xi32>
          %and3A_299 = arith.andi %add3A_293, %and3A_298 : vector<16xi32>
          %gather3A_300 = tpu.vector_load_idx %arg11[%shift_right_logical3A_296, %and3A_299, %and3A_226] : memref<8x8x128xf32, #tpu.memory_space<vmem>>[vector<16xi32>, vector<16xi32>, vector<16xi32>], vector<16xf32>,
          %mul3A_301 = arith.constant 64 : i32
          %mul3A_302 = arith.muli %and3A_193, %mul3A_301 : i32
          %add3A_303 = arith.constant 48 : i32
          %add3A_304 = arith.addi %mul3A_302, %add3A_303 : i32
          %swap3A_305 = arith.index_cast %add3A_304 : i32 to index
          %swap3A_306 = tpu.vector_load %arg16[%swap3A_305] {strides = array<i32>} : memref<1024xf32, #tpu.memory_space<vmem>>, vector<16xf32>,
          tpu.vector_store %arg16[%swap3A_305], %gather3A_300 {strides = array<i32>} : memref<1024xf32, #tpu.memory_space<vmem>>, vector<16xf32>,
          %mul3A_307 = arith.constant 64 : i32
          %mul3A_308 = arith.muli %and3A_193, %mul3A_307 : i32
          %mul3A_309 = arith.constant 64 : i32
          %mul3A_310 = arith.muli %reduce_max3A_243, %mul3A_309 : i32
          %dma_start3A_311 = tpu.memref_slice %arg16[%mul3A_308] : memref<1024xf32, #tpu.memory_space<vmem>> -> memref<64xf32, #tpu.memory_space<vmem>>
          %dma_start3A_312 = tpu.memref_slice %arg5[%mul3A_310] : memref<1048576xf32, #tpu.memory_space<hbm>> -> memref<64xf32, #tpu.memory_space<hbm>>
          %dma_start3A_313 = tpu.memref_slice %arg5[%mul3A_310] : memref<1048576xf32, #tpu.memory_space<hbm>> -> memref<64xf32, #tpu.memory_space<hbm>>
          %dma_start3A_314 = tpu.memref_slice %arg16[%mul3A_308] : memref<1024xf32, #tpu.memory_space<vmem>> -> memref<64xf32, #tpu.memory_space<vmem>>
          tpu.enqueue_dma source(%dma_start3A_314 : memref<64xf32, #tpu.memory_space<vmem>>) target(%dma_start3A_313 : memref<64xf32, #tpu.memory_space<hbm>>) target_semaphore(%arg26 : memref<!tpu.dma_semaphore, #tpu.memory_space<semaphore_mem>>)
          %add3A_315 = arith.constant 1 : i32
          %add3A_316 = arith.addi %while3A_192, %add3A_315 : i32
          scf.yield %add3A_316 : i32
        }
        %while3A_189 = arith.constant 1 : i32
        %while3A_190 = scf.for %while3A_191 = %while3A_186 to %while3A_182 step %while3A_189 iter_args(%while3A_192 = %while3A_188) -> (i32)  : i32 {
          %and3A = arith.constant 15 : i32
          %and3A_193 = arith.andi %while3A_192, %and3A : i32
          %eq3A_194 = arith.constant 0 : i32
          %eq3A_195 = arith.cmpi eq, %and3A_193, %eq3A_194 : i32
          %ge3A = arith.constant 16 : i32
          %ge3A_196 = arith.cmpi sge, %while3A_192, %ge3A : i32
          %and3A_197 = arith.andi %eq3A_195, %ge3A_196 : i1
          %convert_element_type3A_198 = arith.extui %and3A_197 : i1 to i32
          %cond3A_199 = arith.constant 0 : i32
          %cond3A_200 = arith.cmpi ne, %convert_element_type3A_198, %cond3A_199 : i32
          scf.if %cond3A_200 {
            %dma_wait3A_317 = arith.constant 0 : i32
            %dma_wait3A_318 = tpu.memref_slice %arg5[%dma_wait3A_317] : memref<1048576xf32, #tpu.memory_space<hbm>> -> memref<1024xf32, #tpu.memory_space<hbm>>
            %dma_wait3A_319 = arith.constant 0 : i32
            %dma_wait3A_320 = tpu.memref_slice %arg5[%dma_wait3A_319] : memref<1048576xf32, #tpu.memory_space<hbm>> -> memref<1024xf32, #tpu.memory_space<hbm>>
            tpu.wait_dma2 semaphore(%arg26 : memref<!tpu.dma_semaphore, #tpu.memory_space<semaphore_mem>>) src(%dma_wait3A_320 : memref<1024xf32, #tpu.memory_space<hbm>>) dst(%arg16 : memref<1024xf32, #tpu.memory_space<vmem>>)
          } else {
          }
          %shift_right_logical3A_201 = arith.constant 4 : i32
          %shift_right_logical3A_202 = arith.shrui %while3A_191, %shift_right_logical3A_201 : i32
          %mul3A_203 = arith.constant 16 : i32
          %mul3A_204 = arith.muli %shift_right_logical3A_202, %mul3A_203 : i32
          %get3A_205 = arith.index_cast %mul3A_204 : i32 to index
          %get3A_206 = tpu.vector_load %arg9[%get3A_205] {strides = array<i32>} : memref<16400xi32, #tpu.memory_space<vmem>>, vector<16xi32>,
          %shift_right_logical3A_207 = arith.constant 4 : i32
          %shift_right_logical3A_208 = arith.shrui %while3A_191, %shift_right_logical3A_207 : i32
          %mul3A_209 = arith.constant 16 : i32
          %mul3A_210 = arith.muli %shift_right_logical3A_208, %mul3A_209 : i32
          %get3A_211 = arith.index_cast %mul3A_210 : i32 to index
          %get3A_212 = tpu.vector_load %arg10[%get3A_211] {strides = array<i32>} : memref<16400xi32, #tpu.memory_space<vmem>>, vector<16xi32>,
          %and3A_213 = arith.constant 15 : i32
          %and3A_214 = arith.andi %while3A_191, %and3A_213 : i32
          %broadcast_in_dim3A_215 = vector.broadcast %and3A_214 : i32 to vector<16xi32>
          %lt3A_216 = arith.constant 0 : i32
          %lt3A_217 = vector.broadcast %lt3A_216 : i32 to vector<16xi32>
          %lt3A_218 = arith.cmpi slt, %broadcast_in_dim3A_215, %lt3A_217 : vector<16xi32>
          %add3A_219 = arith.constant 16 : i32
          %add3A_220 = vector.broadcast %add3A_219 : i32 to vector<16xi32>
          %add3A_221 = arith.addi %broadcast_in_dim3A_215, %add3A_220 : vector<16xi32>
          %select_n3A_222 = arith.select %lt3A_218, %add3A_221, %broadcast_in_dim3A_215 : vector<16xi1>, vector<16xi32>
          %reshape3A = vector.shape_cast %select_n3A_222 : vector<16xi32> to vector<16x1xi32>
          %gather3A = vector.shape_cast %reshape3A : vector<16x1xi32> to vector<16xi32>
          %gather3A_223 = tpu.dynamic_gather %get3A_206[%gather3A] in [0] : vector<16xi32>, vector<16xi32> -> vector<16xi32>
          %and3A_224 = arith.constant 127 : i32
          %and3A_225 = vector.broadcast %and3A_224 : i32 to vector<16xi32>
          %and3A_226 = arith.andi %gather3A_223, %and3A_225 : vector<16xi32>
          %lt3A_227 = arith.constant 0 : i32
          %lt3A_228 = vector.broadcast %lt3A_227 : i32 to vector<16xi32>
          %lt3A_229 = arith.cmpi slt, %broadcast_in_dim3A_215, %lt3A_228 : vector<16xi32>
          %add3A_230 = arith.constant 16 : i32
          %add3A_231 = vector.broadcast %add3A_230 : i32 to vector<16xi32>
          %add3A_232 = arith.addi %broadcast_in_dim3A_215, %add3A_231 : vector<16xi32>
          %select_n3A_233 = arith.select %lt3A_229, %add3A_232, %broadcast_in_dim3A_215 : vector<16xi1>, vector<16xi32>
          %reshape3A_234 = vector.shape_cast %select_n3A_233 : vector<16xi32> to vector<16x1xi32>
          %gather3A_235 = vector.shape_cast %reshape3A_234 : vector<16x1xi32> to vector<16xi32>
          %gather3A_236 = tpu.dynamic_gather %get3A_212[%gather3A_235] in [0] : vector<16xi32>, vector<16xi32> -> vector<16xi32>
          %reduce_max3A = arith.constant true
          %reduce_max3A_237 = vector.broadcast %reduce_max3A : i1 to vector<16xi1>
          %reduce_max3A_238 = arith.constant -2147483648 : i32
          %reduce_max3A_239 = vector.broadcast %reduce_max3A_238 : i32 to vector<16xi32>
          %reduce_max3A_240 = arith.xori %gather3A_236, %reduce_max3A_239 : vector<16xi32>
          %reduce_max3A_241 = tpu.scan <max>, %reduce_max3A_240 masked %reduce_max3A_237 : vector<16xi32>, vector<16xi1> -> vector<16xi32>
          %reduce_max3A_242 = arith.xori %reduce_max3A_241, %reduce_max3A_239 : vector<16xi32>
          %reduce_max3A_243 = vector.extract %reduce_max3A_242[15] : i32 from vector<16xi32>
          %add3A_244 = arith.constant 0 : i32
          %add3A_245 = vector.broadcast %add3A_244 : i32 to vector<16xi32>
          %add3A_246 = arith.addi %iota3A, %add3A_245 : vector<16xi32>
          %shift_right_logical3A_247 = arith.constant 3 : i32
          %shift_right_logical3A_248 = vector.broadcast %shift_right_logical3A_247 : i32 to vector<16xi32>
          %shift_right_logical3A_249 = arith.shrui %add3A_246, %shift_right_logical3A_248 : vector<16xi32>
          %and3A_250 = arith.constant 7 : i32
          %and3A_251 = vector.broadcast %and3A_250 : i32 to vector<16xi32>
          %and3A_252 = arith.andi %add3A_246, %and3A_251 : vector<16xi32>
          %gather3A_253 = tpu.vector_load_idx %arg11[%shift_right_logical3A_249, %and3A_252, %and3A_226] : memref<8x8x128xf32, #tpu.memory_space<vmem>>[vector<16xi32>, vector<16xi32>, vector<16xi32>], vector<16xf32>,
          %mul3A_254 = arith.constant 64 : i32
          %mul3A_255 = arith.muli %and3A_193, %mul3A_254 : i32
          %add3A_256 = arith.constant 0 : i32
          %add3A_257 = arith.addi %mul3A_255, %add3A_256 : i32
          %swap3A = arith.index_cast %add3A_257 : i32 to index
          %swap3A_258 = tpu.vector_load %arg16[%swap3A] {strides = array<i32>} : memref<1024xf32, #tpu.memory_space<vmem>>, vector<16xf32>,
          tpu.vector_store %arg16[%swap3A], %gather3A_253 {strides = array<i32>} : memref<1024xf32, #tpu.memory_space<vmem>>, vector<16xf32>,
          %add3A_259 = arith.constant 16 : i32
          %add3A_260 = vector.broadcast %add3A_259 : i32 to vector<16xi32>
          %add3A_261 = arith.addi %iota3A, %add3A_260 : vector<16xi32>
          %shift_right_logical3A_262 = arith.constant 3 : i32
          %shift_right_logical3A_263 = vector.broadcast %shift_right_logical3A_262 : i32 to vector<16xi32>
          %shift_right_logical3A_264 = arith.shrui %add3A_261, %shift_right_logical3A_263 : vector<16xi32>
          %and3A_265 = arith.constant 7 : i32
          %and3A_266 = vector.broadcast %and3A_265 : i32 to vector<16xi32>
          %and3A_267 = arith.andi %add3A_261, %and3A_266 : vector<16xi32>
          %gather3A_268 = tpu.vector_load_idx %arg11[%shift_right_logical3A_264, %and3A_267, %and3A_226] : memref<8x8x128xf32, #tpu.memory_space<vmem>>[vector<16xi32>, vector<16xi32>, vector<16xi32>], vector<16xf32>,
          %mul3A_269 = arith.constant 64 : i32
          %mul3A_270 = arith.muli %and3A_193, %mul3A_269 : i32
          %add3A_271 = arith.constant 16 : i32
          %add3A_272 = arith.addi %mul3A_270, %add3A_271 : i32
          %swap3A_273 = arith.index_cast %add3A_272 : i32 to index
          %swap3A_274 = tpu.vector_load %arg16[%swap3A_273] {strides = array<i32>} : memref<1024xf32, #tpu.memory_space<vmem>>, vector<16xf32>,
          tpu.vector_store %arg16[%swap3A_273], %gather3A_268 {strides = array<i32>} : memref<1024xf32, #tpu.memory_space<vmem>>, vector<16xf32>,
          %add3A_275 = arith.constant 32 : i32
          %add3A_276 = vector.broadcast %add3A_275 : i32 to vector<16xi32>
          %add3A_277 = arith.addi %iota3A, %add3A_276 : vector<16xi32>
          %shift_right_logical3A_278 = arith.constant 3 : i32
          %shift_right_logical3A_279 = vector.broadcast %shift_right_logical3A_278 : i32 to vector<16xi32>
          %shift_right_logical3A_280 = arith.shrui %add3A_277, %shift_right_logical3A_279 : vector<16xi32>
          %and3A_281 = arith.constant 7 : i32
          %and3A_282 = vector.broadcast %and3A_281 : i32 to vector<16xi32>
          %and3A_283 = arith.andi %add3A_277, %and3A_282 : vector<16xi32>
          %gather3A_284 = tpu.vector_load_idx %arg11[%shift_right_logical3A_280, %and3A_283, %and3A_226] : memref<8x8x128xf32, #tpu.memory_space<vmem>>[vector<16xi32>, vector<16xi32>, vector<16xi32>], vector<16xf32>,
          %mul3A_285 = arith.constant 64 : i32
          %mul3A_286 = arith.muli %and3A_193, %mul3A_285 : i32
          %add3A_287 = arith.constant 32 : i32
          %add3A_288 = arith.addi %mul3A_286, %add3A_287 : i32
          %swap3A_289 = arith.index_cast %add3A_288 : i32 to index
          %swap3A_290 = tpu.vector_load %arg16[%swap3A_289] {strides = array<i32>} : memref<1024xf32, #tpu.memory_space<vmem>>, vector<16xf32>,
          tpu.vector_store %arg16[%swap3A_289], %gather3A_284 {strides = array<i32>} : memref<1024xf32, #tpu.memory_space<vmem>>, vector<16xf32>,
          %add3A_291 = arith.constant 48 : i32
          %add3A_292 = vector.broadcast %add3A_291 : i32 to vector<16xi32>
          %add3A_293 = arith.addi %iota3A, %add3A_292 : vector<16xi32>
          %shift_right_logical3A_294 = arith.constant 3 : i32
          %shift_right_logical3A_295 = vector.broadcast %shift_right_logical3A_294 : i32 to vector<16xi32>
          %shift_right_logical3A_296 = arith.shrui %add3A_293, %shift_right_logical3A_295 : vector<16xi32>
          %and3A_297 = arith.constant 7 : i32
          %and3A_298 = vector.broadcast %and3A_297 : i32 to vector<16xi32>
          %and3A_299 = arith.andi %add3A_293, %and3A_298 : vector<16xi32>
          %gather3A_300 = tpu.vector_load_idx %arg11[%shift_right_logical3A_296, %and3A_299, %and3A_226] : memref<8x8x128xf32, #tpu.memory_space<vmem>>[vector<16xi32>, vector<16xi32>, vector<16xi32>], vector<16xf32>,
          %mul3A_301 = arith.constant 64 : i32
          %mul3A_302 = arith.muli %and3A_193, %mul3A_301 : i32
          %add3A_303 = arith.constant 48 : i32
          %add3A_304 = arith.addi %mul3A_302, %add3A_303 : i32
          %swap3A_305 = arith.index_cast %add3A_304 : i32 to index
          %swap3A_306 = tpu.vector_load %arg16[%swap3A_305] {strides = array<i32>} : memref<1024xf32, #tpu.memory_space<vmem>>, vector<16xf32>,
          tpu.vector_store %arg16[%swap3A_305], %gather3A_300 {strides = array<i32>} : memref<1024xf32, #tpu.memory_space<vmem>>, vector<16xf32>,
          %mul3A_307 = arith.constant 64 : i32
          %mul3A_308 = arith.muli %and3A_193, %mul3A_307 : i32
          %mul3A_309 = arith.constant 64 : i32
          %mul3A_310 = arith.muli %reduce_max3A_243, %mul3A_309 : i32
          %dma_start3A_311 = tpu.memref_slice %arg16[%mul3A_308] : memref<1024xf32, #tpu.memory_space<vmem>> -> memref<64xf32, #tpu.memory_space<vmem>>
          %dma_start3A_312 = tpu.memref_slice %arg5[%mul3A_310] : memref<1048576xf32, #tpu.memory_space<hbm>> -> memref<64xf32, #tpu.memory_space<hbm>>
          %dma_start3A_313 = tpu.memref_slice %arg5[%mul3A_310] : memref<1048576xf32, #tpu.memory_space<hbm>> -> memref<64xf32, #tpu.memory_space<hbm>>
          %dma_start3A_314 = tpu.memref_slice %arg16[%mul3A_308] : memref<1024xf32, #tpu.memory_space<vmem>> -> memref<64xf32, #tpu.memory_space<vmem>>
          tpu.enqueue_dma source(%dma_start3A_314 : memref<64xf32, #tpu.memory_space<vmem>>) target(%dma_start3A_313 : memref<64xf32, #tpu.memory_space<hbm>>) target_semaphore(%arg26 : memref<!tpu.dma_semaphore, #tpu.memory_space<semaphore_mem>>)
          %add3A_315 = arith.constant 1 : i32
          %add3A_316 = arith.addi %while3A_192, %add3A_315 : i32
          scf.yield %add3A_316 : i32
        }
        scf.yield %while3A_190 : i32
      }
      %eq3A_156 = arith.constant 4 : i32
      %eq3A_157 = arith.cmpi eq, %while3A_149, %eq3A_156 : i32
      %add3A_158 = arith.constant 1 : i32
      %add3A_159 = arith.addi %while3A_149, %add3A_158 : i32
      %jit3A_160 = arith.constant 0 : i32
      %select_n3A_161 = arith.select %eq3A_157, %jit3A_160, %add3A_159 : i32
      scf.yield %cond3A_155, %select_n3A_161 : i32, i32
    }
    %while3A_125 = arith.constant 1 : i32
    %while3A_126:2 = scf.for %while3A_147 = %while3A_122 to %while3A_118 step %while3A_125 iter_args(%while3A_148 = %while3A_124#0, %while3A_149 = %while3A_124#1) -> (i32, i32)  : i32 {
      %clamp3A = arith.constant 0 : i32
      %clamp3A_150 = arith.constant 4 : i32
      %clamp3A_151 = arith.maxsi %while3A_149, %clamp3A : i32
      %clamp3A_152 = arith.minsi %clamp3A_151, %clamp3A_150 : i32
      %cond3A_153 = arith.constant 0 : i32
      %cond3A_154 = arith.cmpi ne, %clamp3A_152, %cond3A_153 : i32
      %cond3A_155 = scf.if %cond3A_154 -> (i32) {
        %cond3A_162 = arith.constant 1 : i32
        %cond3A_163 = arith.subi %clamp3A_152, %cond3A_162 : i32
        %cond3A_164 = arith.constant 0 : i32
        %cond3A_165 = arith.cmpi ne, %cond3A_163, %cond3A_164 : i32
        %cond3A_166 = scf.if %cond3A_165 -> (i32) {
          %cond3A_167 = arith.constant 1 : i32
          %cond3A_168 = arith.subi %cond3A_163, %cond3A_167 : i32
          %cond3A_169 = arith.constant 0 : i32
          %cond3A_170 = arith.cmpi ne, %cond3A_168, %cond3A_169 : i32
          %cond3A_171 = scf.if %cond3A_170 -> (i32) {
            %cond3A_172 = arith.constant 1 : i32
            %cond3A_173 = arith.subi %cond3A_168, %cond3A_172 : i32
            %cond3A_174 = arith.constant 0 : i32
            %cond3A_175 = arith.cmpi ne, %cond3A_173, %cond3A_174 : i32
            %cond3A_176 = scf.if %cond3A_175 -> (i32) {
              %dma_wait3A = arith.constant 0 : i32
              %dma_wait3A_177 = arith.constant 0 : i32
              %dma_wait3A_178 = arith.constant 0 : i32
              %dma_wait3A_179 = tpu.memref_slice %arg3[%dma_wait3A, %dma_wait3A_177, %dma_wait3A_178] : memref<8x8x1000000xf32, #tpu.memory_space<hbm>> -> memref<8x8x128xf32, #tpu.memory_space<hbm>>
              %dma_wait3A_180 = arith.constant 0 : i32
              %dma_wait3A_181 = arith.constant 0 : i32
              %dma_wait3A_182 = arith.constant 0 : i32
              %dma_wait3A_183 = tpu.memref_slice %arg3[%dma_wait3A_180, %dma_wait3A_181, %dma_wait3A_182] : memref<8x8x1000000xf32, #tpu.memory_space<hbm>> -> memref<8x8x128xf32, #tpu.memory_space<hbm>>
              tpu.wait_dma2 semaphore(%arg25 : memref<!tpu.dma_semaphore, #tpu.memory_space<semaphore_mem>>) src(%dma_wait3A_183 : memref<8x8x128xf32, #tpu.memory_space<hbm>>) dst(%arg15 : memref<8x8x128xf32, #tpu.memory_space<vmem>>)
              %add3A_184 = arith.constant 4 : i32
              %add3A_185 = arith.addi %while3A_147, %add3A_184 : i32
              %lt3A_186 = arith.cmpi slt, %add3A_185, %while3A_113 : i32
              %convert_element_type3A_187 = arith.extui %lt3A_186 : i1 to i32
              %cond3A_188 = arith.constant 0 : i32
              %cond3A_189 = arith.cmpi ne, %convert_element_type3A_187, %cond3A_188 : i32
              scf.if %cond3A_189 {
                %add3A_206 = arith.constant 4 : i32
                %add3A_207 = arith.addi %while3A_147, %add3A_206 : i32
                %get3A_208 = arith.index_cast %add3A_207 : i32 to index
                %get3A_209 = memref.load %arg20[%get3A_208] : memref<262xi32, #tpu.memory_space<smem>>
                %add3A_210 = arith.addi %add3A_4, %get3A_209 : i32
                %jit3A_211 = arith.constant 0 : i32
                %jit3A_212 = arith.constant 7811 : i32
                %max3A = arith.maxsi %jit3A_211, %add3A_210 : i32
                %min3A_213 = arith.minsi %jit3A_212, %max3A : i32
                %mul3A_214 = arith.constant 128 : i32
                %mul3A_215 = arith.muli %min3A_213, %mul3A_214 : i32
                %multiple_of3A_216 = tpu.assume_multiple %mul3A_215, 128 : i32
                %dma_start3A_217 = arith.constant 0 : i32
                %dma_start3A_218 = arith.constant 0 : i32
                %dma_start3A_219 = tpu.memref_slice %arg3[%dma_start3A_217, %dma_start3A_218, %multiple_of3A_216] : memref<8x8x1000000xf32, #tpu.memory_space<hbm>> -> memref<8x8x128xf32, #tpu.memory_space<hbm>>
                %dma_start3A_220 = arith.constant 0 : i32
                %dma_start3A_221 = arith.constant 0 : i32
                %dma_start3A_222 = tpu.memref_slice %arg3[%dma_start3A_220, %dma_start3A_221, %multiple_of3A_216] : memref<8x8x1000000xf32, #tpu.memory_space<hbm>> -> memref<8x8x128xf32, #tpu.memory_space<hbm>>
                tpu.enqueue_dma source(%dma_start3A_222 : memref<8x8x128xf32, #tpu.memory_space<hbm>>) target(%arg14 : memref<8x8x128xf32, #tpu.memory_space<vmem>>) target_semaphore(%arg24 : memref<!tpu.dma_semaphore, #tpu.memory_space<semaphore_mem>>)
              } else {
              }
              %get3A = arith.index_cast %while3A_147 : i32 to index
              %get3A_190 = memref.load %arg20[%get3A] : memref<262xi32, #tpu.memory_space<smem>>
              %get3A_191 = arith.index_cast %get3A_190 : i32 to index
              %get3A_192 = memref.load %arg18[%get3A_191] : memref<262xi32, #tpu.memory_space<smem>>
              %get3A_193 = arith.index_cast %get3A_190 : i32 to index
              %get3A_194 = memref.load %arg17[%get3A_193] : memref<262xi32, #tpu.memory_space<smem>>
              %add3A_195 = arith.addi %get3A_192, %get3A_194 : i32
              %while3A_196 = arith.subi %add3A_195, %get3A_192 : i32
              %while3A_197 = arith.addi %get3A_192, %while3A_196 : i32
              %while3A_198 = arith.constant 1 : i32
              %while3A_199 = arith.divsi %while3A_196, %while3A_198 : i32
              %while3A_200 = arith.muli %while3A_199, %while3A_198 : i32
              %while3A_201 = arith.addi %get3A_192, %while3A_200 : i32
              %while3A_202 = arith.constant 1 : i32
              %while3A_203 = scf.for %while3A_206 = %get3A_192 to %while3A_201 step %while3A_202 iter_args(%while3A_207 = %while3A_148) -> (i32)  : i32 {
                %and3A = arith.constant 15 : i32
                %and3A_208 = arith.andi %while3A_207, %and3A : i32
                %eq3A_209 = arith.constant 0 : i32
                %eq3A_210 = arith.cmpi eq, %and3A_208, %eq3A_209 : i32
                %ge3A = arith.constant 16 : i32
                %ge3A_211 = arith.cmpi sge, %while3A_207, %ge3A : i32
                %and3A_212 = arith.andi %eq3A_210, %ge3A_211 : i1
                %convert_element_type3A_213 = arith.extui %and3A_212 : i1 to i32
                %cond3A_214 = arith.constant 0 : i32
                %cond3A_215 = arith.cmpi ne, %convert_element_type3A_213, %cond3A_214 : i32
                scf.if %cond3A_215 {
                  %dma_wait3A_332 = arith.constant 0 : i32
                  %dma_wait3A_333 = tpu.memref_slice %arg5[%dma_wait3A_332] : memref<1048576xf32, #tpu.memory_space<hbm>> -> memref<1024xf32, #tpu.memory_space<hbm>>
                  %dma_wait3A_334 = arith.constant 0 : i32
                  %dma_wait3A_335 = tpu.memref_slice %arg5[%dma_wait3A_334] : memref<1048576xf32, #tpu.memory_space<hbm>> -> memref<1024xf32, #tpu.memory_space<hbm>>
                  tpu.wait_dma2 semaphore(%arg26 : memref<!tpu.dma_semaphore, #tpu.memory_space<semaphore_mem>>) src(%dma_wait3A_335 : memref<1024xf32, #tpu.memory_space<hbm>>) dst(%arg16 : memref<1024xf32, #tpu.memory_space<vmem>>)
                } else {
                }
                %shift_right_logical3A_216 = arith.constant 4 : i32
                %shift_right_logical3A_217 = arith.shrui %while3A_206, %shift_right_logical3A_216 : i32
                %mul3A_218 = arith.constant 16 : i32
                %mul3A_219 = arith.muli %shift_right_logical3A_217, %mul3A_218 : i32
                %get3A_220 = arith.index_cast %mul3A_219 : i32 to index
                %get3A_221 = tpu.vector_load %arg9[%get3A_220] {strides = array<i32>} : memref<16400xi32, #tpu.memory_space<vmem>>, vector<16xi32>,
                %shift_right_logical3A_222 = arith.constant 4 : i32
                %shift_right_logical3A_223 = arith.shrui %while3A_206, %shift_right_logical3A_222 : i32
                %mul3A_224 = arith.constant 16 : i32
                %mul3A_225 = arith.muli %shift_right_logical3A_223, %mul3A_224 : i32
                %get3A_226 = arith.index_cast %mul3A_225 : i32 to index
                %get3A_227 = tpu.vector_load %arg10[%get3A_226] {strides = array<i32>} : memref<16400xi32, #tpu.memory_space<vmem>>, vector<16xi32>,
                %and3A_228 = arith.constant 15 : i32
                %and3A_229 = arith.andi %while3A_206, %and3A_228 : i32
                %broadcast_in_dim3A_230 = vector.broadcast %and3A_229 : i32 to vector<16xi32>
                %lt3A_231 = arith.constant 0 : i32
                %lt3A_232 = vector.broadcast %lt3A_231 : i32 to vector<16xi32>
                %lt3A_233 = arith.cmpi slt, %broadcast_in_dim3A_230, %lt3A_232 : vector<16xi32>
                %add3A_234 = arith.constant 16 : i32
                %add3A_235 = vector.broadcast %add3A_234 : i32 to vector<16xi32>
                %add3A_236 = arith.addi %broadcast_in_dim3A_230, %add3A_235 : vector<16xi32>
                %select_n3A_237 = arith.select %lt3A_233, %add3A_236, %broadcast_in_dim3A_230 : vector<16xi1>, vector<16xi32>
                %reshape3A = vector.shape_cast %select_n3A_237 : vector<16xi32> to vector<16x1xi32>
                %gather3A = vector.shape_cast %reshape3A : vector<16x1xi32> to vector<16xi32>
                %gather3A_238 = tpu.dynamic_gather %get3A_221[%gather3A] in [0] : vector<16xi32>, vector<16xi32> -> vector<16xi32>
                %and3A_239 = arith.constant 127 : i32
                %and3A_240 = vector.broadcast %and3A_239 : i32 to vector<16xi32>
                %and3A_241 = arith.andi %gather3A_238, %and3A_240 : vector<16xi32>
                %lt3A_242 = arith.constant 0 : i32
                %lt3A_243 = vector.broadcast %lt3A_242 : i32 to vector<16xi32>
                %lt3A_244 = arith.cmpi slt, %broadcast_in_dim3A_230, %lt3A_243 : vector<16xi32>
                %add3A_245 = arith.constant 16 : i32
                %add3A_246 = vector.broadcast %add3A_245 : i32 to vector<16xi32>
                %add3A_247 = arith.addi %broadcast_in_dim3A_230, %add3A_246 : vector<16xi32>
                %select_n3A_248 = arith.select %lt3A_244, %add3A_247, %broadcast_in_dim3A_230 : vector<16xi1>, vector<16xi32>
                %reshape3A_249 = vector.shape_cast %select_n3A_248 : vector<16xi32> to vector<16x1xi32>
                %gather3A_250 = vector.shape_cast %reshape3A_249 : vector<16x1xi32> to vector<16xi32>
                %gather3A_251 = tpu.dynamic_gather %get3A_227[%gather3A_250] in [0] : vector<16xi32>, vector<16xi32> -> vector<16xi32>
                %reduce_max3A = arith.constant true
                %reduce_max3A_252 = vector.broadcast %reduce_max3A : i1 to vector<16xi1>
                %reduce_max3A_253 = arith.constant -2147483648 : i32
                %reduce_max3A_254 = vector.broadcast %reduce_max3A_253 : i32 to vector<16xi32>
                %reduce_max3A_255 = arith.xori %gather3A_251, %reduce_max3A_254 : vector<16xi32>
                %reduce_max3A_256 = tpu.scan <max>, %reduce_max3A_255 masked %reduce_max3A_252 : vector<16xi32>, vector<16xi1> -> vector<16xi32>
                %reduce_max3A_257 = arith.xori %reduce_max3A_256, %reduce_max3A_254 : vector<16xi32>
                %reduce_max3A_258 = vector.extract %reduce_max3A_257[15] : i32 from vector<16xi32>
                %add3A_259 = arith.constant 0 : i32
                %add3A_260 = vector.broadcast %add3A_259 : i32 to vector<16xi32>
                %add3A_261 = arith.addi %iota3A, %add3A_260 : vector<16xi32>
                %shift_right_logical3A_262 = arith.constant 3 : i32
                %shift_right_logical3A_263 = vector.broadcast %shift_right_logical3A_262 : i32 to vector<16xi32>
                %shift_right_logical3A_264 = arith.shrui %add3A_261, %shift_right_logical3A_263 : vector<16xi32>
                %and3A_265 = arith.constant 7 : i32
                %and3A_266 = vector.broadcast %and3A_265 : i32 to vector<16xi32>
                %and3A_267 = arith.andi %add3A_261, %and3A_266 : vector<16xi32>
                %gather3A_268 = tpu.vector_load_idx %arg15[%shift_right_logical3A_264, %and3A_267, %and3A_241] : memref<8x8x128xf32, #tpu.memory_space<vmem>>[vector<16xi32>, vector<16xi32>, vector<16xi32>], vector<16xf32>,
                %mul3A_269 = arith.constant 64 : i32
                %mul3A_270 = arith.muli %and3A_208, %mul3A_269 : i32
                %add3A_271 = arith.constant 0 : i32
                %add3A_272 = arith.addi %mul3A_270, %add3A_271 : i32
                %swap3A = arith.index_cast %add3A_272 : i32 to index
                %swap3A_273 = tpu.vector_load %arg16[%swap3A] {strides = array<i32>} : memref<1024xf32, #tpu.memory_space<vmem>>, vector<16xf32>,
                tpu.vector_store %arg16[%swap3A], %gather3A_268 {strides = array<i32>} : memref<1024xf32, #tpu.memory_space<vmem>>, vector<16xf32>,
                %add3A_274 = arith.constant 16 : i32
                %add3A_275 = vector.broadcast %add3A_274 : i32 to vector<16xi32>
                %add3A_276 = arith.addi %iota3A, %add3A_275 : vector<16xi32>
                %shift_right_logical3A_277 = arith.constant 3 : i32
                %shift_right_logical3A_278 = vector.broadcast %shift_right_logical3A_277 : i32 to vector<16xi32>
                %shift_right_logical3A_279 = arith.shrui %add3A_276, %shift_right_logical3A_278 : vector<16xi32>
                %and3A_280 = arith.constant 7 : i32
                %and3A_281 = vector.broadcast %and3A_280 : i32 to vector<16xi32>
                %and3A_282 = arith.andi %add3A_276, %and3A_281 : vector<16xi32>
                %gather3A_283 = tpu.vector_load_idx %arg15[%shift_right_logical3A_279, %and3A_282, %and3A_241] : memref<8x8x128xf32, #tpu.memory_space<vmem>>[vector<16xi32>, vector<16xi32>, vector<16xi32>], vector<16xf32>,
                %mul3A_284 = arith.constant 64 : i32
                %mul3A_285 = arith.muli %and3A_208, %mul3A_284 : i32
                %add3A_286 = arith.constant 16 : i32
                %add3A_287 = arith.addi %mul3A_285, %add3A_286 : i32
                %swap3A_288 = arith.index_cast %add3A_287 : i32 to index
                %swap3A_289 = tpu.vector_load %arg16[%swap3A_288] {strides = array<i32>} : memref<1024xf32, #tpu.memory_space<vmem>>, vector<16xf32>,
                tpu.vector_store %arg16[%swap3A_288], %gather3A_283 {strides = array<i32>} : memref<1024xf32, #tpu.memory_space<vmem>>, vector<16xf32>,
                %add3A_290 = arith.constant 32 : i32
                %add3A_291 = vector.broadcast %add3A_290 : i32 to vector<16xi32>
                %add3A_292 = arith.addi %iota3A, %add3A_291 : vector<16xi32>
                %shift_right_logical3A_293 = arith.constant 3 : i32
                %shift_right_logical3A_294 = vector.broadcast %shift_right_logical3A_293 : i32 to vector<16xi32>
                %shift_right_logical3A_295 = arith.shrui %add3A_292, %shift_right_logical3A_294 : vector<16xi32>
                %and3A_296 = arith.constant 7 : i32
                %and3A_297 = vector.broadcast %and3A_296 : i32 to vector<16xi32>
                %and3A_298 = arith.andi %add3A_292, %and3A_297 : vector<16xi32>
                %gather3A_299 = tpu.vector_load_idx %arg15[%shift_right_logical3A_295, %and3A_298, %and3A_241] : memref<8x8x128xf32, #tpu.memory_space<vmem>>[vector<16xi32>, vector<16xi32>, vector<16xi32>], vector<16xf32>,
                %mul3A_300 = arith.constant 64 : i32
                %mul3A_301 = arith.muli %and3A_208, %mul3A_300 : i32
                %add3A_302 = arith.constant 32 : i32
                %add3A_303 = arith.addi %mul3A_301, %add3A_302 : i32
                %swap3A_304 = arith.index_cast %add3A_303 : i32 to index
                %swap3A_305 = tpu.vector_load %arg16[%swap3A_304] {strides = array<i32>} : memref<1024xf32, #tpu.memory_space<vmem>>, vector<16xf32>,
                tpu.vector_store %arg16[%swap3A_304], %gather3A_299 {strides = array<i32>} : memref<1024xf32, #tpu.memory_space<vmem>>, vector<16xf32>,
                %add3A_306 = arith.constant 48 : i32
                %add3A_307 = vector.broadcast %add3A_306 : i32 to vector<16xi32>
                %add3A_308 = arith.addi %iota3A, %add3A_307 : vector<16xi32>
                %shift_right_logical3A_309 = arith.constant 3 : i32
                %shift_right_logical3A_310 = vector.broadcast %shift_right_logical3A_309 : i32 to vector<16xi32>
                %shift_right_logical3A_311 = arith.shrui %add3A_308, %shift_right_logical3A_310 : vector<16xi32>
                %and3A_312 = arith.constant 7 : i32
                %and3A_313 = vector.broadcast %and3A_312 : i32 to vector<16xi32>
                %and3A_314 = arith.andi %add3A_308, %and3A_313 : vector<16xi32>
                %gather3A_315 = tpu.vector_load_idx %arg15[%shift_right_logical3A_311, %and3A_314, %and3A_241] : memref<8x8x128xf32, #tpu.memory_space<vmem>>[vector<16xi32>, vector<16xi32>, vector<16xi32>], vector<16xf32>,
                %mul3A_316 = arith.constant 64 : i32
                %mul3A_317 = arith.muli %and3A_208, %mul3A_316 : i32
                %add3A_318 = arith.constant 48 : i32
                %add3A_319 = arith.addi %mul3A_317, %add3A_318 : i32
                %swap3A_320 = arith.index_cast %add3A_319 : i32 to index
                %swap3A_321 = tpu.vector_load %arg16[%swap3A_320] {strides = array<i32>} : memref<1024xf32, #tpu.memory_space<vmem>>, vector<16xf32>,
                tpu.vector_store %arg16[%swap3A_320], %gather3A_315 {strides = array<i32>} : memref<1024xf32, #tpu.memory_space<vmem>>, vector<16xf32>,
                %mul3A_322 = arith.constant 64 : i32
                %mul3A_323 = arith.muli %and3A_208, %mul3A_322 : i32
                %mul3A_324 = arith.constant 64 : i32
                %mul3A_325 = arith.muli %reduce_max3A_258, %mul3A_324 : i32
                %dma_start3A_326 = tpu.memref_slice %arg16[%mul3A_323] : memref<1024xf32, #tpu.memory_space<vmem>> -> memref<64xf32, #tpu.memory_space<vmem>>
                %dma_start3A_327 = tpu.memref_slice %arg5[%mul3A_325] : memref<1048576xf32, #tpu.memory_space<hbm>> -> memref<64xf32, #tpu.memory_space<hbm>>
                %dma_start3A_328 = tpu.memref_slice %arg5[%mul3A_325] : memref<1048576xf32, #tpu.memory_space<hbm>> -> memref<64xf32, #tpu.memory_space<hbm>>
                %dma_start3A_329 = tpu.memref_slice %arg16[%mul3A_323] : memref<1024xf32, #tpu.memory_space<vmem>> -> memref<64xf32, #tpu.memory_space<vmem>>
                tpu.enqueue_dma source(%dma_start3A_329 : memref<64xf32, #tpu.memory_space<vmem>>) target(%dma_start3A_328 : memref<64xf32, #tpu.memory_space<hbm>>) target_semaphore(%arg26 : memref<!tpu.dma_semaphore, #tpu.memory_space<semaphore_mem>>)
                %add3A_330 = arith.constant 1 : i32
                %add3A_331 = arith.addi %while3A_207, %add3A_330 : i32
                scf.yield %add3A_331 : i32
              }
              %while3A_204 = arith.constant 1 : i32
              %while3A_205 = scf.for %while3A_206 = %while3A_201 to %while3A_197 step %while3A_204 iter_args(%while3A_207 = %while3A_203) -> (i32)  : i32 {
                %and3A = arith.constant 15 : i32
                %and3A_208 = arith.andi %while3A_207, %and3A : i32
                %eq3A_209 = arith.constant 0 : i32
                %eq3A_210 = arith.cmpi eq, %and3A_208, %eq3A_209 : i32
                %ge3A = arith.constant 16 : i32
                %ge3A_211 = arith.cmpi sge, %while3A_207, %ge3A : i32
                %and3A_212 = arith.andi %eq3A_210, %ge3A_211 : i1
                %convert_element_type3A_213 = arith.extui %and3A_212 : i1 to i32
                %cond3A_214 = arith.constant 0 : i32
                %cond3A_215 = arith.cmpi ne, %convert_element_type3A_213, %cond3A_214 : i32
                scf.if %cond3A_215 {
                  %dma_wait3A_332 = arith.constant 0 : i32
                  %dma_wait3A_333 = tpu.memref_slice %arg5[%dma_wait3A_332] : memref<1048576xf32, #tpu.memory_space<hbm>> -> memref<1024xf32, #tpu.memory_space<hbm>>
                  %dma_wait3A_334 = arith.constant 0 : i32
                  %dma_wait3A_335 = tpu.memref_slice %arg5[%dma_wait3A_334] : memref<1048576xf32, #tpu.memory_space<hbm>> -> memref<1024xf32, #tpu.memory_space<hbm>>
                  tpu.wait_dma2 semaphore(%arg26 : memref<!tpu.dma_semaphore, #tpu.memory_space<semaphore_mem>>) src(%dma_wait3A_335 : memref<1024xf32, #tpu.memory_space<hbm>>) dst(%arg16 : memref<1024xf32, #tpu.memory_space<vmem>>)
                } else {
                }
                %shift_right_logical3A_216 = arith.constant 4 : i32
                %shift_right_logical3A_217 = arith.shrui %while3A_206, %shift_right_logical3A_216 : i32
                %mul3A_218 = arith.constant 16 : i32
                %mul3A_219 = arith.muli %shift_right_logical3A_217, %mul3A_218 : i32
                %get3A_220 = arith.index_cast %mul3A_219 : i32 to index
                %get3A_221 = tpu.vector_load %arg9[%get3A_220] {strides = array<i32>} : memref<16400xi32, #tpu.memory_space<vmem>>, vector<16xi32>,
                %shift_right_logical3A_222 = arith.constant 4 : i32
                %shift_right_logical3A_223 = arith.shrui %while3A_206, %shift_right_logical3A_222 : i32
                %mul3A_224 = arith.constant 16 : i32
                %mul3A_225 = arith.muli %shift_right_logical3A_223, %mul3A_224 : i32
                %get3A_226 = arith.index_cast %mul3A_225 : i32 to index
                %get3A_227 = tpu.vector_load %arg10[%get3A_226] {strides = array<i32>} : memref<16400xi32, #tpu.memory_space<vmem>>, vector<16xi32>,
                %and3A_228 = arith.constant 15 : i32
                %and3A_229 = arith.andi %while3A_206, %and3A_228 : i32
                %broadcast_in_dim3A_230 = vector.broadcast %and3A_229 : i32 to vector<16xi32>
                %lt3A_231 = arith.constant 0 : i32
                %lt3A_232 = vector.broadcast %lt3A_231 : i32 to vector<16xi32>
                %lt3A_233 = arith.cmpi slt, %broadcast_in_dim3A_230, %lt3A_232 : vector<16xi32>
                %add3A_234 = arith.constant 16 : i32
                %add3A_235 = vector.broadcast %add3A_234 : i32 to vector<16xi32>
                %add3A_236 = arith.addi %broadcast_in_dim3A_230, %add3A_235 : vector<16xi32>
                %select_n3A_237 = arith.select %lt3A_233, %add3A_236, %broadcast_in_dim3A_230 : vector<16xi1>, vector<16xi32>
                %reshape3A = vector.shape_cast %select_n3A_237 : vector<16xi32> to vector<16x1xi32>
                %gather3A = vector.shape_cast %reshape3A : vector<16x1xi32> to vector<16xi32>
                %gather3A_238 = tpu.dynamic_gather %get3A_221[%gather3A] in [0] : vector<16xi32>, vector<16xi32> -> vector<16xi32>
                %and3A_239 = arith.constant 127 : i32
                %and3A_240 = vector.broadcast %and3A_239 : i32 to vector<16xi32>
                %and3A_241 = arith.andi %gather3A_238, %and3A_240 : vector<16xi32>
                %lt3A_242 = arith.constant 0 : i32
                %lt3A_243 = vector.broadcast %lt3A_242 : i32 to vector<16xi32>
                %lt3A_244 = arith.cmpi slt, %broadcast_in_dim3A_230, %lt3A_243 : vector<16xi32>
                %add3A_245 = arith.constant 16 : i32
                %add3A_246 = vector.broadcast %add3A_245 : i32 to vector<16xi32>
                %add3A_247 = arith.addi %broadcast_in_dim3A_230, %add3A_246 : vector<16xi32>
                %select_n3A_248 = arith.select %lt3A_244, %add3A_247, %broadcast_in_dim3A_230 : vector<16xi1>, vector<16xi32>
                %reshape3A_249 = vector.shape_cast %select_n3A_248 : vector<16xi32> to vector<16x1xi32>
                %gather3A_250 = vector.shape_cast %reshape3A_249 : vector<16x1xi32> to vector<16xi32>
                %gather3A_251 = tpu.dynamic_gather %get3A_227[%gather3A_250] in [0] : vector<16xi32>, vector<16xi32> -> vector<16xi32>
                %reduce_max3A = arith.constant true
                %reduce_max3A_252 = vector.broadcast %reduce_max3A : i1 to vector<16xi1>
                %reduce_max3A_253 = arith.constant -2147483648 : i32
                %reduce_max3A_254 = vector.broadcast %reduce_max3A_253 : i32 to vector<16xi32>
                %reduce_max3A_255 = arith.xori %gather3A_251, %reduce_max3A_254 : vector<16xi32>
                %reduce_max3A_256 = tpu.scan <max>, %reduce_max3A_255 masked %reduce_max3A_252 : vector<16xi32>, vector<16xi1> -> vector<16xi32>
                %reduce_max3A_257 = arith.xori %reduce_max3A_256, %reduce_max3A_254 : vector<16xi32>
                %reduce_max3A_258 = vector.extract %reduce_max3A_257[15] : i32 from vector<16xi32>
                %add3A_259 = arith.constant 0 : i32
                %add3A_260 = vector.broadcast %add3A_259 : i32 to vector<16xi32>
                %add3A_261 = arith.addi %iota3A, %add3A_260 : vector<16xi32>
                %shift_right_logical3A_262 = arith.constant 3 : i32
                %shift_right_logical3A_263 = vector.broadcast %shift_right_logical3A_262 : i32 to vector<16xi32>
                %shift_right_logical3A_264 = arith.shrui %add3A_261, %shift_right_logical3A_263 : vector<16xi32>
                %and3A_265 = arith.constant 7 : i32
                %and3A_266 = vector.broadcast %and3A_265 : i32 to vector<16xi32>
                %and3A_267 = arith.andi %add3A_261, %and3A_266 : vector<16xi32>
                %gather3A_268 = tpu.vector_load_idx %arg15[%shift_right_logical3A_264, %and3A_267, %and3A_241] : memref<8x8x128xf32, #tpu.memory_space<vmem>>[vector<16xi32>, vector<16xi32>, vector<16xi32>], vector<16xf32>,
                %mul3A_269 = arith.constant 64 : i32
                %mul3A_270 = arith.muli %and3A_208, %mul3A_269 : i32
                %add3A_271 = arith.constant 0 : i32
                %add3A_272 = arith.addi %mul3A_270, %add3A_271 : i32
                %swap3A = arith.index_cast %add3A_272 : i32 to index
                %swap3A_273 = tpu.vector_load %arg16[%swap3A] {strides = array<i32>} : memref<1024xf32, #tpu.memory_space<vmem>>, vector<16xf32>,
                tpu.vector_store %arg16[%swap3A], %gather3A_268 {strides = array<i32>} : memref<1024xf32, #tpu.memory_space<vmem>>, vector<16xf32>,
                %add3A_274 = arith.constant 16 : i32
                %add3A_275 = vector.broadcast %add3A_274 : i32 to vector<16xi32>
                %add3A_276 = arith.addi %iota3A, %add3A_275 : vector<16xi32>
                %shift_right_logical3A_277 = arith.constant 3 : i32
                %shift_right_logical3A_278 = vector.broadcast %shift_right_logical3A_277 : i32 to vector<16xi32>
                %shift_right_logical3A_279 = arith.shrui %add3A_276, %shift_right_logical3A_278 : vector<16xi32>
                %and3A_280 = arith.constant 7 : i32
                %and3A_281 = vector.broadcast %and3A_280 : i32 to vector<16xi32>
                %and3A_282 = arith.andi %add3A_276, %and3A_281 : vector<16xi32>
                %gather3A_283 = tpu.vector_load_idx %arg15[%shift_right_logical3A_279, %and3A_282, %and3A_241] : memref<8x8x128xf32, #tpu.memory_space<vmem>>[vector<16xi32>, vector<16xi32>, vector<16xi32>], vector<16xf32>,
                %mul3A_284 = arith.constant 64 : i32
                %mul3A_285 = arith.muli %and3A_208, %mul3A_284 : i32
                %add3A_286 = arith.constant 16 : i32
                %add3A_287 = arith.addi %mul3A_285, %add3A_286 : i32
                %swap3A_288 = arith.index_cast %add3A_287 : i32 to index
                %swap3A_289 = tpu.vector_load %arg16[%swap3A_288] {strides = array<i32>} : memref<1024xf32, #tpu.memory_space<vmem>>, vector<16xf32>,
                tpu.vector_store %arg16[%swap3A_288], %gather3A_283 {strides = array<i32>} : memref<1024xf32, #tpu.memory_space<vmem>>, vector<16xf32>,
                %add3A_290 = arith.constant 32 : i32
                %add3A_291 = vector.broadcast %add3A_290 : i32 to vector<16xi32>
                %add3A_292 = arith.addi %iota3A, %add3A_291 : vector<16xi32>
                %shift_right_logical3A_293 = arith.constant 3 : i32
                %shift_right_logical3A_294 = vector.broadcast %shift_right_logical3A_293 : i32 to vector<16xi32>
                %shift_right_logical3A_295 = arith.shrui %add3A_292, %shift_right_logical3A_294 : vector<16xi32>
                %and3A_296 = arith.constant 7 : i32
                %and3A_297 = vector.broadcast %and3A_296 : i32 to vector<16xi32>
                %and3A_298 = arith.andi %add3A_292, %and3A_297 : vector<16xi32>
                %gather3A_299 = tpu.vector_load_idx %arg15[%shift_right_logical3A_295, %and3A_298, %and3A_241] : memref<8x8x128xf32, #tpu.memory_space<vmem>>[vector<16xi32>, vector<16xi32>, vector<16xi32>], vector<16xf32>,
                %mul3A_300 = arith.constant 64 : i32
                %mul3A_301 = arith.muli %and3A_208, %mul3A_300 : i32
                %add3A_302 = arith.constant 32 : i32
                %add3A_303 = arith.addi %mul3A_301, %add3A_302 : i32
                %swap3A_304 = arith.index_cast %add3A_303 : i32 to index
                %swap3A_305 = tpu.vector_load %arg16[%swap3A_304] {strides = array<i32>} : memref<1024xf32, #tpu.memory_space<vmem>>, vector<16xf32>,
                tpu.vector_store %arg16[%swap3A_304], %gather3A_299 {strides = array<i32>} : memref<1024xf32, #tpu.memory_space<vmem>>, vector<16xf32>,
                %add3A_306 = arith.constant 48 : i32
                %add3A_307 = vector.broadcast %add3A_306 : i32 to vector<16xi32>
                %add3A_308 = arith.addi %iota3A, %add3A_307 : vector<16xi32>
                %shift_right_logical3A_309 = arith.constant 3 : i32
                %shift_right_logical3A_310 = vector.broadcast %shift_right_logical3A_309 : i32 to vector<16xi32>
                %shift_right_logical3A_311 = arith.shrui %add3A_308, %shift_right_logical3A_310 : vector<16xi32>
                %and3A_312 = arith.constant 7 : i32
                %and3A_313 = vector.broadcast %and3A_312 : i32 to vector<16xi32>
                %and3A_314 = arith.andi %add3A_308, %and3A_313 : vector<16xi32>
                %gather3A_315 = tpu.vector_load_idx %arg15[%shift_right_logical3A_311, %and3A_314, %and3A_241] : memref<8x8x128xf32, #tpu.memory_space<vmem>>[vector<16xi32>, vector<16xi32>, vector<16xi32>], vector<16xf32>,
                %mul3A_316 = arith.constant 64 : i32
                %mul3A_317 = arith.muli %and3A_208, %mul3A_316 : i32
                %add3A_318 = arith.constant 48 : i32
                %add3A_319 = arith.addi %mul3A_317, %add3A_318 : i32
                %swap3A_320 = arith.index_cast %add3A_319 : i32 to index
                %swap3A_321 = tpu.vector_load %arg16[%swap3A_320] {strides = array<i32>} : memref<1024xf32, #tpu.memory_space<vmem>>, vector<16xf32>,
                tpu.vector_store %arg16[%swap3A_320], %gather3A_315 {strides = array<i32>} : memref<1024xf32, #tpu.memory_space<vmem>>, vector<16xf32>,
                %mul3A_322 = arith.constant 64 : i32
                %mul3A_323 = arith.muli %and3A_208, %mul3A_322 : i32
                %mul3A_324 = arith.constant 64 : i32
                %mul3A_325 = arith.muli %reduce_max3A_258, %mul3A_324 : i32
                %dma_start3A_326 = tpu.memref_slice %arg16[%mul3A_323] : memref<1024xf32, #tpu.memory_space<vmem>> -> memref<64xf32, #tpu.memory_space<vmem>>
                %dma_start3A_327 = tpu.memref_slice %arg5[%mul3A_325] : memref<1048576xf32, #tpu.memory_space<hbm>> -> memref<64xf32, #tpu.memory_space<hbm>>
                %dma_start3A_328 = tpu.memref_slice %arg5[%mul3A_325] : memref<1048576xf32, #tpu.memory_space<hbm>> -> memref<64xf32, #tpu.memory_space<hbm>>
                %dma_start3A_329 = tpu.memref_slice %arg16[%mul3A_323] : memref<1024xf32, #tpu.memory_space<vmem>> -> memref<64xf32, #tpu.memory_space<vmem>>
                tpu.enqueue_dma source(%dma_start3A_329 : memref<64xf32, #tpu.memory_space<vmem>>) target(%dma_start3A_328 : memref<64xf32, #tpu.memory_space<hbm>>) target_semaphore(%arg26 : memref<!tpu.dma_semaphore, #tpu.memory_space<semaphore_mem>>)
                %add3A_330 = arith.constant 1 : i32
                %add3A_331 = arith.addi %while3A_207, %add3A_330 : i32
                scf.yield %add3A_331 : i32
              }
              scf.yield %while3A_205 : i32
            } else {
              %dma_wait3A = arith.constant 0 : i32
              %dma_wait3A_177 = arith.constant 0 : i32
              %dma_wait3A_178 = arith.constant 0 : i32
              %dma_wait3A_179 = tpu.memref_slice %arg3[%dma_wait3A, %dma_wait3A_177, %dma_wait3A_178] : memref<8x8x1000000xf32, #tpu.memory_space<hbm>> -> memref<8x8x128xf32, #tpu.memory_space<hbm>>
              %dma_wait3A_180 = arith.constant 0 : i32
              %dma_wait3A_181 = arith.constant 0 : i32
              %dma_wait3A_182 = arith.constant 0 : i32
              %dma_wait3A_183 = tpu.memref_slice %arg3[%dma_wait3A_180, %dma_wait3A_181, %dma_wait3A_182] : memref<8x8x1000000xf32, #tpu.memory_space<hbm>> -> memref<8x8x128xf32, #tpu.memory_space<hbm>>
              tpu.wait_dma2 semaphore(%arg24 : memref<!tpu.dma_semaphore, #tpu.memory_space<semaphore_mem>>) src(%dma_wait3A_183 : memref<8x8x128xf32, #tpu.memory_space<hbm>>) dst(%arg14 : memref<8x8x128xf32, #tpu.memory_space<vmem>>)
              %add3A_184 = arith.constant 4 : i32
              %add3A_185 = arith.addi %while3A_147, %add3A_184 : i32
              %lt3A_186 = arith.cmpi slt, %add3A_185, %while3A_113 : i32
              %convert_element_type3A_187 = arith.extui %lt3A_186 : i1 to i32
              %cond3A_188 = arith.constant 0 : i32
              %cond3A_189 = arith.cmpi ne, %convert_element_type3A_187, %cond3A_188 : i32
              scf.if %cond3A_189 {
                %add3A_206 = arith.constant 4 : i32
                %add3A_207 = arith.addi %while3A_147, %add3A_206 : i32
                %get3A_208 = arith.index_cast %add3A_207 : i32 to index
                %get3A_209 = memref.load %arg20[%get3A_208] : memref<262xi32, #tpu.memory_space<smem>>
                %add3A_210 = arith.addi %add3A_4, %get3A_209 : i32
                %jit3A_211 = arith.constant 0 : i32
                %jit3A_212 = arith.constant 7811 : i32
                %max3A = arith.maxsi %jit3A_211, %add3A_210 : i32
                %min3A_213 = arith.minsi %jit3A_212, %max3A : i32
                %mul3A_214 = arith.constant 128 : i32
                %mul3A_215 = arith.muli %min3A_213, %mul3A_214 : i32
                %multiple_of3A_216 = tpu.assume_multiple %mul3A_215, 128 : i32
                %dma_start3A_217 = arith.constant 0 : i32
                %dma_start3A_218 = arith.constant 0 : i32
                %dma_start3A_219 = tpu.memref_slice %arg3[%dma_start3A_217, %dma_start3A_218, %multiple_of3A_216] : memref<8x8x1000000xf32, #tpu.memory_space<hbm>> -> memref<8x8x128xf32, #tpu.memory_space<hbm>>
                %dma_start3A_220 = arith.constant 0 : i32
                %dma_start3A_221 = arith.constant 0 : i32
                %dma_start3A_222 = tpu.memref_slice %arg3[%dma_start3A_220, %dma_start3A_221, %multiple_of3A_216] : memref<8x8x1000000xf32, #tpu.memory_space<hbm>> -> memref<8x8x128xf32, #tpu.memory_space<hbm>>
                tpu.enqueue_dma source(%dma_start3A_222 : memref<8x8x128xf32, #tpu.memory_space<hbm>>) target(%arg13 : memref<8x8x128xf32, #tpu.memory_space<vmem>>) target_semaphore(%arg23 : memref<!tpu.dma_semaphore, #tpu.memory_space<semaphore_mem>>)
              } else {
              }
              %get3A = arith.index_cast %while3A_147 : i32 to index
              %get3A_190 = memref.load %arg20[%get3A] : memref<262xi32, #tpu.memory_space<smem>>
              %get3A_191 = arith.index_cast %get3A_190 : i32 to index
              %get3A_192 = memref.load %arg18[%get3A_191] : memref<262xi32, #tpu.memory_space<smem>>
              %get3A_193 = arith.index_cast %get3A_190 : i32 to index
              %get3A_194 = memref.load %arg17[%get3A_193] : memref<262xi32, #tpu.memory_space<smem>>
              %add3A_195 = arith.addi %get3A_192, %get3A_194 : i32
              %while3A_196 = arith.subi %add3A_195, %get3A_192 : i32
              %while3A_197 = arith.addi %get3A_192, %while3A_196 : i32
              %while3A_198 = arith.constant 1 : i32
              %while3A_199 = arith.divsi %while3A_196, %while3A_198 : i32
              %while3A_200 = arith.muli %while3A_199, %while3A_198 : i32
              %while3A_201 = arith.addi %get3A_192, %while3A_200 : i32
              %while3A_202 = arith.constant 1 : i32
              %while3A_203 = scf.for %while3A_206 = %get3A_192 to %while3A_201 step %while3A_202 iter_args(%while3A_207 = %while3A_148) -> (i32)  : i32 {
                %and3A = arith.constant 15 : i32
                %and3A_208 = arith.andi %while3A_207, %and3A : i32
                %eq3A_209 = arith.constant 0 : i32
                %eq3A_210 = arith.cmpi eq, %and3A_208, %eq3A_209 : i32
                %ge3A = arith.constant 16 : i32
                %ge3A_211 = arith.cmpi sge, %while3A_207, %ge3A : i32
                %and3A_212 = arith.andi %eq3A_210, %ge3A_211 : i1
                %convert_element_type3A_213 = arith.extui %and3A_212 : i1 to i32
                %cond3A_214 = arith.constant 0 : i32
                %cond3A_215 = arith.cmpi ne, %convert_element_type3A_213, %cond3A_214 : i32
                scf.if %cond3A_215 {
                  %dma_wait3A_332 = arith.constant 0 : i32
                  %dma_wait3A_333 = tpu.memref_slice %arg5[%dma_wait3A_332] : memref<1048576xf32, #tpu.memory_space<hbm>> -> memref<1024xf32, #tpu.memory_space<hbm>>
                  %dma_wait3A_334 = arith.constant 0 : i32
                  %dma_wait3A_335 = tpu.memref_slice %arg5[%dma_wait3A_334] : memref<1048576xf32, #tpu.memory_space<hbm>> -> memref<1024xf32, #tpu.memory_space<hbm>>
                  tpu.wait_dma2 semaphore(%arg26 : memref<!tpu.dma_semaphore, #tpu.memory_space<semaphore_mem>>) src(%dma_wait3A_335 : memref<1024xf32, #tpu.memory_space<hbm>>) dst(%arg16 : memref<1024xf32, #tpu.memory_space<vmem>>)
                } else {
                }
                %shift_right_logical3A_216 = arith.constant 4 : i32
                %shift_right_logical3A_217 = arith.shrui %while3A_206, %shift_right_logical3A_216 : i32
                %mul3A_218 = arith.constant 16 : i32
                %mul3A_219 = arith.muli %shift_right_logical3A_217, %mul3A_218 : i32
                %get3A_220 = arith.index_cast %mul3A_219 : i32 to index
                %get3A_221 = tpu.vector_load %arg9[%get3A_220] {strides = array<i32>} : memref<16400xi32, #tpu.memory_space<vmem>>, vector<16xi32>,
                %shift_right_logical3A_222 = arith.constant 4 : i32
                %shift_right_logical3A_223 = arith.shrui %while3A_206, %shift_right_logical3A_222 : i32
                %mul3A_224 = arith.constant 16 : i32
                %mul3A_225 = arith.muli %shift_right_logical3A_223, %mul3A_224 : i32
                %get3A_226 = arith.index_cast %mul3A_225 : i32 to index
                %get3A_227 = tpu.vector_load %arg10[%get3A_226] {strides = array<i32>} : memref<16400xi32, #tpu.memory_space<vmem>>, vector<16xi32>,
                %and3A_228 = arith.constant 15 : i32
                %and3A_229 = arith.andi %while3A_206, %and3A_228 : i32
                %broadcast_in_dim3A_230 = vector.broadcast %and3A_229 : i32 to vector<16xi32>
                %lt3A_231 = arith.constant 0 : i32
                %lt3A_232 = vector.broadcast %lt3A_231 : i32 to vector<16xi32>
                %lt3A_233 = arith.cmpi slt, %broadcast_in_dim3A_230, %lt3A_232 : vector<16xi32>
                %add3A_234 = arith.constant 16 : i32
                %add3A_235 = vector.broadcast %add3A_234 : i32 to vector<16xi32>
                %add3A_236 = arith.addi %broadcast_in_dim3A_230, %add3A_235 : vector<16xi32>
                %select_n3A_237 = arith.select %lt3A_233, %add3A_236, %broadcast_in_dim3A_230 : vector<16xi1>, vector<16xi32>
                %reshape3A = vector.shape_cast %select_n3A_237 : vector<16xi32> to vector<16x1xi32>
                %gather3A = vector.shape_cast %reshape3A : vector<16x1xi32> to vector<16xi32>
                %gather3A_238 = tpu.dynamic_gather %get3A_221[%gather3A] in [0] : vector<16xi32>, vector<16xi32> -> vector<16xi32>
                %and3A_239 = arith.constant 127 : i32
                %and3A_240 = vector.broadcast %and3A_239 : i32 to vector<16xi32>
                %and3A_241 = arith.andi %gather3A_238, %and3A_240 : vector<16xi32>
                %lt3A_242 = arith.constant 0 : i32
                %lt3A_243 = vector.broadcast %lt3A_242 : i32 to vector<16xi32>
                %lt3A_244 = arith.cmpi slt, %broadcast_in_dim3A_230, %lt3A_243 : vector<16xi32>
                %add3A_245 = arith.constant 16 : i32
                %add3A_246 = vector.broadcast %add3A_245 : i32 to vector<16xi32>
                %add3A_247 = arith.addi %broadcast_in_dim3A_230, %add3A_246 : vector<16xi32>
                %select_n3A_248 = arith.select %lt3A_244, %add3A_247, %broadcast_in_dim3A_230 : vector<16xi1>, vector<16xi32>
                %reshape3A_249 = vector.shape_cast %select_n3A_248 : vector<16xi32> to vector<16x1xi32>
                %gather3A_250 = vector.shape_cast %reshape3A_249 : vector<16x1xi32> to vector<16xi32>
                %gather3A_251 = tpu.dynamic_gather %get3A_227[%gather3A_250] in [0] : vector<16xi32>, vector<16xi32> -> vector<16xi32>
                %reduce_max3A = arith.constant true
                %reduce_max3A_252 = vector.broadcast %reduce_max3A : i1 to vector<16xi1>
                %reduce_max3A_253 = arith.constant -2147483648 : i32
                %reduce_max3A_254 = vector.broadcast %reduce_max3A_253 : i32 to vector<16xi32>
                %reduce_max3A_255 = arith.xori %gather3A_251, %reduce_max3A_254 : vector<16xi32>
                %reduce_max3A_256 = tpu.scan <max>, %reduce_max3A_255 masked %reduce_max3A_252 : vector<16xi32>, vector<16xi1> -> vector<16xi32>
                %reduce_max3A_257 = arith.xori %reduce_max3A_256, %reduce_max3A_254 : vector<16xi32>
                %reduce_max3A_258 = vector.extract %reduce_max3A_257[15] : i32 from vector<16xi32>
                %add3A_259 = arith.constant 0 : i32
                %add3A_260 = vector.broadcast %add3A_259 : i32 to vector<16xi32>
                %add3A_261 = arith.addi %iota3A, %add3A_260 : vector<16xi32>
                %shift_right_logical3A_262 = arith.constant 3 : i32
                %shift_right_logical3A_263 = vector.broadcast %shift_right_logical3A_262 : i32 to vector<16xi32>
                %shift_right_logical3A_264 = arith.shrui %add3A_261, %shift_right_logical3A_263 : vector<16xi32>
                %and3A_265 = arith.constant 7 : i32
                %and3A_266 = vector.broadcast %and3A_265 : i32 to vector<16xi32>
                %and3A_267 = arith.andi %add3A_261, %and3A_266 : vector<16xi32>
                %gather3A_268 = tpu.vector_load_idx %arg14[%shift_right_logical3A_264, %and3A_267, %and3A_241] : memref<8x8x128xf32, #tpu.memory_space<vmem>>[vector<16xi32>, vector<16xi32>, vector<16xi32>], vector<16xf32>,
                %mul3A_269 = arith.constant 64 : i32
                %mul3A_270 = arith.muli %and3A_208, %mul3A_269 : i32
                %add3A_271 = arith.constant 0 : i32
                %add3A_272 = arith.addi %mul3A_270, %add3A_271 : i32
                %swap3A = arith.index_cast %add3A_272 : i32 to index
                %swap3A_273 = tpu.vector_load %arg16[%swap3A] {strides = array<i32>} : memref<1024xf32, #tpu.memory_space<vmem>>, vector<16xf32>,
                tpu.vector_store %arg16[%swap3A], %gather3A_268 {strides = array<i32>} : memref<1024xf32, #tpu.memory_space<vmem>>, vector<16xf32>,
                %add3A_274 = arith.constant 16 : i32
                %add3A_275 = vector.broadcast %add3A_274 : i32 to vector<16xi32>
                %add3A_276 = arith.addi %iota3A, %add3A_275 : vector<16xi32>
                %shift_right_logical3A_277 = arith.constant 3 : i32
                %shift_right_logical3A_278 = vector.broadcast %shift_right_logical3A_277 : i32 to vector<16xi32>
                %shift_right_logical3A_279 = arith.shrui %add3A_276, %shift_right_logical3A_278 : vector<16xi32>
                %and3A_280 = arith.constant 7 : i32
                %and3A_281 = vector.broadcast %and3A_280 : i32 to vector<16xi32>
                %and3A_282 = arith.andi %add3A_276, %and3A_281 : vector<16xi32>
                %gather3A_283 = tpu.vector_load_idx %arg14[%shift_right_logical3A_279, %and3A_282, %and3A_241] : memref<8x8x128xf32, #tpu.memory_space<vmem>>[vector<16xi32>, vector<16xi32>, vector<16xi32>], vector<16xf32>,
                %mul3A_284 = arith.constant 64 : i32
                %mul3A_285 = arith.muli %and3A_208, %mul3A_284 : i32
                %add3A_286 = arith.constant 16 : i32
                %add3A_287 = arith.addi %mul3A_285, %add3A_286 : i32
                %swap3A_288 = arith.index_cast %add3A_287 : i32 to index
                %swap3A_289 = tpu.vector_load %arg16[%swap3A_288] {strides = array<i32>} : memref<1024xf32, #tpu.memory_space<vmem>>, vector<16xf32>,
                tpu.vector_store %arg16[%swap3A_288], %gather3A_283 {strides = array<i32>} : memref<1024xf32, #tpu.memory_space<vmem>>, vector<16xf32>,
                %add3A_290 = arith.constant 32 : i32
                %add3A_291 = vector.broadcast %add3A_290 : i32 to vector<16xi32>
                %add3A_292 = arith.addi %iota3A, %add3A_291 : vector<16xi32>
                %shift_right_logical3A_293 = arith.constant 3 : i32
                %shift_right_logical3A_294 = vector.broadcast %shift_right_logical3A_293 : i32 to vector<16xi32>
                %shift_right_logical3A_295 = arith.shrui %add3A_292, %shift_right_logical3A_294 : vector<16xi32>
                %and3A_296 = arith.constant 7 : i32
                %and3A_297 = vector.broadcast %and3A_296 : i32 to vector<16xi32>
                %and3A_298 = arith.andi %add3A_292, %and3A_297 : vector<16xi32>
                %gather3A_299 = tpu.vector_load_idx %arg14[%shift_right_logical3A_295, %and3A_298, %and3A_241] : memref<8x8x128xf32, #tpu.memory_space<vmem>>[vector<16xi32>, vector<16xi32>, vector<16xi32>], vector<16xf32>,
                %mul3A_300 = arith.constant 64 : i32
                %mul3A_301 = arith.muli %and3A_208, %mul3A_300 : i32
                %add3A_302 = arith.constant 32 : i32
                %add3A_303 = arith.addi %mul3A_301, %add3A_302 : i32
                %swap3A_304 = arith.index_cast %add3A_303 : i32 to index
                %swap3A_305 = tpu.vector_load %arg16[%swap3A_304] {strides = array<i32>} : memref<1024xf32, #tpu.memory_space<vmem>>, vector<16xf32>,
                tpu.vector_store %arg16[%swap3A_304], %gather3A_299 {strides = array<i32>} : memref<1024xf32, #tpu.memory_space<vmem>>, vector<16xf32>,
                %add3A_306 = arith.constant 48 : i32
                %add3A_307 = vector.broadcast %add3A_306 : i32 to vector<16xi32>
                %add3A_308 = arith.addi %iota3A, %add3A_307 : vector<16xi32>
                %shift_right_logical3A_309 = arith.constant 3 : i32
                %shift_right_logical3A_310 = vector.broadcast %shift_right_logical3A_309 : i32 to vector<16xi32>
                %shift_right_logical3A_311 = arith.shrui %add3A_308, %shift_right_logical3A_310 : vector<16xi32>
                %and3A_312 = arith.constant 7 : i32
                %and3A_313 = vector.broadcast %and3A_312 : i32 to vector<16xi32>
                %and3A_314 = arith.andi %add3A_308, %and3A_313 : vector<16xi32>
                %gather3A_315 = tpu.vector_load_idx %arg14[%shift_right_logical3A_311, %and3A_314, %and3A_241] : memref<8x8x128xf32, #tpu.memory_space<vmem>>[vector<16xi32>, vector<16xi32>, vector<16xi32>], vector<16xf32>,
                %mul3A_316 = arith.constant 64 : i32
                %mul3A_317 = arith.muli %and3A_208, %mul3A_316 : i32
                %add3A_318 = arith.constant 48 : i32
                %add3A_319 = arith.addi %mul3A_317, %add3A_318 : i32
                %swap3A_320 = arith.index_cast %add3A_319 : i32 to index
                %swap3A_321 = tpu.vector_load %arg16[%swap3A_320] {strides = array<i32>} : memref<1024xf32, #tpu.memory_space<vmem>>, vector<16xf32>,
                tpu.vector_store %arg16[%swap3A_320], %gather3A_315 {strides = array<i32>} : memref<1024xf32, #tpu.memory_space<vmem>>, vector<16xf32>,
                %mul3A_322 = arith.constant 64 : i32
                %mul3A_323 = arith.muli %and3A_208, %mul3A_322 : i32
                %mul3A_324 = arith.constant 64 : i32
                %mul3A_325 = arith.muli %reduce_max3A_258, %mul3A_324 : i32
                %dma_start3A_326 = tpu.memref_slice %arg16[%mul3A_323] : memref<1024xf32, #tpu.memory_space<vmem>> -> memref<64xf32, #tpu.memory_space<vmem>>
                %dma_start3A_327 = tpu.memref_slice %arg5[%mul3A_325] : memref<1048576xf32, #tpu.memory_space<hbm>> -> memref<64xf32, #tpu.memory_space<hbm>>
                %dma_start3A_328 = tpu.memref_slice %arg5[%mul3A_325] : memref<1048576xf32, #tpu.memory_space<hbm>> -> memref<64xf32, #tpu.memory_space<hbm>>
                %dma_start3A_329 = tpu.memref_slice %arg16[%mul3A_323] : memref<1024xf32, #tpu.memory_space<vmem>> -> memref<64xf32, #tpu.memory_space<vmem>>
                tpu.enqueue_dma source(%dma_start3A_329 : memref<64xf32, #tpu.memory_space<vmem>>) target(%dma_start3A_328 : memref<64xf32, #tpu.memory_space<hbm>>) target_semaphore(%arg26 : memref<!tpu.dma_semaphore, #tpu.memory_space<semaphore_mem>>)
                %add3A_330 = arith.constant 1 : i32
                %add3A_331 = arith.addi %while3A_207, %add3A_330 : i32
                scf.yield %add3A_331 : i32
              }
              %while3A_204 = arith.constant 1 : i32
              %while3A_205 = scf.for %while3A_206 = %while3A_201 to %while3A_197 step %while3A_204 iter_args(%while3A_207 = %while3A_203) -> (i32)  : i32 {
                %and3A = arith.constant 15 : i32
                %and3A_208 = arith.andi %while3A_207, %and3A : i32
                %eq3A_209 = arith.constant 0 : i32
                %eq3A_210 = arith.cmpi eq, %and3A_208, %eq3A_209 : i32
                %ge3A = arith.constant 16 : i32
                %ge3A_211 = arith.cmpi sge, %while3A_207, %ge3A : i32
                %and3A_212 = arith.andi %eq3A_210, %ge3A_211 : i1
                %convert_element_type3A_213 = arith.extui %and3A_212 : i1 to i32
                %cond3A_214 = arith.constant 0 : i32
                %cond3A_215 = arith.cmpi ne, %convert_element_type3A_213, %cond3A_214 : i32
                scf.if %cond3A_215 {
                  %dma_wait3A_332 = arith.constant 0 : i32
                  %dma_wait3A_333 = tpu.memref_slice %arg5[%dma_wait3A_332] : memref<1048576xf32, #tpu.memory_space<hbm>> -> memref<1024xf32, #tpu.memory_space<hbm>>
                  %dma_wait3A_334 = arith.constant 0 : i32
                  %dma_wait3A_335 = tpu.memref_slice %arg5[%dma_wait3A_334] : memref<1048576xf32, #tpu.memory_space<hbm>> -> memref<1024xf32, #tpu.memory_space<hbm>>
                  tpu.wait_dma2 semaphore(%arg26 : memref<!tpu.dma_semaphore, #tpu.memory_space<semaphore_mem>>) src(%dma_wait3A_335 : memref<1024xf32, #tpu.memory_space<hbm>>) dst(%arg16 : memref<1024xf32, #tpu.memory_space<vmem>>)
                } else {
                }
                %shift_right_logical3A_216 = arith.constant 4 : i32
                %shift_right_logical3A_217 = arith.shrui %while3A_206, %shift_right_logical3A_216 : i32
                %mul3A_218 = arith.constant 16 : i32
                %mul3A_219 = arith.muli %shift_right_logical3A_217, %mul3A_218 : i32
                %get3A_220 = arith.index_cast %mul3A_219 : i32 to index
                %get3A_221 = tpu.vector_load %arg9[%get3A_220] {strides = array<i32>} : memref<16400xi32, #tpu.memory_space<vmem>>, vector<16xi32>,
                %shift_right_logical3A_222 = arith.constant 4 : i32
                %shift_right_logical3A_223 = arith.shrui %while3A_206, %shift_right_logical3A_222 : i32
                %mul3A_224 = arith.constant 16 : i32
                %mul3A_225 = arith.muli %shift_right_logical3A_223, %mul3A_224 : i32
                %get3A_226 = arith.index_cast %mul3A_225 : i32 to index
                %get3A_227 = tpu.vector_load %arg10[%get3A_226] {strides = array<i32>} : memref<16400xi32, #tpu.memory_space<vmem>>, vector<16xi32>,
                %and3A_228 = arith.constant 15 : i32
                %and3A_229 = arith.andi %while3A_206, %and3A_228 : i32
                %broadcast_in_dim3A_230 = vector.broadcast %and3A_229 : i32 to vector<16xi32>
                %lt3A_231 = arith.constant 0 : i32
                %lt3A_232 = vector.broadcast %lt3A_231 : i32 to vector<16xi32>
                %lt3A_233 = arith.cmpi slt, %broadcast_in_dim3A_230, %lt3A_232 : vector<16xi32>
                %add3A_234 = arith.constant 16 : i32
                %add3A_235 = vector.broadcast %add3A_234 : i32 to vector<16xi32>
                %add3A_236 = arith.addi %broadcast_in_dim3A_230, %add3A_235 : vector<16xi32>
                %select_n3A_237 = arith.select %lt3A_233, %add3A_236, %broadcast_in_dim3A_230 : vector<16xi1>, vector<16xi32>
                %reshape3A = vector.shape_cast %select_n3A_237 : vector<16xi32> to vector<16x1xi32>
                %gather3A = vector.shape_cast %reshape3A : vector<16x1xi32> to vector<16xi32>
                %gather3A_238 = tpu.dynamic_gather %get3A_221[%gather3A] in [0] : vector<16xi32>, vector<16xi32> -> vector<16xi32>
                %and3A_239 = arith.constant 127 : i32
                %and3A_240 = vector.broadcast %and3A_239 : i32 to vector<16xi32>
                %and3A_241 = arith.andi %gather3A_238, %and3A_240 : vector<16xi32>
                %lt3A_242 = arith.constant 0 : i32
                %lt3A_243 = vector.broadcast %lt3A_242 : i32 to vector<16xi32>
                %lt3A_244 = arith.cmpi slt, %broadcast_in_dim3A_230, %lt3A_243 : vector<16xi32>
                %add3A_245 = arith.constant 16 : i32
                %add3A_246 = vector.broadcast %add3A_245 : i32 to vector<16xi32>
                %add3A_247 = arith.addi %broadcast_in_dim3A_230, %add3A_246 : vector<16xi32>
                %select_n3A_248 = arith.select %lt3A_244, %add3A_247, %broadcast_in_dim3A_230 : vector<16xi1>, vector<16xi32>
                %reshape3A_249 = vector.shape_cast %select_n3A_248 : vector<16xi32> to vector<16x1xi32>
                %gather3A_250 = vector.shape_cast %reshape3A_249 : vector<16x1xi32> to vector<16xi32>
                %gather3A_251 = tpu.dynamic_gather %get3A_227[%gather3A_250] in [0] : vector<16xi32>, vector<16xi32> -> vector<16xi32>
                %reduce_max3A = arith.constant true
                %reduce_max3A_252 = vector.broadcast %reduce_max3A : i1 to vector<16xi1>
                %reduce_max3A_253 = arith.constant -2147483648 : i32
                %reduce_max3A_254 = vector.broadcast %reduce_max3A_253 : i32 to vector<16xi32>
                %reduce_max3A_255 = arith.xori %gather3A_251, %reduce_max3A_254 : vector<16xi32>
                %reduce_max3A_256 = tpu.scan <max>, %reduce_max3A_255 masked %reduce_max3A_252 : vector<16xi32>, vector<16xi1> -> vector<16xi32>
                %reduce_max3A_257 = arith.xori %reduce_max3A_256, %reduce_max3A_254 : vector<16xi32>
                %reduce_max3A_258 = vector.extract %reduce_max3A_257[15] : i32 from vector<16xi32>
                %add3A_259 = arith.constant 0 : i32
                %add3A_260 = vector.broadcast %add3A_259 : i32 to vector<16xi32>
                %add3A_261 = arith.addi %iota3A, %add3A_260 : vector<16xi32>
                %shift_right_logical3A_262 = arith.constant 3 : i32
                %shift_right_logical3A_263 = vector.broadcast %shift_right_logical3A_262 : i32 to vector<16xi32>
                %shift_right_logical3A_264 = arith.shrui %add3A_261, %shift_right_logical3A_263 : vector<16xi32>
                %and3A_265 = arith.constant 7 : i32
                %and3A_266 = vector.broadcast %and3A_265 : i32 to vector<16xi32>
                %and3A_267 = arith.andi %add3A_261, %and3A_266 : vector<16xi32>
                %gather3A_268 = tpu.vector_load_idx %arg14[%shift_right_logical3A_264, %and3A_267, %and3A_241] : memref<8x8x128xf32, #tpu.memory_space<vmem>>[vector<16xi32>, vector<16xi32>, vector<16xi32>], vector<16xf32>,
                %mul3A_269 = arith.constant 64 : i32
                %mul3A_270 = arith.muli %and3A_208, %mul3A_269 : i32
                %add3A_271 = arith.constant 0 : i32
                %add3A_272 = arith.addi %mul3A_270, %add3A_271 : i32
                %swap3A = arith.index_cast %add3A_272 : i32 to index
                %swap3A_273 = tpu.vector_load %arg16[%swap3A] {strides = array<i32>} : memref<1024xf32, #tpu.memory_space<vmem>>, vector<16xf32>,
                tpu.vector_store %arg16[%swap3A], %gather3A_268 {strides = array<i32>} : memref<1024xf32, #tpu.memory_space<vmem>>, vector<16xf32>,
                %add3A_274 = arith.constant 16 : i32
                %add3A_275 = vector.broadcast %add3A_274 : i32 to vector<16xi32>
                %add3A_276 = arith.addi %iota3A, %add3A_275 : vector<16xi32>
                %shift_right_logical3A_277 = arith.constant 3 : i32
                %shift_right_logical3A_278 = vector.broadcast %shift_right_logical3A_277 : i32 to vector<16xi32>
                %shift_right_logical3A_279 = arith.shrui %add3A_276, %shift_right_logical3A_278 : vector<16xi32>
                %and3A_280 = arith.constant 7 : i32
                %and3A_281 = vector.broadcast %and3A_280 : i32 to vector<16xi32>
                %and3A_282 = arith.andi %add3A_276, %and3A_281 : vector<16xi32>
                %gather3A_283 = tpu.vector_load_idx %arg14[%shift_right_logical3A_279, %and3A_282, %and3A_241] : memref<8x8x128xf32, #tpu.memory_space<vmem>>[vector<16xi32>, vector<16xi32>, vector<16xi32>], vector<16xf32>,
                %mul3A_284 = arith.constant 64 : i32
                %mul3A_285 = arith.muli %and3A_208, %mul3A_284 : i32
                %add3A_286 = arith.constant 16 : i32
                %add3A_287 = arith.addi %mul3A_285, %add3A_286 : i32
                %swap3A_288 = arith.index_cast %add3A_287 : i32 to index
                %swap3A_289 = tpu.vector_load %arg16[%swap3A_288] {strides = array<i32>} : memref<1024xf32, #tpu.memory_space<vmem>>, vector<16xf32>,
                tpu.vector_store %arg16[%swap3A_288], %gather3A_283 {strides = array<i32>} : memref<1024xf32, #tpu.memory_space<vmem>>, vector<16xf32>,
                %add3A_290 = arith.constant 32 : i32
                %add3A_291 = vector.broadcast %add3A_290 : i32 to vector<16xi32>
                %add3A_292 = arith.addi %iota3A, %add3A_291 : vector<16xi32>
                %shift_right_logical3A_293 = arith.constant 3 : i32
                %shift_right_logical3A_294 = vector.broadcast %shift_right_logical3A_293 : i32 to vector<16xi32>
                %shift_right_logical3A_295 = arith.shrui %add3A_292, %shift_right_logical3A_294 : vector<16xi32>
                %and3A_296 = arith.constant 7 : i32
                %and3A_297 = vector.broadcast %and3A_296 : i32 to vector<16xi32>
                %and3A_298 = arith.andi %add3A_292, %and3A_297 : vector<16xi32>
                %gather3A_299 = tpu.vector_load_idx %arg14[%shift_right_logical3A_295, %and3A_298, %and3A_241] : memref<8x8x128xf32, #tpu.memory_space<vmem>>[vector<16xi32>, vector<16xi32>, vector<16xi32>], vector<16xf32>,
                %mul3A_300 = arith.constant 64 : i32
                %mul3A_301 = arith.muli %and3A_208, %mul3A_300 : i32
                %add3A_302 = arith.constant 32 : i32
                %add3A_303 = arith.addi %mul3A_301, %add3A_302 : i32
                %swap3A_304 = arith.index_cast %add3A_303 : i32 to index
                %swap3A_305 = tpu.vector_load %arg16[%swap3A_304] {strides = array<i32>} : memref<1024xf32, #tpu.memory_space<vmem>>, vector<16xf32>,
                tpu.vector_store %arg16[%swap3A_304], %gather3A_299 {strides = array<i32>} : memref<1024xf32, #tpu.memory_space<vmem>>, vector<16xf32>,
                %add3A_306 = arith.constant 48 : i32
                %add3A_307 = vector.broadcast %add3A_306 : i32 to vector<16xi32>
                %add3A_308 = arith.addi %iota3A, %add3A_307 : vector<16xi32>
                %shift_right_logical3A_309 = arith.constant 3 : i32
                %shift_right_logical3A_310 = vector.broadcast %shift_right_logical3A_309 : i32 to vector<16xi32>
                %shift_right_logical3A_311 = arith.shrui %add3A_308, %shift_right_logical3A_310 : vector<16xi32>
                %and3A_312 = arith.constant 7 : i32
                %and3A_313 = vector.broadcast %and3A_312 : i32 to vector<16xi32>
                %and3A_314 = arith.andi %add3A_308, %and3A_313 : vector<16xi32>
                %gather3A_315 = tpu.vector_load_idx %arg14[%shift_right_logical3A_311, %and3A_314, %and3A_241] : memref<8x8x128xf32, #tpu.memory_space<vmem>>[vector<16xi32>, vector<16xi32>, vector<16xi32>], vector<16xf32>,
                %mul3A_316 = arith.constant 64 : i32
                %mul3A_317 = arith.muli %and3A_208, %mul3A_316 : i32
                %add3A_318 = arith.constant 48 : i32
                %add3A_319 = arith.addi %mul3A_317, %add3A_318 : i32
                %swap3A_320 = arith.index_cast %add3A_319 : i32 to index
                %swap3A_321 = tpu.vector_load %arg16[%swap3A_320] {strides = array<i32>} : memref<1024xf32, #tpu.memory_space<vmem>>, vector<16xf32>,
                tpu.vector_store %arg16[%swap3A_320], %gather3A_315 {strides = array<i32>} : memref<1024xf32, #tpu.memory_space<vmem>>, vector<16xf32>,
                %mul3A_322 = arith.constant 64 : i32
                %mul3A_323 = arith.muli %and3A_208, %mul3A_322 : i32
                %mul3A_324 = arith.constant 64 : i32
                %mul3A_325 = arith.muli %reduce_max3A_258, %mul3A_324 : i32
                %dma_start3A_326 = tpu.memref_slice %arg16[%mul3A_323] : memref<1024xf32, #tpu.memory_space<vmem>> -> memref<64xf32, #tpu.memory_space<vmem>>
                %dma_start3A_327 = tpu.memref_slice %arg5[%mul3A_325] : memref<1048576xf32, #tpu.memory_space<hbm>> -> memref<64xf32, #tpu.memory_space<hbm>>
                %dma_start3A_328 = tpu.memref_slice %arg5[%mul3A_325] : memref<1048576xf32, #tpu.memory_space<hbm>> -> memref<64xf32, #tpu.memory_space<hbm>>
                %dma_start3A_329 = tpu.memref_slice %arg16[%mul3A_323] : memref<1024xf32, #tpu.memory_space<vmem>> -> memref<64xf32, #tpu.memory_space<vmem>>
                tpu.enqueue_dma source(%dma_start3A_329 : memref<64xf32, #tpu.memory_space<vmem>>) target(%dma_start3A_328 : memref<64xf32, #tpu.memory_space<hbm>>) target_semaphore(%arg26 : memref<!tpu.dma_semaphore, #tpu.memory_space<semaphore_mem>>)
                %add3A_330 = arith.constant 1 : i32
                %add3A_331 = arith.addi %while3A_207, %add3A_330 : i32
                scf.yield %add3A_331 : i32
              }
              scf.yield %while3A_205 : i32
            }
            scf.yield %cond3A_176 : i32
          } else {
            %dma_wait3A = arith.constant 0 : i32
            %dma_wait3A_172 = arith.constant 0 : i32
            %dma_wait3A_173 = arith.constant 0 : i32
            %dma_wait3A_174 = tpu.memref_slice %arg3[%dma_wait3A, %dma_wait3A_172, %dma_wait3A_173] : memref<8x8x1000000xf32, #tpu.memory_space<hbm>> -> memref<8x8x128xf32, #tpu.memory_space<hbm>>
            %dma_wait3A_175 = arith.constant 0 : i32
            %dma_wait3A_176 = arith.constant 0 : i32
            %dma_wait3A_177 = arith.constant 0 : i32
            %dma_wait3A_178 = tpu.memref_slice %arg3[%dma_wait3A_175, %dma_wait3A_176, %dma_wait3A_177] : memref<8x8x1000000xf32, #tpu.memory_space<hbm>> -> memref<8x8x128xf32, #tpu.memory_space<hbm>>
            tpu.wait_dma2 semaphore(%arg23 : memref<!tpu.dma_semaphore, #tpu.memory_space<semaphore_mem>>) src(%dma_wait3A_178 : memref<8x8x128xf32, #tpu.memory_space<hbm>>) dst(%arg13 : memref<8x8x128xf32, #tpu.memory_space<vmem>>)
            %add3A_179 = arith.constant 4 : i32
            %add3A_180 = arith.addi %while3A_147, %add3A_179 : i32
            %lt3A_181 = arith.cmpi slt, %add3A_180, %while3A_113 : i32
            %convert_element_type3A_182 = arith.extui %lt3A_181 : i1 to i32
            %cond3A_183 = arith.constant 0 : i32
            %cond3A_184 = arith.cmpi ne, %convert_element_type3A_182, %cond3A_183 : i32
            scf.if %cond3A_184 {
              %add3A_201 = arith.constant 4 : i32
              %add3A_202 = arith.addi %while3A_147, %add3A_201 : i32
              %get3A_203 = arith.index_cast %add3A_202 : i32 to index
              %get3A_204 = memref.load %arg20[%get3A_203] : memref<262xi32, #tpu.memory_space<smem>>
              %add3A_205 = arith.addi %add3A_4, %get3A_204 : i32
              %jit3A_206 = arith.constant 0 : i32
              %jit3A_207 = arith.constant 7811 : i32
              %max3A = arith.maxsi %jit3A_206, %add3A_205 : i32
              %min3A_208 = arith.minsi %jit3A_207, %max3A : i32
              %mul3A_209 = arith.constant 128 : i32
              %mul3A_210 = arith.muli %min3A_208, %mul3A_209 : i32
              %multiple_of3A_211 = tpu.assume_multiple %mul3A_210, 128 : i32
              %dma_start3A_212 = arith.constant 0 : i32
              %dma_start3A_213 = arith.constant 0 : i32
              %dma_start3A_214 = tpu.memref_slice %arg3[%dma_start3A_212, %dma_start3A_213, %multiple_of3A_211] : memref<8x8x1000000xf32, #tpu.memory_space<hbm>> -> memref<8x8x128xf32, #tpu.memory_space<hbm>>
              %dma_start3A_215 = arith.constant 0 : i32
              %dma_start3A_216 = arith.constant 0 : i32
              %dma_start3A_217 = tpu.memref_slice %arg3[%dma_start3A_215, %dma_start3A_216, %multiple_of3A_211] : memref<8x8x1000000xf32, #tpu.memory_space<hbm>> -> memref<8x8x128xf32, #tpu.memory_space<hbm>>
              tpu.enqueue_dma source(%dma_start3A_217 : memref<8x8x128xf32, #tpu.memory_space<hbm>>) target(%arg12 : memref<8x8x128xf32, #tpu.memory_space<vmem>>) target_semaphore(%arg22 : memref<!tpu.dma_semaphore, #tpu.memory_space<semaphore_mem>>)
            } else {
            }
            %get3A = arith.index_cast %while3A_147 : i32 to index
            %get3A_185 = memref.load %arg20[%get3A] : memref<262xi32, #tpu.memory_space<smem>>
            %get3A_186 = arith.index_cast %get3A_185 : i32 to index
            %get3A_187 = memref.load %arg18[%get3A_186] : memref<262xi32, #tpu.memory_space<smem>>
            %get3A_188 = arith.index_cast %get3A_185 : i32 to index
            %get3A_189 = memref.load %arg17[%get3A_188] : memref<262xi32, #tpu.memory_space<smem>>
            %add3A_190 = arith.addi %get3A_187, %get3A_189 : i32
            %while3A_191 = arith.subi %add3A_190, %get3A_187 : i32
            %while3A_192 = arith.addi %get3A_187, %while3A_191 : i32
            %while3A_193 = arith.constant 1 : i32
            %while3A_194 = arith.divsi %while3A_191, %while3A_193 : i32
            %while3A_195 = arith.muli %while3A_194, %while3A_193 : i32
            %while3A_196 = arith.addi %get3A_187, %while3A_195 : i32
            %while3A_197 = arith.constant 1 : i32
            %while3A_198 = scf.for %while3A_201 = %get3A_187 to %while3A_196 step %while3A_197 iter_args(%while3A_202 = %while3A_148) -> (i32)  : i32 {
              %and3A = arith.constant 15 : i32
              %and3A_203 = arith.andi %while3A_202, %and3A : i32
              %eq3A_204 = arith.constant 0 : i32
              %eq3A_205 = arith.cmpi eq, %and3A_203, %eq3A_204 : i32
              %ge3A = arith.constant 16 : i32
              %ge3A_206 = arith.cmpi sge, %while3A_202, %ge3A : i32
              %and3A_207 = arith.andi %eq3A_205, %ge3A_206 : i1
              %convert_element_type3A_208 = arith.extui %and3A_207 : i1 to i32
              %cond3A_209 = arith.constant 0 : i32
              %cond3A_210 = arith.cmpi ne, %convert_element_type3A_208, %cond3A_209 : i32
              scf.if %cond3A_210 {
                %dma_wait3A_327 = arith.constant 0 : i32
                %dma_wait3A_328 = tpu.memref_slice %arg5[%dma_wait3A_327] : memref<1048576xf32, #tpu.memory_space<hbm>> -> memref<1024xf32, #tpu.memory_space<hbm>>
                %dma_wait3A_329 = arith.constant 0 : i32
                %dma_wait3A_330 = tpu.memref_slice %arg5[%dma_wait3A_329] : memref<1048576xf32, #tpu.memory_space<hbm>> -> memref<1024xf32, #tpu.memory_space<hbm>>
                tpu.wait_dma2 semaphore(%arg26 : memref<!tpu.dma_semaphore, #tpu.memory_space<semaphore_mem>>) src(%dma_wait3A_330 : memref<1024xf32, #tpu.memory_space<hbm>>) dst(%arg16 : memref<1024xf32, #tpu.memory_space<vmem>>)
              } else {
              }
              %shift_right_logical3A_211 = arith.constant 4 : i32
              %shift_right_logical3A_212 = arith.shrui %while3A_201, %shift_right_logical3A_211 : i32
              %mul3A_213 = arith.constant 16 : i32
              %mul3A_214 = arith.muli %shift_right_logical3A_212, %mul3A_213 : i32
              %get3A_215 = arith.index_cast %mul3A_214 : i32 to index
              %get3A_216 = tpu.vector_load %arg9[%get3A_215] {strides = array<i32>} : memref<16400xi32, #tpu.memory_space<vmem>>, vector<16xi32>,
              %shift_right_logical3A_217 = arith.constant 4 : i32
              %shift_right_logical3A_218 = arith.shrui %while3A_201, %shift_right_logical3A_217 : i32
              %mul3A_219 = arith.constant 16 : i32
              %mul3A_220 = arith.muli %shift_right_logical3A_218, %mul3A_219 : i32
              %get3A_221 = arith.index_cast %mul3A_220 : i32 to index
              %get3A_222 = tpu.vector_load %arg10[%get3A_221] {strides = array<i32>} : memref<16400xi32, #tpu.memory_space<vmem>>, vector<16xi32>,
              %and3A_223 = arith.constant 15 : i32
              %and3A_224 = arith.andi %while3A_201, %and3A_223 : i32
              %broadcast_in_dim3A_225 = vector.broadcast %and3A_224 : i32 to vector<16xi32>
              %lt3A_226 = arith.constant 0 : i32
              %lt3A_227 = vector.broadcast %lt3A_226 : i32 to vector<16xi32>
              %lt3A_228 = arith.cmpi slt, %broadcast_in_dim3A_225, %lt3A_227 : vector<16xi32>
              %add3A_229 = arith.constant 16 : i32
              %add3A_230 = vector.broadcast %add3A_229 : i32 to vector<16xi32>
              %add3A_231 = arith.addi %broadcast_in_dim3A_225, %add3A_230 : vector<16xi32>
              %select_n3A_232 = arith.select %lt3A_228, %add3A_231, %broadcast_in_dim3A_225 : vector<16xi1>, vector<16xi32>
              %reshape3A = vector.shape_cast %select_n3A_232 : vector<16xi32> to vector<16x1xi32>
              %gather3A = vector.shape_cast %reshape3A : vector<16x1xi32> to vector<16xi32>
              %gather3A_233 = tpu.dynamic_gather %get3A_216[%gather3A] in [0] : vector<16xi32>, vector<16xi32> -> vector<16xi32>
              %and3A_234 = arith.constant 127 : i32
              %and3A_235 = vector.broadcast %and3A_234 : i32 to vector<16xi32>
              %and3A_236 = arith.andi %gather3A_233, %and3A_235 : vector<16xi32>
              %lt3A_237 = arith.constant 0 : i32
              %lt3A_238 = vector.broadcast %lt3A_237 : i32 to vector<16xi32>
              %lt3A_239 = arith.cmpi slt, %broadcast_in_dim3A_225, %lt3A_238 : vector<16xi32>
              %add3A_240 = arith.constant 16 : i32
              %add3A_241 = vector.broadcast %add3A_240 : i32 to vector<16xi32>
              %add3A_242 = arith.addi %broadcast_in_dim3A_225, %add3A_241 : vector<16xi32>
              %select_n3A_243 = arith.select %lt3A_239, %add3A_242, %broadcast_in_dim3A_225 : vector<16xi1>, vector<16xi32>
              %reshape3A_244 = vector.shape_cast %select_n3A_243 : vector<16xi32> to vector<16x1xi32>
              %gather3A_245 = vector.shape_cast %reshape3A_244 : vector<16x1xi32> to vector<16xi32>
              %gather3A_246 = tpu.dynamic_gather %get3A_222[%gather3A_245] in [0] : vector<16xi32>, vector<16xi32> -> vector<16xi32>
              %reduce_max3A = arith.constant true
              %reduce_max3A_247 = vector.broadcast %reduce_max3A : i1 to vector<16xi1>
              %reduce_max3A_248 = arith.constant -2147483648 : i32
              %reduce_max3A_249 = vector.broadcast %reduce_max3A_248 : i32 to vector<16xi32>
              %reduce_max3A_250 = arith.xori %gather3A_246, %reduce_max3A_249 : vector<16xi32>
              %reduce_max3A_251 = tpu.scan <max>, %reduce_max3A_250 masked %reduce_max3A_247 : vector<16xi32>, vector<16xi1> -> vector<16xi32>
              %reduce_max3A_252 = arith.xori %reduce_max3A_251, %reduce_max3A_249 : vector<16xi32>
              %reduce_max3A_253 = vector.extract %reduce_max3A_252[15] : i32 from vector<16xi32>
              %add3A_254 = arith.constant 0 : i32
              %add3A_255 = vector.broadcast %add3A_254 : i32 to vector<16xi32>
              %add3A_256 = arith.addi %iota3A, %add3A_255 : vector<16xi32>
              %shift_right_logical3A_257 = arith.constant 3 : i32
              %shift_right_logical3A_258 = vector.broadcast %shift_right_logical3A_257 : i32 to vector<16xi32>
              %shift_right_logical3A_259 = arith.shrui %add3A_256, %shift_right_logical3A_258 : vector<16xi32>
              %and3A_260 = arith.constant 7 : i32
              %and3A_261 = vector.broadcast %and3A_260 : i32 to vector<16xi32>
              %and3A_262 = arith.andi %add3A_256, %and3A_261 : vector<16xi32>
              %gather3A_263 = tpu.vector_load_idx %arg13[%shift_right_logical3A_259, %and3A_262, %and3A_236] : memref<8x8x128xf32, #tpu.memory_space<vmem>>[vector<16xi32>, vector<16xi32>, vector<16xi32>], vector<16xf32>,
              %mul3A_264 = arith.constant 64 : i32
              %mul3A_265 = arith.muli %and3A_203, %mul3A_264 : i32
              %add3A_266 = arith.constant 0 : i32
              %add3A_267 = arith.addi %mul3A_265, %add3A_266 : i32
              %swap3A = arith.index_cast %add3A_267 : i32 to index
              %swap3A_268 = tpu.vector_load %arg16[%swap3A] {strides = array<i32>} : memref<1024xf32, #tpu.memory_space<vmem>>, vector<16xf32>,
              tpu.vector_store %arg16[%swap3A], %gather3A_263 {strides = array<i32>} : memref<1024xf32, #tpu.memory_space<vmem>>, vector<16xf32>,
              %add3A_269 = arith.constant 16 : i32
              %add3A_270 = vector.broadcast %add3A_269 : i32 to vector<16xi32>
              %add3A_271 = arith.addi %iota3A, %add3A_270 : vector<16xi32>
              %shift_right_logical3A_272 = arith.constant 3 : i32
              %shift_right_logical3A_273 = vector.broadcast %shift_right_logical3A_272 : i32 to vector<16xi32>
              %shift_right_logical3A_274 = arith.shrui %add3A_271, %shift_right_logical3A_273 : vector<16xi32>
              %and3A_275 = arith.constant 7 : i32
              %and3A_276 = vector.broadcast %and3A_275 : i32 to vector<16xi32>
              %and3A_277 = arith.andi %add3A_271, %and3A_276 : vector<16xi32>
              %gather3A_278 = tpu.vector_load_idx %arg13[%shift_right_logical3A_274, %and3A_277, %and3A_236] : memref<8x8x128xf32, #tpu.memory_space<vmem>>[vector<16xi32>, vector<16xi32>, vector<16xi32>], vector<16xf32>,
              %mul3A_279 = arith.constant 64 : i32
              %mul3A_280 = arith.muli %and3A_203, %mul3A_279 : i32
              %add3A_281 = arith.constant 16 : i32
              %add3A_282 = arith.addi %mul3A_280, %add3A_281 : i32
              %swap3A_283 = arith.index_cast %add3A_282 : i32 to index
              %swap3A_284 = tpu.vector_load %arg16[%swap3A_283] {strides = array<i32>} : memref<1024xf32, #tpu.memory_space<vmem>>, vector<16xf32>,
              tpu.vector_store %arg16[%swap3A_283], %gather3A_278 {strides = array<i32>} : memref<1024xf32, #tpu.memory_space<vmem>>, vector<16xf32>,
              %add3A_285 = arith.constant 32 : i32
              %add3A_286 = vector.broadcast %add3A_285 : i32 to vector<16xi32>
              %add3A_287 = arith.addi %iota3A, %add3A_286 : vector<16xi32>
              %shift_right_logical3A_288 = arith.constant 3 : i32
              %shift_right_logical3A_289 = vector.broadcast %shift_right_logical3A_288 : i32 to vector<16xi32>
              %shift_right_logical3A_290 = arith.shrui %add3A_287, %shift_right_logical3A_289 : vector<16xi32>
              %and3A_291 = arith.constant 7 : i32
              %and3A_292 = vector.broadcast %and3A_291 : i32 to vector<16xi32>
              %and3A_293 = arith.andi %add3A_287, %and3A_292 : vector<16xi32>
              %gather3A_294 = tpu.vector_load_idx %arg13[%shift_right_logical3A_290, %and3A_293, %and3A_236] : memref<8x8x128xf32, #tpu.memory_space<vmem>>[vector<16xi32>, vector<16xi32>, vector<16xi32>], vector<16xf32>,
              %mul3A_295 = arith.constant 64 : i32
              %mul3A_296 = arith.muli %and3A_203, %mul3A_295 : i32
              %add3A_297 = arith.constant 32 : i32
              %add3A_298 = arith.addi %mul3A_296, %add3A_297 : i32
              %swap3A_299 = arith.index_cast %add3A_298 : i32 to index
              %swap3A_300 = tpu.vector_load %arg16[%swap3A_299] {strides = array<i32>} : memref<1024xf32, #tpu.memory_space<vmem>>, vector<16xf32>,
              tpu.vector_store %arg16[%swap3A_299], %gather3A_294 {strides = array<i32>} : memref<1024xf32, #tpu.memory_space<vmem>>, vector<16xf32>,
              %add3A_301 = arith.constant 48 : i32
              %add3A_302 = vector.broadcast %add3A_301 : i32 to vector<16xi32>
              %add3A_303 = arith.addi %iota3A, %add3A_302 : vector<16xi32>
              %shift_right_logical3A_304 = arith.constant 3 : i32
              %shift_right_logical3A_305 = vector.broadcast %shift_right_logical3A_304 : i32 to vector<16xi32>
              %shift_right_logical3A_306 = arith.shrui %add3A_303, %shift_right_logical3A_305 : vector<16xi32>
              %and3A_307 = arith.constant 7 : i32
              %and3A_308 = vector.broadcast %and3A_307 : i32 to vector<16xi32>
              %and3A_309 = arith.andi %add3A_303, %and3A_308 : vector<16xi32>
              %gather3A_310 = tpu.vector_load_idx %arg13[%shift_right_logical3A_306, %and3A_309, %and3A_236] : memref<8x8x128xf32, #tpu.memory_space<vmem>>[vector<16xi32>, vector<16xi32>, vector<16xi32>], vector<16xf32>,
              %mul3A_311 = arith.constant 64 : i32
              %mul3A_312 = arith.muli %and3A_203, %mul3A_311 : i32
              %add3A_313 = arith.constant 48 : i32
              %add3A_314 = arith.addi %mul3A_312, %add3A_313 : i32
              %swap3A_315 = arith.index_cast %add3A_314 : i32 to index
              %swap3A_316 = tpu.vector_load %arg16[%swap3A_315] {strides = array<i32>} : memref<1024xf32, #tpu.memory_space<vmem>>, vector<16xf32>,
              tpu.vector_store %arg16[%swap3A_315], %gather3A_310 {strides = array<i32>} : memref<1024xf32, #tpu.memory_space<vmem>>, vector<16xf32>,
              %mul3A_317 = arith.constant 64 : i32
              %mul3A_318 = arith.muli %and3A_203, %mul3A_317 : i32
              %mul3A_319 = arith.constant 64 : i32
              %mul3A_320 = arith.muli %reduce_max3A_253, %mul3A_319 : i32
              %dma_start3A_321 = tpu.memref_slice %arg16[%mul3A_318] : memref<1024xf32, #tpu.memory_space<vmem>> -> memref<64xf32, #tpu.memory_space<vmem>>
              %dma_start3A_322 = tpu.memref_slice %arg5[%mul3A_320] : memref<1048576xf32, #tpu.memory_space<hbm>> -> memref<64xf32, #tpu.memory_space<hbm>>
              %dma_start3A_323 = tpu.memref_slice %arg5[%mul3A_320] : memref<1048576xf32, #tpu.memory_space<hbm>> -> memref<64xf32, #tpu.memory_space<hbm>>
              %dma_start3A_324 = tpu.memref_slice %arg16[%mul3A_318] : memref<1024xf32, #tpu.memory_space<vmem>> -> memref<64xf32, #tpu.memory_space<vmem>>
              tpu.enqueue_dma source(%dma_start3A_324 : memref<64xf32, #tpu.memory_space<vmem>>) target(%dma_start3A_323 : memref<64xf32, #tpu.memory_space<hbm>>) target_semaphore(%arg26 : memref<!tpu.dma_semaphore, #tpu.memory_space<semaphore_mem>>)
              %add3A_325 = arith.constant 1 : i32
              %add3A_326 = arith.addi %while3A_202, %add3A_325 : i32
              scf.yield %add3A_326 : i32
            }
            %while3A_199 = arith.constant 1 : i32
            %while3A_200 = scf.for %while3A_201 = %while3A_196 to %while3A_192 step %while3A_199 iter_args(%while3A_202 = %while3A_198) -> (i32)  : i32 {
              %and3A = arith.constant 15 : i32
              %and3A_203 = arith.andi %while3A_202, %and3A : i32
              %eq3A_204 = arith.constant 0 : i32
              %eq3A_205 = arith.cmpi eq, %and3A_203, %eq3A_204 : i32
              %ge3A = arith.constant 16 : i32
              %ge3A_206 = arith.cmpi sge, %while3A_202, %ge3A : i32
              %and3A_207 = arith.andi %eq3A_205, %ge3A_206 : i1
              %convert_element_type3A_208 = arith.extui %and3A_207 : i1 to i32
              %cond3A_209 = arith.constant 0 : i32
              %cond3A_210 = arith.cmpi ne, %convert_element_type3A_208, %cond3A_209 : i32
              scf.if %cond3A_210 {
                %dma_wait3A_327 = arith.constant 0 : i32
                %dma_wait3A_328 = tpu.memref_slice %arg5[%dma_wait3A_327] : memref<1048576xf32, #tpu.memory_space<hbm>> -> memref<1024xf32, #tpu.memory_space<hbm>>
                %dma_wait3A_329 = arith.constant 0 : i32
                %dma_wait3A_330 = tpu.memref_slice %arg5[%dma_wait3A_329] : memref<1048576xf32, #tpu.memory_space<hbm>> -> memref<1024xf32, #tpu.memory_space<hbm>>
                tpu.wait_dma2 semaphore(%arg26 : memref<!tpu.dma_semaphore, #tpu.memory_space<semaphore_mem>>) src(%dma_wait3A_330 : memref<1024xf32, #tpu.memory_space<hbm>>) dst(%arg16 : memref<1024xf32, #tpu.memory_space<vmem>>)
              } else {
              }
              %shift_right_logical3A_211 = arith.constant 4 : i32
              %shift_right_logical3A_212 = arith.shrui %while3A_201, %shift_right_logical3A_211 : i32
              %mul3A_213 = arith.constant 16 : i32
              %mul3A_214 = arith.muli %shift_right_logical3A_212, %mul3A_213 : i32
              %get3A_215 = arith.index_cast %mul3A_214 : i32 to index
              %get3A_216 = tpu.vector_load %arg9[%get3A_215] {strides = array<i32>} : memref<16400xi32, #tpu.memory_space<vmem>>, vector<16xi32>,
              %shift_right_logical3A_217 = arith.constant 4 : i32
              %shift_right_logical3A_218 = arith.shrui %while3A_201, %shift_right_logical3A_217 : i32
              %mul3A_219 = arith.constant 16 : i32
              %mul3A_220 = arith.muli %shift_right_logical3A_218, %mul3A_219 : i32
              %get3A_221 = arith.index_cast %mul3A_220 : i32 to index
              %get3A_222 = tpu.vector_load %arg10[%get3A_221] {strides = array<i32>} : memref<16400xi32, #tpu.memory_space<vmem>>, vector<16xi32>,
              %and3A_223 = arith.constant 15 : i32
              %and3A_224 = arith.andi %while3A_201, %and3A_223 : i32
              %broadcast_in_dim3A_225 = vector.broadcast %and3A_224 : i32 to vector<16xi32>
              %lt3A_226 = arith.constant 0 : i32
              %lt3A_227 = vector.broadcast %lt3A_226 : i32 to vector<16xi32>
              %lt3A_228 = arith.cmpi slt, %broadcast_in_dim3A_225, %lt3A_227 : vector<16xi32>
              %add3A_229 = arith.constant 16 : i32
              %add3A_230 = vector.broadcast %add3A_229 : i32 to vector<16xi32>
              %add3A_231 = arith.addi %broadcast_in_dim3A_225, %add3A_230 : vector<16xi32>
              %select_n3A_232 = arith.select %lt3A_228, %add3A_231, %broadcast_in_dim3A_225 : vector<16xi1>, vector<16xi32>
              %reshape3A = vector.shape_cast %select_n3A_232 : vector<16xi32> to vector<16x1xi32>
              %gather3A = vector.shape_cast %reshape3A : vector<16x1xi32> to vector<16xi32>
              %gather3A_233 = tpu.dynamic_gather %get3A_216[%gather3A] in [0] : vector<16xi32>, vector<16xi32> -> vector<16xi32>
              %and3A_234 = arith.constant 127 : i32
              %and3A_235 = vector.broadcast %and3A_234 : i32 to vector<16xi32>
              %and3A_236 = arith.andi %gather3A_233, %and3A_235 : vector<16xi32>
              %lt3A_237 = arith.constant 0 : i32
              %lt3A_238 = vector.broadcast %lt3A_237 : i32 to vector<16xi32>
              %lt3A_239 = arith.cmpi slt, %broadcast_in_dim3A_225, %lt3A_238 : vector<16xi32>
              %add3A_240 = arith.constant 16 : i32
              %add3A_241 = vector.broadcast %add3A_240 : i32 to vector<16xi32>
              %add3A_242 = arith.addi %broadcast_in_dim3A_225, %add3A_241 : vector<16xi32>
              %select_n3A_243 = arith.select %lt3A_239, %add3A_242, %broadcast_in_dim3A_225 : vector<16xi1>, vector<16xi32>
              %reshape3A_244 = vector.shape_cast %select_n3A_243 : vector<16xi32> to vector<16x1xi32>
              %gather3A_245 = vector.shape_cast %reshape3A_244 : vector<16x1xi32> to vector<16xi32>
              %gather3A_246 = tpu.dynamic_gather %get3A_222[%gather3A_245] in [0] : vector<16xi32>, vector<16xi32> -> vector<16xi32>
              %reduce_max3A = arith.constant true
              %reduce_max3A_247 = vector.broadcast %reduce_max3A : i1 to vector<16xi1>
              %reduce_max3A_248 = arith.constant -2147483648 : i32
              %reduce_max3A_249 = vector.broadcast %reduce_max3A_248 : i32 to vector<16xi32>
              %reduce_max3A_250 = arith.xori %gather3A_246, %reduce_max3A_249 : vector<16xi32>
              %reduce_max3A_251 = tpu.scan <max>, %reduce_max3A_250 masked %reduce_max3A_247 : vector<16xi32>, vector<16xi1> -> vector<16xi32>
              %reduce_max3A_252 = arith.xori %reduce_max3A_251, %reduce_max3A_249 : vector<16xi32>
              %reduce_max3A_253 = vector.extract %reduce_max3A_252[15] : i32 from vector<16xi32>
              %add3A_254 = arith.constant 0 : i32
              %add3A_255 = vector.broadcast %add3A_254 : i32 to vector<16xi32>
              %add3A_256 = arith.addi %iota3A, %add3A_255 : vector<16xi32>
              %shift_right_logical3A_257 = arith.constant 3 : i32
              %shift_right_logical3A_258 = vector.broadcast %shift_right_logical3A_257 : i32 to vector<16xi32>
              %shift_right_logical3A_259 = arith.shrui %add3A_256, %shift_right_logical3A_258 : vector<16xi32>
              %and3A_260 = arith.constant 7 : i32
              %and3A_261 = vector.broadcast %and3A_260 : i32 to vector<16xi32>
              %and3A_262 = arith.andi %add3A_256, %and3A_261 : vector<16xi32>
              %gather3A_263 = tpu.vector_load_idx %arg13[%shift_right_logical3A_259, %and3A_262, %and3A_236] : memref<8x8x128xf32, #tpu.memory_space<vmem>>[vector<16xi32>, vector<16xi32>, vector<16xi32>], vector<16xf32>,
              %mul3A_264 = arith.constant 64 : i32
              %mul3A_265 = arith.muli %and3A_203, %mul3A_264 : i32
              %add3A_266 = arith.constant 0 : i32
              %add3A_267 = arith.addi %mul3A_265, %add3A_266 : i32
              %swap3A = arith.index_cast %add3A_267 : i32 to index
              %swap3A_268 = tpu.vector_load %arg16[%swap3A] {strides = array<i32>} : memref<1024xf32, #tpu.memory_space<vmem>>, vector<16xf32>,
              tpu.vector_store %arg16[%swap3A], %gather3A_263 {strides = array<i32>} : memref<1024xf32, #tpu.memory_space<vmem>>, vector<16xf32>,
              %add3A_269 = arith.constant 16 : i32
              %add3A_270 = vector.broadcast %add3A_269 : i32 to vector<16xi32>
              %add3A_271 = arith.addi %iota3A, %add3A_270 : vector<16xi32>
              %shift_right_logical3A_272 = arith.constant 3 : i32
              %shift_right_logical3A_273 = vector.broadcast %shift_right_logical3A_272 : i32 to vector<16xi32>
              %shift_right_logical3A_274 = arith.shrui %add3A_271, %shift_right_logical3A_273 : vector<16xi32>
              %and3A_275 = arith.constant 7 : i32
              %and3A_276 = vector.broadcast %and3A_275 : i32 to vector<16xi32>
              %and3A_277 = arith.andi %add3A_271, %and3A_276 : vector<16xi32>
              %gather3A_278 = tpu.vector_load_idx %arg13[%shift_right_logical3A_274, %and3A_277, %and3A_236] : memref<8x8x128xf32, #tpu.memory_space<vmem>>[vector<16xi32>, vector<16xi32>, vector<16xi32>], vector<16xf32>,
              %mul3A_279 = arith.constant 64 : i32
              %mul3A_280 = arith.muli %and3A_203, %mul3A_279 : i32
              %add3A_281 = arith.constant 16 : i32
              %add3A_282 = arith.addi %mul3A_280, %add3A_281 : i32
              %swap3A_283 = arith.index_cast %add3A_282 : i32 to index
              %swap3A_284 = tpu.vector_load %arg16[%swap3A_283] {strides = array<i32>} : memref<1024xf32, #tpu.memory_space<vmem>>, vector<16xf32>,
              tpu.vector_store %arg16[%swap3A_283], %gather3A_278 {strides = array<i32>} : memref<1024xf32, #tpu.memory_space<vmem>>, vector<16xf32>,
              %add3A_285 = arith.constant 32 : i32
              %add3A_286 = vector.broadcast %add3A_285 : i32 to vector<16xi32>
              %add3A_287 = arith.addi %iota3A, %add3A_286 : vector<16xi32>
              %shift_right_logical3A_288 = arith.constant 3 : i32
              %shift_right_logical3A_289 = vector.broadcast %shift_right_logical3A_288 : i32 to vector<16xi32>
              %shift_right_logical3A_290 = arith.shrui %add3A_287, %shift_right_logical3A_289 : vector<16xi32>
              %and3A_291 = arith.constant 7 : i32
              %and3A_292 = vector.broadcast %and3A_291 : i32 to vector<16xi32>
              %and3A_293 = arith.andi %add3A_287, %and3A_292 : vector<16xi32>
              %gather3A_294 = tpu.vector_load_idx %arg13[%shift_right_logical3A_290, %and3A_293, %and3A_236] : memref<8x8x128xf32, #tpu.memory_space<vmem>>[vector<16xi32>, vector<16xi32>, vector<16xi32>], vector<16xf32>,
              %mul3A_295 = arith.constant 64 : i32
              %mul3A_296 = arith.muli %and3A_203, %mul3A_295 : i32
              %add3A_297 = arith.constant 32 : i32
              %add3A_298 = arith.addi %mul3A_296, %add3A_297 : i32
              %swap3A_299 = arith.index_cast %add3A_298 : i32 to index
              %swap3A_300 = tpu.vector_load %arg16[%swap3A_299] {strides = array<i32>} : memref<1024xf32, #tpu.memory_space<vmem>>, vector<16xf32>,
              tpu.vector_store %arg16[%swap3A_299], %gather3A_294 {strides = array<i32>} : memref<1024xf32, #tpu.memory_space<vmem>>, vector<16xf32>,
              %add3A_301 = arith.constant 48 : i32
              %add3A_302 = vector.broadcast %add3A_301 : i32 to vector<16xi32>
              %add3A_303 = arith.addi %iota3A, %add3A_302 : vector<16xi32>
              %shift_right_logical3A_304 = arith.constant 3 : i32
              %shift_right_logical3A_305 = vector.broadcast %shift_right_logical3A_304 : i32 to vector<16xi32>
              %shift_right_logical3A_306 = arith.shrui %add3A_303, %shift_right_logical3A_305 : vector<16xi32>
              %and3A_307 = arith.constant 7 : i32
              %and3A_308 = vector.broadcast %and3A_307 : i32 to vector<16xi32>
              %and3A_309 = arith.andi %add3A_303, %and3A_308 : vector<16xi32>
              %gather3A_310 = tpu.vector_load_idx %arg13[%shift_right_logical3A_306, %and3A_309, %and3A_236] : memref<8x8x128xf32, #tpu.memory_space<vmem>>[vector<16xi32>, vector<16xi32>, vector<16xi32>], vector<16xf32>,
              %mul3A_311 = arith.constant 64 : i32
              %mul3A_312 = arith.muli %and3A_203, %mul3A_311 : i32
              %add3A_313 = arith.constant 48 : i32
              %add3A_314 = arith.addi %mul3A_312, %add3A_313 : i32
              %swap3A_315 = arith.index_cast %add3A_314 : i32 to index
              %swap3A_316 = tpu.vector_load %arg16[%swap3A_315] {strides = array<i32>} : memref<1024xf32, #tpu.memory_space<vmem>>, vector<16xf32>,
              tpu.vector_store %arg16[%swap3A_315], %gather3A_310 {strides = array<i32>} : memref<1024xf32, #tpu.memory_space<vmem>>, vector<16xf32>,
              %mul3A_317 = arith.constant 64 : i32
              %mul3A_318 = arith.muli %and3A_203, %mul3A_317 : i32
              %mul3A_319 = arith.constant 64 : i32
              %mul3A_320 = arith.muli %reduce_max3A_253, %mul3A_319 : i32
              %dma_start3A_321 = tpu.memref_slice %arg16[%mul3A_318] : memref<1024xf32, #tpu.memory_space<vmem>> -> memref<64xf32, #tpu.memory_space<vmem>>
              %dma_start3A_322 = tpu.memref_slice %arg5[%mul3A_320] : memref<1048576xf32, #tpu.memory_space<hbm>> -> memref<64xf32, #tpu.memory_space<hbm>>
              %dma_start3A_323 = tpu.memref_slice %arg5[%mul3A_320] : memref<1048576xf32, #tpu.memory_space<hbm>> -> memref<64xf32, #tpu.memory_space<hbm>>
              %dma_start3A_324 = tpu.memref_slice %arg16[%mul3A_318] : memref<1024xf32, #tpu.memory_space<vmem>> -> memref<64xf32, #tpu.memory_space<vmem>>
              tpu.enqueue_dma source(%dma_start3A_324 : memref<64xf32, #tpu.memory_space<vmem>>) target(%dma_start3A_323 : memref<64xf32, #tpu.memory_space<hbm>>) target_semaphore(%arg26 : memref<!tpu.dma_semaphore, #tpu.memory_space<semaphore_mem>>)
              %add3A_325 = arith.constant 1 : i32
              %add3A_326 = arith.addi %while3A_202, %add3A_325 : i32
              scf.yield %add3A_326 : i32
            }
            scf.yield %while3A_200 : i32
          }
          scf.yield %cond3A_171 : i32
        } else {
          %dma_wait3A = arith.constant 0 : i32
          %dma_wait3A_167 = arith.constant 0 : i32
          %dma_wait3A_168 = arith.constant 0 : i32
          %dma_wait3A_169 = tpu.memref_slice %arg3[%dma_wait3A, %dma_wait3A_167, %dma_wait3A_168] : memref<8x8x1000000xf32, #tpu.memory_space<hbm>> -> memref<8x8x128xf32, #tpu.memory_space<hbm>>
          %dma_wait3A_170 = arith.constant 0 : i32
          %dma_wait3A_171 = arith.constant 0 : i32
          %dma_wait3A_172 = arith.constant 0 : i32
          %dma_wait3A_173 = tpu.memref_slice %arg3[%dma_wait3A_170, %dma_wait3A_171, %dma_wait3A_172] : memref<8x8x1000000xf32, #tpu.memory_space<hbm>> -> memref<8x8x128xf32, #tpu.memory_space<hbm>>
          tpu.wait_dma2 semaphore(%arg22 : memref<!tpu.dma_semaphore, #tpu.memory_space<semaphore_mem>>) src(%dma_wait3A_173 : memref<8x8x128xf32, #tpu.memory_space<hbm>>) dst(%arg12 : memref<8x8x128xf32, #tpu.memory_space<vmem>>)
          %add3A_174 = arith.constant 4 : i32
          %add3A_175 = arith.addi %while3A_147, %add3A_174 : i32
          %lt3A_176 = arith.cmpi slt, %add3A_175, %while3A_113 : i32
          %convert_element_type3A_177 = arith.extui %lt3A_176 : i1 to i32
          %cond3A_178 = arith.constant 0 : i32
          %cond3A_179 = arith.cmpi ne, %convert_element_type3A_177, %cond3A_178 : i32
          scf.if %cond3A_179 {
            %add3A_196 = arith.constant 4 : i32
            %add3A_197 = arith.addi %while3A_147, %add3A_196 : i32
            %get3A_198 = arith.index_cast %add3A_197 : i32 to index
            %get3A_199 = memref.load %arg20[%get3A_198] : memref<262xi32, #tpu.memory_space<smem>>
            %add3A_200 = arith.addi %add3A_4, %get3A_199 : i32
            %jit3A_201 = arith.constant 0 : i32
            %jit3A_202 = arith.constant 7811 : i32
            %max3A = arith.maxsi %jit3A_201, %add3A_200 : i32
            %min3A_203 = arith.minsi %jit3A_202, %max3A : i32
            %mul3A_204 = arith.constant 128 : i32
            %mul3A_205 = arith.muli %min3A_203, %mul3A_204 : i32
            %multiple_of3A_206 = tpu.assume_multiple %mul3A_205, 128 : i32
            %dma_start3A_207 = arith.constant 0 : i32
            %dma_start3A_208 = arith.constant 0 : i32
            %dma_start3A_209 = tpu.memref_slice %arg3[%dma_start3A_207, %dma_start3A_208, %multiple_of3A_206] : memref<8x8x1000000xf32, #tpu.memory_space<hbm>> -> memref<8x8x128xf32, #tpu.memory_space<hbm>>
            %dma_start3A_210 = arith.constant 0 : i32
            %dma_start3A_211 = arith.constant 0 : i32
            %dma_start3A_212 = tpu.memref_slice %arg3[%dma_start3A_210, %dma_start3A_211, %multiple_of3A_206] : memref<8x8x1000000xf32, #tpu.memory_space<hbm>> -> memref<8x8x128xf32, #tpu.memory_space<hbm>>
            tpu.enqueue_dma source(%dma_start3A_212 : memref<8x8x128xf32, #tpu.memory_space<hbm>>) target(%arg11 : memref<8x8x128xf32, #tpu.memory_space<vmem>>) target_semaphore(%arg21 : memref<!tpu.dma_semaphore, #tpu.memory_space<semaphore_mem>>)
          } else {
          }
          %get3A = arith.index_cast %while3A_147 : i32 to index
          %get3A_180 = memref.load %arg20[%get3A] : memref<262xi32, #tpu.memory_space<smem>>
          %get3A_181 = arith.index_cast %get3A_180 : i32 to index
          %get3A_182 = memref.load %arg18[%get3A_181] : memref<262xi32, #tpu.memory_space<smem>>
          %get3A_183 = arith.index_cast %get3A_180 : i32 to index
          %get3A_184 = memref.load %arg17[%get3A_183] : memref<262xi32, #tpu.memory_space<smem>>
          %add3A_185 = arith.addi %get3A_182, %get3A_184 : i32
          %while3A_186 = arith.subi %add3A_185, %get3A_182 : i32
          %while3A_187 = arith.addi %get3A_182, %while3A_186 : i32
          %while3A_188 = arith.constant 1 : i32
          %while3A_189 = arith.divsi %while3A_186, %while3A_188 : i32
          %while3A_190 = arith.muli %while3A_189, %while3A_188 : i32
          %while3A_191 = arith.addi %get3A_182, %while3A_190 : i32
          %while3A_192 = arith.constant 1 : i32
          %while3A_193 = scf.for %while3A_196 = %get3A_182 to %while3A_191 step %while3A_192 iter_args(%while3A_197 = %while3A_148) -> (i32)  : i32 {
            %and3A = arith.constant 15 : i32
            %and3A_198 = arith.andi %while3A_197, %and3A : i32
            %eq3A_199 = arith.constant 0 : i32
            %eq3A_200 = arith.cmpi eq, %and3A_198, %eq3A_199 : i32
            %ge3A = arith.constant 16 : i32
            %ge3A_201 = arith.cmpi sge, %while3A_197, %ge3A : i32
            %and3A_202 = arith.andi %eq3A_200, %ge3A_201 : i1
            %convert_element_type3A_203 = arith.extui %and3A_202 : i1 to i32
            %cond3A_204 = arith.constant 0 : i32
            %cond3A_205 = arith.cmpi ne, %convert_element_type3A_203, %cond3A_204 : i32
            scf.if %cond3A_205 {
              %dma_wait3A_322 = arith.constant 0 : i32
              %dma_wait3A_323 = tpu.memref_slice %arg5[%dma_wait3A_322] : memref<1048576xf32, #tpu.memory_space<hbm>> -> memref<1024xf32, #tpu.memory_space<hbm>>
              %dma_wait3A_324 = arith.constant 0 : i32
              %dma_wait3A_325 = tpu.memref_slice %arg5[%dma_wait3A_324] : memref<1048576xf32, #tpu.memory_space<hbm>> -> memref<1024xf32, #tpu.memory_space<hbm>>
              tpu.wait_dma2 semaphore(%arg26 : memref<!tpu.dma_semaphore, #tpu.memory_space<semaphore_mem>>) src(%dma_wait3A_325 : memref<1024xf32, #tpu.memory_space<hbm>>) dst(%arg16 : memref<1024xf32, #tpu.memory_space<vmem>>)
            } else {
            }
            %shift_right_logical3A_206 = arith.constant 4 : i32
            %shift_right_logical3A_207 = arith.shrui %while3A_196, %shift_right_logical3A_206 : i32
            %mul3A_208 = arith.constant 16 : i32
            %mul3A_209 = arith.muli %shift_right_logical3A_207, %mul3A_208 : i32
            %get3A_210 = arith.index_cast %mul3A_209 : i32 to index
            %get3A_211 = tpu.vector_load %arg9[%get3A_210] {strides = array<i32>} : memref<16400xi32, #tpu.memory_space<vmem>>, vector<16xi32>,
            %shift_right_logical3A_212 = arith.constant 4 : i32
            %shift_right_logical3A_213 = arith.shrui %while3A_196, %shift_right_logical3A_212 : i32
            %mul3A_214 = arith.constant 16 : i32
            %mul3A_215 = arith.muli %shift_right_logical3A_213, %mul3A_214 : i32
            %get3A_216 = arith.index_cast %mul3A_215 : i32 to index
            %get3A_217 = tpu.vector_load %arg10[%get3A_216] {strides = array<i32>} : memref<16400xi32, #tpu.memory_space<vmem>>, vector<16xi32>,
            %and3A_218 = arith.constant 15 : i32
            %and3A_219 = arith.andi %while3A_196, %and3A_218 : i32
            %broadcast_in_dim3A_220 = vector.broadcast %and3A_219 : i32 to vector<16xi32>
            %lt3A_221 = arith.constant 0 : i32
            %lt3A_222 = vector.broadcast %lt3A_221 : i32 to vector<16xi32>
            %lt3A_223 = arith.cmpi slt, %broadcast_in_dim3A_220, %lt3A_222 : vector<16xi32>
            %add3A_224 = arith.constant 16 : i32
            %add3A_225 = vector.broadcast %add3A_224 : i32 to vector<16xi32>
            %add3A_226 = arith.addi %broadcast_in_dim3A_220, %add3A_225 : vector<16xi32>
            %select_n3A_227 = arith.select %lt3A_223, %add3A_226, %broadcast_in_dim3A_220 : vector<16xi1>, vector<16xi32>
            %reshape3A = vector.shape_cast %select_n3A_227 : vector<16xi32> to vector<16x1xi32>
            %gather3A = vector.shape_cast %reshape3A : vector<16x1xi32> to vector<16xi32>
            %gather3A_228 = tpu.dynamic_gather %get3A_211[%gather3A] in [0] : vector<16xi32>, vector<16xi32> -> vector<16xi32>
            %and3A_229 = arith.constant 127 : i32
            %and3A_230 = vector.broadcast %and3A_229 : i32 to vector<16xi32>
            %and3A_231 = arith.andi %gather3A_228, %and3A_230 : vector<16xi32>
            %lt3A_232 = arith.constant 0 : i32
            %lt3A_233 = vector.broadcast %lt3A_232 : i32 to vector<16xi32>
            %lt3A_234 = arith.cmpi slt, %broadcast_in_dim3A_220, %lt3A_233 : vector<16xi32>
            %add3A_235 = arith.constant 16 : i32
            %add3A_236 = vector.broadcast %add3A_235 : i32 to vector<16xi32>
            %add3A_237 = arith.addi %broadcast_in_dim3A_220, %add3A_236 : vector<16xi32>
            %select_n3A_238 = arith.select %lt3A_234, %add3A_237, %broadcast_in_dim3A_220 : vector<16xi1>, vector<16xi32>
            %reshape3A_239 = vector.shape_cast %select_n3A_238 : vector<16xi32> to vector<16x1xi32>
            %gather3A_240 = vector.shape_cast %reshape3A_239 : vector<16x1xi32> to vector<16xi32>
            %gather3A_241 = tpu.dynamic_gather %get3A_217[%gather3A_240] in [0] : vector<16xi32>, vector<16xi32> -> vector<16xi32>
            %reduce_max3A = arith.constant true
            %reduce_max3A_242 = vector.broadcast %reduce_max3A : i1 to vector<16xi1>
            %reduce_max3A_243 = arith.constant -2147483648 : i32
            %reduce_max3A_244 = vector.broadcast %reduce_max3A_243 : i32 to vector<16xi32>
            %reduce_max3A_245 = arith.xori %gather3A_241, %reduce_max3A_244 : vector<16xi32>
            %reduce_max3A_246 = tpu.scan <max>, %reduce_max3A_245 masked %reduce_max3A_242 : vector<16xi32>, vector<16xi1> -> vector<16xi32>
            %reduce_max3A_247 = arith.xori %reduce_max3A_246, %reduce_max3A_244 : vector<16xi32>
            %reduce_max3A_248 = vector.extract %reduce_max3A_247[15] : i32 from vector<16xi32>
            %add3A_249 = arith.constant 0 : i32
            %add3A_250 = vector.broadcast %add3A_249 : i32 to vector<16xi32>
            %add3A_251 = arith.addi %iota3A, %add3A_250 : vector<16xi32>
            %shift_right_logical3A_252 = arith.constant 3 : i32
            %shift_right_logical3A_253 = vector.broadcast %shift_right_logical3A_252 : i32 to vector<16xi32>
            %shift_right_logical3A_254 = arith.shrui %add3A_251, %shift_right_logical3A_253 : vector<16xi32>
            %and3A_255 = arith.constant 7 : i32
            %and3A_256 = vector.broadcast %and3A_255 : i32 to vector<16xi32>
            %and3A_257 = arith.andi %add3A_251, %and3A_256 : vector<16xi32>
            %gather3A_258 = tpu.vector_load_idx %arg12[%shift_right_logical3A_254, %and3A_257, %and3A_231] : memref<8x8x128xf32, #tpu.memory_space<vmem>>[vector<16xi32>, vector<16xi32>, vector<16xi32>], vector<16xf32>,
            %mul3A_259 = arith.constant 64 : i32
            %mul3A_260 = arith.muli %and3A_198, %mul3A_259 : i32
            %add3A_261 = arith.constant 0 : i32
            %add3A_262 = arith.addi %mul3A_260, %add3A_261 : i32
            %swap3A = arith.index_cast %add3A_262 : i32 to index
            %swap3A_263 = tpu.vector_load %arg16[%swap3A] {strides = array<i32>} : memref<1024xf32, #tpu.memory_space<vmem>>, vector<16xf32>,
            tpu.vector_store %arg16[%swap3A], %gather3A_258 {strides = array<i32>} : memref<1024xf32, #tpu.memory_space<vmem>>, vector<16xf32>,
            %add3A_264 = arith.constant 16 : i32
            %add3A_265 = vector.broadcast %add3A_264 : i32 to vector<16xi32>
            %add3A_266 = arith.addi %iota3A, %add3A_265 : vector<16xi32>
            %shift_right_logical3A_267 = arith.constant 3 : i32
            %shift_right_logical3A_268 = vector.broadcast %shift_right_logical3A_267 : i32 to vector<16xi32>
            %shift_right_logical3A_269 = arith.shrui %add3A_266, %shift_right_logical3A_268 : vector<16xi32>
            %and3A_270 = arith.constant 7 : i32
            %and3A_271 = vector.broadcast %and3A_270 : i32 to vector<16xi32>
            %and3A_272 = arith.andi %add3A_266, %and3A_271 : vector<16xi32>
            %gather3A_273 = tpu.vector_load_idx %arg12[%shift_right_logical3A_269, %and3A_272, %and3A_231] : memref<8x8x128xf32, #tpu.memory_space<vmem>>[vector<16xi32>, vector<16xi32>, vector<16xi32>], vector<16xf32>,
            %mul3A_274 = arith.constant 64 : i32
            %mul3A_275 = arith.muli %and3A_198, %mul3A_274 : i32
            %add3A_276 = arith.constant 16 : i32
            %add3A_277 = arith.addi %mul3A_275, %add3A_276 : i32
            %swap3A_278 = arith.index_cast %add3A_277 : i32 to index
            %swap3A_279 = tpu.vector_load %arg16[%swap3A_278] {strides = array<i32>} : memref<1024xf32, #tpu.memory_space<vmem>>, vector<16xf32>,
            tpu.vector_store %arg16[%swap3A_278], %gather3A_273 {strides = array<i32>} : memref<1024xf32, #tpu.memory_space<vmem>>, vector<16xf32>,
            %add3A_280 = arith.constant 32 : i32
            %add3A_281 = vector.broadcast %add3A_280 : i32 to vector<16xi32>
            %add3A_282 = arith.addi %iota3A, %add3A_281 : vector<16xi32>
            %shift_right_logical3A_283 = arith.constant 3 : i32
            %shift_right_logical3A_284 = vector.broadcast %shift_right_logical3A_283 : i32 to vector<16xi32>
            %shift_right_logical3A_285 = arith.shrui %add3A_282, %shift_right_logical3A_284 : vector<16xi32>
            %and3A_286 = arith.constant 7 : i32
            %and3A_287 = vector.broadcast %and3A_286 : i32 to vector<16xi32>
            %and3A_288 = arith.andi %add3A_282, %and3A_287 : vector<16xi32>
            %gather3A_289 = tpu.vector_load_idx %arg12[%shift_right_logical3A_285, %and3A_288, %and3A_231] : memref<8x8x128xf32, #tpu.memory_space<vmem>>[vector<16xi32>, vector<16xi32>, vector<16xi32>], vector<16xf32>,
            %mul3A_290 = arith.constant 64 : i32
            %mul3A_291 = arith.muli %and3A_198, %mul3A_290 : i32
            %add3A_292 = arith.constant 32 : i32
            %add3A_293 = arith.addi %mul3A_291, %add3A_292 : i32
            %swap3A_294 = arith.index_cast %add3A_293 : i32 to index
            %swap3A_295 = tpu.vector_load %arg16[%swap3A_294] {strides = array<i32>} : memref<1024xf32, #tpu.memory_space<vmem>>, vector<16xf32>,
            tpu.vector_store %arg16[%swap3A_294], %gather3A_289 {strides = array<i32>} : memref<1024xf32, #tpu.memory_space<vmem>>, vector<16xf32>,
            %add3A_296 = arith.constant 48 : i32
            %add3A_297 = vector.broadcast %add3A_296 : i32 to vector<16xi32>
            %add3A_298 = arith.addi %iota3A, %add3A_297 : vector<16xi32>
            %shift_right_logical3A_299 = arith.constant 3 : i32
            %shift_right_logical3A_300 = vector.broadcast %shift_right_logical3A_299 : i32 to vector<16xi32>
            %shift_right_logical3A_301 = arith.shrui %add3A_298, %shift_right_logical3A_300 : vector<16xi32>
            %and3A_302 = arith.constant 7 : i32
            %and3A_303 = vector.broadcast %and3A_302 : i32 to vector<16xi32>
            %and3A_304 = arith.andi %add3A_298, %and3A_303 : vector<16xi32>
            %gather3A_305 = tpu.vector_load_idx %arg12[%shift_right_logical3A_301, %and3A_304, %and3A_231] : memref<8x8x128xf32, #tpu.memory_space<vmem>>[vector<16xi32>, vector<16xi32>, vector<16xi32>], vector<16xf32>,
            %mul3A_306 = arith.constant 64 : i32
            %mul3A_307 = arith.muli %and3A_198, %mul3A_306 : i32
            %add3A_308 = arith.constant 48 : i32
            %add3A_309 = arith.addi %mul3A_307, %add3A_308 : i32
            %swap3A_310 = arith.index_cast %add3A_309 : i32 to index
            %swap3A_311 = tpu.vector_load %arg16[%swap3A_310] {strides = array<i32>} : memref<1024xf32, #tpu.memory_space<vmem>>, vector<16xf32>,
            tpu.vector_store %arg16[%swap3A_310], %gather3A_305 {strides = array<i32>} : memref<1024xf32, #tpu.memory_space<vmem>>, vector<16xf32>,
            %mul3A_312 = arith.constant 64 : i32
            %mul3A_313 = arith.muli %and3A_198, %mul3A_312 : i32
            %mul3A_314 = arith.constant 64 : i32
            %mul3A_315 = arith.muli %reduce_max3A_248, %mul3A_314 : i32
            %dma_start3A_316 = tpu.memref_slice %arg16[%mul3A_313] : memref<1024xf32, #tpu.memory_space<vmem>> -> memref<64xf32, #tpu.memory_space<vmem>>
            %dma_start3A_317 = tpu.memref_slice %arg5[%mul3A_315] : memref<1048576xf32, #tpu.memory_space<hbm>> -> memref<64xf32, #tpu.memory_space<hbm>>
            %dma_start3A_318 = tpu.memref_slice %arg5[%mul3A_315] : memref<1048576xf32, #tpu.memory_space<hbm>> -> memref<64xf32, #tpu.memory_space<hbm>>
            %dma_start3A_319 = tpu.memref_slice %arg16[%mul3A_313] : memref<1024xf32, #tpu.memory_space<vmem>> -> memref<64xf32, #tpu.memory_space<vmem>>
            tpu.enqueue_dma source(%dma_start3A_319 : memref<64xf32, #tpu.memory_space<vmem>>) target(%dma_start3A_318 : memref<64xf32, #tpu.memory_space<hbm>>) target_semaphore(%arg26 : memref<!tpu.dma_semaphore, #tpu.memory_space<semaphore_mem>>)
            %add3A_320 = arith.constant 1 : i32
            %add3A_321 = arith.addi %while3A_197, %add3A_320 : i32
            scf.yield %add3A_321 : i32
          }
          %while3A_194 = arith.constant 1 : i32
          %while3A_195 = scf.for %while3A_196 = %while3A_191 to %while3A_187 step %while3A_194 iter_args(%while3A_197 = %while3A_193) -> (i32)  : i32 {
            %and3A = arith.constant 15 : i32
            %and3A_198 = arith.andi %while3A_197, %and3A : i32
            %eq3A_199 = arith.constant 0 : i32
            %eq3A_200 = arith.cmpi eq, %and3A_198, %eq3A_199 : i32
            %ge3A = arith.constant 16 : i32
            %ge3A_201 = arith.cmpi sge, %while3A_197, %ge3A : i32
            %and3A_202 = arith.andi %eq3A_200, %ge3A_201 : i1
            %convert_element_type3A_203 = arith.extui %and3A_202 : i1 to i32
            %cond3A_204 = arith.constant 0 : i32
            %cond3A_205 = arith.cmpi ne, %convert_element_type3A_203, %cond3A_204 : i32
            scf.if %cond3A_205 {
              %dma_wait3A_322 = arith.constant 0 : i32
              %dma_wait3A_323 = tpu.memref_slice %arg5[%dma_wait3A_322] : memref<1048576xf32, #tpu.memory_space<hbm>> -> memref<1024xf32, #tpu.memory_space<hbm>>
              %dma_wait3A_324 = arith.constant 0 : i32
              %dma_wait3A_325 = tpu.memref_slice %arg5[%dma_wait3A_324] : memref<1048576xf32, #tpu.memory_space<hbm>> -> memref<1024xf32, #tpu.memory_space<hbm>>
              tpu.wait_dma2 semaphore(%arg26 : memref<!tpu.dma_semaphore, #tpu.memory_space<semaphore_mem>>) src(%dma_wait3A_325 : memref<1024xf32, #tpu.memory_space<hbm>>) dst(%arg16 : memref<1024xf32, #tpu.memory_space<vmem>>)
            } else {
            }
            %shift_right_logical3A_206 = arith.constant 4 : i32
            %shift_right_logical3A_207 = arith.shrui %while3A_196, %shift_right_logical3A_206 : i32
            %mul3A_208 = arith.constant 16 : i32
            %mul3A_209 = arith.muli %shift_right_logical3A_207, %mul3A_208 : i32
            %get3A_210 = arith.index_cast %mul3A_209 : i32 to index
            %get3A_211 = tpu.vector_load %arg9[%get3A_210] {strides = array<i32>} : memref<16400xi32, #tpu.memory_space<vmem>>, vector<16xi32>,
            %shift_right_logical3A_212 = arith.constant 4 : i32
            %shift_right_logical3A_213 = arith.shrui %while3A_196, %shift_right_logical3A_212 : i32
            %mul3A_214 = arith.constant 16 : i32
            %mul3A_215 = arith.muli %shift_right_logical3A_213, %mul3A_214 : i32
            %get3A_216 = arith.index_cast %mul3A_215 : i32 to index
            %get3A_217 = tpu.vector_load %arg10[%get3A_216] {strides = array<i32>} : memref<16400xi32, #tpu.memory_space<vmem>>, vector<16xi32>,
            %and3A_218 = arith.constant 15 : i32
            %and3A_219 = arith.andi %while3A_196, %and3A_218 : i32
            %broadcast_in_dim3A_220 = vector.broadcast %and3A_219 : i32 to vector<16xi32>
            %lt3A_221 = arith.constant 0 : i32
            %lt3A_222 = vector.broadcast %lt3A_221 : i32 to vector<16xi32>
            %lt3A_223 = arith.cmpi slt, %broadcast_in_dim3A_220, %lt3A_222 : vector<16xi32>
            %add3A_224 = arith.constant 16 : i32
            %add3A_225 = vector.broadcast %add3A_224 : i32 to vector<16xi32>
            %add3A_226 = arith.addi %broadcast_in_dim3A_220, %add3A_225 : vector<16xi32>
            %select_n3A_227 = arith.select %lt3A_223, %add3A_226, %broadcast_in_dim3A_220 : vector<16xi1>, vector<16xi32>
            %reshape3A = vector.shape_cast %select_n3A_227 : vector<16xi32> to vector<16x1xi32>
            %gather3A = vector.shape_cast %reshape3A : vector<16x1xi32> to vector<16xi32>
            %gather3A_228 = tpu.dynamic_gather %get3A_211[%gather3A] in [0] : vector<16xi32>, vector<16xi32> -> vector<16xi32>
            %and3A_229 = arith.constant 127 : i32
            %and3A_230 = vector.broadcast %and3A_229 : i32 to vector<16xi32>
            %and3A_231 = arith.andi %gather3A_228, %and3A_230 : vector<16xi32>
            %lt3A_232 = arith.constant 0 : i32
            %lt3A_233 = vector.broadcast %lt3A_232 : i32 to vector<16xi32>
            %lt3A_234 = arith.cmpi slt, %broadcast_in_dim3A_220, %lt3A_233 : vector<16xi32>
            %add3A_235 = arith.constant 16 : i32
            %add3A_236 = vector.broadcast %add3A_235 : i32 to vector<16xi32>
            %add3A_237 = arith.addi %broadcast_in_dim3A_220, %add3A_236 : vector<16xi32>
            %select_n3A_238 = arith.select %lt3A_234, %add3A_237, %broadcast_in_dim3A_220 : vector<16xi1>, vector<16xi32>
            %reshape3A_239 = vector.shape_cast %select_n3A_238 : vector<16xi32> to vector<16x1xi32>
            %gather3A_240 = vector.shape_cast %reshape3A_239 : vector<16x1xi32> to vector<16xi32>
            %gather3A_241 = tpu.dynamic_gather %get3A_217[%gather3A_240] in [0] : vector<16xi32>, vector<16xi32> -> vector<16xi32>
            %reduce_max3A = arith.constant true
            %reduce_max3A_242 = vector.broadcast %reduce_max3A : i1 to vector<16xi1>
            %reduce_max3A_243 = arith.constant -2147483648 : i32
            %reduce_max3A_244 = vector.broadcast %reduce_max3A_243 : i32 to vector<16xi32>
            %reduce_max3A_245 = arith.xori %gather3A_241, %reduce_max3A_244 : vector<16xi32>
            %reduce_max3A_246 = tpu.scan <max>, %reduce_max3A_245 masked %reduce_max3A_242 : vector<16xi32>, vector<16xi1> -> vector<16xi32>
            %reduce_max3A_247 = arith.xori %reduce_max3A_246, %reduce_max3A_244 : vector<16xi32>
            %reduce_max3A_248 = vector.extract %reduce_max3A_247[15] : i32 from vector<16xi32>
            %add3A_249 = arith.constant 0 : i32
            %add3A_250 = vector.broadcast %add3A_249 : i32 to vector<16xi32>
            %add3A_251 = arith.addi %iota3A, %add3A_250 : vector<16xi32>
            %shift_right_logical3A_252 = arith.constant 3 : i32
            %shift_right_logical3A_253 = vector.broadcast %shift_right_logical3A_252 : i32 to vector<16xi32>
            %shift_right_logical3A_254 = arith.shrui %add3A_251, %shift_right_logical3A_253 : vector<16xi32>
            %and3A_255 = arith.constant 7 : i32
            %and3A_256 = vector.broadcast %and3A_255 : i32 to vector<16xi32>
            %and3A_257 = arith.andi %add3A_251, %and3A_256 : vector<16xi32>
            %gather3A_258 = tpu.vector_load_idx %arg12[%shift_right_logical3A_254, %and3A_257, %and3A_231] : memref<8x8x128xf32, #tpu.memory_space<vmem>>[vector<16xi32>, vector<16xi32>, vector<16xi32>], vector<16xf32>,
            %mul3A_259 = arith.constant 64 : i32
            %mul3A_260 = arith.muli %and3A_198, %mul3A_259 : i32
            %add3A_261 = arith.constant 0 : i32
            %add3A_262 = arith.addi %mul3A_260, %add3A_261 : i32
            %swap3A = arith.index_cast %add3A_262 : i32 to index
            %swap3A_263 = tpu.vector_load %arg16[%swap3A] {strides = array<i32>} : memref<1024xf32, #tpu.memory_space<vmem>>, vector<16xf32>,
            tpu.vector_store %arg16[%swap3A], %gather3A_258 {strides = array<i32>} : memref<1024xf32, #tpu.memory_space<vmem>>, vector<16xf32>,
            %add3A_264 = arith.constant 16 : i32
            %add3A_265 = vector.broadcast %add3A_264 : i32 to vector<16xi32>
            %add3A_266 = arith.addi %iota3A, %add3A_265 : vector<16xi32>
            %shift_right_logical3A_267 = arith.constant 3 : i32
            %shift_right_logical3A_268 = vector.broadcast %shift_right_logical3A_267 : i32 to vector<16xi32>
            %shift_right_logical3A_269 = arith.shrui %add3A_266, %shift_right_logical3A_268 : vector<16xi32>
            %and3A_270 = arith.constant 7 : i32
            %and3A_271 = vector.broadcast %and3A_270 : i32 to vector<16xi32>
            %and3A_272 = arith.andi %add3A_266, %and3A_271 : vector<16xi32>
            %gather3A_273 = tpu.vector_load_idx %arg12[%shift_right_logical3A_269, %and3A_272, %and3A_231] : memref<8x8x128xf32, #tpu.memory_space<vmem>>[vector<16xi32>, vector<16xi32>, vector<16xi32>], vector<16xf32>,
            %mul3A_274 = arith.constant 64 : i32
            %mul3A_275 = arith.muli %and3A_198, %mul3A_274 : i32
            %add3A_276 = arith.constant 16 : i32
            %add3A_277 = arith.addi %mul3A_275, %add3A_276 : i32
            %swap3A_278 = arith.index_cast %add3A_277 : i32 to index
            %swap3A_279 = tpu.vector_load %arg16[%swap3A_278] {strides = array<i32>} : memref<1024xf32, #tpu.memory_space<vmem>>, vector<16xf32>,
            tpu.vector_store %arg16[%swap3A_278], %gather3A_273 {strides = array<i32>} : memref<1024xf32, #tpu.memory_space<vmem>>, vector<16xf32>,
            %add3A_280 = arith.constant 32 : i32
            %add3A_281 = vector.broadcast %add3A_280 : i32 to vector<16xi32>
            %add3A_282 = arith.addi %iota3A, %add3A_281 : vector<16xi32>
            %shift_right_logical3A_283 = arith.constant 3 : i32
            %shift_right_logical3A_284 = vector.broadcast %shift_right_logical3A_283 : i32 to vector<16xi32>
            %shift_right_logical3A_285 = arith.shrui %add3A_282, %shift_right_logical3A_284 : vector<16xi32>
            %and3A_286 = arith.constant 7 : i32
            %and3A_287 = vector.broadcast %and3A_286 : i32 to vector<16xi32>
            %and3A_288 = arith.andi %add3A_282, %and3A_287 : vector<16xi32>
            %gather3A_289 = tpu.vector_load_idx %arg12[%shift_right_logical3A_285, %and3A_288, %and3A_231] : memref<8x8x128xf32, #tpu.memory_space<vmem>>[vector<16xi32>, vector<16xi32>, vector<16xi32>], vector<16xf32>,
            %mul3A_290 = arith.constant 64 : i32
            %mul3A_291 = arith.muli %and3A_198, %mul3A_290 : i32
            %add3A_292 = arith.constant 32 : i32
            %add3A_293 = arith.addi %mul3A_291, %add3A_292 : i32
            %swap3A_294 = arith.index_cast %add3A_293 : i32 to index
            %swap3A_295 = tpu.vector_load %arg16[%swap3A_294] {strides = array<i32>} : memref<1024xf32, #tpu.memory_space<vmem>>, vector<16xf32>,
            tpu.vector_store %arg16[%swap3A_294], %gather3A_289 {strides = array<i32>} : memref<1024xf32, #tpu.memory_space<vmem>>, vector<16xf32>,
            %add3A_296 = arith.constant 48 : i32
            %add3A_297 = vector.broadcast %add3A_296 : i32 to vector<16xi32>
            %add3A_298 = arith.addi %iota3A, %add3A_297 : vector<16xi32>
            %shift_right_logical3A_299 = arith.constant 3 : i32
            %shift_right_logical3A_300 = vector.broadcast %shift_right_logical3A_299 : i32 to vector<16xi32>
            %shift_right_logical3A_301 = arith.shrui %add3A_298, %shift_right_logical3A_300 : vector<16xi32>
            %and3A_302 = arith.constant 7 : i32
            %and3A_303 = vector.broadcast %and3A_302 : i32 to vector<16xi32>
            %and3A_304 = arith.andi %add3A_298, %and3A_303 : vector<16xi32>
            %gather3A_305 = tpu.vector_load_idx %arg12[%shift_right_logical3A_301, %and3A_304, %and3A_231] : memref<8x8x128xf32, #tpu.memory_space<vmem>>[vector<16xi32>, vector<16xi32>, vector<16xi32>], vector<16xf32>,
            %mul3A_306 = arith.constant 64 : i32
            %mul3A_307 = arith.muli %and3A_198, %mul3A_306 : i32
            %add3A_308 = arith.constant 48 : i32
            %add3A_309 = arith.addi %mul3A_307, %add3A_308 : i32
            %swap3A_310 = arith.index_cast %add3A_309 : i32 to index
            %swap3A_311 = tpu.vector_load %arg16[%swap3A_310] {strides = array<i32>} : memref<1024xf32, #tpu.memory_space<vmem>>, vector<16xf32>,
            tpu.vector_store %arg16[%swap3A_310], %gather3A_305 {strides = array<i32>} : memref<1024xf32, #tpu.memory_space<vmem>>, vector<16xf32>,
            %mul3A_312 = arith.constant 64 : i32
            %mul3A_313 = arith.muli %and3A_198, %mul3A_312 : i32
            %mul3A_314 = arith.constant 64 : i32
            %mul3A_315 = arith.muli %reduce_max3A_248, %mul3A_314 : i32
            %dma_start3A_316 = tpu.memref_slice %arg16[%mul3A_313] : memref<1024xf32, #tpu.memory_space<vmem>> -> memref<64xf32, #tpu.memory_space<vmem>>
            %dma_start3A_317 = tpu.memref_slice %arg5[%mul3A_315] : memref<1048576xf32, #tpu.memory_space<hbm>> -> memref<64xf32, #tpu.memory_space<hbm>>
            %dma_start3A_318 = tpu.memref_slice %arg5[%mul3A_315] : memref<1048576xf32, #tpu.memory_space<hbm>> -> memref<64xf32, #tpu.memory_space<hbm>>
            %dma_start3A_319 = tpu.memref_slice %arg16[%mul3A_313] : memref<1024xf32, #tpu.memory_space<vmem>> -> memref<64xf32, #tpu.memory_space<vmem>>
            tpu.enqueue_dma source(%dma_start3A_319 : memref<64xf32, #tpu.memory_space<vmem>>) target(%dma_start3A_318 : memref<64xf32, #tpu.memory_space<hbm>>) target_semaphore(%arg26 : memref<!tpu.dma_semaphore, #tpu.memory_space<semaphore_mem>>)
            %add3A_320 = arith.constant 1 : i32
            %add3A_321 = arith.addi %while3A_197, %add3A_320 : i32
            scf.yield %add3A_321 : i32
          }
          scf.yield %while3A_195 : i32
        }
        scf.yield %cond3A_166 : i32
      } else {
        %dma_wait3A = arith.constant 0 : i32
        %dma_wait3A_162 = arith.constant 0 : i32
        %dma_wait3A_163 = arith.constant 0 : i32
        %dma_wait3A_164 = tpu.memref_slice %arg3[%dma_wait3A, %dma_wait3A_162, %dma_wait3A_163] : memref<8x8x1000000xf32, #tpu.memory_space<hbm>> -> memref<8x8x128xf32, #tpu.memory_space<hbm>>
        %dma_wait3A_165 = arith.constant 0 : i32
        %dma_wait3A_166 = arith.constant 0 : i32
        %dma_wait3A_167 = arith.constant 0 : i32
        %dma_wait3A_168 = tpu.memref_slice %arg3[%dma_wait3A_165, %dma_wait3A_166, %dma_wait3A_167] : memref<8x8x1000000xf32, #tpu.memory_space<hbm>> -> memref<8x8x128xf32, #tpu.memory_space<hbm>>
        tpu.wait_dma2 semaphore(%arg21 : memref<!tpu.dma_semaphore, #tpu.memory_space<semaphore_mem>>) src(%dma_wait3A_168 : memref<8x8x128xf32, #tpu.memory_space<hbm>>) dst(%arg11 : memref<8x8x128xf32, #tpu.memory_space<vmem>>)
        %add3A_169 = arith.constant 4 : i32
        %add3A_170 = arith.addi %while3A_147, %add3A_169 : i32
        %lt3A_171 = arith.cmpi slt, %add3A_170, %while3A_113 : i32
        %convert_element_type3A_172 = arith.extui %lt3A_171 : i1 to i32
        %cond3A_173 = arith.constant 0 : i32
        %cond3A_174 = arith.cmpi ne, %convert_element_type3A_172, %cond3A_173 : i32
        scf.if %cond3A_174 {
          %add3A_191 = arith.constant 4 : i32
          %add3A_192 = arith.addi %while3A_147, %add3A_191 : i32
          %get3A_193 = arith.index_cast %add3A_192 : i32 to index
          %get3A_194 = memref.load %arg20[%get3A_193] : memref<262xi32, #tpu.memory_space<smem>>
          %add3A_195 = arith.addi %add3A_4, %get3A_194 : i32
          %jit3A_196 = arith.constant 0 : i32
          %jit3A_197 = arith.constant 7811 : i32
          %max3A = arith.maxsi %jit3A_196, %add3A_195 : i32
          %min3A_198 = arith.minsi %jit3A_197, %max3A : i32
          %mul3A_199 = arith.constant 128 : i32
          %mul3A_200 = arith.muli %min3A_198, %mul3A_199 : i32
          %multiple_of3A_201 = tpu.assume_multiple %mul3A_200, 128 : i32
          %dma_start3A_202 = arith.constant 0 : i32
          %dma_start3A_203 = arith.constant 0 : i32
          %dma_start3A_204 = tpu.memref_slice %arg3[%dma_start3A_202, %dma_start3A_203, %multiple_of3A_201] : memref<8x8x1000000xf32, #tpu.memory_space<hbm>> -> memref<8x8x128xf32, #tpu.memory_space<hbm>>
          %dma_start3A_205 = arith.constant 0 : i32
          %dma_start3A_206 = arith.constant 0 : i32
          %dma_start3A_207 = tpu.memref_slice %arg3[%dma_start3A_205, %dma_start3A_206, %multiple_of3A_201] : memref<8x8x1000000xf32, #tpu.memory_space<hbm>> -> memref<8x8x128xf32, #tpu.memory_space<hbm>>
          tpu.enqueue_dma source(%dma_start3A_207 : memref<8x8x128xf32, #tpu.memory_space<hbm>>) target(%arg15 : memref<8x8x128xf32, #tpu.memory_space<vmem>>) target_semaphore(%arg25 : memref<!tpu.dma_semaphore, #tpu.memory_space<semaphore_mem>>)
        } else {
        }
        %get3A = arith.index_cast %while3A_147 : i32 to index
        %get3A_175 = memref.load %arg20[%get3A] : memref<262xi32, #tpu.memory_space<smem>>
        %get3A_176 = arith.index_cast %get3A_175 : i32 to index
        %get3A_177 = memref.load %arg18[%get3A_176] : memref<262xi32, #tpu.memory_space<smem>>
        %get3A_178 = arith.index_cast %get3A_175 : i32 to index
        %get3A_179 = memref.load %arg17[%get3A_178] : memref<262xi32, #tpu.memory_space<smem>>
        %add3A_180 = arith.addi %get3A_177, %get3A_179 : i32
        %while3A_181 = arith.subi %add3A_180, %get3A_177 : i32
        %while3A_182 = arith.addi %get3A_177, %while3A_181 : i32
        %while3A_183 = arith.constant 1 : i32
        %while3A_184 = arith.divsi %while3A_181, %while3A_183 : i32
        %while3A_185 = arith.muli %while3A_184, %while3A_183 : i32
        %while3A_186 = arith.addi %get3A_177, %while3A_185 : i32
        %while3A_187 = arith.constant 1 : i32
        %while3A_188 = scf.for %while3A_191 = %get3A_177 to %while3A_186 step %while3A_187 iter_args(%while3A_192 = %while3A_148) -> (i32)  : i32 {
          %and3A = arith.constant 15 : i32
          %and3A_193 = arith.andi %while3A_192, %and3A : i32
          %eq3A_194 = arith.constant 0 : i32
          %eq3A_195 = arith.cmpi eq, %and3A_193, %eq3A_194 : i32
          %ge3A = arith.constant 16 : i32
          %ge3A_196 = arith.cmpi sge, %while3A_192, %ge3A : i32
          %and3A_197 = arith.andi %eq3A_195, %ge3A_196 : i1
          %convert_element_type3A_198 = arith.extui %and3A_197 : i1 to i32
          %cond3A_199 = arith.constant 0 : i32
          %cond3A_200 = arith.cmpi ne, %convert_element_type3A_198, %cond3A_199 : i32
          scf.if %cond3A_200 {
            %dma_wait3A_317 = arith.constant 0 : i32
            %dma_wait3A_318 = tpu.memref_slice %arg5[%dma_wait3A_317] : memref<1048576xf32, #tpu.memory_space<hbm>> -> memref<1024xf32, #tpu.memory_space<hbm>>
            %dma_wait3A_319 = arith.constant 0 : i32
            %dma_wait3A_320 = tpu.memref_slice %arg5[%dma_wait3A_319] : memref<1048576xf32, #tpu.memory_space<hbm>> -> memref<1024xf32, #tpu.memory_space<hbm>>
            tpu.wait_dma2 semaphore(%arg26 : memref<!tpu.dma_semaphore, #tpu.memory_space<semaphore_mem>>) src(%dma_wait3A_320 : memref<1024xf32, #tpu.memory_space<hbm>>) dst(%arg16 : memref<1024xf32, #tpu.memory_space<vmem>>)
          } else {
          }
          %shift_right_logical3A_201 = arith.constant 4 : i32
          %shift_right_logical3A_202 = arith.shrui %while3A_191, %shift_right_logical3A_201 : i32
          %mul3A_203 = arith.constant 16 : i32
          %mul3A_204 = arith.muli %shift_right_logical3A_202, %mul3A_203 : i32
          %get3A_205 = arith.index_cast %mul3A_204 : i32 to index
          %get3A_206 = tpu.vector_load %arg9[%get3A_205] {strides = array<i32>} : memref<16400xi32, #tpu.memory_space<vmem>>, vector<16xi32>,
          %shift_right_logical3A_207 = arith.constant 4 : i32
          %shift_right_logical3A_208 = arith.shrui %while3A_191, %shift_right_logical3A_207 : i32
          %mul3A_209 = arith.constant 16 : i32
          %mul3A_210 = arith.muli %shift_right_logical3A_208, %mul3A_209 : i32
          %get3A_211 = arith.index_cast %mul3A_210 : i32 to index
          %get3A_212 = tpu.vector_load %arg10[%get3A_211] {strides = array<i32>} : memref<16400xi32, #tpu.memory_space<vmem>>, vector<16xi32>,
          %and3A_213 = arith.constant 15 : i32
          %and3A_214 = arith.andi %while3A_191, %and3A_213 : i32
          %broadcast_in_dim3A_215 = vector.broadcast %and3A_214 : i32 to vector<16xi32>
          %lt3A_216 = arith.constant 0 : i32
          %lt3A_217 = vector.broadcast %lt3A_216 : i32 to vector<16xi32>
          %lt3A_218 = arith.cmpi slt, %broadcast_in_dim3A_215, %lt3A_217 : vector<16xi32>
          %add3A_219 = arith.constant 16 : i32
          %add3A_220 = vector.broadcast %add3A_219 : i32 to vector<16xi32>
          %add3A_221 = arith.addi %broadcast_in_dim3A_215, %add3A_220 : vector<16xi32>
          %select_n3A_222 = arith.select %lt3A_218, %add3A_221, %broadcast_in_dim3A_215 : vector<16xi1>, vector<16xi32>
          %reshape3A = vector.shape_cast %select_n3A_222 : vector<16xi32> to vector<16x1xi32>
          %gather3A = vector.shape_cast %reshape3A : vector<16x1xi32> to vector<16xi32>
          %gather3A_223 = tpu.dynamic_gather %get3A_206[%gather3A] in [0] : vector<16xi32>, vector<16xi32> -> vector<16xi32>
          %and3A_224 = arith.constant 127 : i32
          %and3A_225 = vector.broadcast %and3A_224 : i32 to vector<16xi32>
          %and3A_226 = arith.andi %gather3A_223, %and3A_225 : vector<16xi32>
          %lt3A_227 = arith.constant 0 : i32
          %lt3A_228 = vector.broadcast %lt3A_227 : i32 to vector<16xi32>
          %lt3A_229 = arith.cmpi slt, %broadcast_in_dim3A_215, %lt3A_228 : vector<16xi32>
          %add3A_230 = arith.constant 16 : i32
          %add3A_231 = vector.broadcast %add3A_230 : i32 to vector<16xi32>
          %add3A_232 = arith.addi %broadcast_in_dim3A_215, %add3A_231 : vector<16xi32>
          %select_n3A_233 = arith.select %lt3A_229, %add3A_232, %broadcast_in_dim3A_215 : vector<16xi1>, vector<16xi32>
          %reshape3A_234 = vector.shape_cast %select_n3A_233 : vector<16xi32> to vector<16x1xi32>
          %gather3A_235 = vector.shape_cast %reshape3A_234 : vector<16x1xi32> to vector<16xi32>
          %gather3A_236 = tpu.dynamic_gather %get3A_212[%gather3A_235] in [0] : vector<16xi32>, vector<16xi32> -> vector<16xi32>
          %reduce_max3A = arith.constant true
          %reduce_max3A_237 = vector.broadcast %reduce_max3A : i1 to vector<16xi1>
          %reduce_max3A_238 = arith.constant -2147483648 : i32
          %reduce_max3A_239 = vector.broadcast %reduce_max3A_238 : i32 to vector<16xi32>
          %reduce_max3A_240 = arith.xori %gather3A_236, %reduce_max3A_239 : vector<16xi32>
          %reduce_max3A_241 = tpu.scan <max>, %reduce_max3A_240 masked %reduce_max3A_237 : vector<16xi32>, vector<16xi1> -> vector<16xi32>
          %reduce_max3A_242 = arith.xori %reduce_max3A_241, %reduce_max3A_239 : vector<16xi32>
          %reduce_max3A_243 = vector.extract %reduce_max3A_242[15] : i32 from vector<16xi32>
          %add3A_244 = arith.constant 0 : i32
          %add3A_245 = vector.broadcast %add3A_244 : i32 to vector<16xi32>
          %add3A_246 = arith.addi %iota3A, %add3A_245 : vector<16xi32>
          %shift_right_logical3A_247 = arith.constant 3 : i32
          %shift_right_logical3A_248 = vector.broadcast %shift_right_logical3A_247 : i32 to vector<16xi32>
          %shift_right_logical3A_249 = arith.shrui %add3A_246, %shift_right_logical3A_248 : vector<16xi32>
          %and3A_250 = arith.constant 7 : i32
          %and3A_251 = vector.broadcast %and3A_250 : i32 to vector<16xi32>
          %and3A_252 = arith.andi %add3A_246, %and3A_251 : vector<16xi32>
          %gather3A_253 = tpu.vector_load_idx %arg11[%shift_right_logical3A_249, %and3A_252, %and3A_226] : memref<8x8x128xf32, #tpu.memory_space<vmem>>[vector<16xi32>, vector<16xi32>, vector<16xi32>], vector<16xf32>,
          %mul3A_254 = arith.constant 64 : i32
          %mul3A_255 = arith.muli %and3A_193, %mul3A_254 : i32
          %add3A_256 = arith.constant 0 : i32
          %add3A_257 = arith.addi %mul3A_255, %add3A_256 : i32
          %swap3A = arith.index_cast %add3A_257 : i32 to index
          %swap3A_258 = tpu.vector_load %arg16[%swap3A] {strides = array<i32>} : memref<1024xf32, #tpu.memory_space<vmem>>, vector<16xf32>,
          tpu.vector_store %arg16[%swap3A], %gather3A_253 {strides = array<i32>} : memref<1024xf32, #tpu.memory_space<vmem>>, vector<16xf32>,
          %add3A_259 = arith.constant 16 : i32
          %add3A_260 = vector.broadcast %add3A_259 : i32 to vector<16xi32>
          %add3A_261 = arith.addi %iota3A, %add3A_260 : vector<16xi32>
          %shift_right_logical3A_262 = arith.constant 3 : i32
          %shift_right_logical3A_263 = vector.broadcast %shift_right_logical3A_262 : i32 to vector<16xi32>
          %shift_right_logical3A_264 = arith.shrui %add3A_261, %shift_right_logical3A_263 : vector<16xi32>
          %and3A_265 = arith.constant 7 : i32
          %and3A_266 = vector.broadcast %and3A_265 : i32 to vector<16xi32>
          %and3A_267 = arith.andi %add3A_261, %and3A_266 : vector<16xi32>
          %gather3A_268 = tpu.vector_load_idx %arg11[%shift_right_logical3A_264, %and3A_267, %and3A_226] : memref<8x8x128xf32, #tpu.memory_space<vmem>>[vector<16xi32>, vector<16xi32>, vector<16xi32>], vector<16xf32>,
          %mul3A_269 = arith.constant 64 : i32
          %mul3A_270 = arith.muli %and3A_193, %mul3A_269 : i32
          %add3A_271 = arith.constant 16 : i32
          %add3A_272 = arith.addi %mul3A_270, %add3A_271 : i32
          %swap3A_273 = arith.index_cast %add3A_272 : i32 to index
          %swap3A_274 = tpu.vector_load %arg16[%swap3A_273] {strides = array<i32>} : memref<1024xf32, #tpu.memory_space<vmem>>, vector<16xf32>,
          tpu.vector_store %arg16[%swap3A_273], %gather3A_268 {strides = array<i32>} : memref<1024xf32, #tpu.memory_space<vmem>>, vector<16xf32>,
          %add3A_275 = arith.constant 32 : i32
          %add3A_276 = vector.broadcast %add3A_275 : i32 to vector<16xi32>
          %add3A_277 = arith.addi %iota3A, %add3A_276 : vector<16xi32>
          %shift_right_logical3A_278 = arith.constant 3 : i32
          %shift_right_logical3A_279 = vector.broadcast %shift_right_logical3A_278 : i32 to vector<16xi32>
          %shift_right_logical3A_280 = arith.shrui %add3A_277, %shift_right_logical3A_279 : vector<16xi32>
          %and3A_281 = arith.constant 7 : i32
          %and3A_282 = vector.broadcast %and3A_281 : i32 to vector<16xi32>
          %and3A_283 = arith.andi %add3A_277, %and3A_282 : vector<16xi32>
          %gather3A_284 = tpu.vector_load_idx %arg11[%shift_right_logical3A_280, %and3A_283, %and3A_226] : memref<8x8x128xf32, #tpu.memory_space<vmem>>[vector<16xi32>, vector<16xi32>, vector<16xi32>], vector<16xf32>,
          %mul3A_285 = arith.constant 64 : i32
          %mul3A_286 = arith.muli %and3A_193, %mul3A_285 : i32
          %add3A_287 = arith.constant 32 : i32
          %add3A_288 = arith.addi %mul3A_286, %add3A_287 : i32
          %swap3A_289 = arith.index_cast %add3A_288 : i32 to index
          %swap3A_290 = tpu.vector_load %arg16[%swap3A_289] {strides = array<i32>} : memref<1024xf32, #tpu.memory_space<vmem>>, vector<16xf32>,
          tpu.vector_store %arg16[%swap3A_289], %gather3A_284 {strides = array<i32>} : memref<1024xf32, #tpu.memory_space<vmem>>, vector<16xf32>,
          %add3A_291 = arith.constant 48 : i32
          %add3A_292 = vector.broadcast %add3A_291 : i32 to vector<16xi32>
          %add3A_293 = arith.addi %iota3A, %add3A_292 : vector<16xi32>
          %shift_right_logical3A_294 = arith.constant 3 : i32
          %shift_right_logical3A_295 = vector.broadcast %shift_right_logical3A_294 : i32 to vector<16xi32>
          %shift_right_logical3A_296 = arith.shrui %add3A_293, %shift_right_logical3A_295 : vector<16xi32>
          %and3A_297 = arith.constant 7 : i32
          %and3A_298 = vector.broadcast %and3A_297 : i32 to vector<16xi32>
          %and3A_299 = arith.andi %add3A_293, %and3A_298 : vector<16xi32>
          %gather3A_300 = tpu.vector_load_idx %arg11[%shift_right_logical3A_296, %and3A_299, %and3A_226] : memref<8x8x128xf32, #tpu.memory_space<vmem>>[vector<16xi32>, vector<16xi32>, vector<16xi32>], vector<16xf32>,
          %mul3A_301 = arith.constant 64 : i32
          %mul3A_302 = arith.muli %and3A_193, %mul3A_301 : i32
          %add3A_303 = arith.constant 48 : i32
          %add3A_304 = arith.addi %mul3A_302, %add3A_303 : i32
          %swap3A_305 = arith.index_cast %add3A_304 : i32 to index
          %swap3A_306 = tpu.vector_load %arg16[%swap3A_305] {strides = array<i32>} : memref<1024xf32, #tpu.memory_space<vmem>>, vector<16xf32>,
          tpu.vector_store %arg16[%swap3A_305], %gather3A_300 {strides = array<i32>} : memref<1024xf32, #tpu.memory_space<vmem>>, vector<16xf32>,
          %mul3A_307 = arith.constant 64 : i32
          %mul3A_308 = arith.muli %and3A_193, %mul3A_307 : i32
          %mul3A_309 = arith.constant 64 : i32
          %mul3A_310 = arith.muli %reduce_max3A_243, %mul3A_309 : i32
          %dma_start3A_311 = tpu.memref_slice %arg16[%mul3A_308] : memref<1024xf32, #tpu.memory_space<vmem>> -> memref<64xf32, #tpu.memory_space<vmem>>
          %dma_start3A_312 = tpu.memref_slice %arg5[%mul3A_310] : memref<1048576xf32, #tpu.memory_space<hbm>> -> memref<64xf32, #tpu.memory_space<hbm>>
          %dma_start3A_313 = tpu.memref_slice %arg5[%mul3A_310] : memref<1048576xf32, #tpu.memory_space<hbm>> -> memref<64xf32, #tpu.memory_space<hbm>>
          %dma_start3A_314 = tpu.memref_slice %arg16[%mul3A_308] : memref<1024xf32, #tpu.memory_space<vmem>> -> memref<64xf32, #tpu.memory_space<vmem>>
          tpu.enqueue_dma source(%dma_start3A_314 : memref<64xf32, #tpu.memory_space<vmem>>) target(%dma_start3A_313 : memref<64xf32, #tpu.memory_space<hbm>>) target_semaphore(%arg26 : memref<!tpu.dma_semaphore, #tpu.memory_space<semaphore_mem>>)
          %add3A_315 = arith.constant 1 : i32
          %add3A_316 = arith.addi %while3A_192, %add3A_315 : i32
          scf.yield %add3A_316 : i32
        }
        %while3A_189 = arith.constant 1 : i32
        %while3A_190 = scf.for %while3A_191 = %while3A_186 to %while3A_182 step %while3A_189 iter_args(%while3A_192 = %while3A_188) -> (i32)  : i32 {
          %and3A = arith.constant 15 : i32
          %and3A_193 = arith.andi %while3A_192, %and3A : i32
          %eq3A_194 = arith.constant 0 : i32
          %eq3A_195 = arith.cmpi eq, %and3A_193, %eq3A_194 : i32
          %ge3A = arith.constant 16 : i32
          %ge3A_196 = arith.cmpi sge, %while3A_192, %ge3A : i32
          %and3A_197 = arith.andi %eq3A_195, %ge3A_196 : i1
          %convert_element_type3A_198 = arith.extui %and3A_197 : i1 to i32
          %cond3A_199 = arith.constant 0 : i32
          %cond3A_200 = arith.cmpi ne, %convert_element_type3A_198, %cond3A_199 : i32
          scf.if %cond3A_200 {
            %dma_wait3A_317 = arith.constant 0 : i32
            %dma_wait3A_318 = tpu.memref_slice %arg5[%dma_wait3A_317] : memref<1048576xf32, #tpu.memory_space<hbm>> -> memref<1024xf32, #tpu.memory_space<hbm>>
            %dma_wait3A_319 = arith.constant 0 : i32
            %dma_wait3A_320 = tpu.memref_slice %arg5[%dma_wait3A_319] : memref<1048576xf32, #tpu.memory_space<hbm>> -> memref<1024xf32, #tpu.memory_space<hbm>>
            tpu.wait_dma2 semaphore(%arg26 : memref<!tpu.dma_semaphore, #tpu.memory_space<semaphore_mem>>) src(%dma_wait3A_320 : memref<1024xf32, #tpu.memory_space<hbm>>) dst(%arg16 : memref<1024xf32, #tpu.memory_space<vmem>>)
          } else {
          }
          %shift_right_logical3A_201 = arith.constant 4 : i32
          %shift_right_logical3A_202 = arith.shrui %while3A_191, %shift_right_logical3A_201 : i32
          %mul3A_203 = arith.constant 16 : i32
          %mul3A_204 = arith.muli %shift_right_logical3A_202, %mul3A_203 : i32
          %get3A_205 = arith.index_cast %mul3A_204 : i32 to index
          %get3A_206 = tpu.vector_load %arg9[%get3A_205] {strides = array<i32>} : memref<16400xi32, #tpu.memory_space<vmem>>, vector<16xi32>,
          %shift_right_logical3A_207 = arith.constant 4 : i32
          %shift_right_logical3A_208 = arith.shrui %while3A_191, %shift_right_logical3A_207 : i32
          %mul3A_209 = arith.constant 16 : i32
          %mul3A_210 = arith.muli %shift_right_logical3A_208, %mul3A_209 : i32
          %get3A_211 = arith.index_cast %mul3A_210 : i32 to index
          %get3A_212 = tpu.vector_load %arg10[%get3A_211] {strides = array<i32>} : memref<16400xi32, #tpu.memory_space<vmem>>, vector<16xi32>,
          %and3A_213 = arith.constant 15 : i32
          %and3A_214 = arith.andi %while3A_191, %and3A_213 : i32
          %broadcast_in_dim3A_215 = vector.broadcast %and3A_214 : i32 to vector<16xi32>
          %lt3A_216 = arith.constant 0 : i32
          %lt3A_217 = vector.broadcast %lt3A_216 : i32 to vector<16xi32>
          %lt3A_218 = arith.cmpi slt, %broadcast_in_dim3A_215, %lt3A_217 : vector<16xi32>
          %add3A_219 = arith.constant 16 : i32
          %add3A_220 = vector.broadcast %add3A_219 : i32 to vector<16xi32>
          %add3A_221 = arith.addi %broadcast_in_dim3A_215, %add3A_220 : vector<16xi32>
          %select_n3A_222 = arith.select %lt3A_218, %add3A_221, %broadcast_in_dim3A_215 : vector<16xi1>, vector<16xi32>
          %reshape3A = vector.shape_cast %select_n3A_222 : vector<16xi32> to vector<16x1xi32>
          %gather3A = vector.shape_cast %reshape3A : vector<16x1xi32> to vector<16xi32>
          %gather3A_223 = tpu.dynamic_gather %get3A_206[%gather3A] in [0] : vector<16xi32>, vector<16xi32> -> vector<16xi32>
          %and3A_224 = arith.constant 127 : i32
          %and3A_225 = vector.broadcast %and3A_224 : i32 to vector<16xi32>
          %and3A_226 = arith.andi %gather3A_223, %and3A_225 : vector<16xi32>
          %lt3A_227 = arith.constant 0 : i32
          %lt3A_228 = vector.broadcast %lt3A_227 : i32 to vector<16xi32>
          %lt3A_229 = arith.cmpi slt, %broadcast_in_dim3A_215, %lt3A_228 : vector<16xi32>
          %add3A_230 = arith.constant 16 : i32
          %add3A_231 = vector.broadcast %add3A_230 : i32 to vector<16xi32>
          %add3A_232 = arith.addi %broadcast_in_dim3A_215, %add3A_231 : vector<16xi32>
          %select_n3A_233 = arith.select %lt3A_229, %add3A_232, %broadcast_in_dim3A_215 : vector<16xi1>, vector<16xi32>
          %reshape3A_234 = vector.shape_cast %select_n3A_233 : vector<16xi32> to vector<16x1xi32>
          %gather3A_235 = vector.shape_cast %reshape3A_234 : vector<16x1xi32> to vector<16xi32>
          %gather3A_236 = tpu.dynamic_gather %get3A_212[%gather3A_235] in [0] : vector<16xi32>, vector<16xi32> -> vector<16xi32>
          %reduce_max3A = arith.constant true
          %reduce_max3A_237 = vector.broadcast %reduce_max3A : i1 to vector<16xi1>
          %reduce_max3A_238 = arith.constant -2147483648 : i32
          %reduce_max3A_239 = vector.broadcast %reduce_max3A_238 : i32 to vector<16xi32>
          %reduce_max3A_240 = arith.xori %gather3A_236, %reduce_max3A_239 : vector<16xi32>
          %reduce_max3A_241 = tpu.scan <max>, %reduce_max3A_240 masked %reduce_max3A_237 : vector<16xi32>, vector<16xi1> -> vector<16xi32>
          %reduce_max3A_242 = arith.xori %reduce_max3A_241, %reduce_max3A_239 : vector<16xi32>
          %reduce_max3A_243 = vector.extract %reduce_max3A_242[15] : i32 from vector<16xi32>
          %add3A_244 = arith.constant 0 : i32
          %add3A_245 = vector.broadcast %add3A_244 : i32 to vector<16xi32>
          %add3A_246 = arith.addi %iota3A, %add3A_245 : vector<16xi32>
          %shift_right_logical3A_247 = arith.constant 3 : i32
          %shift_right_logical3A_248 = vector.broadcast %shift_right_logical3A_247 : i32 to vector<16xi32>
          %shift_right_logical3A_249 = arith.shrui %add3A_246, %shift_right_logical3A_248 : vector<16xi32>
          %and3A_250 = arith.constant 7 : i32
          %and3A_251 = vector.broadcast %and3A_250 : i32 to vector<16xi32>
          %and3A_252 = arith.andi %add3A_246, %and3A_251 : vector<16xi32>
          %gather3A_253 = tpu.vector_load_idx %arg11[%shift_right_logical3A_249, %and3A_252, %and3A_226] : memref<8x8x128xf32, #tpu.memory_space<vmem>>[vector<16xi32>, vector<16xi32>, vector<16xi32>], vector<16xf32>,
          %mul3A_254 = arith.constant 64 : i32
          %mul3A_255 = arith.muli %and3A_193, %mul3A_254 : i32
          %add3A_256 = arith.constant 0 : i32
          %add3A_257 = arith.addi %mul3A_255, %add3A_256 : i32
          %swap3A = arith.index_cast %add3A_257 : i32 to index
          %swap3A_258 = tpu.vector_load %arg16[%swap3A] {strides = array<i32>} : memref<1024xf32, #tpu.memory_space<vmem>>, vector<16xf32>,
          tpu.vector_store %arg16[%swap3A], %gather3A_253 {strides = array<i32>} : memref<1024xf32, #tpu.memory_space<vmem>>, vector<16xf32>,
          %add3A_259 = arith.constant 16 : i32
          %add3A_260 = vector.broadcast %add3A_259 : i32 to vector<16xi32>
          %add3A_261 = arith.addi %iota3A, %add3A_260 : vector<16xi32>
          %shift_right_logical3A_262 = arith.constant 3 : i32
          %shift_right_logical3A_263 = vector.broadcast %shift_right_logical3A_262 : i32 to vector<16xi32>
          %shift_right_logical3A_264 = arith.shrui %add3A_261, %shift_right_logical3A_263 : vector<16xi32>
          %and3A_265 = arith.constant 7 : i32
          %and3A_266 = vector.broadcast %and3A_265 : i32 to vector<16xi32>
          %and3A_267 = arith.andi %add3A_261, %and3A_266 : vector<16xi32>
          %gather3A_268 = tpu.vector_load_idx %arg11[%shift_right_logical3A_264, %and3A_267, %and3A_226] : memref<8x8x128xf32, #tpu.memory_space<vmem>>[vector<16xi32>, vector<16xi32>, vector<16xi32>], vector<16xf32>,
          %mul3A_269 = arith.constant 64 : i32
          %mul3A_270 = arith.muli %and3A_193, %mul3A_269 : i32
          %add3A_271 = arith.constant 16 : i32
          %add3A_272 = arith.addi %mul3A_270, %add3A_271 : i32
          %swap3A_273 = arith.index_cast %add3A_272 : i32 to index
          %swap3A_274 = tpu.vector_load %arg16[%swap3A_273] {strides = array<i32>} : memref<1024xf32, #tpu.memory_space<vmem>>, vector<16xf32>,
          tpu.vector_store %arg16[%swap3A_273], %gather3A_268 {strides = array<i32>} : memref<1024xf32, #tpu.memory_space<vmem>>, vector<16xf32>,
          %add3A_275 = arith.constant 32 : i32
          %add3A_276 = vector.broadcast %add3A_275 : i32 to vector<16xi32>
          %add3A_277 = arith.addi %iota3A, %add3A_276 : vector<16xi32>
          %shift_right_logical3A_278 = arith.constant 3 : i32
          %shift_right_logical3A_279 = vector.broadcast %shift_right_logical3A_278 : i32 to vector<16xi32>
          %shift_right_logical3A_280 = arith.shrui %add3A_277, %shift_right_logical3A_279 : vector<16xi32>
          %and3A_281 = arith.constant 7 : i32
          %and3A_282 = vector.broadcast %and3A_281 : i32 to vector<16xi32>
          %and3A_283 = arith.andi %add3A_277, %and3A_282 : vector<16xi32>
          %gather3A_284 = tpu.vector_load_idx %arg11[%shift_right_logical3A_280, %and3A_283, %and3A_226] : memref<8x8x128xf32, #tpu.memory_space<vmem>>[vector<16xi32>, vector<16xi32>, vector<16xi32>], vector<16xf32>,
          %mul3A_285 = arith.constant 64 : i32
          %mul3A_286 = arith.muli %and3A_193, %mul3A_285 : i32
          %add3A_287 = arith.constant 32 : i32
          %add3A_288 = arith.addi %mul3A_286, %add3A_287 : i32
          %swap3A_289 = arith.index_cast %add3A_288 : i32 to index
          %swap3A_290 = tpu.vector_load %arg16[%swap3A_289] {strides = array<i32>} : memref<1024xf32, #tpu.memory_space<vmem>>, vector<16xf32>,
          tpu.vector_store %arg16[%swap3A_289], %gather3A_284 {strides = array<i32>} : memref<1024xf32, #tpu.memory_space<vmem>>, vector<16xf32>,
          %add3A_291 = arith.constant 48 : i32
          %add3A_292 = vector.broadcast %add3A_291 : i32 to vector<16xi32>
          %add3A_293 = arith.addi %iota3A, %add3A_292 : vector<16xi32>
          %shift_right_logical3A_294 = arith.constant 3 : i32
          %shift_right_logical3A_295 = vector.broadcast %shift_right_logical3A_294 : i32 to vector<16xi32>
          %shift_right_logical3A_296 = arith.shrui %add3A_293, %shift_right_logical3A_295 : vector<16xi32>
          %and3A_297 = arith.constant 7 : i32
          %and3A_298 = vector.broadcast %and3A_297 : i32 to vector<16xi32>
          %and3A_299 = arith.andi %add3A_293, %and3A_298 : vector<16xi32>
          %gather3A_300 = tpu.vector_load_idx %arg11[%shift_right_logical3A_296, %and3A_299, %and3A_226] : memref<8x8x128xf32, #tpu.memory_space<vmem>>[vector<16xi32>, vector<16xi32>, vector<16xi32>], vector<16xf32>,
          %mul3A_301 = arith.constant 64 : i32
          %mul3A_302 = arith.muli %and3A_193, %mul3A_301 : i32
          %add3A_303 = arith.constant 48 : i32
          %add3A_304 = arith.addi %mul3A_302, %add3A_303 : i32
          %swap3A_305 = arith.index_cast %add3A_304 : i32 to index
          %swap3A_306 = tpu.vector_load %arg16[%swap3A_305] {strides = array<i32>} : memref<1024xf32, #tpu.memory_space<vmem>>, vector<16xf32>,
          tpu.vector_store %arg16[%swap3A_305], %gather3A_300 {strides = array<i32>} : memref<1024xf32, #tpu.memory_space<vmem>>, vector<16xf32>,
          %mul3A_307 = arith.constant 64 : i32
          %mul3A_308 = arith.muli %and3A_193, %mul3A_307 : i32
          %mul3A_309 = arith.constant 64 : i32
          %mul3A_310 = arith.muli %reduce_max3A_243, %mul3A_309 : i32
          %dma_start3A_311 = tpu.memref_slice %arg16[%mul3A_308] : memref<1024xf32, #tpu.memory_space<vmem>> -> memref<64xf32, #tpu.memory_space<vmem>>
          %dma_start3A_312 = tpu.memref_slice %arg5[%mul3A_310] : memref<1048576xf32, #tpu.memory_space<hbm>> -> memref<64xf32, #tpu.memory_space<hbm>>
          %dma_start3A_313 = tpu.memref_slice %arg5[%mul3A_310] : memref<1048576xf32, #tpu.memory_space<hbm>> -> memref<64xf32, #tpu.memory_space<hbm>>
          %dma_start3A_314 = tpu.memref_slice %arg16[%mul3A_308] : memref<1024xf32, #tpu.memory_space<vmem>> -> memref<64xf32, #tpu.memory_space<vmem>>
          tpu.enqueue_dma source(%dma_start3A_314 : memref<64xf32, #tpu.memory_space<vmem>>) target(%dma_start3A_313 : memref<64xf32, #tpu.memory_space<hbm>>) target_semaphore(%arg26 : memref<!tpu.dma_semaphore, #tpu.memory_space<semaphore_mem>>)
          %add3A_315 = arith.constant 1 : i32
          %add3A_316 = arith.addi %while3A_192, %add3A_315 : i32
          scf.yield %add3A_316 : i32
        }
        scf.yield %while3A_190 : i32
      }
      %eq3A_156 = arith.constant 4 : i32
      %eq3A_157 = arith.cmpi eq, %while3A_149, %eq3A_156 : i32
      %add3A_158 = arith.constant 1 : i32
      %add3A_159 = arith.addi %while3A_149, %add3A_158 : i32
      %jit3A_160 = arith.constant 0 : i32
      %select_n3A_161 = arith.select %eq3A_157, %jit3A_160, %add3A_159 : i32
      scf.yield %cond3A_155, %select_n3A_161 : i32, i32
    }
    %convert_element_type3A = arith.extui %eq3A_9 : i1 to i32
    %cond3A = arith.constant 0 : i32
    %cond3A_127 = arith.cmpi ne, %convert_element_type3A, %cond3A : i32
    %cond3A_128 = scf.if %cond3A_127 -> (i32) {
      "tpu.region"() ({
        %run_scoped3A = tpu.sem_alloc : memref<!tpu.dma_semaphore, #tpu.memory_space<semaphore_mem>>
        tpu.enqueue_dma source(%arg4 : memref<8x8x128xf32, #tpu.memory_space<hbm>>) target(%arg11 : memref<8x8x128xf32, #tpu.memory_space<vmem>>) target_semaphore(%run_scoped3A : memref<!tpu.dma_semaphore, #tpu.memory_space<semaphore_mem>>)
        tpu.wait_dma2 semaphore(%run_scoped3A : memref<!tpu.dma_semaphore, #tpu.memory_space<semaphore_mem>>) src(%arg4 : memref<8x8x128xf32, #tpu.memory_space<hbm>>) dst(%arg11 : memref<8x8x128xf32, #tpu.memory_space<vmem>>)
        tpu.yield
      }) : () -> ()
      %get3A = arith.index_cast %add3A_8 : i32 to index
      %get3A_147 = memref.load %arg18[%get3A] : memref<262xi32, #tpu.memory_space<smem>>
      %get3A_148 = arith.index_cast %add3A_8 : i32 to index
      %get3A_149 = memref.load %arg17[%get3A_148] : memref<262xi32, #tpu.memory_space<smem>>
      %add3A_150 = arith.addi %get3A_147, %get3A_149 : i32
      %while3A_151 = arith.subi %add3A_150, %get3A_147 : i32
      %while3A_152 = arith.addi %get3A_147, %while3A_151 : i32
      %while3A_153 = arith.constant 1 : i32
      %while3A_154 = arith.divsi %while3A_151, %while3A_153 : i32
      %while3A_155 = arith.muli %while3A_154, %while3A_153 : i32
      %while3A_156 = arith.addi %get3A_147, %while3A_155 : i32
      %while3A_157 = arith.constant 1 : i32
      %while3A_158 = scf.for %while3A_161 = %get3A_147 to %while3A_156 step %while3A_157 iter_args(%while3A_162 = %while3A_126#0) -> (i32)  : i32 {
        %and3A = arith.constant 15 : i32
        %and3A_163 = arith.andi %while3A_162, %and3A : i32
        %eq3A_164 = arith.constant 0 : i32
        %eq3A_165 = arith.cmpi eq, %and3A_163, %eq3A_164 : i32
        %ge3A = arith.constant 16 : i32
        %ge3A_166 = arith.cmpi sge, %while3A_162, %ge3A : i32
        %and3A_167 = arith.andi %eq3A_165, %ge3A_166 : i1
        %convert_element_type3A_168 = arith.extui %and3A_167 : i1 to i32
        %cond3A_169 = arith.constant 0 : i32
        %cond3A_170 = arith.cmpi ne, %convert_element_type3A_168, %cond3A_169 : i32
        scf.if %cond3A_170 {
          %dma_wait3A = arith.constant 0 : i32
          %dma_wait3A_287 = tpu.memref_slice %arg5[%dma_wait3A] : memref<1048576xf32, #tpu.memory_space<hbm>> -> memref<1024xf32, #tpu.memory_space<hbm>>
          %dma_wait3A_288 = arith.constant 0 : i32
          %dma_wait3A_289 = tpu.memref_slice %arg5[%dma_wait3A_288] : memref<1048576xf32, #tpu.memory_space<hbm>> -> memref<1024xf32, #tpu.memory_space<hbm>>
          tpu.wait_dma2 semaphore(%arg26 : memref<!tpu.dma_semaphore, #tpu.memory_space<semaphore_mem>>) src(%dma_wait3A_289 : memref<1024xf32, #tpu.memory_space<hbm>>) dst(%arg16 : memref<1024xf32, #tpu.memory_space<vmem>>)
        } else {
        }
        %shift_right_logical3A_171 = arith.constant 4 : i32
        %shift_right_logical3A_172 = arith.shrui %while3A_161, %shift_right_logical3A_171 : i32
        %mul3A_173 = arith.constant 16 : i32
        %mul3A_174 = arith.muli %shift_right_logical3A_172, %mul3A_173 : i32
        %get3A_175 = arith.index_cast %mul3A_174 : i32 to index
        %get3A_176 = tpu.vector_load %arg9[%get3A_175] {strides = array<i32>} : memref<16400xi32, #tpu.memory_space<vmem>>, vector<16xi32>,
        %shift_right_logical3A_177 = arith.constant 4 : i32
        %shift_right_logical3A_178 = arith.shrui %while3A_161, %shift_right_logical3A_177 : i32
        %mul3A_179 = arith.constant 16 : i32
        %mul3A_180 = arith.muli %shift_right_logical3A_178, %mul3A_179 : i32
        %get3A_181 = arith.index_cast %mul3A_180 : i32 to index
        %get3A_182 = tpu.vector_load %arg10[%get3A_181] {strides = array<i32>} : memref<16400xi32, #tpu.memory_space<vmem>>, vector<16xi32>,
        %and3A_183 = arith.constant 15 : i32
        %and3A_184 = arith.andi %while3A_161, %and3A_183 : i32
        %broadcast_in_dim3A_185 = vector.broadcast %and3A_184 : i32 to vector<16xi32>
        %lt3A_186 = arith.constant 0 : i32
        %lt3A_187 = vector.broadcast %lt3A_186 : i32 to vector<16xi32>
        %lt3A_188 = arith.cmpi slt, %broadcast_in_dim3A_185, %lt3A_187 : vector<16xi32>
        %add3A_189 = arith.constant 16 : i32
        %add3A_190 = vector.broadcast %add3A_189 : i32 to vector<16xi32>
        %add3A_191 = arith.addi %broadcast_in_dim3A_185, %add3A_190 : vector<16xi32>
        %select_n3A_192 = arith.select %lt3A_188, %add3A_191, %broadcast_in_dim3A_185 : vector<16xi1>, vector<16xi32>
        %reshape3A = vector.shape_cast %select_n3A_192 : vector<16xi32> to vector<16x1xi32>
        %gather3A = vector.shape_cast %reshape3A : vector<16x1xi32> to vector<16xi32>
        %gather3A_193 = tpu.dynamic_gather %get3A_176[%gather3A] in [0] : vector<16xi32>, vector<16xi32> -> vector<16xi32>
        %and3A_194 = arith.constant 127 : i32
        %and3A_195 = vector.broadcast %and3A_194 : i32 to vector<16xi32>
        %and3A_196 = arith.andi %gather3A_193, %and3A_195 : vector<16xi32>
        %lt3A_197 = arith.constant 0 : i32
        %lt3A_198 = vector.broadcast %lt3A_197 : i32 to vector<16xi32>
        %lt3A_199 = arith.cmpi slt, %broadcast_in_dim3A_185, %lt3A_198 : vector<16xi32>
        %add3A_200 = arith.constant 16 : i32
        %add3A_201 = vector.broadcast %add3A_200 : i32 to vector<16xi32>
        %add3A_202 = arith.addi %broadcast_in_dim3A_185, %add3A_201 : vector<16xi32>
        %select_n3A_203 = arith.select %lt3A_199, %add3A_202, %broadcast_in_dim3A_185 : vector<16xi1>, vector<16xi32>
        %reshape3A_204 = vector.shape_cast %select_n3A_203 : vector<16xi32> to vector<16x1xi32>
        %gather3A_205 = vector.shape_cast %reshape3A_204 : vector<16x1xi32> to vector<16xi32>
        %gather3A_206 = tpu.dynamic_gather %get3A_182[%gather3A_205] in [0] : vector<16xi32>, vector<16xi32> -> vector<16xi32>
        %reduce_max3A = arith.constant true
        %reduce_max3A_207 = vector.broadcast %reduce_max3A : i1 to vector<16xi1>
        %reduce_max3A_208 = arith.constant -2147483648 : i32
        %reduce_max3A_209 = vector.broadcast %reduce_max3A_208 : i32 to vector<16xi32>
        %reduce_max3A_210 = arith.xori %gather3A_206, %reduce_max3A_209 : vector<16xi32>
        %reduce_max3A_211 = tpu.scan <max>, %reduce_max3A_210 masked %reduce_max3A_207 : vector<16xi32>, vector<16xi1> -> vector<16xi32>
        %reduce_max3A_212 = arith.xori %reduce_max3A_211, %reduce_max3A_209 : vector<16xi32>
        %reduce_max3A_213 = vector.extract %reduce_max3A_212[15] : i32 from vector<16xi32>
        %add3A_214 = arith.constant 0 : i32
        %add3A_215 = vector.broadcast %add3A_214 : i32 to vector<16xi32>
        %add3A_216 = arith.addi %iota3A, %add3A_215 : vector<16xi32>
        %shift_right_logical3A_217 = arith.constant 3 : i32
        %shift_right_logical3A_218 = vector.broadcast %shift_right_logical3A_217 : i32 to vector<16xi32>
        %shift_right_logical3A_219 = arith.shrui %add3A_216, %shift_right_logical3A_218 : vector<16xi32>
        %and3A_220 = arith.constant 7 : i32
        %and3A_221 = vector.broadcast %and3A_220 : i32 to vector<16xi32>
        %and3A_222 = arith.andi %add3A_216, %and3A_221 : vector<16xi32>
        %gather3A_223 = tpu.vector_load_idx %arg11[%shift_right_logical3A_219, %and3A_222, %and3A_196] : memref<8x8x128xf32, #tpu.memory_space<vmem>>[vector<16xi32>, vector<16xi32>, vector<16xi32>], vector<16xf32>,
        %mul3A_224 = arith.constant 64 : i32
        %mul3A_225 = arith.muli %and3A_163, %mul3A_224 : i32
        %add3A_226 = arith.constant 0 : i32
        %add3A_227 = arith.addi %mul3A_225, %add3A_226 : i32
        %swap3A = arith.index_cast %add3A_227 : i32 to index
        %swap3A_228 = tpu.vector_load %arg16[%swap3A] {strides = array<i32>} : memref<1024xf32, #tpu.memory_space<vmem>>, vector<16xf32>,
        tpu.vector_store %arg16[%swap3A], %gather3A_223 {strides = array<i32>} : memref<1024xf32, #tpu.memory_space<vmem>>, vector<16xf32>,
        %add3A_229 = arith.constant 16 : i32
        %add3A_230 = vector.broadcast %add3A_229 : i32 to vector<16xi32>
        %add3A_231 = arith.addi %iota3A, %add3A_230 : vector<16xi32>
        %shift_right_logical3A_232 = arith.constant 3 : i32
        %shift_right_logical3A_233 = vector.broadcast %shift_right_logical3A_232 : i32 to vector<16xi32>
        %shift_right_logical3A_234 = arith.shrui %add3A_231, %shift_right_logical3A_233 : vector<16xi32>
        %and3A_235 = arith.constant 7 : i32
        %and3A_236 = vector.broadcast %and3A_235 : i32 to vector<16xi32>
        %and3A_237 = arith.andi %add3A_231, %and3A_236 : vector<16xi32>
        %gather3A_238 = tpu.vector_load_idx %arg11[%shift_right_logical3A_234, %and3A_237, %and3A_196] : memref<8x8x128xf32, #tpu.memory_space<vmem>>[vector<16xi32>, vector<16xi32>, vector<16xi32>], vector<16xf32>,
        %mul3A_239 = arith.constant 64 : i32
        %mul3A_240 = arith.muli %and3A_163, %mul3A_239 : i32
        %add3A_241 = arith.constant 16 : i32
        %add3A_242 = arith.addi %mul3A_240, %add3A_241 : i32
        %swap3A_243 = arith.index_cast %add3A_242 : i32 to index
        %swap3A_244 = tpu.vector_load %arg16[%swap3A_243] {strides = array<i32>} : memref<1024xf32, #tpu.memory_space<vmem>>, vector<16xf32>,
        tpu.vector_store %arg16[%swap3A_243], %gather3A_238 {strides = array<i32>} : memref<1024xf32, #tpu.memory_space<vmem>>, vector<16xf32>,
        %add3A_245 = arith.constant 32 : i32
        %add3A_246 = vector.broadcast %add3A_245 : i32 to vector<16xi32>
        %add3A_247 = arith.addi %iota3A, %add3A_246 : vector<16xi32>
        %shift_right_logical3A_248 = arith.constant 3 : i32
        %shift_right_logical3A_249 = vector.broadcast %shift_right_logical3A_248 : i32 to vector<16xi32>
        %shift_right_logical3A_250 = arith.shrui %add3A_247, %shift_right_logical3A_249 : vector<16xi32>
        %and3A_251 = arith.constant 7 : i32
        %and3A_252 = vector.broadcast %and3A_251 : i32 to vector<16xi32>
        %and3A_253 = arith.andi %add3A_247, %and3A_252 : vector<16xi32>
        %gather3A_254 = tpu.vector_load_idx %arg11[%shift_right_logical3A_250, %and3A_253, %and3A_196] : memref<8x8x128xf32, #tpu.memory_space<vmem>>[vector<16xi32>, vector<16xi32>, vector<16xi32>], vector<16xf32>,
        %mul3A_255 = arith.constant 64 : i32
        %mul3A_256 = arith.muli %and3A_163, %mul3A_255 : i32
        %add3A_257 = arith.constant 32 : i32
        %add3A_258 = arith.addi %mul3A_256, %add3A_257 : i32
        %swap3A_259 = arith.index_cast %add3A_258 : i32 to index
        %swap3A_260 = tpu.vector_load %arg16[%swap3A_259] {strides = array<i32>} : memref<1024xf32, #tpu.memory_space<vmem>>, vector<16xf32>,
        tpu.vector_store %arg16[%swap3A_259], %gather3A_254 {strides = array<i32>} : memref<1024xf32, #tpu.memory_space<vmem>>, vector<16xf32>,
        %add3A_261 = arith.constant 48 : i32
        %add3A_262 = vector.broadcast %add3A_261 : i32 to vector<16xi32>
        %add3A_263 = arith.addi %iota3A, %add3A_262 : vector<16xi32>
        %shift_right_logical3A_264 = arith.constant 3 : i32
        %shift_right_logical3A_265 = vector.broadcast %shift_right_logical3A_264 : i32 to vector<16xi32>
        %shift_right_logical3A_266 = arith.shrui %add3A_263, %shift_right_logical3A_265 : vector<16xi32>
        %and3A_267 = arith.constant 7 : i32
        %and3A_268 = vector.broadcast %and3A_267 : i32 to vector<16xi32>
        %and3A_269 = arith.andi %add3A_263, %and3A_268 : vector<16xi32>
        %gather3A_270 = tpu.vector_load_idx %arg11[%shift_right_logical3A_266, %and3A_269, %and3A_196] : memref<8x8x128xf32, #tpu.memory_space<vmem>>[vector<16xi32>, vector<16xi32>, vector<16xi32>], vector<16xf32>,
        %mul3A_271 = arith.constant 64 : i32
        %mul3A_272 = arith.muli %and3A_163, %mul3A_271 : i32
        %add3A_273 = arith.constant 48 : i32
        %add3A_274 = arith.addi %mul3A_272, %add3A_273 : i32
        %swap3A_275 = arith.index_cast %add3A_274 : i32 to index
        %swap3A_276 = tpu.vector_load %arg16[%swap3A_275] {strides = array<i32>} : memref<1024xf32, #tpu.memory_space<vmem>>, vector<16xf32>,
        tpu.vector_store %arg16[%swap3A_275], %gather3A_270 {strides = array<i32>} : memref<1024xf32, #tpu.memory_space<vmem>>, vector<16xf32>,
        %mul3A_277 = arith.constant 64 : i32
        %mul3A_278 = arith.muli %and3A_163, %mul3A_277 : i32
        %mul3A_279 = arith.constant 64 : i32
        %mul3A_280 = arith.muli %reduce_max3A_213, %mul3A_279 : i32
        %dma_start3A_281 = tpu.memref_slice %arg16[%mul3A_278] : memref<1024xf32, #tpu.memory_space<vmem>> -> memref<64xf32, #tpu.memory_space<vmem>>
        %dma_start3A_282 = tpu.memref_slice %arg5[%mul3A_280] : memref<1048576xf32, #tpu.memory_space<hbm>> -> memref<64xf32, #tpu.memory_space<hbm>>
        %dma_start3A_283 = tpu.memref_slice %arg5[%mul3A_280] : memref<1048576xf32, #tpu.memory_space<hbm>> -> memref<64xf32, #tpu.memory_space<hbm>>
        %dma_start3A_284 = tpu.memref_slice %arg16[%mul3A_278] : memref<1024xf32, #tpu.memory_space<vmem>> -> memref<64xf32, #tpu.memory_space<vmem>>
        tpu.enqueue_dma source(%dma_start3A_284 : memref<64xf32, #tpu.memory_space<vmem>>) target(%dma_start3A_283 : memref<64xf32, #tpu.memory_space<hbm>>) target_semaphore(%arg26 : memref<!tpu.dma_semaphore, #tpu.memory_space<semaphore_mem>>)
        %add3A_285 = arith.constant 1 : i32
        %add3A_286 = arith.addi %while3A_162, %add3A_285 : i32
        scf.yield %add3A_286 : i32
      }
      %while3A_159 = arith.constant 1 : i32
      %while3A_160 = scf.for %while3A_161 = %while3A_156 to %while3A_152 step %while3A_159 iter_args(%while3A_162 = %while3A_158) -> (i32)  : i32 {
        %and3A = arith.constant 15 : i32
        %and3A_163 = arith.andi %while3A_162, %and3A : i32
        %eq3A_164 = arith.constant 0 : i32
        %eq3A_165 = arith.cmpi eq, %and3A_163, %eq3A_164 : i32
        %ge3A = arith.constant 16 : i32
        %ge3A_166 = arith.cmpi sge, %while3A_162, %ge3A : i32
        %and3A_167 = arith.andi %eq3A_165, %ge3A_166 : i1
        %convert_element_type3A_168 = arith.extui %and3A_167 : i1 to i32
        %cond3A_169 = arith.constant 0 : i32
        %cond3A_170 = arith.cmpi ne, %convert_element_type3A_168, %cond3A_169 : i32
        scf.if %cond3A_170 {
          %dma_wait3A = arith.constant 0 : i32
          %dma_wait3A_287 = tpu.memref_slice %arg5[%dma_wait3A] : memref<1048576xf32, #tpu.memory_space<hbm>> -> memref<1024xf32, #tpu.memory_space<hbm>>
          %dma_wait3A_288 = arith.constant 0 : i32
          %dma_wait3A_289 = tpu.memref_slice %arg5[%dma_wait3A_288] : memref<1048576xf32, #tpu.memory_space<hbm>> -> memref<1024xf32, #tpu.memory_space<hbm>>
          tpu.wait_dma2 semaphore(%arg26 : memref<!tpu.dma_semaphore, #tpu.memory_space<semaphore_mem>>) src(%dma_wait3A_289 : memref<1024xf32, #tpu.memory_space<hbm>>) dst(%arg16 : memref<1024xf32, #tpu.memory_space<vmem>>)
        } else {
        }
        %shift_right_logical3A_171 = arith.constant 4 : i32
        %shift_right_logical3A_172 = arith.shrui %while3A_161, %shift_right_logical3A_171 : i32
        %mul3A_173 = arith.constant 16 : i32
        %mul3A_174 = arith.muli %shift_right_logical3A_172, %mul3A_173 : i32
        %get3A_175 = arith.index_cast %mul3A_174 : i32 to index
        %get3A_176 = tpu.vector_load %arg9[%get3A_175] {strides = array<i32>} : memref<16400xi32, #tpu.memory_space<vmem>>, vector<16xi32>,
        %shift_right_logical3A_177 = arith.constant 4 : i32
        %shift_right_logical3A_178 = arith.shrui %while3A_161, %shift_right_logical3A_177 : i32
        %mul3A_179 = arith.constant 16 : i32
        %mul3A_180 = arith.muli %shift_right_logical3A_178, %mul3A_179 : i32
        %get3A_181 = arith.index_cast %mul3A_180 : i32 to index
        %get3A_182 = tpu.vector_load %arg10[%get3A_181] {strides = array<i32>} : memref<16400xi32, #tpu.memory_space<vmem>>, vector<16xi32>,
        %and3A_183 = arith.constant 15 : i32
        %and3A_184 = arith.andi %while3A_161, %and3A_183 : i32
        %broadcast_in_dim3A_185 = vector.broadcast %and3A_184 : i32 to vector<16xi32>
        %lt3A_186 = arith.constant 0 : i32
        %lt3A_187 = vector.broadcast %lt3A_186 : i32 to vector<16xi32>
        %lt3A_188 = arith.cmpi slt, %broadcast_in_dim3A_185, %lt3A_187 : vector<16xi32>
        %add3A_189 = arith.constant 16 : i32
        %add3A_190 = vector.broadcast %add3A_189 : i32 to vector<16xi32>
        %add3A_191 = arith.addi %broadcast_in_dim3A_185, %add3A_190 : vector<16xi32>
        %select_n3A_192 = arith.select %lt3A_188, %add3A_191, %broadcast_in_dim3A_185 : vector<16xi1>, vector<16xi32>
        %reshape3A = vector.shape_cast %select_n3A_192 : vector<16xi32> to vector<16x1xi32>
        %gather3A = vector.shape_cast %reshape3A : vector<16x1xi32> to vector<16xi32>
        %gather3A_193 = tpu.dynamic_gather %get3A_176[%gather3A] in [0] : vector<16xi32>, vector<16xi32> -> vector<16xi32>
        %and3A_194 = arith.constant 127 : i32
        %and3A_195 = vector.broadcast %and3A_194 : i32 to vector<16xi32>
        %and3A_196 = arith.andi %gather3A_193, %and3A_195 : vector<16xi32>
        %lt3A_197 = arith.constant 0 : i32
        %lt3A_198 = vector.broadcast %lt3A_197 : i32 to vector<16xi32>
        %lt3A_199 = arith.cmpi slt, %broadcast_in_dim3A_185, %lt3A_198 : vector<16xi32>
        %add3A_200 = arith.constant 16 : i32
        %add3A_201 = vector.broadcast %add3A_200 : i32 to vector<16xi32>
        %add3A_202 = arith.addi %broadcast_in_dim3A_185, %add3A_201 : vector<16xi32>
        %select_n3A_203 = arith.select %lt3A_199, %add3A_202, %broadcast_in_dim3A_185 : vector<16xi1>, vector<16xi32>
        %reshape3A_204 = vector.shape_cast %select_n3A_203 : vector<16xi32> to vector<16x1xi32>
        %gather3A_205 = vector.shape_cast %reshape3A_204 : vector<16x1xi32> to vector<16xi32>
        %gather3A_206 = tpu.dynamic_gather %get3A_182[%gather3A_205] in [0] : vector<16xi32>, vector<16xi32> -> vector<16xi32>
        %reduce_max3A = arith.constant true
        %reduce_max3A_207 = vector.broadcast %reduce_max3A : i1 to vector<16xi1>
        %reduce_max3A_208 = arith.constant -2147483648 : i32
        %reduce_max3A_209 = vector.broadcast %reduce_max3A_208 : i32 to vector<16xi32>
        %reduce_max3A_210 = arith.xori %gather3A_206, %reduce_max3A_209 : vector<16xi32>
        %reduce_max3A_211 = tpu.scan <max>, %reduce_max3A_210 masked %reduce_max3A_207 : vector<16xi32>, vector<16xi1> -> vector<16xi32>
        %reduce_max3A_212 = arith.xori %reduce_max3A_211, %reduce_max3A_209 : vector<16xi32>
        %reduce_max3A_213 = vector.extract %reduce_max3A_212[15] : i32 from vector<16xi32>
        %add3A_214 = arith.constant 0 : i32
        %add3A_215 = vector.broadcast %add3A_214 : i32 to vector<16xi32>
        %add3A_216 = arith.addi %iota3A, %add3A_215 : vector<16xi32>
        %shift_right_logical3A_217 = arith.constant 3 : i32
        %shift_right_logical3A_218 = vector.broadcast %shift_right_logical3A_217 : i32 to vector<16xi32>
        %shift_right_logical3A_219 = arith.shrui %add3A_216, %shift_right_logical3A_218 : vector<16xi32>
        %and3A_220 = arith.constant 7 : i32
        %and3A_221 = vector.broadcast %and3A_220 : i32 to vector<16xi32>
        %and3A_222 = arith.andi %add3A_216, %and3A_221 : vector<16xi32>
        %gather3A_223 = tpu.vector_load_idx %arg11[%shift_right_logical3A_219, %and3A_222, %and3A_196] : memref<8x8x128xf32, #tpu.memory_space<vmem>>[vector<16xi32>, vector<16xi32>, vector<16xi32>], vector<16xf32>,
        %mul3A_224 = arith.constant 64 : i32
        %mul3A_225 = arith.muli %and3A_163, %mul3A_224 : i32
        %add3A_226 = arith.constant 0 : i32
        %add3A_227 = arith.addi %mul3A_225, %add3A_226 : i32
        %swap3A = arith.index_cast %add3A_227 : i32 to index
        %swap3A_228 = tpu.vector_load %arg16[%swap3A] {strides = array<i32>} : memref<1024xf32, #tpu.memory_space<vmem>>, vector<16xf32>,
        tpu.vector_store %arg16[%swap3A], %gather3A_223 {strides = array<i32>} : memref<1024xf32, #tpu.memory_space<vmem>>, vector<16xf32>,
        %add3A_229 = arith.constant 16 : i32
        %add3A_230 = vector.broadcast %add3A_229 : i32 to vector<16xi32>
        %add3A_231 = arith.addi %iota3A, %add3A_230 : vector<16xi32>
        %shift_right_logical3A_232 = arith.constant 3 : i32
        %shift_right_logical3A_233 = vector.broadcast %shift_right_logical3A_232 : i32 to vector<16xi32>
        %shift_right_logical3A_234 = arith.shrui %add3A_231, %shift_right_logical3A_233 : vector<16xi32>
        %and3A_235 = arith.constant 7 : i32
        %and3A_236 = vector.broadcast %and3A_235 : i32 to vector<16xi32>
        %and3A_237 = arith.andi %add3A_231, %and3A_236 : vector<16xi32>
        %gather3A_238 = tpu.vector_load_idx %arg11[%shift_right_logical3A_234, %and3A_237, %and3A_196] : memref<8x8x128xf32, #tpu.memory_space<vmem>>[vector<16xi32>, vector<16xi32>, vector<16xi32>], vector<16xf32>,
        %mul3A_239 = arith.constant 64 : i32
        %mul3A_240 = arith.muli %and3A_163, %mul3A_239 : i32
        %add3A_241 = arith.constant 16 : i32
        %add3A_242 = arith.addi %mul3A_240, %add3A_241 : i32
        %swap3A_243 = arith.index_cast %add3A_242 : i32 to index
        %swap3A_244 = tpu.vector_load %arg16[%swap3A_243] {strides = array<i32>} : memref<1024xf32, #tpu.memory_space<vmem>>, vector<16xf32>,
        tpu.vector_store %arg16[%swap3A_243], %gather3A_238 {strides = array<i32>} : memref<1024xf32, #tpu.memory_space<vmem>>, vector<16xf32>,
        %add3A_245 = arith.constant 32 : i32
        %add3A_246 = vector.broadcast %add3A_245 : i32 to vector<16xi32>
        %add3A_247 = arith.addi %iota3A, %add3A_246 : vector<16xi32>
        %shift_right_logical3A_248 = arith.constant 3 : i32
        %shift_right_logical3A_249 = vector.broadcast %shift_right_logical3A_248 : i32 to vector<16xi32>
        %shift_right_logical3A_250 = arith.shrui %add3A_247, %shift_right_logical3A_249 : vector<16xi32>
        %and3A_251 = arith.constant 7 : i32
        %and3A_252 = vector.broadcast %and3A_251 : i32 to vector<16xi32>
        %and3A_253 = arith.andi %add3A_247, %and3A_252 : vector<16xi32>
        %gather3A_254 = tpu.vector_load_idx %arg11[%shift_right_logical3A_250, %and3A_253, %and3A_196] : memref<8x8x128xf32, #tpu.memory_space<vmem>>[vector<16xi32>, vector<16xi32>, vector<16xi32>], vector<16xf32>,
        %mul3A_255 = arith.constant 64 : i32
        %mul3A_256 = arith.muli %and3A_163, %mul3A_255 : i32
        %add3A_257 = arith.constant 32 : i32
        %add3A_258 = arith.addi %mul3A_256, %add3A_257 : i32
        %swap3A_259 = arith.index_cast %add3A_258 : i32 to index
        %swap3A_260 = tpu.vector_load %arg16[%swap3A_259] {strides = array<i32>} : memref<1024xf32, #tpu.memory_space<vmem>>, vector<16xf32>,
        tpu.vector_store %arg16[%swap3A_259], %gather3A_254 {strides = array<i32>} : memref<1024xf32, #tpu.memory_space<vmem>>, vector<16xf32>,
        %add3A_261 = arith.constant 48 : i32
        %add3A_262 = vector.broadcast %add3A_261 : i32 to vector<16xi32>
        %add3A_263 = arith.addi %iota3A, %add3A_262 : vector<16xi32>
        %shift_right_logical3A_264 = arith.constant 3 : i32
        %shift_right_logical3A_265 = vector.broadcast %shift_right_logical3A_264 : i32 to vector<16xi32>
        %shift_right_logical3A_266 = arith.shrui %add3A_263, %shift_right_logical3A_265 : vector<16xi32>
        %and3A_267 = arith.constant 7 : i32
        %and3A_268 = vector.broadcast %and3A_267 : i32 to vector<16xi32>
        %and3A_269 = arith.andi %add3A_263, %and3A_268 : vector<16xi32>
        %gather3A_270 = tpu.vector_load_idx %arg11[%shift_right_logical3A_266, %and3A_269, %and3A_196] : memref<8x8x128xf32, #tpu.memory_space<vmem>>[vector<16xi32>, vector<16xi32>, vector<16xi32>], vector<16xf32>,
        %mul3A_271 = arith.constant 64 : i32
        %mul3A_272 = arith.muli %and3A_163, %mul3A_271 : i32
        %add3A_273 = arith.constant 48 : i32
        %add3A_274 = arith.addi %mul3A_272, %add3A_273 : i32
        %swap3A_275 = arith.index_cast %add3A_274 : i32 to index
        %swap3A_276 = tpu.vector_load %arg16[%swap3A_275] {strides = array<i32>} : memref<1024xf32, #tpu.memory_space<vmem>>, vector<16xf32>,
        tpu.vector_store %arg16[%swap3A_275], %gather3A_270 {strides = array<i32>} : memref<1024xf32, #tpu.memory_space<vmem>>, vector<16xf32>,
        %mul3A_277 = arith.constant 64 : i32
        %mul3A_278 = arith.muli %and3A_163, %mul3A_277 : i32
        %mul3A_279 = arith.constant 64 : i32
        %mul3A_280 = arith.muli %reduce_max3A_213, %mul3A_279 : i32
        %dma_start3A_281 = tpu.memref_slice %arg16[%mul3A_278] : memref<1024xf32, #tpu.memory_space<vmem>> -> memref<64xf32, #tpu.memory_space<vmem>>
        %dma_start3A_282 = tpu.memref_slice %arg5[%mul3A_280] : memref<1048576xf32, #tpu.memory_space<hbm>> -> memref<64xf32, #tpu.memory_space<hbm>>
        %dma_start3A_283 = tpu.memref_slice %arg5[%mul3A_280] : memref<1048576xf32, #tpu.memory_space<hbm>> -> memref<64xf32, #tpu.memory_space<hbm>>
        %dma_start3A_284 = tpu.memref_slice %arg16[%mul3A_278] : memref<1024xf32, #tpu.memory_space<vmem>> -> memref<64xf32, #tpu.memory_space<vmem>>
        tpu.enqueue_dma source(%dma_start3A_284 : memref<64xf32, #tpu.memory_space<vmem>>) target(%dma_start3A_283 : memref<64xf32, #tpu.memory_space<hbm>>) target_semaphore(%arg26 : memref<!tpu.dma_semaphore, #tpu.memory_space<semaphore_mem>>)
        %add3A_285 = arith.constant 1 : i32
        %add3A_286 = arith.addi %while3A_162, %add3A_285 : i32
        scf.yield %add3A_286 : i32
      }
      scf.yield %while3A_160 : i32
    } else {
      scf.yield %while3A_126#0 : i32
    }
    %gt3A = arith.constant 0 : i32
    %gt3A_129 = arith.cmpi sgt, %cond3A_128, %gt3A : i32
    %sub3A = arith.constant 1 : i32
    %sub3A_130 = arith.subi %cond3A_128, %sub3A : i32
    %shift_right_logical3A = arith.constant 4 : i32
    %shift_right_logical3A_131 = arith.shrui %sub3A_130, %shift_right_logical3A : i32
    %mul3A_132 = arith.constant 16 : i32
    %mul3A_133 = arith.muli %mul3A_132, %shift_right_logical3A_131 : i32
    %sub3A_134 = arith.subi %cond3A_128, %mul3A_133 : i32
    %jit3A_135 = arith.constant 0 : i32
    %select_n3A_136 = arith.select %gt3A_129, %sub3A_134, %jit3A_135 : i32
    %while3A_137 = arith.constant 0 : i32
    %while3A_138 = arith.constant 0 : i32
    %while3A_139 = arith.subi %select_n3A_136, %while3A_138 : i32
    %while3A_140 = arith.addi %while3A_138, %while3A_139 : i32
    %while3A_141 = arith.constant 1 : i32
    %while3A_142 = arith.divsi %while3A_139, %while3A_141 : i32
    %while3A_143 = arith.muli %while3A_142, %while3A_141 : i32
    %while3A_144 = arith.addi %while3A_138, %while3A_143 : i32
    %while3A_145 = arith.constant 1 : i32
    scf.for %while3A_147 = %while3A_138 to %while3A_144 step %while3A_145  : i32 {
      %dma_wait3A = arith.constant 0 : i32
      %dma_wait3A_148 = tpu.memref_slice %arg16[%dma_wait3A] : memref<1024xf32, #tpu.memory_space<vmem>> -> memref<64xf32, #tpu.memory_space<vmem>>
      %dma_wait3A_149 = arith.constant 0 : i32
      %dma_wait3A_150 = tpu.memref_slice %arg5[%dma_wait3A_149] : memref<1048576xf32, #tpu.memory_space<hbm>> -> memref<64xf32, #tpu.memory_space<hbm>>
      %dma_wait3A_151 = arith.constant 0 : i32
      %dma_wait3A_152 = tpu.memref_slice %arg16[%dma_wait3A_151] : memref<1024xf32, #tpu.memory_space<vmem>> -> memref<64xf32, #tpu.memory_space<vmem>>
      %dma_wait3A_153 = arith.constant 0 : i32
      %dma_wait3A_154 = tpu.memref_slice %arg5[%dma_wait3A_153] : memref<1048576xf32, #tpu.memory_space<hbm>> -> memref<64xf32, #tpu.memory_space<hbm>>
      tpu.wait_dma2 semaphore(%arg26 : memref<!tpu.dma_semaphore, #tpu.memory_space<semaphore_mem>>) src(%dma_wait3A_154 : memref<64xf32, #tpu.memory_space<hbm>>) dst(%dma_wait3A_152 : memref<64xf32, #tpu.memory_space<vmem>>)
    }
    %while3A_146 = arith.constant 1 : i32
    scf.for %while3A_147 = %while3A_144 to %while3A_140 step %while3A_146  : i32 {
      %dma_wait3A = arith.constant 0 : i32
      %dma_wait3A_148 = tpu.memref_slice %arg16[%dma_wait3A] : memref<1024xf32, #tpu.memory_space<vmem>> -> memref<64xf32, #tpu.memory_space<vmem>>
      %dma_wait3A_149 = arith.constant 0 : i32
      %dma_wait3A_150 = tpu.memref_slice %arg5[%dma_wait3A_149] : memref<1048576xf32, #tpu.memory_space<hbm>> -> memref<64xf32, #tpu.memory_space<hbm>>
      %dma_wait3A_151 = arith.constant 0 : i32
      %dma_wait3A_152 = tpu.memref_slice %arg16[%dma_wait3A_151] : memref<1024xf32, #tpu.memory_space<vmem>> -> memref<64xf32, #tpu.memory_space<vmem>>
      %dma_wait3A_153 = arith.constant 0 : i32
      %dma_wait3A_154 = tpu.memref_slice %arg5[%dma_wait3A_153] : memref<1048576xf32, #tpu.memory_space<hbm>> -> memref<64xf32, #tpu.memory_space<hbm>>
      tpu.wait_dma2 semaphore(%arg26 : memref<!tpu.dma_semaphore, #tpu.memory_space<semaphore_mem>>) src(%dma_wait3A_154 : memref<64xf32, #tpu.memory_space<hbm>>) dst(%dma_wait3A_152 : memref<64xf32, #tpu.memory_space<vmem>>)
    }
    return
  }
}

</mosaic_0001>

<sc_bundles>
// kernel: kernel.3.cloned.1.call-start
scs
__scs_entry_jumppad:
0x0: {  	(pc) =	sbr.rel $0x88, $3  }
0x1: {  	(tag) =	ssettag $0x0;
	lr =	simm.s32 $0x1  }
0x2: {  	[smem:$0x3F9F] =	sst lr;
	_ =	strace $0xD0000000  }
0x3: {  	_ = 	snop  }
0x4: {  	_ = 	snop  }
0x5: {  	_ = 	snop  }
0x6: {  	_ = 	snop  }
0x7: {  	_ = 	snop  }
__scs_overlays_trampoline_lowered:
0x8: {  	[smem:$0x3FAE] =	sst s0  }
0x9: {  	[smem:$0x3FAF] =	sst s1  }
0xa: {  	[smem:$0x3FB0] =	sst s2  }
0xb: {  	[smem:$0x3FB1] =	sst s3  }
0xc: {  	[smem:$0x3FB2] =	sst s4  }
0xd: {  	[smem:$0x3FB3] =	sst s5  }
0xe: {  	[smem:$0x3FB4] =	sst s6  }
0xf: {  	[smem:$0x3FB5] =	sst s7  }
0x10: {  	[smem:$0x3FB6] =	sst s8  }
0x11: {  	[smem:$0x3FB7] =	sst s9;
	s0 =	simm.s32 @!p0 $0x0  }
0x12: {  	s1 =	sld [smem:$0x3F9D];
	s0 =	simm.s32 @p0 $0x1  }
0x13: {  	[smem:$0x3FB8] =	sst s0;
	s0 =	simm.s32 @!p1 $0x0  }
0x14: {  	s2 =	sld [smem:$0x3F9C];
	s0 =	simm.s32 @p1 $0x1  }
0x15: {  	[smem:$0x3FB9] =	sst s0;
	s0 =	simm.s32 @!p2 $0x0  }
0x16: {  	s3 =	sld [smem:$0x3FDB];
	s0 =	simm.s32 @p2 $0x1  }
0x17: {  	s4 =	simm.s32 $0x1BF5;
	[smem:$0x3FBB] =	sst s0  }
0x18: {  	s0 =	sld [smem:$0x3F9E];
	_ =	swait.ge [sflag:s4], $0x0  }
0x19: {  	s7 =	sld [smem:$0x3F9F]  }
0x1a: {  	s8 =	sadd.s32 $0xFFFFE003, lr  }
0x1b: {  	s9 =	sadd.s32 $0xFFFFFEF7, lr;
	s5 =	simm.s32 $0xFFFFFFFF;
	p2 =	slt.u32 s8, $0xFFFFF086  }
0x1c: {  	p1 =	slt.u32 s9, $0xF7A;
	s5 =	simm.s32 @!p2 $0x0  }
0x1d: {  	s5 =	simm.s32 @p1 $0x1;
	p0 =	seq.s32 s7, s2  }
0x1e: {  	s7 =	smul.u32 @!p0 $0xF7A, s2;
	p2 =	seq.s32 @!p0 s5, $0x0  }
0x1f: {  	s9 =	smul.u32 $0xF7A, s1;
	s8 =	simm.s32 @!p0 $0x1BF5;
	p2 =	por !p2, p0  }
0x20: {  	[sflag:s8] =	ssyncset.s32 @!p0 $0xFFFFF086;
	s6 =	sadd.s32 @!p0 s3, s7;
	s7 =	simm.s32 @!p0 $0x108  }
0x21: {  	s3 =	sadd.s32 s3, s9;
	s6 =	sadd.s32 @!p0 $0x88, s6;
	s7 =	simm.s32 @p2 $0x1082  }
0x22: {  	[simem:s7], [sflag:s8] =	dma.local @!p0 [hbm:s6], $0xF7A  }
0x23: {  	s9 =	sor.u32 $0xD0000000, s2;
	s6 =	simm.s32 $0x108;
	_ =	swait.ge @!p0 [sflag:s8], $0x0  }
0x24: {  	s3 =	sadd.s32 $0x88, s3;
	s6 =	simm.s32 @!p1 $0x1082;
	[sflag:s4] =	ssyncset.s32 $0xFFFFF086  }
0x25: {  	[simem:s6], [sflag:s4] =	dma.local [hbm:s3], $0xF7A  }
0x26: {  	[smem:$0x3F9F] =	sst s1;
	(tag) =	ssettag s2;
	_ =	strace s9  }
0x27: {  	s1 =	sld [smem:$0x3FAF]  }
0x28: {  	s2 =	sld [smem:$0x3FB0]  }
0x29: {  	s4 =	sld [smem:$0x3FB2]  }
0x2a: {  	p0 =	seq.s32 s5, $0x0;
	s5 =	sld [smem:$0x3FB3]  }
0x2b: {  	s6 =	sld [smem:$0x3FB4]  }
0x2c: {  	s7 =	sld [smem:$0x3FB5]  }
0x2d: {  	s3 =	simm.s32 $0x108;
	s8 =	sld [smem:$0x3FB6]  }
0x2e: {  	s3 =	simm.s32 @!p0 $0x1082;
	s9 =	sld [smem:$0x3FB7]  }
0x2f: {  	lr =	sadd.s32 s0, s3;
	s0 =	sld [smem:$0x3FAE]  }
0x30: {  	s3 =	sld [smem:$0x3FB1]  }
0x31: {  	[smem:$0x3FBA] =	sst s10  }
0x32: {  	s10 =	sld [smem:$0x3FB8];
	_ =	sdelay $0x3  }
0x33: {  	p0 =	seq.s32 s10, $0x1;
	s10 =	sld [smem:$0x3FBA];
	_ =	sdelay $0x3  }
0x34: {  	[smem:$0x3FBA] =	sst s10  }
0x35: {  	s10 =	sld [smem:$0x3FB9];
	_ =	sdelay $0x3  }
0x36: {  	p1 =	seq.s32 s10, $0x1;
	s10 =	sld [smem:$0x3FBA];
	_ =	sdelay $0x3  }
0x37: {  	[smem:$0x3FBA] =	sst s10  }
0x38: {  	s10 =	sld [smem:$0x3FBB]  }
0x39: {  	_ = 	snop;
	(pc) =	sbr.ind lr, $3  }
0x3a: {  	_ = 	snop  }
0x3b: {  	_ = 	snop  }
0x3c: {  	p2 =	seq.s32 s10, $0x1;
	s10 =	sld [smem:$0x3FBA]  }
0x3d: {  	_ =	shalt  }
0x3e: {  	_ =	shalt  }
0x3f: {  	_ =	shalt  }
0x40: {  	_ =	shalt  }
0x41: {  	_ =	shalt  }
0x42: {  	_ =	shalt  }
0x43: {  	_ =	shalt  }
0x44: {  	_ =	shalt  }
0x45: {  	_ =	shalt  }
0x46: {  	_ =	shalt  }
0x47: {  	_ =	shalt  }
0x48: {  	_ =	shalt  }
0x49: {  	_ =	shalt  }
0x4a: {  	_ =	shalt  }
0x4b: {  	_ =	shalt  }
0x4c: {  	_ =	shalt  }
0x4d: {  	_ =	shalt  }
0x4e: {  	_ =	shalt  }
0x4f: {  	_ =	shalt  }
0x50: {  	_ =	shalt  }
0x51: {  	_ =	shalt  }
0x52: {  	_ =	shalt  }
0x53: {  	_ =	shalt  }
0x54: {  	_ =	shalt  }
0x55: {  	_ =	shalt  }
0x56: {  	_ =	shalt  }
0x57: {  	_ =	shalt  }
0x58: {  	_ =	shalt  }
0x59: {  	_ =	shalt  }
0x5a: {  	_ =	shalt  }
0x5b: {  	_ =	shalt  }
0x5c: {  	_ =	shalt  }
0x5d: {  	_ =	shalt  }
0x5e: {  	_ =	shalt  }
0x5f: {  	_ =	shalt  }
0x60: {  	_ =	shalt  }
0x61: {  	_ =	shalt  }
0x62: {  	_ =	shalt  }
0x63: {  	_ =	shalt  }
0x64: {  	_ =	shalt  }
0x65: {  	_ =	shalt  }
0x66: {  	_ =	shalt  }
0x67: {  	_ =	shalt  }
0x68: {  	_ =	shalt  }
0x69: {  	_ =	shalt  }
0x6a: {  	_ =	shalt  }
0x6b: {  	_ =	shalt  }
0x6c: {  	_ =	shalt  }
0x6d: {  	_ =	shalt  }
0x6e: {  	_ =	shalt  }
0x6f: {  	_ =	shalt  }
0x70: {  	_ =	shalt  }
0x71: {  	_ =	shalt  }
0x72: {  	_ =	shalt  }
0x73: {  	_ =	shalt  }
0x74: {  	_ =	shalt  }
0x75: {  	_ =	shalt  }
0x76: {  	_ =	shalt  }
0x77: {  	_ =	shalt  }
0x78: {  	_ =	shalt  }
0x79: {  	_ =	shalt  }
0x7a: {  	_ =	shalt  }
0x7b: {  	_ =	shalt  }
0x7c: {  	_ =	shalt  }
0x7d: {  	_ =	shalt  }
0x7e: {  	_ =	shalt  }
0x7f: {  	_ =	shalt  }
0x80: {  	_ =	shalt  }
0x81: {  	_ =	shalt  }
0x82: {  	_ =	shalt  }
0x83: {  	_ =	shalt  }
0x84: {  	_ =	shalt  }
0x85: {  	_ =	shalt  }
0x86: {  	_ =	shalt  }
0x87: {  	_ =	shalt  }
.Lfunc_end0:
.L_simem_size_0:
called_computation_lowered:
.L_overlay_start_0:
0x88: {  	s2 =	sld [smem:$0x3FD9]  }
0x89: {  	s3 =	sld [smem:$0x3FFE];
	_ =	sdelay $0x1  }
0x8a: {  	s1 =	srdreg.scid  }
0x8b: {  	s0 =	sand.u32 $0x1, s1  }
0x8c: {  	s17 =	sshll.u32 s0, $0xA;
	s2 =	sadd.s32 s3, s2  }
0x8d: {  	s2 =	sadd.s32 s2, s17  }
0x8e: {  	[smem:$0x3FC6] =	sst s2  }
0x8f: {  	_ = 	snop  }
0x90: {  	s2 =	sld [smem:$0x3FC9]  }
0x91: {  	s18 =	sld [smem:$0x3FC8]  }
0x92: {  	s4 =	sld [smem:$0x3FD0];
	(tm) =	ssettm $0x1  }
0x93: {  	s5 =	sld [smem:$0x3FFB];
	_ =	sdelay $0x3  }
0x94: {  	_ =	strace s5  }
0x95: {  	s5 =	sld [smem:$0x3FFC];
	_ =	sdelay $0x3  }
0x96: {  	_ =	strace s5  }
0x97: {  	s5 =	sld [smem:$0x3FFD];
	_ =	sdelay $0x3  }
0x98: {  	_ =	strace s5  }
0x99: {  	_ =	strace $0x8FFFFFFF  }
0x9a: {  	s19 =	sld [smem:$0x3FDB];
	_ =	sdelay $0x1  }
0x9b: {  	s6 =	simm.s32 $_scs_section_size  }
0x9c: {  	s7 =	simm.s32 $_size__tile_overlayer_lowered;
	s8 =	simm.s32 $_tile_overlayer_lowered  }
0x9d: {  	s22 =	simm.s32 $0x1BFF;
	s21 =	sshll.u32 s8, $0x1;
	s5 =	sadd.s32 s6, s19  }
0x9e: {  	s9 =	simm.s32 $0x0;
	s20 =	sshll.u32 s7, $0x1;
	s7 =	sadd.s32 s21, s5  }
0x9f: {  	[timem:s9], [sflag:s22] =	dma.local [hbm:s7], s20  }
0xa0: {  	_ =	swait.ge [sflag:s22], s20  }
0xa1: {  	s6 =	ssub.s32 $0x0, s20;
	[sflag:s22] =	ssyncset.done $0x0  }
0xa2: {  	[sflag:s22] =	ssyncadd.s32 s6;
	_ =	sdelay $0x1  }
0xa3: {  	s23 =	simm.s32 $0x1B8B  }
0xa4: {  	_ =	swait.ge [sflag:s23], $0x1  }
0xa5: {  	[sflag:s23] =	ssyncset.done $0x0  }
0xa6: {  	s25 =	simm.s32 $0x1B8E;
	s24 =	sld [smem:$0x3FFE];
	[sflag:s23] =	ssyncadd.s32 $0xFFFFFFFF  }
0xa7: {  	s26 =	simm.s32 $execute0_lowered;
	[smem:$0x3FD2] =	sst s25  }
0xa8: {  	s7 =	sshll.u32 s26, $0x1;
	_ =	strace $0x80000046;
	[dreg:$0x1] =	wrdreg $0xFFFFFFFF  }
0xa9: {  	s28 =	simm.s32 $_size_execute0_lowered;
	s5 =	sadd.s32 s5, s7;
	[dreg:$0x0] =	wrdreg $0x0  }
0xaa: {  	s7 =	sshll.u32 s28, $0x1;
	[dreg:$0x2] =	wrdreg s5  }
0xab: {  	[dreg:$0x3] =	wrdreg s7  }
0xac: {  	[dreg:$0x4] =	wrdreg $0xC0  }
0xad: {  	_ =	task [dreg:s9], $0x5FFFF  }
0xae: {  	[dreg:$0x1] =	wrdreg $0xFFFFFFFF  }
0xaf: {  	[dreg:$0x0] =	wrdreg $0x60  }
0xb0: {  	[dreg:$0x2] =	wrdreg s2  }
0xb1: {  	[dreg:$0x3] =	wrdreg s18  }
0xb2: {  	[dreg:$0x4] =	wrdreg s24  }
0xb3: {  	[dreg:$0x5] =	wrdreg s4  }
0xb4: {  	[dreg:$0x6] =	wrdreg $0x9  }
0xb5: {  	_ =	task.clear_ibuf [dreg:s9], $0x7FFFF;
	_ =	strace $0x90000046  }
0xb6: {  	s29 =	simm.s32 $0x9;
	_ =	strace $0x80000048  }
0xb7: {  	_ =	swait.ge [sflag:s29], $0x1  }
0xb8: {  	[sflag:s29] =	ssyncadd.s32 $0xFFFFFFFF  }
0xb9: {  	_ =	strace $0x90000048  }
0xba: {  	_ =	sfence  }
0xbb: {  	s30 =	sld [smem:$0x0];
	_ =	sdelay $0x2  }
0xbc: {  	s31 =	sshll.u32 s1, $0xD;
	s1 =	sshrl.u32 s1, $0x2  }
0xbd: {  	s3 =	sand.u32 $0x4000, s31;
	s1 =	sadd.s32 s1, s30  }
0xbe: {  	s0 =	sor.u32 s3, s0;
	s1 =	sshll.u32 s1, $0x11  }
0xbf: {  	s0 =	sor.u32 s1, s0  }
0xc0: {  	s0 =	sadd.s32 $0x8F2B, s0  }
0xc1: {  	[sflag:s0] =	ssyncadd.remote.s32 $0x1  }
0xc2: {  	_ =	sfence.sel $0xFFFF  }
0xc3: {  	[dreg:$0x0] =	wrdreg $0xFFFFFFFF;
	(pc) =	sbr.abs _section_cstart, $3  }
0xc4: {  	[dreg:$0x1] =	wrdreg $0xFFFFFFFF  }
0xc5: {  	_ =	task.clear_ibuf [dreg:s9], $0x2FFFF;
	_ =	strace $0x9FFFFFFF  }
0xc6: {  	(tm) =	ssettm $0x7FFFFFFF  }
0xc7: {  	_ =	shalt  }
tec
execute0_lowered:
.L_overlay_start_1:
0x0: {  	(tag) =	ssettag $0x1  }
0x1: {  	s2 =	rddreg [dreg:$0x1]  }
0x2: {  	s0 =	rddreg [dreg:$0x2]  }
0x3: {  	s4 =	rddreg [dreg:$0x3]  }
0x4: {  	s1 =	srdreg.scid;
	s8 =	stileid.u32;
	s5 =	simm.s32 $0x0  }
0x5: {  	s9 =	simm.s32 $0x1;
	s17 =	simm.s32 $0x14200;
	s18 =	simm.s32 $0x16200  }
0x6: {  	s19 =	simm.s32 $0x18200;
	s20 =	simm.s32 $0x1A200;
	s28 =	simm.s32 $0x5  }
0x7: {  	s29 =	simm.s32 $0x1C200;
	s30 =	simm.s32 $0x6;
	s31 =	simm.s32 $0x0  }
0x8: {  	s1 =	sand.u32 $0x1, s1;
	s3 =	sshll.u32 s8, $0x1;
	[smem:$0x7FF] =	sst s5  }
0x9: {  	s0 =	sadd.s32 $0x400, s0;
	p0 =	slt.u32 s8, $0x2;
	s8 =	simm.s32 $0xF5  }
0xa: {  	s6 =	ssub.s32 $0x2, s1;
	s1 =	sor.u32 s1, s3;
	_ =	strace $0x80000047  }
0xb: {  	[dreg:$0x5] =	wrdreg s0;
	s8 =	simm.s32 @!p0 $0xF4;
	s3 =	simm.s32 $0x1  }
0xc: {  	s21 =	sshrl.u32 s6, $0x1;
	s7 =	smul.u32 $0xF4, s1;
	s23 =	smin.u32 s1, $0x4  }
0xd: {  	p0 =	seq.s32 s1, $0x1F;
	p4 =	sne.s32 s1, $0x1F;
	s22 =	ssub.s32 s6, s21  }
0xe: {  	s3 =	simm.s32 @!p0 $0x0;
	s7 =	sadd.s32 s23, s7;
	s0 =	smax.u32 s22, $0x1  }
0xf: {  	s22 =	simm.s32 $0xC100;
	s23 =	simm.s32 $0x10180;
	s10 =	sshll.u32 s7, $0x7  }
0x10: {  	[dreg:$0xa] =	wrdreg s0;
	s0 =	simm.s32 @!p4 $0x0;
	s25 =	sadd.s32 s2, s10  }
.Ltmp0:
0x11: {  	v0 =	vlaneseq.u32;
	s0 =	simm.s32 @p4 $0x1;
	[dreg:$0x6] =	wrdreg s25;
	(pc) =	sbr.rel .LBB2_1-.Ltmp0, $4  }
0x12: {  	v0 =	vmul.u32 $0x80, v0;
	s24 =	sadd.s32 s8, s7;
	s10 =	sadd.s32 $0x80, s25;
	[smem:$0x7FD] =	sst s0  }
0x13: {  	s3 =	sadd.s32 s3, s24;
	s26 =	sadd.s32 $0x100, s25;
	[dreg:$0x7] =	wrdreg s10  }
0x14: {  	v3 =	vimm.f32 $0.0e+00;
	v4 =	vor.u32 $0x800, v0;
	v5 =	vor.u32 $0x1000, v0;
	s24 =	simm.s32 $0x2;
	s6 =	sadd.s32 $0x180, s25;
	[dreg:$0x8] =	wrdreg s26  }
0x15: {  	v6 =	vor.u32 $0x1800, v0;
	v1 =	vmov s7;
	v2 =	vmov s3;
	s25 =	simm.s32 $0x3;
	[dreg:$0x9] =	wrdreg s6;
	s26 =	simm.s32 $0x4  }
.LBB2_92:
0x16: {  	[sflag:s30] =	ssyncadd.s32 $0xFFFFFFC0  }
.LBB2_93:
0x17: {  	s31 =	sadd.s32 $0x1, s31;
	s0 =	rddreg [dreg:$0xa]  }
0x18: {  	p0 =	sne.s32 s31, s0  }
.Ltmp1:
0x19: {  	_ = 	snop;
	(pc) =	sbr.rel @!p0 .LBB2_94-.Ltmp1, $1  }
0x1a: {  	_ =	sdelay $0x3  }
.LBB2_1:
0x1b: {  	s0 =	rddreg [dreg:$0x6];
	s1 =	simm.s32 $0x400;
	s3 =	simm.s32 $0x7A1400  }
0x1c: {  	[tilespmem:s17], [sflag:$0x1] =	stream.strided.gather [hbm4b:s0+s1], $0x2000, s3, s1, $0x38;
	[tilespmem:$0x1E600] =	vst v63  }
0x1d: {  	s13 =	rddreg [dreg:$0x7]  }
0x1e: {  	[tilespmem:s18], [sflag:$0x2] =	stream.strided.gather [hbm4b:s13+s1], $0x2000, s3, s1, $0x38;
	[tilespmem:$0x1E600] =	vst v63  }
0x1f: {  	s14 =	rddreg [dreg:$0x8]  }
0x20: {  	[tilespmem:s19], [sflag:$0x3] =	stream.strided.gather [hbm4b:s14+s1], $0x2000, s3, s1, $0x38;
	[tilespmem:$0x1E600] =	vst v63  }
0x21: {  	s15 =	rddreg [dreg:$0x9]  }
0x22: {  	[tilespmem:s20], [sflag:$0x4] =	stream.strided.gather [hbm4b:s15+s1], $0x2000, s3, s1, $0x38;
	[tilespmem:$0x1E600] =	vst v63  }
0x23: {  	s16 =	rddreg [dreg:$0x0];
	s21 =	simm.s32 $0x7  }
0x24: {  	[tilespmem:s5], [sflag:$0x7] =	stream.linear.gather [hbm4b:s16+s5], $0x4000, $0x38;
	[tilespmem:$0x1E600] =	vst v63  }
0x25: {  	_ =	swait.ge [sflag:s21], $0x4000  }
0x26: {  	s0 =	simm.s32 $0x0;
	[sflag:s21] =	ssyncset.done $0x0  }
0x27: {  	s1 =	simm.s32 $0x4;
	s3 =	simm.s32 $0x0;
	[sflag:s21] =	ssyncadd.s32 $0xFFFFC000  }
.LBB2_2:
0x28: {  	p0 =	seq.s32 s1, $0x3D4  }
0x29: {  	[smem:s3] =	sst s0;
	s0 =	smov.u32 s1;
	s1 =	sadd.s32 $0x4, s1  }
.Ltmp2:
0x2a: {  	(pc) =	sbr.rel @!p0 .LBB2_2-.Ltmp2, $2  }
0x2b: {  	_ =	sdelay $0x2  }
0x2c: {  	s3 =	sshra.s32 s0, $0x2;
	s0 =	simm.s32 $0x0  }
0x2d: {  	v7 =	vld [tilespmem:s0+$0x0];
	_ =	sdelay $0x4  }
0x2e: {  	v8 =	vshrl.u32 v7, $0x7  }
0x2f: {  	vm0 =	vge.u32 v8, v1;
	vm1 =	vlt.u32 v8, v2  }
0x30: {  	vm0 =	vmand vm0, vm1  }
0x31: {  	v8 =	vsel vm0, $0x3F800000, v3  }
0x32: {  	(xrf0) =	vmax.scan.msk.f32 $0xffff, v8;
	_ =	sdelay $0x5  }
0x33: {  	v8, _, _ =	vpop (xrf0)  }
0x34: {  	(v2sf) =	vpush v8, $0xF;
	_ =	sdelay $0xe  }
0x35: {  	s1 =	spop (v2sf)  }
0x36: {  	p0 =	sgt.f32 s1, $0.0e+00;
	_ =	sdelay $0x1  }
0x37: {  	v8 =	vimm.s32 @p0 $0x0  }
0x38: {  	v8 =	vsel @p0 vm0, $0x1, v8  }
0x39: {  	(xrf0) =	vadd.scan.msk.s32 @p0 $0xffff, v8;
	_ =	sdelay $0x3  }
0x3a: {  	v8 =	vmov @p0 s0  }
0x3b: {  	v8 =	vadd.s32 @p0 $0xFFFFFFFF, v8  }
0x3c: {  	v8 =	vbroadcast @p0 v8, $0x0;
	v9, _, _ =	vpop @p0 (xrf0)  }
0x3d: {  	v10 =	vxor.u32 @p0 $0x80000000, v9  }
0x3e: {  	v8 =	vadd.s32 @p0 v9, v8;
	(xrf0) =	vmax.scan.msk.u32 @p0 $0xffff, v10;
	_ =	sdelay $0x3  }
0x3f: {  	s1 =	simm.s32 @p0 $0x4000;
	v9 =	vlaneseq.u32 @p0  }
0x40: {  	[smem:s3] =	sst s0;
	s3 =	simm.s32 @p0 $0x8080;
	v9 =	vor.u32 @p0 s0, v9;
	[tilespmem:v8+s1+$0x0] =	vst.idx.msk @p0 vm0, v7  }
0x41: {  	s1 =	simm.s32 $0x10;
	[tilespmem:v8+s3+$0x0] =	vst.idx.msk @p0 vm0, v9;
	v7, _, _ =	vpop @p0 (xrf0)  }
0x42: {  	(v2sf) =	vpush @p0 v7, $0xF;
	v7 =	vld [tilespmem:s1+$0x0];
	_ =	sdelay $0x4  }
0x43: {  	v8 =	vshrl.u32 v7, $0x7  }
0x44: {  	vm0 =	vge.u32 v8, v1;
	vm1 =	vlt.u32 v8, v2  }
0x45: {  	vm0 =	vmand vm0, vm1  }
0x46: {  	v8 =	vsel vm0, $0x3F800000, v3  }
0x47: {  	(xrf0) =	vmax.scan.msk.f32 $0xffff, v8;
	_ =	sdelay $0x5  }
0x48: {  	v8, _, _ =	vpop (xrf0)  }
0x49: {  	s3 =	spop @p0 (v2sf);
	(v2sf) =	vpush v8, $0xF  }
0x4a: {  	s6 =	sadd.s32 @p0 $0x0, s3  }
0x4b: {  	s3 =	simm.s32 $0x20;
	s10 =	sadd.s32 @p0 $0x80000000, s6;
	s6 =	simm.s32 $0x10  }
.LBB2_4:
0x4c: {  	s0 =	smov.u32 @p0 s10;
	s10 =	smov.u32 s3;
	s3 =	sadd.s32 $0x10, s3  }
0x4d: {  	p1 =	seq.s32 s3, $0x4000;
	_ =	sdelay $0xa  }
0x4e: {  	s11 =	spop (v2sf)  }
0x4f: {  	p0 =	sgt.f32 s11, $0.0e+00;
	_ =	sdelay $0x1  }
0x50: {  	v8 =	vimm.s32 @p0 $0x0;
	v9 =	vmov @p0 s0;
	v10 =	vlaneseq.u32 @p0  }
0x51: {  	v8 =	vsel @p0 vm0, $0x1, v8;
	v9 =	vadd.s32 @p0 $0xFFFFFFFF, v9;
	v10 =	vor.u32 @p0 s1, v10;
	s1 =	smov.u32 s10  }
0x52: {  	v9 =	vbroadcast @p0 v9, $0x0;
	(xrf0) =	vadd.scan.msk.s32 @p0 $0xffff, v8;
	_ =	sdelay $0x5  }
0x53: {  	v8, _, _ =	vpop @p0 (xrf0)  }
0x54: {  	v9 =	vadd.s32 @p0 v8, v9;
	v8 =	vxor.u32 @p0 $0x80000000, v8  }
0x55: {  	(xrf0) =	vmax.scan.msk.u32 @p0 $0xffff, v8;
	_ =	sdelay $0x2  }
0x56: {  	s10 =	simm.s32 @p0 $0x4000  }
0x57: {  	[tilespmem:v9+s10+$0x0] =	vst.idx.msk @p0 vm0, v7;
	s10 =	simm.s32 @p0 $0x8080  }
0x58: {  	s6 =	sadd.s32 $0x10, s6;
	[tilespmem:v9+s10+$0x0] =	vst.idx.msk @p0 vm0, v10  }
0x59: {  	v7 =	vld [tilespmem:s6+$0x0];
	v8, _, _ =	vpop @p0 (xrf0)  }
0x5a: {  	(v2sf) =	vpush @p0 v8, $0xF;
	_ =	sdelay $0x3  }
0x5b: {  	v8 =	vshrl.u32 v7, $0x7  }
0x5c: {  	vm0 =	vge.u32 v8, v1;
	vm1 =	vlt.u32 v8, v2  }
0x5d: {  	vm0 =	vmand vm0, vm1  }
0x5e: {  	v8 =	vsel vm0, $0x3F800000, v3  }
0x5f: {  	(xrf0) =	vmax.scan.msk.f32 $0xffff, v8;
	_ =	sdelay $0x4  }
.Ltmp3:
0x60: {  	(pc) =	sbr.rel @!p1 .LBB2_4-.Ltmp3, $4  }
0x61: {  	v8, _, _ =	vpop (xrf0)  }
0x62: {  	(v2sf) =	vpush v8, $0xF;
	s10 =	spop @p0 (v2sf)  }
0x63: {  	s10 =	sadd.s32 @p0 s10, s0  }
0x64: {  	s10 =	sadd.s32 @p0 $0x80000000, s10  }
0x65: {  	_ =	sdelay $0xb  }
0x66: {  	s3 =	spop (v2sf)  }
0x67: {  	p1 =	sgt.f32 s3, $0.0e+00;
	_ =	sdelay $0x1  }
0x68: {  	v8 =	vimm.s32 @p1 $0x0  }
0x69: {  	v8 =	vsel @p1 vm0, $0x1, v8  }
0x6a: {  	(xrf0) =	vadd.scan.msk.s32 @p1 $0xffff, v8;
	_ =	sdelay $0x5  }
0x6b: {  	v8, _, _ =	vpop @p1 (xrf0)  }
0x6c: {  	v9 =	vxor.u32 @p1 $0x80000000, v8  }
0x6d: {  	(xrf0) =	vmax.scan.msk.u32 @p1 $0xffff, v9;
	_ =	sdelay $0x5  }
0x6e: {  	v9, _, _ =	vpop @p1 (xrf0)  }
0x6f: {  	(v2sf) =	vpush @p1 v9, $0xF;
	_ =	sdelay $0x7  }
0x70: {  	s0 =	smov.u32 @p0 s10  }
0x71: {  	v9 =	vmov @p1 s0  }
0x72: {  	v9 =	vadd.s32 @p1 $0xFFFFFFFF, v9  }
0x73: {  	v9 =	vbroadcast @p1 v9, $0x0;
	_ =	sdelay $0x1  }
0x74: {  	v8 =	vadd.s32 @p1 v8, v9;
	_ =	sdelay $0x1  }
0x75: {  	s3 =	spop @p1 (v2sf)  }
0x76: {  	s3 =	sadd.s32 @p1 s3, s0  }
0x77: {  	s6 =	simm.s32 @p1 $0x4000;
	v9 =	vlaneseq.u32 @p1;
	s3 =	sadd.s32 @p1 $0x80000000, s3  }
0x78: {  	v9 =	vor.u32 @p1 s1, v9;
	s1 =	simm.s32 @p1 $0x8080;
	[tilespmem:v8+s6+$0x0] =	vst.idx.msk @p1 vm0, v7;
	s0 =	smov.u32 @p1 s3  }
0x79: {  	[tilespmem:v8+s1+$0x0] =	vst.idx.msk @p1 vm0, v9;
	p1 =	sgt.s32 s0, $0x0  }
.Ltmp4:
0x7a: {  	_ = 	snop;
	(pc) =	sbr.rel @!p1 .LBB2_23-.Ltmp4, $2  }
0x7b: {  	_ =	sdelay $0x2  }
0x7c: {  	s1 =	simm.s32 $0x0  }
0x7d: {  	s3 =	simm.s32 @!p1 $0x0  }
0x7e: {  	s3 =	simm.s32 @p1 $0x1;
	p1 =	seq.s32 s0, $0x1  }
.Ltmp5:
0x7f: {  	_ = 	snop;
	(pc) =	sbr.rel @p1 .LBB2_7-.Ltmp5, $4  }
0x80: {  	_ = 	snop  }
0x81: {  	s6 =	simm.s32 $0x1;
	s21 =	sand.u32 $0x7FFFFFF0, s1;
	p2 =	por $0x0, $0x0  }
0x82: {  	p3 =	por $0x0, $0x0;
	p4 =	por $0x0, $0x0;
	p5 =	por $0x0, $0x0  }
0x83: {  	p6 =	por $0x0, $0x0;
	p0 =	por $0x0, $0x0;
	v7 =	vld [tilespmem:s21+$0x4000];
	[smem:$0x7FC] =	sst s3  }
0x84: {  	_ = 	snop  }
0x85: {  	p1 =	seq.s32 s0, $0x2  }
.Ltmp6:
0x86: {  	_ = 	snop;
	(pc) =	sbr.rel @p1 .LBB2_9-.Ltmp6, $4  }
0x87: {  	v8 =	vmov s1  }
0x88: {  	v8 =	vperm.xlane v7, v8  }
0x89: {  	s3 =	sand.u32 $0x7FFFFFF0, s6  }
0x8a: {  	s10 =	simm.s32 $0x2;
	p2 =	por $0x1, $0x1;
	v7 =	vld [tilespmem:s3+$0x4000];
	v8 =	vshrl.u32 v8, $0x7  }
0x8b: {  	_ = 	snop  }
0x8c: {  	p1 =	seq.s32 s0, $0x3  }
.Ltmp7:
0x8d: {  	_ = 	snop;
	(pc) =	sbr.rel @p1 .LBB2_11-.Ltmp7, $4  }
0x8e: {  	v9 =	vmov s6  }
0x8f: {  	v9 =	vperm.xlane v7, v9  }
0x90: {  	s21 =	sand.u32 $0x7FFFFFF0, s10;
	v7 =	vor.u32 $0x80000000, v8  }
0x91: {  	s3 =	simm.s32 $0x3;
	p3 =	por $0x1, $0x1;
	(xrf0) =	vmax.scan.msk.u32 $0xffff, v7;
	v7 =	vld [tilespmem:s21+$0x4000];
	v8 =	vshrl.u32 v9, $0x7  }
0x92: {  	_ = 	snop  }
0x93: {  	p1 =	seq.s32 s0, $0x4  }
.Ltmp8:
0x94: {  	_ = 	snop;
	(pc) =	sbr.rel @p1 .LBB2_13-.Ltmp8, $4  }
0x95: {  	v9 =	vmov s10  }
0x96: {  	v9 =	vperm.xlane v7, v9  }
0x97: {  	s21 =	sand.u32 $0x7FFFFFF0, s3;
	v7 =	vor.u32 $0x80000000, v8;
	v8, _, _ =	vpop (xrf0)  }
0x98: {  	s6 =	simm.s32 $0x4;
	p4 =	por $0x1, $0x1;
	(xrf0) =	vmax.scan.msk.u32 $0xffff, v7;
	v7 =	vld [tilespmem:s21+$0x4000];
	(v2sf) =	vpush v8, $0xF;
	v8 =	vshrl.u32 v9, $0x7  }
0x99: {  	_ = 	snop  }
0x9a: {  	p1 =	seq.s32 s0, $0x5  }
.Ltmp9:
0x9b: {  	_ = 	snop;
	(pc) =	sbr.rel @p1 .LBB2_15-.Ltmp9, $4  }
0x9c: {  	v9 =	vmov s3  }
0x9d: {  	v9 =	vperm.xlane v7, v9  }
0x9e: {  	s21 =	sand.u32 $0x7FFFFFF0, s6;
	v7 =	vor.u32 $0x80000000, v8;
	v8, _, _ =	vpop (xrf0)  }
0x9f: {  	s11 =	simm.s32 $0x5;
	p5 =	por $0x1, $0x1;
	(xrf0) =	vmax.scan.msk.u32 $0xffff, v7;
	v7 =	vld [tilespmem:s21+$0x4000];
	(v2sf) =	vpush v8, $0xF;
	v8 =	vshrl.u32 v9, $0x7  }
0xa0: {  	_ =	sdelay $0x3  }
0xa1: {  	v9 =	vmov s6  }
0xa2: {  	v9 =	vperm.xlane v7, v9;
	v7 =	vor.u32 $0x80000000, v8;
	v8, _, _ =	vpop (xrf0)  }
0xa3: {  	(v2sf) =	vpush v8, $0xF;
	_ =	sdelay $0x2  }
0xa4: {  	p1 =	seq.s32 s0, $0x6  }
.Ltmp10:
0xa5: {  	_ = 	snop;
	(pc) =	sbr.rel @p1 .LBB2_17-.Ltmp10, $3  }
0xa6: {  	_ =	sdelay $0x1  }
0xa7: {  	s3 =	sand.u32 $0x7FFFFFF0, s11  }
0xa8: {  	s6 =	simm.s32 $0x6;
	p6 =	por $0x1, $0x1;
	(xrf0) =	vmax.scan.msk.u32 $0xffff, v7;
	v7 =	vld [tilespmem:s3+$0x4000];
	v8 =	vshrl.u32 v9, $0x7;
	s3 =	spop (v2sf)  }
0xa9: {  	_ =	sdelay $0x3  }
0xaa: {  	v9 =	vmov s11  }
0xab: {  	v9 =	vperm.xlane v7, v9;
	v7 =	vor.u32 $0x80000000, v8;
	v8, _, _ =	vpop (xrf0)  }
0xac: {  	(v2sf) =	vpush v8, $0xF;
	_ =	sdelay $0x2  }
0xad: {  	s10 =	sxor.u32 $0x80000000, s3;
	p1 =	seq.s32 s0, $0x7  }
.Ltmp11:
0xae: {  	s10 =	ssub.s32 s10, s7;
	(pc) =	sbr.rel @p1 .LBB2_19-.Ltmp11, $3  }
0xaf: {  	s12 =	sld [smem:s10+$0x0];
	(xrf0) =	vmax.scan.msk.u32 $0xffff, v7;
	_ =	sdelay $0x1  }
0xb0: {  	s13 =	simm.s32 $0x7;
	s21 =	sand.u32 $0x7FFFFFF0, s6  }
0xb1: {  	s11 =	spop (v2sf);
	p0 =	por $0x1, $0x1;
	v7 =	vld [tilespmem:s21+$0x4000];
	s12 =	sadd.s32 $0x1, s12;
	v8 =	vshrl.u32 v9, $0x7  }
.LBB2_20:
0xb2: {  	[smem:s10] =	sst s12;
	s12 =	smov.u32 s13;
	s13 =	sadd.s32 $0x1, s13  }
0xb3: {  	v9 =	vor.u32 $0x80000000, v8;
	s11 =	sxor.u32 $0x80000000, s11;
	p1 =	seq.s32 s0, s13  }
.Ltmp12:
0xb4: {  	(xrf0) =	vmax.scan.msk.u32 $0xffff, v9;
	v8, _, _ =	vpop (xrf0);
	s10 =	ssub.s32 s11, s7;
	(pc) =	sbr.rel @!p1 .LBB2_20-.Ltmp12, $4  }
0xb5: {  	v9 =	vmov s6;
	s6 =	smov.u32 s12;
	(v2sf) =	vpush v8, $0xF;
	s14 =	sld [smem:s10+$0x0]  }
0xb6: {  	s11 =	sand.u32 $0x7FFFFFF0, s6;
	v8 =	vperm.xlane v7, v9  }
0xb7: {  	v7 =	vld [tilespmem:s11+$0x4000]  }
0xb8: {  	v8 =	vshrl.u32 v8, $0x7;
	s11 =	spop (v2sf);
	s12 =	sadd.s32 $0x1, s14  }
0xb9: {  	_ = 	snop  }
.LBB2_22:
0xba: {  	v8 =	vor.u32 @p2 $0x80000000, v8;
	_ =	sdelay $0x2  }
0xbb: {  	s11 =	sxor.u32 @p6 $0x80000000, s11;
	(xrf0) =	vmax.scan.msk.u32 @p2 $0xffff, v8;
	v8, _, _ =	vpop @p3 (xrf0)  }
0xbc: {  	[smem:s10] =	sst @p0 s12;
	s10 =	ssub.s32 @p6 s11, s7;
	(v2sf) =	vpush @p3 v8, $0xF  }
0xbd: {  	v8 =	vmov s6;
	s6 =	sld @p6 [smem:s10+$0x0]  }
0xbe: {  	v7 =	vperm.xlane v7, v8  }
0xbf: {  	s11 =	spop @p5 (v2sf)  }
0xc0: {  	s3 =	smov.u32 @p5 s11;
	v7 =	vshrl.u32 v7, $0x7;
	s6 =	sadd.s32 @p6 $0x1, s6  }
0xc1: {  	s3 =	sxor.u32 @p5 $0x80000000, s3;
	s10 =	smov.u32 @p6 s10;
	v8, _, _ =	vpop @p2 (xrf0);
	s6 =	smov.u32 @p6 s6;
	v7 =	vor.u32 $0x80000000, v7  }
0xc2: {  	s3 =	ssub.s32 @p5 s3, s7;
	(v2sf) =	vpush @p2 v8, $0xF;
	[smem:s10] =	sst @p6 s6;
	(xrf0) =	vmax.scan.msk.u32 $0xffff, v7  }
0xc3: {  	s6 =	sld @p5 [smem:s3+$0x0];
	_ =	sdelay $0x1  }
0xc4: {  	s10 =	spop @p4 (v2sf)  }
0xc5: {  	s10 =	smov.u32 @p4 s10;
	s6 =	sadd.s32 @p5 $0x1, s6  }
0xc6: {  	s3 =	smov.u32 @p5 s3;
	s10 =	sxor.u32 @p4 $0x80000000, s10;
	s6 =	smov.u32 @p5 s6  }
0xc7: {  	[smem:s3] =	sst @p5 s6;
	v7, _, _ =	vpop (xrf0);
	s3 =	ssub.s32 @p4 s10, s7  }
0xc8: {  	(v2sf) =	vpush v7, $0xF;
	s6 =	sld @p4 [smem:s3+$0x0];
	_ =	sdelay $0x1  }
0xc9: {  	s10 =	spop @p3 (v2sf)  }
0xca: {  	s6 =	sadd.s32 @p4 $0x1, s6;
	s10 =	smov.u32 @p3 s10  }
0xcb: {  	s3 =	smov.u32 @p4 s3;
	s6 =	smov.u32 @p4 s6;
	s10 =	sxor.u32 @p3 $0x80000000, s10  }
0xcc: {  	[smem:s3] =	sst @p4 s6;
	s3 =	ssub.s32 @p3 s10, s7  }
0xcd: {  	s6 =	sld @p3 [smem:s3+$0x0];
	_ =	sdelay $0x1  }
0xce: {  	s10 =	spop @p2 (v2sf)  }
0xcf: {  	s10 =	smov.u32 @p2 s10;
	s6 =	sadd.s32 @p3 $0x1, s6  }
0xd0: {  	s3 =	smov.u32 @p3 s3;
	s10 =	sxor.u32 @p2 $0x80000000, s10;
	s6 =	smov.u32 @p3 s6  }
0xd1: {  	[smem:s3] =	sst @p3 s6;
	s3 =	ssub.s32 @p2 s10, s7  }
0xd2: {  	s6 =	sld @p2 [smem:s3+$0x0];
	_ =	sdelay $0x2  }
0xd3: {  	s16 =	sld [smem:$0x7FD];
	s14 =	spop (v2sf);
	s6 =	sadd.s32 @p2 $0x1, s6  }
0xd4: {  	s3 =	smov.u32 @p2 s3;
	s10 =	sxor.u32 $0x80000000, s14;
	s6 =	smov.u32 @p2 s6  }
0xd5: {  	s15 =	ssub.s32 s10, s7;
	[smem:s3] =	sst @p2 s6  }
0xd6: {  	s6 =	sld [smem:s15+$0x0]  }
0xd7: {  	s21 =	sld [smem:$0x7FC];
	_ =	sdelay $0x1  }
0xd8: {  	s6 =	sadd.s32 $0x1, s6  }
0xd9: {  	p1 =	seq.s32 s21, $0x1;
	p4 =	seq.s32 s16, $0x1;
	[smem:s15] =	sst s6  }
.LBB2_23:
0xda: {  	[smem:$0x180] =	sst s1  }
0xdb: {  	[smem:$0x300] =	sst s1  }
0xdc: {  	s3 =	simm.s32 $0x4;
	s6 =	sld [smem:$0x0]  }
.LBB2_24:
0xdd: {  	p0 =	seq.s32 s3, $0x3D4  }
.Ltmp13:
0xde: {  	_ = 	snop;
	(pc) =	sbr.rel @!p0 .LBB2_24-.Ltmp13, $4  }
0xdf: {  	s10 =	sshra.s32 s3, $0x2;
	s1 =	sadd.s32 s1, s6  }
0xe0: {  	[smem:s10+$0x180] =	sst s1  }
0xe1: {  	[smem:s10+$0x300] =	sst s1  }
0xe2: {  	s3 =	sadd.s32 $0x4, s3;
	s6 =	sld [smem:s10+$0x0]  }
.Ltmp14:
0xe3: {  	(pc) =	sbr.rel @!p1 .LBB2_26-.Ltmp14, $2  }
0xe4: {  	_ =	sdelay $0x2  }
0xe5: {  	s3 =	simm.s32 $0x0  }
0xe6: {  	p1 =	seq.s32 s0, $0x1  }
.Ltmp15:
0xe7: {  	_ = 	snop;
	(pc) =	sbr.rel @p1 .LBB2_36-.Ltmp15, $2  }
0xe8: {  	_ =	sdelay $0x2  }
0xe9: {  	s1 =	simm.s32 $0x1;
	p0 =	por $0x0, $0x0  }
0xea: {  	s6 =	sand.u32 $0x7FFFFFF0, s3  }
0xeb: {  	v7 =	vld [tilespmem:s6+$0x4000];
	_ =	sdelay $0x2  }
0xec: {  	s15 =	sand.u32 $0xF, s3  }
0xed: {  	v8 =	vmov s15  }
0xee: {  	v9 =	vperm.xlane v7, v8;
	_ =	sdelay $0x1  }
0xef: {  	v7 =	vshrl.u32 v9, $0x7  }
0xf0: {  	v7 =	vor.u32 $0x80000000, v7  }
0xf1: {  	(xrf0) =	vmax.scan.msk.u32 $0xffff, v7;
	_ =	sdelay $0x5  }
0xf2: {  	v7, _, _ =	vpop (xrf0)  }
0xf3: {  	(v2sf) =	vpush v7, $0xF;
	_ =	sdelay $0xe  }
0xf4: {  	s16 =	spop (v2sf)  }
0xf5: {  	s3 =	sxor.u32 $0x80000000, s16  }
0xf6: {  	s10 =	ssub.s32 s3, s7  }
0xf7: {  	s3 =	sld [smem:s10+$0x300];
	_ =	sdelay $0x1  }
0xf8: {  	v10 =	vld [tilespmem:s6+$0x8080]  }
0xf9: {  	p1 =	seq.s32 s0, $0x2;
	v7 =	vmov s3  }
.Ltmp16:
0xfa: {  	_ = 	snop;
	(pc) =	sbr.rel @p1 .LBB2_38-.Ltmp16, $3  }
0xfb: {  	_ =	sdelay $0x1  }
0xfc: {  	v8 =	vperm.xlane v10, v8;
	s21 =	sadd.s32 $0x1, s3  }
0xfd: {  	p0 =	por $0x1, $0x1;
	s3 =	simm.s32 $0x2;
	[smem:s10+$0x300] =	sst s21;
	[tilespmem:v7+s22+$0x0] =	vst.idx.msk $0x1, v9  }
.LBB2_39:
0xfe: {  	s6 =	sand.u32 $0x7FFFFFF0, s1;
	[tilespmem:v7+s23+$0x0] =	vst.idx.msk $0x1, v8;
	s10 =	smov.u32 s3;
	s3 =	sadd.s32 $0x1, s3  }
0xff: {  	p1 =	seq.s32 s0, s3;
	v7 =	vld [tilespmem:s6+$0x4000];
	_ =	sdelay $0x2  }
0x100: {  	s11 =	sand.u32 $0xF, s1;
	s1 =	smov.u32 s10  }
0x101: {  	v8 =	vmov s11  }
0x102: {  	v9 =	vperm.xlane v7, v8;
	_ =	sdelay $0x1  }
0x103: {  	v7 =	vshrl.u32 v9, $0x7  }
0x104: {  	v7 =	vor.u32 $0x80000000, v7  }
0x105: {  	(xrf0) =	vmax.scan.msk.u32 $0xffff, v7;
	_ =	sdelay $0x5  }
0x106: {  	v7, _, _ =	vpop (xrf0)  }
0x107: {  	(v2sf) =	vpush v7, $0xF;
	_ =	sdelay $0xe  }
0x108: {  	s10 =	spop (v2sf)  }
0x109: {  	s10 =	sxor.u32 $0x80000000, s10  }
0x10a: {  	s10 =	ssub.s32 s10, s7  }
0x10b: {  	s11 =	sld [smem:s10+$0x300];
	_ =	sdelay $0x1  }
0x10c: {  	v10 =	vld [tilespmem:s6+$0x8080]  }
0x10d: {  	s6 =	sadd.s32 $0x1, s11;
	v7 =	vmov s11  }
.Ltmp17:
0x10e: {  	[smem:s10+$0x300] =	sst s6;
	(pc) =	sbr.rel @!p1 .LBB2_39-.Ltmp17, $3  }
0x10f: {  	_ =	sdelay $0x1  }
0x110: {  	v8 =	vperm.xlane v10, v8  }
0x111: {  	[tilespmem:v7+s22+$0x0] =	vst.idx.msk $0x1, v9  }
0x112: {  	s3 =	smov.u32 s1  }
.LBB2_41:
0x113: {  	_ =	sdelay $0x3  }
0x114: {  	s0 =	sand.u32 $0x7FFFFFF0, s3;
	[tilespmem:v7+s23+$0x0] =	vst.idx.msk @p0 $0x1, v8  }
0x115: {  	v7 =	vld [tilespmem:s0+$0x4000];
	_ =	sdelay $0x2  }
0x116: {  	s1 =	sand.u32 $0xF, s3  }
0x117: {  	v8 =	vmov s1  }
0x118: {  	v7 =	vperm.xlane v7, v8;
	_ =	sdelay $0x1  }
0x119: {  	v9 =	vshrl.u32 v7, $0x7  }
0x11a: {  	v9 =	vor.u32 $0x80000000, v9  }
0x11b: {  	(xrf0) =	vmax.scan.msk.u32 $0xffff, v9;
	_ =	sdelay $0x5  }
0x11c: {  	v9, _, _ =	vpop (xrf0)  }
0x11d: {  	(v2sf) =	vpush v9, $0xF;
	_ =	sdelay $0xe  }
0x11e: {  	s15 =	spop (v2sf)  }
0x11f: {  	s1 =	sxor.u32 $0x80000000, s15  }
0x120: {  	s1 =	ssub.s32 s1, s7  }
0x121: {  	s16 =	sld [smem:s1+$0x300];
	_ =	sdelay $0x1  }
0x122: {  	v63 =	vld [tilespmem:s0+$0x8080]  }
0x123: {  	v10 =	vmov s16;
	_ =	sdelay $0x3  }
0x124: {  	v8 =	vperm.xlane v63, v8  }
0x125: {  	s21 =	sadd.s32 $0x1, s16;
	[tilespmem:v10+s22+$0x0] =	vst.idx.msk $0x1, v7  }
0x126: {  	[smem:s1+$0x300] =	sst s21;
	[tilespmem:v10+s23+$0x0] =	vst.idx.msk $0x1, v8  }
.LBB2_26:
0x127: {  	[smem:$0x480] =	sst s5  }
0x128: {  	[smem:$0x481] =	sst s9  }
0x129: {  	[smem:$0x482] =	sst s24  }
0x12a: {  	s1 =	simm.s32 $0x4;
	[smem:$0x483] =	sst s25  }
0x12b: {  	[smem:$0x484] =	sst s1  }
0x12c: {  	p1 =	seq.s32 s8, $0x5;
	s0 =	sld [smem:$0x4]  }
.Ltmp18:
0x12d: {  	_ = 	snop;
	(pc) =	sbr.rel @p1 .LBB2_28-.Ltmp18, $4  }
0x12e: {  	_ = 	snop  }
0x12f: {  	p0 =	sgt.s32 s0, $0x0;
	s0 =	simm.s32 $0x1  }
0x130: {  	s0 =	simm.s32 @!p0 $0x0  }
0x131: {  	s3 =	simm.s32 $0x5;
	s0 =	sadd.s32 $0x4, s0  }
.LBB2_27:
0x132: {  	[smem:s0+$0x480] =	sst s3;
	s3 =	sadd.s32 $0x1, s3;
	s1 =	sadd.s32 $0x1, s1  }
0x133: {  	s6 =	sld [smem:s1+$0x0];
	p0 =	seq.s32 s8, s3  }
.Ltmp19:
0x134: {  	(pc) =	sbr.rel @!p0 .LBB2_27-.Ltmp19, $4  }
0x135: {  	_ = 	snop  }
0x136: {  	p1 =	sgt.s32 s6, $0x0;
	s6 =	simm.s32 $0x1  }
0x137: {  	s6 =	simm.s32 @!p1 $0x0  }
0x138: {  	s0 =	sadd.s32 s6, s0  }
.LBB2_28:
0x139: {  	p0 =	sgt.s32 s0, $0x0  }
.Ltmp20:
0x13a: {  	_ = 	snop;
	(pc) =	sbr.rel @p0 .LBB2_29-.Ltmp20, $2  }
0x13b: {  	_ =	sdelay $0x2  }
0x13c: {  	s6 =	simm.s32 $0x0;
	s3 =	simm.s32 $0x0;
	s1 =	simm.s32 $0x0  }
.LBB2_81:
0x13d: {  	s0 =	simm.s32 @!p4 $0x0;
	s1 =	simm.s32 @!p4 $0x14200;
	s3 =	rddreg [dreg:$0x5]  }
0x13e: {  	[tilespmem:s1], [sflag:$0x7] =	stream.linear.gather @!p4 [hbm4b:s3+s0], $0x2000, $0x38;
	[tilespmem:$0x1E600] =	vst v63  }
0x13f: {  	s0 =	simm.s32 @!p4 $0x7  }
0x140: {  	_ =	swait.ge @!p4 [sflag:s0], $0x2000  }
0x141: {  	[sflag:s0] =	ssyncset.done @!p4 $0x0  }
0x142: {  	[sflag:s0] =	ssyncadd.s32 @!p4 $0xFFFFE000  }
0x143: {  	s0 =	sld @!p4 [smem:s8+$0x180]  }
0x144: {  	s1 =	sld @!p4 [smem:s8+$0x0];
	_ =	sdelay $0x2  }
0x145: {  	s3 =	sadd.s32 @!p4 s0, s1  }
0x146: {  	p0 =	sge.s32 @!p4 s0, s3  }
0x147: {  	p0 =	por p4, p0  }
.Ltmp21:
0x148: {  	_ = 	snop;
	(pc) =	sbr.rel @p0 .LBB2_82-.Ltmp21, $1  }
0x149: {  	_ =	sdelay $0x3  }
0x14a: {  	s3 =	sadd.s32 $0xFFFFFFFF, s1  }
0x14b: {  	p1 =	sne.s32 s3, $0x0  }
.Ltmp22:
0x14c: {  	_ = 	snop;
	(pc) =	sbr.rel @!p1 .LBB2_84-.Ltmp22, $4  }
0x14d: {  	_ = 	snop  }
0x14e: {  	s1 =	sand.u32 $0xF, s6;
	p0 =	slt.s32 s6, $0x10  }
0x14f: {  	p2 =	sne.s32 @!p0 s1, $0x0  }
0x150: {  	p2 =	por p2, p0;
	p0 =	por $0x0, $0x0  }
0x151: {  	s10 =	simm.s32 @!p2 $0x6  }
0x152: {  	_ =	swait.ge @!p2 [sflag:s10], $0x400  }
0x153: {  	[sflag:s10] =	ssyncset.done @!p2 $0x0  }
0x154: {  	s14 =	sand.u32 $0xFFFFFFF0, s0;
	[sflag:s10] =	ssyncadd.s32 @!p2 $0xFFFFFC00  }
0x155: {  	v7 =	vld [tilespmem:s14+$0x10180]  }
0x156: {  	v8 =	vld [tilespmem:s14+$0xC100];
	_ =	sdelay $0x1  }
0x157: {  	s15 =	sand.u32 $0xF, s0  }
0x158: {  	v9 =	vmov s15  }
0x159: {  	v7 =	vperm.xlane v7, v9  }
0x15a: {  	v8 =	vperm.xlane v8, v9  }
0x15b: {  	v7 =	vxor.u32 $0x80000000, v7  }
0x15c: {  	(xrf0) =	vmax.scan.msk.u32 $0xffff, v7;
	v7 =	vand.u32 $0x7F, v8  }
0x15d: {  	v8 =	vor.u32 v0, v7;
	_ =	sdelay $0x4  }
0x15e: {  	v8 =	vld.idx.msk [tilespmem:v8+s17+$0x0], $0xffff  }
0x15f: {  	v62 =	vor.u32 v4, v7;
	_ =	sdelay $0x1  }
0x160: {  	v61, _, _ =	vpop (xrf0)  }
0x161: {  	s1 =	sshll.u32 s1, $0x6;
	(v2sf) =	vpush v61, $0xF  }
0x162: {  	[tilespmem:s1+$0x1E200] =	vst v8  }
0x163: {  	v8 =	vld.idx.msk [tilespmem:v62+s17+$0x0], $0xffff  }
0x164: {  	v63 =	vor.u32 v5, v7;
	_ =	sdelay $0x2  }
0x165: {  	s11 =	sadd.s32 $0x1E200, s1  }
0x166: {  	[tilespmem:s11+$0x10] =	vst v8  }
0x167: {  	v8 =	vld.idx.msk [tilespmem:v63+s17+$0x0], $0xffff  }
0x168: {  	v7 =	vor.u32 v6, v7;
	_ =	sdelay $0x2  }
0x169: {  	s3 =	sadd.s32 $0xFFFFFFFF, s3  }
0x16a: {  	p1 =	sne.s32 s3, $0x0;
	[tilespmem:s11+$0x20] =	vst v8  }
.Ltmp23:
0x16b: {  	s6 =	sadd.s32 $0x1, s6;
	v7 =	vld.idx.msk [tilespmem:v7+s17+$0x0], $0xffff;
	(pc) =	sbr.rel @!p1 .LBB2_86-.Ltmp23, $4  }
0x16c: {  	p0 =	slt.s32 s6, $0x10;
	s1 =	sand.u32 $0xF, s6;
	s16 =	spop (v2sf)  }
0x16d: {  	p2 =	sne.s32 @!p0 s1, $0x0;
	s21 =	sshll.u32 s16, $0x3  }
0x16e: {  	p2 =	por p2, p0;
	s10 =	sand.u32 $0x1FFFFFF8, s21  }
0x16f: {  	p0 =	por $0x1, $0x1;
	s12 =	sadd.s32 s4, s10;
	s10 =	smov.u32 s0  }
.LBB2_87:
0x170: {  	s3 =	sadd.s32 $0xFFFFFFFF, s3;
	s13 =	simm.s32 @!p2 $0x6;
	[tilespmem:s11+$0x30] =	vst v7;
	s10 =	sadd.s32 $0x1, s10  }
0x171: {  	[hbm4b:s12+s5] =	stream.linear.scatter [tilespmem:s11], [sflag:$0x6], $0x40, $0x38;
	[tilespmem:$0x1E600] =	vst v63  }
0x172: {  	p1 =	sne.s32 s3, $0x0;
	_ =	swait.ge @!p2 [sflag:s13], $0x400  }
0x173: {  	[sflag:s13] =	ssyncset.done @!p2 $0x0  }
0x174: {  	s11 =	sand.u32 $0xFFFFFFF0, s10;
	[sflag:s13] =	ssyncadd.s32 @!p2 $0xFFFFFC00  }
0x175: {  	v7 =	vld [tilespmem:s11+$0xC100]  }
0x176: {  	v8 =	vld [tilespmem:s11+$0x10180];
	_ =	sdelay $0x1  }
0x177: {  	s11 =	sand.u32 $0xF, s10  }
0x178: {  	v9 =	vmov s11  }
0x179: {  	v7 =	vperm.xlane v7, v9  }
0x17a: {  	v8 =	vperm.xlane v8, v9  }
0x17b: {  	v7 =	vand.u32 $0x7F, v7  }
0x17c: {  	v9 =	vor.u32 v0, v7;
	v8 =	vxor.u32 $0x80000000, v8  }
0x17d: {  	(xrf0) =	vmax.scan.msk.u32 $0xffff, v8;
	_ =	sdelay $0x3  }
0x17e: {  	v8 =	vld.idx.msk [tilespmem:v9+s17+$0x0], $0xffff;
	_ =	sdelay $0x1  }
0x17f: {  	v9 =	vor.u32 v4, v7;
	v10, _, _ =	vpop (xrf0)  }
0x180: {  	(v2sf) =	vpush v10, $0xF;
	_ =	sdelay $0x1  }
0x181: {  	s1 =	sshll.u32 s1, $0x6  }
0x182: {  	[tilespmem:s1+$0x1E200] =	vst v8  }
0x183: {  	v8 =	vld.idx.msk [tilespmem:v9+s17+$0x0], $0xffff;
	_ =	sdelay $0x1  }
0x184: {  	v9 =	vor.u32 v5, v7;
	_ =	sdelay $0x2  }
0x185: {  	s11 =	sadd.s32 $0x1E200, s1  }
0x186: {  	[tilespmem:s11+$0x10] =	vst v8  }
0x187: {  	v8 =	vld.idx.msk [tilespmem:v9+s17+$0x0], $0xffff;
	_ =	sdelay $0x1  }
0x188: {  	v7 =	vor.u32 v6, v7;
	_ =	sdelay $0x1  }
0x189: {  	s1 =	spop (v2sf)  }
0x18a: {  	s1 =	sshll.u32 s1, $0x3  }
0x18b: {  	[tilespmem:s11+$0x20] =	vst v8;
	s1 =	sand.u32 $0x1FFFFFF8, s1  }
0x18c: {  	v7 =	vld.idx.msk [tilespmem:v7+s17+$0x0], $0xffff;
	s12 =	sadd.s32 s4, s1  }
.Ltmp24:
0x18d: {  	(pc) =	sbr.rel @p1 .LBB2_87-.Ltmp24, $4  }
0x18e: {  	s6 =	sadd.s32 $0x1, s6  }
0x18f: {  	p2 =	slt.s32 s6, $0x10;
	s1 =	sand.u32 $0xF, s6  }
0x190: {  	p3 =	sne.s32 @!p2 s1, $0x0  }
0x191: {  	p2 =	por p3, p2  }
.LBB2_88:
0x192: {  	s3 =	simm.s32 @!p2 $0x6;
	[tilespmem:s11+$0x30] =	vst @p0 v7  }
0x193: {  	[hbm4b:s12+s5] =	stream.linear.scatter @p0 [tilespmem:s11], [sflag:$0x6], $0x40, $0x38;
	[tilespmem:$0x1E600] =	vst v63  }
0x194: {  	s10 =	sadd.s32 @p0 $0x1, s10;
	_ =	swait.ge @!p2 [sflag:s3], $0x400  }
0x195: {  	s0 =	smov.u32 @p0 s10;
	[sflag:s3] =	ssyncset.done @!p2 $0x0  }
0x196: {  	s15 =	sand.u32 $0xFFFFFFF0, s0;
	[sflag:s3] =	ssyncadd.s32 @!p2 $0xFFFFFC00  }
0x197: {  	v7 =	vld [tilespmem:s15+$0xC100];
	_ =	sdelay $0x2  }
0x198: {  	s0 =	sand.u32 $0xF, s0;
	v8 =	vld [tilespmem:s15+$0x10180]  }
0x199: {  	v9 =	vmov s0  }
0x19a: {  	v7 =	vperm.xlane v7, v9;
	_ =	sdelay $0x1  }
0x19b: {  	v7 =	vand.u32 $0x7F, v7  }
0x19c: {  	v8 =	vperm.xlane v8, v9;
	v61 =	vor.u32 v0, v7;
	_ =	sdelay $0x1  }
0x19d: {  	v8 =	vxor.u32 $0x80000000, v8  }
0x19e: {  	(xrf0) =	vmax.scan.msk.u32 $0xffff, v8;
	_ =	sdelay $0x1  }
0x19f: {  	v8 =	vld.idx.msk [tilespmem:v61+s17+$0x0], $0xffff  }
0x1a0: {  	v62 =	vor.u32 v4, v7;
	_ =	sdelay $0x2  }
0x1a1: {  	s16 =	sshll.u32 s1, $0x6;
	v10, _, _ =	vpop (xrf0)  }
0x1a2: {  	(v2sf) =	vpush v10, $0xF;
	[tilespmem:s16+$0x1E200] =	vst v8  }
0x1a3: {  	v8 =	vld.idx.msk [tilespmem:v62+s17+$0x0], $0xffff  }
0x1a4: {  	v63 =	vor.u32 v5, v7;
	_ =	sdelay $0x2  }
0x1a5: {  	s0 =	sadd.s32 $0x1E200, s16  }
0x1a6: {  	[tilespmem:s0+$0x10] =	vst v8  }
0x1a7: {  	v8 =	vld.idx.msk [tilespmem:v63+s17+$0x0], $0xffff  }
0x1a8: {  	v7 =	vor.u32 v6, v7;
	_ =	sdelay $0x3  }
0x1a9: {  	[tilespmem:s0+$0x20] =	vst v8  }
0x1aa: {  	v7 =	vld.idx.msk [tilespmem:v7+s17+$0x0], $0xffff;
	_ =	sdelay $0x1  }
.Ltmp25:
0x1ab: {  	s21 =	spop (v2sf);
	(pc) =	sbr.rel .LBB2_89-.Ltmp25, $4  }
0x1ac: {  	s1 =	sshll.u32 s21, $0x3  }
0x1ad: {  	s1 =	sand.u32 $0x1FFFFFF8, s1  }
0x1ae: {  	s6 =	sadd.s32 $0x1, s6;
	s1 =	sadd.s32 s4, s1;
	[tilespmem:s0+$0x30] =	vst v7  }
0x1af: {  	[hbm4b:s1+s5] =	stream.linear.scatter [tilespmem:s0], [sflag:$0x6], $0x40, $0x38;
	[tilespmem:$0x1E600] =	vst v63  }
.LBB2_73:
0x1b0: {  	s11 =	smov.u32 s6  }
.LBB2_80:
0x1b1: {  	s1 =	sadd.s32 $0x1, s1  }
0x1b2: {  	p1 =	sne.s32 s1, s0  }
.Ltmp26:
0x1b3: {  	_ = 	snop;
	(pc) =	sbr.rel @!p1 .LBB2_81-.Ltmp26, $3  }
0x1b4: {  	_ =	sdelay $0x1  }
0x1b5: {  	p0 =	seq.s32 s3, $0x4;
	s3 =	sadd.s32 $0x1, s3  }
0x1b6: {  	s6 =	smov.u32 s11;
	s3 =	simm.s32 @p0 $0x0  }
.LBB2_29:
0x1b7: {  	p1 =	slt.s32 s3, $0x1  }
.Ltmp27:
0x1b8: {  	_ = 	snop;
	(pc) =	sbr.rel @p1 .LBB2_72-.Ltmp27, $3  }
0x1b9: {  	_ =	sdelay $0x1  }
0x1ba: {  	s10 =	sadd.s32 $0x4, s1  }
0x1bb: {  	p0 =	sge.s32 s10, s0  }
0x1bc: {  	p1 =	seq.s32 s3, $0x1  }
.Ltmp28:
0x1bd: {  	_ = 	snop;
	(pc) =	sbr.rel @p1 .LBB2_64-.Ltmp28, $1  }
0x1be: {  	_ =	sdelay $0x3  }
0x1bf: {  	p1 =	seq.s32 s3, $0x2  }
.Ltmp29:
0x1c0: {  	_ = 	snop;
	(pc) =	sbr.rel @p1 .LBB2_56-.Ltmp29, $1  }
0x1c1: {  	_ =	sdelay $0x3  }
0x1c2: {  	p1 =	seq.s32 s3, $0x3  }
.Ltmp30:
0x1c3: {  	_ = 	snop;
	(pc) =	sbr.rel @!p1 .LBB2_33-.Ltmp30, $1  }
0x1c4: {  	_ =	sdelay $0x3  }
0x1c5: {  	_ =	swait.ge [sflag:s26], $0x2000  }
0x1c6: {  	[sflag:s26] =	ssyncset.done $0x0  }
0x1c7: {  	[sflag:s26] =	ssyncadd.s32 $0xFFFFE000  }
0x1c8: {  	s10 =	sld @!p0 [smem:s10+$0x480];
	_ =	sdelay $0x1  }
0x1c9: {  	s11 =	sld [smem:s1+$0x480]  }
0x1ca: {  	s10 =	sadd.s32 @!p0 s7, s10  }
0x1cb: {  	p1 =	sgt.s32 @!p0 s10, $0x0  }
0x1cc: {  	s12 =	sld [smem:s11+$0x180];
	p1 =	por !p1, p0  }
0x1cd: {  	s11 =	sld [smem:s11+$0x0];
	s10 =	simm.s32 @p1 $0x0  }
0x1ce: {  	s10 =	smin.u32 @!p0 s10, $0x1E83  }
0x1cf: {  	s13 =	simm.s32 @!p0 $0x400;
	s14 =	simm.s32 @!p0 $0x7A1400;
	s10 =	sshll.u32 @!p0 s10, $0x7  }
0x1d0: {  	s15 =	simm.s32 @!p0 $0x18200;
	s21 =	sadd.s32 s12, s11;
	s10 =	sadd.s32 @!p0 s2, s10  }
0x1d1: {  	[tilespmem:s15], [sflag:$0x3] =	stream.strided.gather @!p0 [hbm4b:s10+s13], $0x2000, s14, s13, $0x38;
	[tilespmem:$0x1E600] =	vst v63  }
0x1d2: {  	p0 =	sge.s32 s12, s21  }
.Ltmp31:
0x1d3: {  	_ = 	snop;
	(pc) =	sbr.rel @p0 .LBB2_49-.Ltmp31, $1  }
0x1d4: {  	_ =	sdelay $0x3  }
0x1d5: {  	s10 =	sadd.s32 $0xFFFFFFFF, s11  }
0x1d6: {  	p1 =	seq.s32 s10, $0x0  }
.Ltmp32:
0x1d7: {  	_ = 	snop;
	(pc) =	sbr.rel @p1 .LBB2_51-.Ltmp32, $4  }
0x1d8: {  	_ = 	snop  }
0x1d9: {  	s13 =	sand.u32 $0xF, s6;
	p0 =	slt.s32 s6, $0x10  }
0x1da: {  	p2 =	sne.s32 @!p0 s13, $0x0  }
0x1db: {  	s11 =	sadd.s32 s11, s6;
	p2 =	por p2, p0;
	p0 =	por $0x0, $0x0  }
0x1dc: {  	s14 =	simm.s32 @!p2 $0x6  }
0x1dd: {  	_ =	swait.ge @!p2 [sflag:s14], $0x400  }
0x1de: {  	[sflag:s14] =	ssyncset.done @!p2 $0x0  }
0x1df: {  	s21 =	sand.u32 $0xFFFFFFF0, s12;
	[sflag:s14] =	ssyncadd.s32 @!p2 $0xFFFFFC00  }
0x1e0: {  	v7 =	vld [tilespmem:s21+$0x10180]  }
0x1e1: {  	v8 =	vld [tilespmem:s21+$0xC100];
	_ =	sdelay $0x1  }
0x1e2: {  	s15 =	sand.u32 $0xF, s12  }
0x1e3: {  	v9 =	vmov s15  }
0x1e4: {  	v7 =	vperm.xlane v7, v9  }
0x1e5: {  	v8 =	vperm.xlane v8, v9  }
0x1e6: {  	v7 =	vxor.u32 $0x80000000, v7  }
0x1e7: {  	(xrf0) =	vmax.scan.msk.u32 $0xffff, v7;
	v7 =	vand.u32 $0x7F, v8  }
0x1e8: {  	v8 =	vor.u32 v0, v7;
	_ =	sdelay $0x4  }
0x1e9: {  	v8 =	vld.idx.msk [tilespmem:v8+s20+$0x0], $0xffff  }
0x1ea: {  	v62 =	vor.u32 v4, v7;
	_ =	sdelay $0x1  }
0x1eb: {  	v61, _, _ =	vpop (xrf0)  }
0x1ec: {  	s13 =	sshll.u32 s13, $0x6;
	(v2sf) =	vpush v61, $0xF  }
0x1ed: {  	[tilespmem:s13+$0x1E200] =	vst v8  }
0x1ee: {  	v8 =	vld.idx.msk [tilespmem:v62+s20+$0x0], $0xffff  }
0x1ef: {  	v63 =	vor.u32 v5, v7;
	_ =	sdelay $0x2  }
0x1f0: {  	s21 =	sadd.s32 $0x1E200, s13  }
0x1f1: {  	[tilespmem:s21+$0x10] =	vst v8  }
0x1f2: {  	v8 =	vld.idx.msk [tilespmem:v63+s20+$0x0], $0xffff  }
0x1f3: {  	v7 =	vor.u32 v6, v7;
	_ =	sdelay $0x2  }
0x1f4: {  	s14 =	sadd.s32 $0xFFFFFFFF, s10  }
0x1f5: {  	p1 =	seq.s32 s14, $0x0;
	[tilespmem:s21+$0x20] =	vst v8  }
.Ltmp33:
0x1f6: {  	s6 =	sadd.s32 $0x1, s6;
	v7 =	vld.idx.msk [tilespmem:v7+s20+$0x0], $0xffff;
	(pc) =	sbr.rel @p1 .LBB2_53-.Ltmp33, $4  }
0x1f7: {  	p0 =	slt.s32 s6, $0x10;
	s13 =	sand.u32 $0xF, s6;
	s16 =	spop (v2sf)  }
0x1f8: {  	p2 =	sne.s32 @!p0 s13, $0x0;
	s10 =	sshll.u32 s16, $0x3  }
0x1f9: {  	p2 =	por p2, p0;
	s10 =	sand.u32 $0x1FFFFFF8, s10  }
0x1fa: {  	p0 =	por $0x1, $0x1;
	s15 =	sadd.s32 s4, s10;
	s10 =	smov.u32 s12  }
.LBB2_54:
0x1fb: {  	s14 =	sadd.s32 $0xFFFFFFFF, s14;
	s16 =	simm.s32 @!p2 $0x6;
	[tilespmem:s21+$0x30] =	vst v7;
	s10 =	sadd.s32 $0x1, s10  }
0x1fc: {  	[hbm4b:s15+s5] =	stream.linear.scatter [tilespmem:s21], [sflag:$0x6], $0x40, $0x38;
	[tilespmem:$0x1E600] =	vst v63  }
0x1fd: {  	p1 =	seq.s32 s14, $0x0;
	_ =	swait.ge @!p2 [sflag:s16], $0x400  }
0x1fe: {  	[sflag:s16] =	ssyncset.done @!p2 $0x0  }
0x1ff: {  	s15 =	sand.u32 $0xFFFFFFF0, s10;
	[sflag:s16] =	ssyncadd.s32 @!p2 $0xFFFFFC00  }
0x200: {  	v7 =	vld [tilespmem:s15+$0xC100]  }
0x201: {  	v8 =	vld [tilespmem:s15+$0x10180];
	_ =	sdelay $0x1  }
0x202: {  	s15 =	sand.u32 $0xF, s10  }
0x203: {  	v9 =	vmov s15  }
0x204: {  	v7 =	vperm.xlane v7, v9  }
0x205: {  	v8 =	vperm.xlane v8, v9  }
0x206: {  	v7 =	vand.u32 $0x7F, v7  }
0x207: {  	v9 =	vor.u32 v0, v7;
	v8 =	vxor.u32 $0x80000000, v8  }
0x208: {  	(xrf0) =	vmax.scan.msk.u32 $0xffff, v8;
	_ =	sdelay $0x3  }
0x209: {  	v8 =	vld.idx.msk [tilespmem:v9+s20+$0x0], $0xffff;
	_ =	sdelay $0x1  }
0x20a: {  	v9 =	vor.u32 v4, v7;
	v10, _, _ =	vpop (xrf0)  }
0x20b: {  	(v2sf) =	vpush v10, $0xF;
	_ =	sdelay $0x1  }
0x20c: {  	s13 =	sshll.u32 s13, $0x6  }
0x20d: {  	[tilespmem:s13+$0x1E200] =	vst v8  }
0x20e: {  	v8 =	vld.idx.msk [tilespmem:v9+s20+$0x0], $0xffff;
	_ =	sdelay $0x1  }
0x20f: {  	v9 =	vor.u32 v5, v7;
	_ =	sdelay $0x2  }
0x210: {  	s21 =	sadd.s32 $0x1E200, s13  }
0x211: {  	[tilespmem:s21+$0x10] =	vst v8  }
0x212: {  	v8 =	vld.idx.msk [tilespmem:v9+s20+$0x0], $0xffff;
	_ =	sdelay $0x1  }
0x213: {  	v7 =	vor.u32 v6, v7;
	_ =	sdelay $0x1  }
0x214: {  	s13 =	spop (v2sf)  }
0x215: {  	s13 =	sshll.u32 s13, $0x3  }
0x216: {  	[tilespmem:s21+$0x20] =	vst v8;
	s13 =	sand.u32 $0x1FFFFFF8, s13  }
0x217: {  	v7 =	vld.idx.msk [tilespmem:v7+s20+$0x0], $0xffff;
	s15 =	sadd.s32 s4, s13  }
.Ltmp34:
0x218: {  	(pc) =	sbr.rel @!p1 .LBB2_54-.Ltmp34, $4  }
0x219: {  	s6 =	sadd.s32 $0x1, s6  }
0x21a: {  	p2 =	slt.s32 s6, $0x10;
	s13 =	sand.u32 $0xF, s6  }
0x21b: {  	p3 =	sne.s32 @!p2 s13, $0x0  }
0x21c: {  	p2 =	por p3, p2  }
.LBB2_55:
0x21d: {  	s6 =	simm.s32 @!p2 $0x6;
	[tilespmem:s21+$0x30] =	vst @p0 v7  }
0x21e: {  	[hbm4b:s15+s5] =	stream.linear.scatter @p0 [tilespmem:s21], [sflag:$0x6], $0x40, $0x38;
	[tilespmem:$0x1E600] =	vst v63  }
0x21f: {  	s10 =	sadd.s32 @p0 $0x1, s10;
	_ =	swait.ge @!p2 [sflag:s6], $0x400  }
0x220: {  	s12 =	smov.u32 @p0 s10;
	[sflag:s6] =	ssyncset.done @!p2 $0x0  }
0x221: {  	s14 =	sand.u32 $0xFFFFFFF0, s12;
	[sflag:s6] =	ssyncadd.s32 @!p2 $0xFFFFFC00  }
0x222: {  	v7 =	vld [tilespmem:s14+$0xC100];
	_ =	sdelay $0x2  }
0x223: {  	s15 =	sand.u32 $0xF, s12;
	v8 =	vld [tilespmem:s14+$0x10180]  }
0x224: {  	v9 =	vmov s15  }
0x225: {  	v7 =	vperm.xlane v7, v9;
	_ =	sdelay $0x1  }
0x226: {  	v7 =	vand.u32 $0x7F, v7  }
0x227: {  	v8 =	vperm.xlane v8, v9;
	v61 =	vor.u32 v0, v7;
	_ =	sdelay $0x1  }
0x228: {  	v8 =	vxor.u32 $0x80000000, v8  }
0x229: {  	(xrf0) =	vmax.scan.msk.u32 $0xffff, v8;
	_ =	sdelay $0x1  }
0x22a: {  	v8 =	vld.idx.msk [tilespmem:v61+s20+$0x0], $0xffff  }
0x22b: {  	v62 =	vor.u32 v4, v7;
	_ =	sdelay $0x2  }
0x22c: {  	s16 =	sshll.u32 s13, $0x6;
	v10, _, _ =	vpop (xrf0)  }
0x22d: {  	(v2sf) =	vpush v10, $0xF;
	[tilespmem:s16+$0x1E200] =	vst v8  }
0x22e: {  	v8 =	vld.idx.msk [tilespmem:v62+s20+$0x0], $0xffff  }
0x22f: {  	v63 =	vor.u32 v5, v7;
	_ =	sdelay $0x2  }
0x230: {  	s6 =	sadd.s32 $0x1E200, s16  }
0x231: {  	[tilespmem:s6+$0x10] =	vst v8  }
0x232: {  	v8 =	vld.idx.msk [tilespmem:v63+s20+$0x0], $0xffff  }
0x233: {  	v7 =	vor.u32 v6, v7;
	_ =	sdelay $0x3  }
0x234: {  	[tilespmem:s6+$0x20] =	vst v8  }
0x235: {  	v7 =	vld.idx.msk [tilespmem:v7+s20+$0x0], $0xffff;
	_ =	sdelay $0x1  }
.Ltmp35:
0x236: {  	s21 =	spop (v2sf);
	(pc) =	sbr.rel .LBB2_80-.Ltmp35, $4  }
0x237: {  	s10 =	sshll.u32 s21, $0x3  }
0x238: {  	s10 =	sand.u32 $0x1FFFFFF8, s10  }
0x239: {  	s10 =	sadd.s32 s4, s10;
	[tilespmem:s6+$0x30] =	vst v7  }
0x23a: {  	[hbm4b:s10+s5] =	stream.linear.scatter [tilespmem:s6], [sflag:$0x6], $0x40, $0x38;
	[tilespmem:$0x1E600] =	vst v63  }
.LBB2_72:
0x23b: {  	_ =	swait.ge [sflag:s9], $0x2000  }
0x23c: {  	[sflag:s9] =	ssyncset.done $0x0  }
0x23d: {  	[sflag:s9] =	ssyncadd.s32 $0xFFFFE000  }
0x23e: {  	s10 =	sld @!p0 [smem:s10+$0x480];
	_ =	sdelay $0x1  }
0x23f: {  	s11 =	sld [smem:s1+$0x480]  }
0x240: {  	s10 =	sadd.s32 @!p0 s7, s10  }
0x241: {  	p1 =	sgt.s32 @!p0 s10, $0x0  }
0x242: {  	s12 =	sld [smem:s11+$0x180];
	p1 =	por !p1, p0  }
0x243: {  	s11 =	sld [smem:s11+$0x0];
	s10 =	simm.s32 @p1 $0x0  }
0x244: {  	s10 =	smin.u32 @!p0 s10, $0x1E83  }
0x245: {  	s13 =	simm.s32 @!p0 $0x400;
	s14 =	simm.s32 @!p0 $0x7A1400;
	s10 =	sshll.u32 @!p0 s10, $0x7  }
0x246: {  	s15 =	simm.s32 @!p0 $0x1C200;
	s21 =	sadd.s32 s12, s11;
	s10 =	sadd.s32 @!p0 s2, s10  }
0x247: {  	[tilespmem:s15], [sflag:$0x5] =	stream.strided.gather @!p0 [hbm4b:s10+s13], $0x2000, s14, s13, $0x38;
	[tilespmem:$0x1E600] =	vst v63  }
0x248: {  	p0 =	sge.s32 s12, s21  }
.Ltmp36:
0x249: {  	_ = 	snop;
	(pc) =	sbr.rel @p0 .LBB2_73-.Ltmp36, $1  }
0x24a: {  	_ =	sdelay $0x3  }
0x24b: {  	s10 =	sadd.s32 $0xFFFFFFFF, s11  }
0x24c: {  	p1 =	sne.s32 s10, $0x0  }
.Ltmp37:
0x24d: {  	_ = 	snop;
	(pc) =	sbr.rel @!p1 .LBB2_75-.Ltmp37, $4  }
0x24e: {  	_ = 	snop  }
0x24f: {  	s13 =	sand.u32 $0xF, s6;
	p0 =	slt.s32 s6, $0x10  }
0x250: {  	p2 =	sne.s32 @!p0 s13, $0x0  }
0x251: {  	s11 =	sadd.s32 s11, s6;
	p2 =	por p2, p0;
	p0 =	por $0x0, $0x0  }
0x252: {  	s14 =	simm.s32 @!p2 $0x6  }
0x253: {  	_ =	swait.ge @!p2 [sflag:s14], $0x400  }
0x254: {  	[sflag:s14] =	ssyncset.done @!p2 $0x0  }
0x255: {  	s21 =	sand.u32 $0xFFFFFFF0, s12;
	[sflag:s14] =	ssyncadd.s32 @!p2 $0xFFFFFC00  }
0x256: {  	v7 =	vld [tilespmem:s21+$0x10180]  }
0x257: {  	v8 =	vld [tilespmem:s21+$0xC100];
	_ =	sdelay $0x1  }
0x258: {  	s15 =	sand.u32 $0xF, s12  }
0x259: {  	v9 =	vmov s15  }
0x25a: {  	v7 =	vperm.xlane v7, v9  }
0x25b: {  	v8 =	vperm.xlane v8, v9  }
0x25c: {  	v7 =	vxor.u32 $0x80000000, v7  }
0x25d: {  	(xrf0) =	vmax.scan.msk.u32 $0xffff, v7;
	v7 =	vand.u32 $0x7F, v8  }
0x25e: {  	v8 =	vor.u32 v0, v7;
	_ =	sdelay $0x4  }
0x25f: {  	v8 =	vld.idx.msk [tilespmem:v8+s17+$0x0], $0xffff  }
0x260: {  	v62 =	vor.u32 v4, v7;
	_ =	sdelay $0x1  }
0x261: {  	v61, _, _ =	vpop (xrf0)  }
0x262: {  	s13 =	sshll.u32 s13, $0x6;
	(v2sf) =	vpush v61, $0xF  }
0x263: {  	[tilespmem:s13+$0x1E200] =	vst v8  }
0x264: {  	v8 =	vld.idx.msk [tilespmem:v62+s17+$0x0], $0xffff  }
0x265: {  	v63 =	vor.u32 v5, v7;
	_ =	sdelay $0x2  }
0x266: {  	s21 =	sadd.s32 $0x1E200, s13  }
0x267: {  	[tilespmem:s21+$0x10] =	vst v8  }
0x268: {  	v8 =	vld.idx.msk [tilespmem:v63+s17+$0x0], $0xffff  }
0x269: {  	v7 =	vor.u32 v6, v7;
	_ =	sdelay $0x2  }
0x26a: {  	s14 =	sadd.s32 $0xFFFFFFFF, s10  }
0x26b: {  	p1 =	sne.s32 s14, $0x0;
	[tilespmem:s21+$0x20] =	vst v8  }
.Ltmp38:
0x26c: {  	s6 =	sadd.s32 $0x1, s6;
	v7 =	vld.idx.msk [tilespmem:v7+s17+$0x0], $0xffff;
	(pc) =	sbr.rel @!p1 .LBB2_77-.Ltmp38, $4  }
0x26d: {  	p0 =	slt.s32 s6, $0x10;
	s13 =	sand.u32 $0xF, s6;
	s16 =	spop (v2sf)  }
0x26e: {  	p2 =	sne.s32 @!p0 s13, $0x0;
	s10 =	sshll.u32 s16, $0x3  }
0x26f: {  	p2 =	por p2, p0;
	s10 =	sand.u32 $0x1FFFFFF8, s10  }
0x270: {  	p0 =	por $0x1, $0x1;
	s15 =	sadd.s32 s4, s10;
	s10 =	smov.u32 s12  }
.LBB2_78:
0x271: {  	s14 =	sadd.s32 $0xFFFFFFFF, s14;
	s16 =	simm.s32 @!p2 $0x6;
	[tilespmem:s21+$0x30] =	vst v7;
	s10 =	sadd.s32 $0x1, s10  }
0x272: {  	[hbm4b:s15+s5] =	stream.linear.scatter [tilespmem:s21], [sflag:$0x6], $0x40, $0x38;
	[tilespmem:$0x1E600] =	vst v63  }
0x273: {  	p1 =	sne.s32 s14, $0x0;
	_ =	swait.ge @!p2 [sflag:s16], $0x400  }
0x274: {  	[sflag:s16] =	ssyncset.done @!p2 $0x0  }
0x275: {  	s15 =	sand.u32 $0xFFFFFFF0, s10;
	[sflag:s16] =	ssyncadd.s32 @!p2 $0xFFFFFC00  }
0x276: {  	v7 =	vld [tilespmem:s15+$0xC100]  }
0x277: {  	v8 =	vld [tilespmem:s15+$0x10180];
	_ =	sdelay $0x1  }
0x278: {  	s15 =	sand.u32 $0xF, s10  }
0x279: {  	v9 =	vmov s15  }
0x27a: {  	v7 =	vperm.xlane v7, v9  }
0x27b: {  	v8 =	vperm.xlane v8, v9  }
0x27c: {  	v7 =	vand.u32 $0x7F, v7  }
0x27d: {  	v9 =	vor.u32 v0, v7;
	v8 =	vxor.u32 $0x80000000, v8  }
0x27e: {  	(xrf0) =	vmax.scan.msk.u32 $0xffff, v8;
	_ =	sdelay $0x3  }
0x27f: {  	v8 =	vld.idx.msk [tilespmem:v9+s17+$0x0], $0xffff;
	_ =	sdelay $0x1  }
0x280: {  	v9 =	vor.u32 v4, v7;
	v10, _, _ =	vpop (xrf0)  }
0x281: {  	(v2sf) =	vpush v10, $0xF;
	_ =	sdelay $0x1  }
0x282: {  	s13 =	sshll.u32 s13, $0x6  }
0x283: {  	[tilespmem:s13+$0x1E200] =	vst v8  }
0x284: {  	v8 =	vld.idx.msk [tilespmem:v9+s17+$0x0], $0xffff;
	_ =	sdelay $0x1  }
0x285: {  	v9 =	vor.u32 v5, v7;
	_ =	sdelay $0x2  }
0x286: {  	s21 =	sadd.s32 $0x1E200, s13  }
0x287: {  	[tilespmem:s21+$0x10] =	vst v8  }
0x288: {  	v8 =	vld.idx.msk [tilespmem:v9+s17+$0x0], $0xffff;
	_ =	sdelay $0x1  }
0x289: {  	v7 =	vor.u32 v6, v7;
	_ =	sdelay $0x1  }
0x28a: {  	s13 =	spop (v2sf)  }
0x28b: {  	s13 =	sshll.u32 s13, $0x3  }
0x28c: {  	[tilespmem:s21+$0x20] =	vst v8;
	s13 =	sand.u32 $0x1FFFFFF8, s13  }
0x28d: {  	v7 =	vld.idx.msk [tilespmem:v7+s17+$0x0], $0xffff;
	s15 =	sadd.s32 s4, s13  }
.Ltmp39:
0x28e: {  	(pc) =	sbr.rel @p1 .LBB2_78-.Ltmp39, $4  }
0x28f: {  	s6 =	sadd.s32 $0x1, s6  }
0x290: {  	p2 =	slt.s32 s6, $0x10;
	s13 =	sand.u32 $0xF, s6  }
0x291: {  	p3 =	sne.s32 @!p2 s13, $0x0  }
0x292: {  	p2 =	por p3, p2  }
.LBB2_79:
0x293: {  	s6 =	simm.s32 @!p2 $0x6;
	[tilespmem:s21+$0x30] =	vst @p0 v7  }
0x294: {  	[hbm4b:s15+s5] =	stream.linear.scatter @p0 [tilespmem:s21], [sflag:$0x6], $0x40, $0x38;
	[tilespmem:$0x1E600] =	vst v63  }
0x295: {  	s10 =	sadd.s32 @p0 $0x1, s10;
	_ =	swait.ge @!p2 [sflag:s6], $0x400  }
0x296: {  	s12 =	smov.u32 @p0 s10;
	[sflag:s6] =	ssyncset.done @!p2 $0x0  }
0x297: {  	s14 =	sand.u32 $0xFFFFFFF0, s12;
	[sflag:s6] =	ssyncadd.s32 @!p2 $0xFFFFFC00  }
0x298: {  	v7 =	vld [tilespmem:s14+$0xC100];
	_ =	sdelay $0x2  }
0x299: {  	s15 =	sand.u32 $0xF, s12;
	v8 =	vld [tilespmem:s14+$0x10180]  }
0x29a: {  	v9 =	vmov s15  }
0x29b: {  	v7 =	vperm.xlane v7, v9;
	_ =	sdelay $0x1  }
0x29c: {  	v7 =	vand.u32 $0x7F, v7  }
0x29d: {  	v8 =	vperm.xlane v8, v9;
	v61 =	vor.u32 v0, v7;
	_ =	sdelay $0x1  }
0x29e: {  	v8 =	vxor.u32 $0x80000000, v8  }
0x29f: {  	(xrf0) =	vmax.scan.msk.u32 $0xffff, v8;
	_ =	sdelay $0x1  }
0x2a0: {  	v8 =	vld.idx.msk [tilespmem:v61+s17+$0x0], $0xffff  }
0x2a1: {  	v62 =	vor.u32 v4, v7;
	_ =	sdelay $0x2  }
0x2a2: {  	s16 =	sshll.u32 s13, $0x6;
	v10, _, _ =	vpop (xrf0)  }
0x2a3: {  	(v2sf) =	vpush v10, $0xF;
	[tilespmem:s16+$0x1E200] =	vst v8  }
0x2a4: {  	v8 =	vld.idx.msk [tilespmem:v62+s17+$0x0], $0xffff  }
0x2a5: {  	v63 =	vor.u32 v5, v7;
	_ =	sdelay $0x2  }
0x2a6: {  	s6 =	sadd.s32 $0x1E200, s16  }
0x2a7: {  	[tilespmem:s6+$0x10] =	vst v8  }
0x2a8: {  	v8 =	vld.idx.msk [tilespmem:v63+s17+$0x0], $0xffff  }
0x2a9: {  	v7 =	vor.u32 v6, v7;
	_ =	sdelay $0x3  }
0x2aa: {  	[tilespmem:s6+$0x20] =	vst v8  }
0x2ab: {  	v7 =	vld.idx.msk [tilespmem:v7+s17+$0x0], $0xffff;
	_ =	sdelay $0x1  }
.Ltmp40:
0x2ac: {  	s21 =	spop (v2sf);
	(pc) =	sbr.rel .LBB2_80-.Ltmp40, $4  }
0x2ad: {  	s10 =	sshll.u32 s21, $0x3  }
0x2ae: {  	s10 =	sand.u32 $0x1FFFFFF8, s10  }
0x2af: {  	s10 =	sadd.s32 s4, s10;
	[tilespmem:s6+$0x30] =	vst v7  }
0x2b0: {  	[hbm4b:s10+s5] =	stream.linear.scatter [tilespmem:s6], [sflag:$0x6], $0x40, $0x38;
	[tilespmem:$0x1E600] =	vst v63  }
.LBB2_56:
0x2b1: {  	_ =	swait.ge [sflag:s25], $0x2000  }
0x2b2: {  	[sflag:s25] =	ssyncset.done $0x0  }
0x2b3: {  	[sflag:s25] =	ssyncadd.s32 $0xFFFFE000  }
0x2b4: {  	s10 =	sld @!p0 [smem:s10+$0x480];
	_ =	sdelay $0x1  }
0x2b5: {  	s11 =	sld [smem:s1+$0x480]  }
0x2b6: {  	s10 =	sadd.s32 @!p0 s7, s10  }
0x2b7: {  	p1 =	sgt.s32 @!p0 s10, $0x0  }
0x2b8: {  	s12 =	sld [smem:s11+$0x180];
	p1 =	por !p1, p0  }
0x2b9: {  	s11 =	sld [smem:s11+$0x0];
	s10 =	simm.s32 @p1 $0x0  }
0x2ba: {  	s10 =	smin.u32 @!p0 s10, $0x1E83  }
0x2bb: {  	s13 =	simm.s32 @!p0 $0x400;
	s14 =	simm.s32 @!p0 $0x7A1400;
	s10 =	sshll.u32 @!p0 s10, $0x7  }
0x2bc: {  	s15 =	simm.s32 @!p0 $0x16200;
	s21 =	sadd.s32 s12, s11;
	s10 =	sadd.s32 @!p0 s2, s10  }
0x2bd: {  	[tilespmem:s15], [sflag:$0x2] =	stream.strided.gather @!p0 [hbm4b:s10+s13], $0x2000, s14, s13, $0x38;
	[tilespmem:$0x1E600] =	vst v63  }
0x2be: {  	p0 =	sge.s32 s12, s21  }
.Ltmp41:
0x2bf: {  	_ = 	snop;
	(pc) =	sbr.rel @p0 .LBB2_57-.Ltmp41, $1  }
0x2c0: {  	_ =	sdelay $0x3  }
0x2c1: {  	s10 =	sadd.s32 $0xFFFFFFFF, s11  }
0x2c2: {  	p1 =	seq.s32 s10, $0x0  }
.Ltmp42:
0x2c3: {  	_ = 	snop;
	(pc) =	sbr.rel @p1 .LBB2_59-.Ltmp42, $4  }
0x2c4: {  	_ = 	snop  }
0x2c5: {  	s13 =	sand.u32 $0xF, s6;
	p0 =	slt.s32 s6, $0x10  }
0x2c6: {  	p2 =	sne.s32 @!p0 s13, $0x0  }
0x2c7: {  	s11 =	sadd.s32 s11, s6;
	p2 =	por p2, p0;
	p0 =	por $0x0, $0x0  }
0x2c8: {  	s14 =	simm.s32 @!p2 $0x6  }
0x2c9: {  	_ =	swait.ge @!p2 [sflag:s14], $0x400  }
0x2ca: {  	[sflag:s14] =	ssyncset.done @!p2 $0x0  }
0x2cb: {  	s21 =	sand.u32 $0xFFFFFFF0, s12;
	[sflag:s14] =	ssyncadd.s32 @!p2 $0xFFFFFC00  }
0x2cc: {  	v7 =	vld [tilespmem:s21+$0x10180]  }
0x2cd: {  	v8 =	vld [tilespmem:s21+$0xC100];
	_ =	sdelay $0x1  }
0x2ce: {  	s15 =	sand.u32 $0xF, s12  }
0x2cf: {  	v9 =	vmov s15  }
0x2d0: {  	v7 =	vperm.xlane v7, v9  }
0x2d1: {  	v8 =	vperm.xlane v8, v9  }
0x2d2: {  	v7 =	vxor.u32 $0x80000000, v7  }
0x2d3: {  	(xrf0) =	vmax.scan.msk.u32 $0xffff, v7;
	v7 =	vand.u32 $0x7F, v8  }
0x2d4: {  	v8 =	vor.u32 v0, v7;
	_ =	sdelay $0x4  }
0x2d5: {  	v8 =	vld.idx.msk [tilespmem:v8+s19+$0x0], $0xffff  }
0x2d6: {  	v62 =	vor.u32 v4, v7;
	_ =	sdelay $0x1  }
0x2d7: {  	v61, _, _ =	vpop (xrf0)  }
0x2d8: {  	s13 =	sshll.u32 s13, $0x6;
	(v2sf) =	vpush v61, $0xF  }
0x2d9: {  	[tilespmem:s13+$0x1E200] =	vst v8  }
0x2da: {  	v8 =	vld.idx.msk [tilespmem:v62+s19+$0x0], $0xffff  }
0x2db: {  	v63 =	vor.u32 v5, v7;
	_ =	sdelay $0x2  }
0x2dc: {  	s21 =	sadd.s32 $0x1E200, s13  }
0x2dd: {  	[tilespmem:s21+$0x10] =	vst v8  }
0x2de: {  	v8 =	vld.idx.msk [tilespmem:v63+s19+$0x0], $0xffff  }
0x2df: {  	v7 =	vor.u32 v6, v7;
	_ =	sdelay $0x2  }
0x2e0: {  	s14 =	sadd.s32 $0xFFFFFFFF, s10  }
0x2e1: {  	p1 =	seq.s32 s14, $0x0;
	[tilespmem:s21+$0x20] =	vst v8  }
.Ltmp43:
0x2e2: {  	s6 =	sadd.s32 $0x1, s6;
	v7 =	vld.idx.msk [tilespmem:v7+s19+$0x0], $0xffff;
	(pc) =	sbr.rel @p1 .LBB2_61-.Ltmp43, $4  }
0x2e3: {  	p0 =	slt.s32 s6, $0x10;
	s13 =	sand.u32 $0xF, s6;
	s16 =	spop (v2sf)  }
0x2e4: {  	p2 =	sne.s32 @!p0 s13, $0x0;
	s10 =	sshll.u32 s16, $0x3  }
0x2e5: {  	p2 =	por p2, p0;
	s10 =	sand.u32 $0x1FFFFFF8, s10  }
0x2e6: {  	p0 =	por $0x1, $0x1;
	s15 =	sadd.s32 s4, s10;
	s10 =	smov.u32 s12  }
.LBB2_62:
0x2e7: {  	s14 =	sadd.s32 $0xFFFFFFFF, s14;
	s16 =	simm.s32 @!p2 $0x6;
	[tilespmem:s21+$0x30] =	vst v7;
	s10 =	sadd.s32 $0x1, s10  }
0x2e8: {  	[hbm4b:s15+s5] =	stream.linear.scatter [tilespmem:s21], [sflag:$0x6], $0x40, $0x38;
	[tilespmem:$0x1E600] =	vst v63  }
0x2e9: {  	p1 =	seq.s32 s14, $0x0;
	_ =	swait.ge @!p2 [sflag:s16], $0x400  }
0x2ea: {  	[sflag:s16] =	ssyncset.done @!p2 $0x0  }
0x2eb: {  	s15 =	sand.u32 $0xFFFFFFF0, s10;
	[sflag:s16] =	ssyncadd.s32 @!p2 $0xFFFFFC00  }
0x2ec: {  	v7 =	vld [tilespmem:s15+$0xC100]  }
0x2ed: {  	v8 =	vld [tilespmem:s15+$0x10180];
	_ =	sdelay $0x1  }
0x2ee: {  	s15 =	sand.u32 $0xF, s10  }
0x2ef: {  	v9 =	vmov s15  }
0x2f0: {  	v7 =	vperm.xlane v7, v9  }
0x2f1: {  	v8 =	vperm.xlane v8, v9  }
0x2f2: {  	v7 =	vand.u32 $0x7F, v7  }
0x2f3: {  	v9 =	vor.u32 v0, v7;
	v8 =	vxor.u32 $0x80000000, v8  }
0x2f4: {  	(xrf0) =	vmax.scan.msk.u32 $0xffff, v8;
	_ =	sdelay $0x3  }
0x2f5: {  	v8 =	vld.idx.msk [tilespmem:v9+s19+$0x0], $0xffff;
	_ =	sdelay $0x1  }
0x2f6: {  	v9 =	vor.u32 v4, v7;
	v10, _, _ =	vpop (xrf0)  }
0x2f7: {  	(v2sf) =	vpush v10, $0xF;
	_ =	sdelay $0x1  }
0x2f8: {  	s13 =	sshll.u32 s13, $0x6  }
0x2f9: {  	[tilespmem:s13+$0x1E200] =	vst v8  }
0x2fa: {  	v8 =	vld.idx.msk [tilespmem:v9+s19+$0x0], $0xffff;
	_ =	sdelay $0x1  }
0x2fb: {  	v9 =	vor.u32 v5, v7;
	_ =	sdelay $0x2  }
0x2fc: {  	s21 =	sadd.s32 $0x1E200, s13  }
0x2fd: {  	[tilespmem:s21+$0x10] =	vst v8  }
0x2fe: {  	v8 =	vld.idx.msk [tilespmem:v9+s19+$0x0], $0xffff;
	_ =	sdelay $0x1  }
0x2ff: {  	v7 =	vor.u32 v6, v7;
	_ =	sdelay $0x1  }
0x300: {  	s13 =	spop (v2sf)  }
0x301: {  	s13 =	sshll.u32 s13, $0x3  }
0x302: {  	[tilespmem:s21+$0x20] =	vst v8;
	s13 =	sand.u32 $0x1FFFFFF8, s13  }
0x303: {  	v7 =	vld.idx.msk [tilespmem:v7+s19+$0x0], $0xffff;
	s15 =	sadd.s32 s4, s13  }
.Ltmp44:
0x304: {  	(pc) =	sbr.rel @!p1 .LBB2_62-.Ltmp44, $4  }
0x305: {  	s6 =	sadd.s32 $0x1, s6  }
0x306: {  	p2 =	slt.s32 s6, $0x10;
	s13 =	sand.u32 $0xF, s6  }
0x307: {  	p3 =	sne.s32 @!p2 s13, $0x0  }
0x308: {  	p2 =	por p3, p2  }
.LBB2_63:
0x309: {  	s6 =	simm.s32 @!p2 $0x6;
	[tilespmem:s21+$0x30] =	vst @p0 v7  }
0x30a: {  	[hbm4b:s15+s5] =	stream.linear.scatter @p0 [tilespmem:s21], [sflag:$0x6], $0x40, $0x38;
	[tilespmem:$0x1E600] =	vst v63  }
0x30b: {  	s10 =	sadd.s32 @p0 $0x1, s10;
	_ =	swait.ge @!p2 [sflag:s6], $0x400  }
0x30c: {  	s12 =	smov.u32 @p0 s10;
	[sflag:s6] =	ssyncset.done @!p2 $0x0  }
0x30d: {  	s14 =	sand.u32 $0xFFFFFFF0, s12;
	[sflag:s6] =	ssyncadd.s32 @!p2 $0xFFFFFC00  }
0x30e: {  	v7 =	vld [tilespmem:s14+$0xC100];
	_ =	sdelay $0x2  }
0x30f: {  	s15 =	sand.u32 $0xF, s12;
	v8 =	vld [tilespmem:s14+$0x10180]  }
0x310: {  	v9 =	vmov s15  }
0x311: {  	v7 =	vperm.xlane v7, v9;
	_ =	sdelay $0x1  }
0x312: {  	v7 =	vand.u32 $0x7F, v7  }
0x313: {  	v8 =	vperm.xlane v8, v9;
	v61 =	vor.u32 v0, v7;
	_ =	sdelay $0x1  }
0x314: {  	v8 =	vxor.u32 $0x80000000, v8  }
0x315: {  	(xrf0) =	vmax.scan.msk.u32 $0xffff, v8;
	_ =	sdelay $0x1  }
0x316: {  	v8 =	vld.idx.msk [tilespmem:v61+s19+$0x0], $0xffff  }
0x317: {  	v62 =	vor.u32 v4, v7;
	_ =	sdelay $0x2  }
0x318: {  	s16 =	sshll.u32 s13, $0x6;
	v10, _, _ =	vpop (xrf0)  }
0x319: {  	(v2sf) =	vpush v10, $0xF;
	[tilespmem:s16+$0x1E200] =	vst v8  }
0x31a: {  	v8 =	vld.idx.msk [tilespmem:v62+s19+$0x0], $0xffff  }
0x31b: {  	v63 =	vor.u32 v5, v7;
	_ =	sdelay $0x2  }
0x31c: {  	s6 =	sadd.s32 $0x1E200, s16  }
0x31d: {  	[tilespmem:s6+$0x10] =	vst v8  }
0x31e: {  	v8 =	vld.idx.msk [tilespmem:v63+s19+$0x0], $0xffff  }
0x31f: {  	v7 =	vor.u32 v6, v7;
	_ =	sdelay $0x3  }
0x320: {  	[tilespmem:s6+$0x20] =	vst v8  }
0x321: {  	v7 =	vld.idx.msk [tilespmem:v7+s19+$0x0], $0xffff;
	_ =	sdelay $0x1  }
.Ltmp45:
0x322: {  	s21 =	spop (v2sf);
	(pc) =	sbr.rel .LBB2_80-.Ltmp45, $4  }
0x323: {  	s10 =	sshll.u32 s21, $0x3  }
0x324: {  	s10 =	sand.u32 $0x1FFFFFF8, s10  }
0x325: {  	s10 =	sadd.s32 s4, s10;
	[tilespmem:s6+$0x30] =	vst v7  }
0x326: {  	[hbm4b:s10+s5] =	stream.linear.scatter [tilespmem:s6], [sflag:$0x6], $0x40, $0x38;
	[tilespmem:$0x1E600] =	vst v63  }
.LBB2_64:
0x327: {  	_ =	swait.ge [sflag:s24], $0x2000  }
0x328: {  	[sflag:s24] =	ssyncset.done $0x0  }
0x329: {  	[sflag:s24] =	ssyncadd.s32 $0xFFFFE000  }
0x32a: {  	s10 =	sld @!p0 [smem:s10+$0x480];
	_ =	sdelay $0x1  }
0x32b: {  	s11 =	sld [smem:s1+$0x480]  }
0x32c: {  	s10 =	sadd.s32 @!p0 s7, s10  }
0x32d: {  	p1 =	sgt.s32 @!p0 s10, $0x0  }
0x32e: {  	s12 =	sld [smem:s11+$0x180];
	p1 =	por !p1, p0  }
0x32f: {  	s11 =	sld [smem:s11+$0x0];
	s10 =	simm.s32 @p1 $0x0  }
0x330: {  	s10 =	smin.u32 @!p0 s10, $0x1E83  }
0x331: {  	s13 =	simm.s32 @!p0 $0x400;
	s14 =	simm.s32 @!p0 $0x7A1400;
	s10 =	sshll.u32 @!p0 s10, $0x7  }
0x332: {  	s15 =	simm.s32 @!p0 $0x14200;
	s21 =	sadd.s32 s12, s11;
	s10 =	sadd.s32 @!p0 s2, s10  }
0x333: {  	[tilespmem:s15], [sflag:$0x1] =	stream.strided.gather @!p0 [hbm4b:s10+s13], $0x2000, s14, s13, $0x38;
	[tilespmem:$0x1E600] =	vst v63  }
0x334: {  	p0 =	sge.s32 s12, s21  }
.Ltmp46:
0x335: {  	_ = 	snop;
	(pc) =	sbr.rel @p0 .LBB2_65-.Ltmp46, $1  }
0x336: {  	_ =	sdelay $0x3  }
0x337: {  	s10 =	sadd.s32 $0xFFFFFFFF, s11  }
0x338: {  	p1 =	seq.s32 s10, $0x0  }
.Ltmp47:
0x339: {  	_ = 	snop;
	(pc) =	sbr.rel @p1 .LBB2_67-.Ltmp47, $4  }
0x33a: {  	_ = 	snop  }
0x33b: {  	s13 =	sand.u32 $0xF, s6;
	p0 =	slt.s32 s6, $0x10  }
0x33c: {  	p2 =	sne.s32 @!p0 s13, $0x0  }
0x33d: {  	s11 =	sadd.s32 s11, s6;
	p2 =	por p2, p0;
	p0 =	por $0x0, $0x0  }
0x33e: {  	s14 =	simm.s32 @!p2 $0x6  }
0x33f: {  	_ =	swait.ge @!p2 [sflag:s14], $0x400  }
0x340: {  	[sflag:s14] =	ssyncset.done @!p2 $0x0  }
0x341: {  	s21 =	sand.u32 $0xFFFFFFF0, s12;
	[sflag:s14] =	ssyncadd.s32 @!p2 $0xFFFFFC00  }
0x342: {  	v7 =	vld [tilespmem:s21+$0x10180]  }
0x343: {  	v8 =	vld [tilespmem:s21+$0xC100];
	_ =	sdelay $0x1  }
0x344: {  	s15 =	sand.u32 $0xF, s12  }
0x345: {  	v9 =	vmov s15  }
0x346: {  	v7 =	vperm.xlane v7, v9  }
0x347: {  	v8 =	vperm.xlane v8, v9  }
0x348: {  	v7 =	vxor.u32 $0x80000000, v7  }
0x349: {  	(xrf0) =	vmax.scan.msk.u32 $0xffff, v7;
	v7 =	vand.u32 $0x7F, v8  }
0x34a: {  	v8 =	vor.u32 v0, v7;
	_ =	sdelay $0x4  }
0x34b: {  	v8 =	vld.idx.msk [tilespmem:v8+s18+$0x0], $0xffff  }
0x34c: {  	v62 =	vor.u32 v4, v7;
	_ =	sdelay $0x1  }
0x34d: {  	v61, _, _ =	vpop (xrf0)  }
0x34e: {  	s13 =	sshll.u32 s13, $0x6;
	(v2sf) =	vpush v61, $0xF  }
0x34f: {  	[tilespmem:s13+$0x1E200] =	vst v8  }
0x350: {  	v8 =	vld.idx.msk [tilespmem:v62+s18+$0x0], $0xffff  }
0x351: {  	v63 =	vor.u32 v5, v7;
	_ =	sdelay $0x2  }
0x352: {  	s21 =	sadd.s32 $0x1E200, s13  }
0x353: {  	[tilespmem:s21+$0x10] =	vst v8  }
0x354: {  	v8 =	vld.idx.msk [tilespmem:v63+s18+$0x0], $0xffff  }
0x355: {  	v7 =	vor.u32 v6, v7;
	_ =	sdelay $0x2  }
0x356: {  	s14 =	sadd.s32 $0xFFFFFFFF, s10  }
0x357: {  	p1 =	seq.s32 s14, $0x0;
	[tilespmem:s21+$0x20] =	vst v8  }
.Ltmp48:
0x358: {  	s6 =	sadd.s32 $0x1, s6;
	v7 =	vld.idx.msk [tilespmem:v7+s18+$0x0], $0xffff;
	(pc) =	sbr.rel @p1 .LBB2_69-.Ltmp48, $4  }
0x359: {  	p0 =	slt.s32 s6, $0x10;
	s13 =	sand.u32 $0xF, s6;
	s16 =	spop (v2sf)  }
0x35a: {  	p2 =	sne.s32 @!p0 s13, $0x0;
	s10 =	sshll.u32 s16, $0x3  }
0x35b: {  	p2 =	por p2, p0;
	s10 =	sand.u32 $0x1FFFFFF8, s10  }
0x35c: {  	p0 =	por $0x1, $0x1;
	s15 =	sadd.s32 s4, s10;
	s10 =	smov.u32 s12  }
.LBB2_70:
0x35d: {  	s14 =	sadd.s32 $0xFFFFFFFF, s14;
	s16 =	simm.s32 @!p2 $0x6;
	[tilespmem:s21+$0x30] =	vst v7;
	s10 =	sadd.s32 $0x1, s10  }
0x35e: {  	[hbm4b:s15+s5] =	stream.linear.scatter [tilespmem:s21], [sflag:$0x6], $0x40, $0x38;
	[tilespmem:$0x1E600] =	vst v63  }
0x35f: {  	p1 =	seq.s32 s14, $0x0;
	_ =	swait.ge @!p2 [sflag:s16], $0x400  }
0x360: {  	[sflag:s16] =	ssyncset.done @!p2 $0x0  }
0x361: {  	s15 =	sand.u32 $0xFFFFFFF0, s10;
	[sflag:s16] =	ssyncadd.s32 @!p2 $0xFFFFFC00  }
0x362: {  	v7 =	vld [tilespmem:s15+$0xC100]  }
0x363: {  	v8 =	vld [tilespmem:s15+$0x10180];
	_ =	sdelay $0x1  }
0x364: {  	s15 =	sand.u32 $0xF, s10  }
0x365: {  	v9 =	vmov s15  }
0x366: {  	v7 =	vperm.xlane v7, v9  }
0x367: {  	v8 =	vperm.xlane v8, v9  }
0x368: {  	v7 =	vand.u32 $0x7F, v7  }
0x369: {  	v9 =	vor.u32 v0, v7;
	v8 =	vxor.u32 $0x80000000, v8  }
0x36a: {  	(xrf0) =	vmax.scan.msk.u32 $0xffff, v8;
	_ =	sdelay $0x3  }
0x36b: {  	v8 =	vld.idx.msk [tilespmem:v9+s18+$0x0], $0xffff;
	_ =	sdelay $0x1  }
0x36c: {  	v9 =	vor.u32 v4, v7;
	v10, _, _ =	vpop (xrf0)  }
0x36d: {  	(v2sf) =	vpush v10, $0xF;
	_ =	sdelay $0x1  }
0x36e: {  	s13 =	sshll.u32 s13, $0x6  }
0x36f: {  	[tilespmem:s13+$0x1E200] =	vst v8  }
0x370: {  	v8 =	vld.idx.msk [tilespmem:v9+s18+$0x0], $0xffff;
	_ =	sdelay $0x1  }
0x371: {  	v9 =	vor.u32 v5, v7;
	_ =	sdelay $0x2  }
0x372: {  	s21 =	sadd.s32 $0x1E200, s13  }
0x373: {  	[tilespmem:s21+$0x10] =	vst v8  }
0x374: {  	v8 =	vld.idx.msk [tilespmem:v9+s18+$0x0], $0xffff;
	_ =	sdelay $0x1  }
0x375: {  	v7 =	vor.u32 v6, v7;
	_ =	sdelay $0x1  }
0x376: {  	s13 =	spop (v2sf)  }
0x377: {  	s13 =	sshll.u32 s13, $0x3  }
0x378: {  	[tilespmem:s21+$0x20] =	vst v8;
	s13 =	sand.u32 $0x1FFFFFF8, s13  }
0x379: {  	v7 =	vld.idx.msk [tilespmem:v7+s18+$0x0], $0xffff;
	s15 =	sadd.s32 s4, s13  }
.Ltmp49:
0x37a: {  	(pc) =	sbr.rel @!p1 .LBB2_70-.Ltmp49, $4  }
0x37b: {  	s6 =	sadd.s32 $0x1, s6  }
0x37c: {  	p2 =	slt.s32 s6, $0x10;
	s13 =	sand.u32 $0xF, s6  }
0x37d: {  	p3 =	sne.s32 @!p2 s13, $0x0  }
0x37e: {  	p2 =	por p3, p2  }
.LBB2_71:
0x37f: {  	s6 =	simm.s32 @!p2 $0x6;
	[tilespmem:s21+$0x30] =	vst @p0 v7  }
0x380: {  	[hbm4b:s15+s5] =	stream.linear.scatter @p0 [tilespmem:s21], [sflag:$0x6], $0x40, $0x38;
	[tilespmem:$0x1E600] =	vst v63  }
0x381: {  	s10 =	sadd.s32 @p0 $0x1, s10;
	_ =	swait.ge @!p2 [sflag:s6], $0x400  }
0x382: {  	s12 =	smov.u32 @p0 s10;
	[sflag:s6] =	ssyncset.done @!p2 $0x0  }
0x383: {  	s14 =	sand.u32 $0xFFFFFFF0, s12;
	[sflag:s6] =	ssyncadd.s32 @!p2 $0xFFFFFC00  }
0x384: {  	v7 =	vld [tilespmem:s14+$0xC100];
	_ =	sdelay $0x2  }
0x385: {  	s15 =	sand.u32 $0xF, s12;
	v8 =	vld [tilespmem:s14+$0x10180]  }
0x386: {  	v9 =	vmov s15  }
0x387: {  	v7 =	vperm.xlane v7, v9;
	_ =	sdelay $0x1  }
0x388: {  	v7 =	vand.u32 $0x7F, v7  }
0x389: {  	v8 =	vperm.xlane v8, v9;
	v61 =	vor.u32 v0, v7;
	_ =	sdelay $0x1  }
0x38a: {  	v8 =	vxor.u32 $0x80000000, v8  }
0x38b: {  	(xrf0) =	vmax.scan.msk.u32 $0xffff, v8;
	_ =	sdelay $0x1  }
0x38c: {  	v8 =	vld.idx.msk [tilespmem:v61+s18+$0x0], $0xffff  }
0x38d: {  	v62 =	vor.u32 v4, v7;
	_ =	sdelay $0x2  }
0x38e: {  	s16 =	sshll.u32 s13, $0x6;
	v10, _, _ =	vpop (xrf0)  }
0x38f: {  	(v2sf) =	vpush v10, $0xF;
	[tilespmem:s16+$0x1E200] =	vst v8  }
0x390: {  	v8 =	vld.idx.msk [tilespmem:v62+s18+$0x0], $0xffff  }
0x391: {  	v63 =	vor.u32 v5, v7;
	_ =	sdelay $0x2  }
0x392: {  	s6 =	sadd.s32 $0x1E200, s16  }
0x393: {  	[tilespmem:s6+$0x10] =	vst v8  }
0x394: {  	v8 =	vld.idx.msk [tilespmem:v63+s18+$0x0], $0xffff  }
0x395: {  	v7 =	vor.u32 v6, v7;
	_ =	sdelay $0x3  }
0x396: {  	[tilespmem:s6+$0x20] =	vst v8  }
0x397: {  	v7 =	vld.idx.msk [tilespmem:v7+s18+$0x0], $0xffff;
	_ =	sdelay $0x1  }
.Ltmp50:
0x398: {  	s21 =	spop (v2sf);
	(pc) =	sbr.rel .LBB2_80-.Ltmp50, $4  }
0x399: {  	s10 =	sshll.u32 s21, $0x3  }
0x39a: {  	s10 =	sand.u32 $0x1FFFFFF8, s10  }
0x39b: {  	s10 =	sadd.s32 s4, s10;
	[tilespmem:s6+$0x30] =	vst v7  }
0x39c: {  	[hbm4b:s10+s5] =	stream.linear.scatter [tilespmem:s6], [sflag:$0x6], $0x40, $0x38;
	[tilespmem:$0x1E600] =	vst v63  }
.LBB2_33:
0x39d: {  	_ =	swait.ge [sflag:s28], $0x2000  }
0x39e: {  	[sflag:s28] =	ssyncset.done $0x0  }
0x39f: {  	[sflag:s28] =	ssyncadd.s32 $0xFFFFE000  }
0x3a0: {  	s10 =	sld @!p0 [smem:s10+$0x480];
	_ =	sdelay $0x2  }
0x3a1: {  	s10 =	sadd.s32 @!p0 s7, s10  }
0x3a2: {  	p1 =	sgt.s32 @!p0 s10, $0x0  }
0x3a3: {  	s11 =	sld [smem:s1+$0x480];
	p1 =	por !p1, p0  }
0x3a4: {  	s10 =	simm.s32 @p1 $0x0  }
0x3a5: {  	s10 =	smin.u32 @!p0 s10, $0x1E83  }
0x3a6: {  	s12 =	sshll.u32 @!p0 s10, $0x7;
	s10 =	sld [smem:s11+$0x180]  }
0x3a7: {  	s13 =	simm.s32 @!p0 $0x400;
	s11 =	sld [smem:s11+$0x0]  }
0x3a8: {  	s14 =	simm.s32 @!p0 $0x7A1400;
	s15 =	simm.s32 @!p0 $0x1A200;
	s12 =	sadd.s32 @!p0 s2, s12  }
0x3a9: {  	[tilespmem:s15], [sflag:$0x4] =	stream.strided.gather @!p0 [hbm4b:s12+s13], $0x2000, s14, s13, $0x38;
	[tilespmem:$0x1E600] =	vst v63  }
0x3aa: {  	s21 =	sadd.s32 s10, s11  }
0x3ab: {  	p0 =	sge.s32 s10, s21  }
.Ltmp51:
0x3ac: {  	_ = 	snop;
	(pc) =	sbr.rel @p0 .LBB2_34-.Ltmp51, $1  }
0x3ad: {  	_ =	sdelay $0x3  }
0x3ae: {  	s12 =	sadd.s32 $0xFFFFFFFF, s11  }
0x3af: {  	p1 =	seq.s32 s12, $0x0  }
.Ltmp52:
0x3b0: {  	_ = 	snop;
	(pc) =	sbr.rel @p1 .LBB2_43-.Ltmp52, $4  }
0x3b1: {  	_ = 	snop  }
0x3b2: {  	s13 =	sand.u32 $0xF, s6;
	p0 =	slt.s32 s6, $0x10  }
0x3b3: {  	p2 =	sne.s32 @!p0 s13, $0x0  }
0x3b4: {  	s11 =	sadd.s32 s11, s6;
	p2 =	por p2, p0;
	p0 =	por $0x0, $0x0  }
0x3b5: {  	s14 =	simm.s32 @!p2 $0x6  }
0x3b6: {  	_ =	swait.ge @!p2 [sflag:s14], $0x400  }
0x3b7: {  	[sflag:s14] =	ssyncset.done @!p2 $0x0  }
0x3b8: {  	s21 =	sand.u32 $0xFFFFFFF0, s10;
	[sflag:s14] =	ssyncadd.s32 @!p2 $0xFFFFFC00  }
0x3b9: {  	v7 =	vld [tilespmem:s21+$0x10180]  }
0x3ba: {  	v8 =	vld [tilespmem:s21+$0xC100];
	_ =	sdelay $0x1  }
0x3bb: {  	s15 =	sand.u32 $0xF, s10  }
0x3bc: {  	v9 =	vmov s15  }
0x3bd: {  	v7 =	vperm.xlane v7, v9  }
0x3be: {  	v8 =	vperm.xlane v8, v9  }
0x3bf: {  	v7 =	vxor.u32 $0x80000000, v7  }
0x3c0: {  	(xrf0) =	vmax.scan.msk.u32 $0xffff, v7;
	v7 =	vand.u32 $0x7F, v8  }
0x3c1: {  	v8 =	vor.u32 v0, v7;
	_ =	sdelay $0x4  }
0x3c2: {  	v8 =	vld.idx.msk [tilespmem:v8+s29+$0x0], $0xffff  }
0x3c3: {  	v62 =	vor.u32 v4, v7;
	_ =	sdelay $0x1  }
0x3c4: {  	v61, _, _ =	vpop (xrf0)  }
0x3c5: {  	s13 =	sshll.u32 s13, $0x6;
	(v2sf) =	vpush v61, $0xF  }
0x3c6: {  	[tilespmem:s13+$0x1E200] =	vst v8  }
0x3c7: {  	v8 =	vld.idx.msk [tilespmem:v62+s29+$0x0], $0xffff  }
0x3c8: {  	v63 =	vor.u32 v5, v7;
	_ =	sdelay $0x2  }
0x3c9: {  	s21 =	sadd.s32 $0x1E200, s13  }
0x3ca: {  	[tilespmem:s21+$0x10] =	vst v8  }
0x3cb: {  	v8 =	vld.idx.msk [tilespmem:v63+s29+$0x0], $0xffff  }
0x3cc: {  	v7 =	vor.u32 v6, v7;
	_ =	sdelay $0x2  }
0x3cd: {  	s14 =	sadd.s32 $0xFFFFFFFF, s12  }
0x3ce: {  	p1 =	seq.s32 s14, $0x0;
	[tilespmem:s21+$0x20] =	vst v8  }
.Ltmp53:
0x3cf: {  	s6 =	sadd.s32 $0x1, s6;
	v7 =	vld.idx.msk [tilespmem:v7+s29+$0x0], $0xffff;
	(pc) =	sbr.rel @p1 .LBB2_45-.Ltmp53, $4  }
0x3d0: {  	p0 =	slt.s32 s6, $0x10;
	s13 =	sand.u32 $0xF, s6;
	s16 =	spop (v2sf)  }
0x3d1: {  	p2 =	sne.s32 @!p0 s13, $0x0;
	s12 =	sshll.u32 s16, $0x3  }
0x3d2: {  	p2 =	por p2, p0;
	s12 =	sand.u32 $0x1FFFFFF8, s12  }
0x3d3: {  	p0 =	por $0x1, $0x1;
	s15 =	sadd.s32 s4, s12;
	s12 =	smov.u32 s10  }
.LBB2_46:
0x3d4: {  	s14 =	sadd.s32 $0xFFFFFFFF, s14;
	s16 =	simm.s32 @!p2 $0x6;
	[tilespmem:s21+$0x30] =	vst v7;
	s12 =	sadd.s32 $0x1, s12  }
0x3d5: {  	[hbm4b:s15+s5] =	stream.linear.scatter [tilespmem:s21], [sflag:$0x6], $0x40, $0x38;
	[tilespmem:$0x1E600] =	vst v63  }
0x3d6: {  	p1 =	seq.s32 s14, $0x0;
	_ =	swait.ge @!p2 [sflag:s16], $0x400  }
0x3d7: {  	[sflag:s16] =	ssyncset.done @!p2 $0x0  }
0x3d8: {  	s15 =	sand.u32 $0xFFFFFFF0, s12;
	[sflag:s16] =	ssyncadd.s32 @!p2 $0xFFFFFC00  }
0x3d9: {  	v7 =	vld [tilespmem:s15+$0xC100]  }
0x3da: {  	v8 =	vld [tilespmem:s15+$0x10180];
	_ =	sdelay $0x1  }
0x3db: {  	s15 =	sand.u32 $0xF, s12  }
0x3dc: {  	v9 =	vmov s15  }
0x3dd: {  	v7 =	vperm.xlane v7, v9  }
0x3de: {  	v8 =	vperm.xlane v8, v9  }
0x3df: {  	v7 =	vand.u32 $0x7F, v7  }
0x3e0: {  	v9 =	vor.u32 v0, v7;
	v8 =	vxor.u32 $0x80000000, v8  }
0x3e1: {  	(xrf0) =	vmax.scan.msk.u32 $0xffff, v8;
	_ =	sdelay $0x3  }
0x3e2: {  	v8 =	vld.idx.msk [tilespmem:v9+s29+$0x0], $0xffff;
	_ =	sdelay $0x1  }
0x3e3: {  	v9 =	vor.u32 v4, v7;
	v10, _, _ =	vpop (xrf0)  }
0x3e4: {  	(v2sf) =	vpush v10, $0xF;
	_ =	sdelay $0x1  }
0x3e5: {  	s13 =	sshll.u32 s13, $0x6  }
0x3e6: {  	[tilespmem:s13+$0x1E200] =	vst v8  }
0x3e7: {  	v8 =	vld.idx.msk [tilespmem:v9+s29+$0x0], $0xffff;
	_ =	sdelay $0x1  }
0x3e8: {  	v9 =	vor.u32 v5, v7;
	_ =	sdelay $0x2  }
0x3e9: {  	s21 =	sadd.s32 $0x1E200, s13  }
0x3ea: {  	[tilespmem:s21+$0x10] =	vst v8  }
0x3eb: {  	v8 =	vld.idx.msk [tilespmem:v9+s29+$0x0], $0xffff;
	_ =	sdelay $0x1  }
0x3ec: {  	v7 =	vor.u32 v6, v7;
	_ =	sdelay $0x1  }
0x3ed: {  	s13 =	spop (v2sf)  }
0x3ee: {  	s13 =	sshll.u32 s13, $0x3  }
0x3ef: {  	[tilespmem:s21+$0x20] =	vst v8;
	s13 =	sand.u32 $0x1FFFFFF8, s13  }
0x3f0: {  	v7 =	vld.idx.msk [tilespmem:v7+s29+$0x0], $0xffff;
	s15 =	sadd.s32 s4, s13  }
.Ltmp54:
0x3f1: {  	(pc) =	sbr.rel @!p1 .LBB2_46-.Ltmp54, $4  }
0x3f2: {  	s6 =	sadd.s32 $0x1, s6  }
0x3f3: {  	p2 =	slt.s32 s6, $0x10;
	s13 =	sand.u32 $0xF, s6  }
0x3f4: {  	p3 =	sne.s32 @!p2 s13, $0x0  }
0x3f5: {  	p2 =	por p3, p2  }
.LBB2_47:
0x3f6: {  	s6 =	simm.s32 @!p2 $0x6;
	[tilespmem:s21+$0x30] =	vst @p0 v7  }
0x3f7: {  	[hbm4b:s15+s5] =	stream.linear.scatter @p0 [tilespmem:s21], [sflag:$0x6], $0x40, $0x38;
	[tilespmem:$0x1E600] =	vst v63  }
0x3f8: {  	s12 =	sadd.s32 @p0 $0x1, s12;
	_ =	swait.ge @!p2 [sflag:s6], $0x400  }
0x3f9: {  	s10 =	smov.u32 @p0 s12;
	[sflag:s6] =	ssyncset.done @!p2 $0x0  }
0x3fa: {  	s14 =	sand.u32 $0xFFFFFFF0, s10;
	[sflag:s6] =	ssyncadd.s32 @!p2 $0xFFFFFC00  }
0x3fb: {  	v7 =	vld [tilespmem:s14+$0xC100];
	_ =	sdelay $0x2  }
0x3fc: {  	s15 =	sand.u32 $0xF, s10;
	v8 =	vld [tilespmem:s14+$0x10180]  }
0x3fd: {  	v9 =	vmov s15  }
0x3fe: {  	v7 =	vperm.xlane v7, v9;
	_ =	sdelay $0x1  }
0x3ff: {  	v7 =	vand.u32 $0x7F, v7  }
0x400: {  	v8 =	vperm.xlane v8, v9;
	v61 =	vor.u32 v0, v7;
	_ =	sdelay $0x1  }
0x401: {  	v8 =	vxor.u32 $0x80000000, v8  }
0x402: {  	(xrf0) =	vmax.scan.msk.u32 $0xffff, v8;
	_ =	sdelay $0x1  }
0x403: {  	v8 =	vld.idx.msk [tilespmem:v61+s29+$0x0], $0xffff  }
0x404: {  	v62 =	vor.u32 v4, v7;
	_ =	sdelay $0x2  }
0x405: {  	s16 =	sshll.u32 s13, $0x6;
	v10, _, _ =	vpop (xrf0)  }
0x406: {  	(v2sf) =	vpush v10, $0xF;
	[tilespmem:s16+$0x1E200] =	vst v8  }
0x407: {  	v8 =	vld.idx.msk [tilespmem:v62+s29+$0x0], $0xffff  }
0x408: {  	v63 =	vor.u32 v5, v7;
	_ =	sdelay $0x2  }
0x409: {  	s6 =	sadd.s32 $0x1E200, s16  }
0x40a: {  	[tilespmem:s6+$0x10] =	vst v8  }
0x40b: {  	v8 =	vld.idx.msk [tilespmem:v63+s29+$0x0], $0xffff  }
0x40c: {  	v7 =	vor.u32 v6, v7;
	_ =	sdelay $0x3  }
0x40d: {  	[tilespmem:s6+$0x20] =	vst v8  }
0x40e: {  	v7 =	vld.idx.msk [tilespmem:v7+s29+$0x0], $0xffff;
	_ =	sdelay $0x1  }
.Ltmp55:
0x40f: {  	s21 =	spop (v2sf);
	(pc) =	sbr.rel .LBB2_80-.Ltmp55, $4  }
0x410: {  	s10 =	sshll.u32 s21, $0x3  }
0x411: {  	s10 =	sand.u32 $0x1FFFFFF8, s10  }
0x412: {  	s10 =	sadd.s32 s4, s10;
	[tilespmem:s6+$0x30] =	vst v7  }
0x413: {  	[hbm4b:s10+s5] =	stream.linear.scatter [tilespmem:s6], [sflag:$0x6], $0x40, $0x38;
	[tilespmem:$0x1E600] =	vst v63  }
.LBB2_57:
.Ltmp56:
0x414: {  	(pc) =	sbr.rel .LBB2_80-.Ltmp56, $2  }
0x415: {  	_ =	sdelay $0x2  }
0x416: {  	s11 =	smov.u32 s6  }
.LBB2_65:
.Ltmp57:
0x417: {  	(pc) =	sbr.rel .LBB2_80-.Ltmp57, $2  }
0x418: {  	_ =	sdelay $0x2  }
0x419: {  	s11 =	smov.u32 s6  }
.LBB2_49:
.Ltmp58:
0x41a: {  	(pc) =	sbr.rel .LBB2_80-.Ltmp58, $2  }
0x41b: {  	_ =	sdelay $0x2  }
0x41c: {  	s11 =	smov.u32 s6  }
.LBB2_34:
.Ltmp59:
0x41d: {  	(pc) =	sbr.rel .LBB2_80-.Ltmp59, $2  }
0x41e: {  	_ =	sdelay $0x2  }
0x41f: {  	s11 =	smov.u32 s6  }
.LBB2_75:
.Ltmp60:
0x420: {  	(pc) =	sbr.rel .LBB2_79-.Ltmp60, $2  }
0x421: {  	_ =	sdelay $0x2  }
0x422: {  	s10 =	smov.u32 s12  }
.LBB2_77:
.Ltmp61:
0x423: {  	(pc) =	sbr.rel .LBB2_79-.Ltmp61, $2  }
0x424: {  	_ =	sdelay $0x2  }
0x425: {  	s10 =	smov.u32 s12  }
.LBB2_59:
.Ltmp62:
0x426: {  	(pc) =	sbr.rel .LBB2_63-.Ltmp62, $2  }
0x427: {  	_ =	sdelay $0x2  }
0x428: {  	s10 =	smov.u32 s12  }
.LBB2_67:
.Ltmp63:
0x429: {  	(pc) =	sbr.rel .LBB2_71-.Ltmp63, $2  }
0x42a: {  	_ =	sdelay $0x2  }
0x42b: {  	s10 =	smov.u32 s12  }
.LBB2_51:
.Ltmp64:
0x42c: {  	(pc) =	sbr.rel .LBB2_55-.Ltmp64, $2  }
0x42d: {  	_ =	sdelay $0x2  }
0x42e: {  	s10 =	smov.u32 s12  }
.LBB2_43:
.Ltmp65:
0x42f: {  	(pc) =	sbr.rel .LBB2_47-.Ltmp65, $2  }
0x430: {  	_ =	sdelay $0x2  }
0x431: {  	s12 =	smov.u32 s10  }
.LBB2_61:
.Ltmp66:
0x432: {  	(pc) =	sbr.rel .LBB2_63-.Ltmp66, $2  }
0x433: {  	_ =	sdelay $0x2  }
0x434: {  	s10 =	smov.u32 s12  }
.LBB2_69:
.Ltmp67:
0x435: {  	(pc) =	sbr.rel .LBB2_71-.Ltmp67, $2  }
0x436: {  	_ =	sdelay $0x2  }
0x437: {  	s10 =	smov.u32 s12  }
.LBB2_53:
.Ltmp68:
0x438: {  	(pc) =	sbr.rel .LBB2_55-.Ltmp68, $2  }
0x439: {  	_ =	sdelay $0x2  }
0x43a: {  	s10 =	smov.u32 s12  }
.LBB2_45:
.Ltmp69:
0x43b: {  	(pc) =	sbr.rel .LBB2_47-.Ltmp69, $2  }
0x43c: {  	_ =	sdelay $0x2  }
0x43d: {  	s12 =	smov.u32 s10  }
.LBB2_82:
0x43e: {  	s6 =	smov.u32 @p4 s6  }
.LBB2_89:
0x43f: {  	s0 =	sadd.s32 $0xFFFFFFFF, s6  }
0x440: {  	s0 =	sand.u32 $0xFFFFFFF0, s0  }
0x441: {  	p0 =	slt.s32 s6, $0x1;
	s0 =	ssub.s32 s6, s0  }
0x442: {  	p1 =	slt.s32 @!p0 s0, $0x1  }
0x443: {  	p0 =	por p0, p1  }
.Ltmp70:
0x444: {  	_ = 	snop;
	(pc) =	sbr.rel @p0 .LBB2_93-.Ltmp70, $2  }
0x445: {  	_ =	sdelay $0x2  }
0x446: {  	s1 =	simm.s32 $0x0  }
0x447: {  	s1 =	sadd.s32 $0x1, s1  }
0x448: {  	p0 =	sgt.s32 s0, s1  }
.Ltmp71:
0x449: {  	_ = 	snop;
	(pc) =	sbr.rel @!p0 .LBB2_92-.Ltmp71, $3  }
0x44a: {  	_ =	sdelay $0x1  }
0x44b: {  	_ =	swait.ge [sflag:s30], $0x40  }
0x44c: {  	[sflag:s30] =	ssyncset.done $0x0  }
.LBB2_91:
0x44d: {  	s1 =	sadd.s32 $0x1, s1  }
0x44e: {  	[sflag:s30] =	ssyncadd.s32 $0xFFFFFFC0;
	p0 =	sgt.s32 s0, s1  }
.Ltmp72:
0x44f: {  	(pc) =	sbr.rel @p0 .LBB2_91-.Ltmp72, $3  }
0x450: {  	_ =	sdelay $0x1  }
0x451: {  	_ =	swait.ge [sflag:s30], $0x40  }
0x452: {  	[sflag:s30] =	ssyncset.done $0x0  }
.Ltmp73:
0x453: {  	_ = 	snop;
	(pc) =	sbr.rel .LBB2_92-.Ltmp73, $1  }
0x454: {  	_ =	sdelay $0x3  }
.LBB2_7:
.Ltmp74:
0x455: {  	(pc) =	sbr.rel .LBB2_22-.Ltmp74, $2  }
0x456: {  	_ =	sdelay $0x2  }
0x457: {  	s6 =	simm.s32 $0x0  }
.LBB2_36:
.Ltmp75:
0x458: {  	(pc) =	sbr.rel .LBB2_41-.Ltmp75, $2  }
0x459: {  	_ =	sdelay $0x2  }
0x45a: {  	_ = 	snop  }
.LBB2_9:
.Ltmp76:
0x45b: {  	(pc) =	sbr.rel .LBB2_22-.Ltmp76, $2  }
0x45c: {  	_ =	sdelay $0x2  }
0x45d: {  	_ = 	snop  }
.LBB2_38:
.Ltmp77:
0x45e: {  	(pc) =	sbr.rel .LBB2_41-.Ltmp77, $2  }
0x45f: {  	_ =	sdelay $0x2  }
0x460: {  	s3 =	simm.s32 $0x1  }
.LBB2_11:
.Ltmp78:
0x461: {  	(pc) =	sbr.rel .LBB2_22-.Ltmp78, $2  }
0x462: {  	_ =	sdelay $0x2  }
0x463: {  	s6 =	simm.s32 $0x2  }
.LBB2_13:
.Ltmp79:
0x464: {  	(pc) =	sbr.rel .LBB2_22-.Ltmp79, $2  }
0x465: {  	_ =	sdelay $0x2  }
0x466: {  	s6 =	simm.s32 $0x3  }
.LBB2_15:
.Ltmp80:
0x467: {  	(pc) =	sbr.rel .LBB2_22-.Ltmp80, $2  }
0x468: {  	_ =	sdelay $0x2  }
0x469: {  	_ = 	snop  }
.LBB2_17:
.Ltmp81:
0x46a: {  	(pc) =	sbr.rel .LBB2_22-.Ltmp81, $2  }
0x46b: {  	_ =	sdelay $0x2  }
0x46c: {  	s11 =	smov.u32 s3;
	s6 =	simm.s32 $0x5  }
.LBB2_19:
.Ltmp82:
0x46d: {  	(pc) =	sbr.rel .LBB2_22-.Ltmp82, $2  }
0x46e: {  	_ =	sdelay $0x2  }
0x46f: {  	s6 =	simm.s32 $0x6  }
.LBB2_84:
.Ltmp83:
0x470: {  	(pc) =	sbr.rel .LBB2_88-.Ltmp83, $2  }
0x471: {  	_ =	sdelay $0x2  }
0x472: {  	s10 =	smov.u32 s0  }
.LBB2_86:
.Ltmp84:
0x473: {  	(pc) =	sbr.rel .LBB2_88-.Ltmp84, $2  }
0x474: {  	_ =	sdelay $0x2  }
0x475: {  	s10 =	smov.u32 s0  }
.LBB2_94:
0x476: {  	_ =	sfence.sel $0x180000  }
0x477: {  	[bflag:$0x0] =	sbarrier.arrive $0xFFFF  }
0x478: {  	_ =	strace $0x90000047  }
0x479: {  	s0 =	stileid.u32;
	[bflag:$0x2] =	sbarrier.arrive $0xFFFF  }
0x47a: {  	p0 =	sne.s32 s0, $0x0;
	s0 =	rddreg [dreg:$0x4]  }
0x47b: {  	s0 =	sadd.s32 @!p0 $0x100000, s0  }
0x47c: {  	[sflag:s0] =	ssyncadd.tile.s32 @!p0 $0x1;
	_ =	shalt  }
.Lfunc_end2:
_tile_overlayer_lowered:
.L_overlay_start_2:
0x47d: {  	(tag) =	ssettag $0x2  }
0x47e: {  	s0 =	rddreg [dreg:$0x0];
	s2 =	stileid.u32  }
0x47f: {  	s1 =	rddreg [dreg:$0x1];
	p0 =	sne.s32 s2, $0x0  }
0x480: {  	s3 =	rddreg [dreg:$0x2];
	[bflag:$0x3] =	sbarrier.arrive $0xFFFF;
	s2 =	simm.s32 @!p0 $0x1C07  }
0x481: {  	[timem:s3], [sflag:s2] =	dma.local @!p0 [hbm:s0], s1  }
0x482: {  	s0 =	simm.s32 @!p0 $0x7  }
0x483: {  	_ =	swait.ge @!p0 [sflag:s0], s1  }
0x484: {  	s1 =	ssub.s32 @!p0 $0x0, s1;
	[sflag:s0] =	ssyncset.done @!p0 $0x0  }
0x485: {  	[sflag:s0] =	ssyncadd.s32 @!p0 s1  }
0x486: {  	[bflag:$0x3] =	sbarrier.arrive $0xFFFF  }
0x487: {  	_ =	shalt  }

</sc_bundles>
